<compile_context>
chip_gen: v7x
topology: tpu7x:2x2x1
jax: 0.10.2.dev20260603
libtpu: 0.0.44.dev20260713+nightly
codegen_flags: <defaults>
</compile_context>

<pallas_src>
import functools

import jax
import jax.numpy as jnp
from jax import lax
from jax.experimental import pallas as pl
from jax.experimental.pallas import tpu as pltpu
from jax.experimental.pallas import tpu_sc as plsc

VOCAB = 1000000
SEQ = 200
HID = 64
BATCH = 4096
EPS = 1e-12

NW = 32
BPW = BATCH // NW
RPW = BPW * SEQ
SPC = 2
SUP = SPC * BPW
NSUP = SEQ // SPC
GROUPS = SUP // 16


def _rsqrt(v):
    i = plsc.bitcast(v, jnp.int32)
    i = jnp.int32(0x5F3759DF) - (i >> 1)
    y = plsc.bitcast(i, jnp.float32)
    for _ in range(3):
        y = y * (1.5 - 0.5 * v * y * y)
    return y


def _make_emb_kernel():
    mesh = plsc.VectorSubcoreMesh(core_axis_name="c", subcore_axis_name="s")

    @functools.partial(
        pl.kernel,
        mesh=mesh,
        compiler_params=pltpu.CompilerParams(
            needs_layout_passes=False, use_tc_tiling_on_sc=True),
        out_type=jax.ShapeDtypeStruct((SEQ, 8, NW, 8, 128), jnp.float32),
        scratch_types=[
            pltpu.VMEM((SUP, 128), jnp.float32),
            pltpu.VMEM((SUP, 128), jnp.float32),
            pltpu.VMEM((SPC, 8, 8, 128), jnp.float32),
            pltpu.VMEM((SPC, 8, 8, 128), jnp.float32),
            pltpu.VMEM((SUP,), jnp.int32),
            pltpu.VMEM((SUP,), jnp.int32),
            pltpu.VMEM((SUP,), jnp.int32),
            pltpu.VMEM((SUP,), jnp.int32),
            pltpu.VMEM((SUP,), jnp.int32),
            pltpu.VMEM((SUP,), jnp.int32),
            pltpu.VMEM((4 * HID * 16,), jnp.float32),
            pltpu.VMEM((SEQ * HID,), jnp.float32),
            pltpu.VMEM((HID * 16,), jnp.float32),
            pltpu.VMEM((HID * 16,), jnp.float32),
            pltpu.SemaphoreType.DMA,
            pltpu.SemaphoreType.DMA,
            pltpu.SemaphoreType.DMA,
            pltpu.SemaphoreType.DMA,
            pltpu.SemaphoreType.DMA,
        ],
    )
    def emb(state_hbm, table_hbm, pos_hbm, gamma_hbm, beta_hbm, out_hbm,
            rows0, rows1, y0, y1, ib0, ib1, ih0, ih1, pb0, pb1,
            xpack, pos_v, gamma_v, beta_v, gs0, gs1, os0, os1, isem):
        rows = (rows0, rows1)
        ybuf = (y0, y1)
        ibuf = (ib0, ib1)
        hbuf = (ih0, ih1)
        pbuf = (pb0, pb1)
        gsem = (gs0, gs1)
        osem = (os0, os1)
        wid = lax.axis_index("s") * 2 + lax.axis_index("c")
        pltpu.sync_copy(pos_hbm, pos_v)
        pltpu.sync_copy(gamma_hbm, gamma_v)
        pltpu.sync_copy(beta_hbm, beta_v)
        lanes = lax.iota(jnp.int32, 16)

        def fire_idx(c, b):
            pltpu.async_copy(
                state_hbm.at[wid, pl.ds(c * SUP, SUP)], ibuf[b], isem)

        def wait_idx(b):
            pltpu.make_async_copy(
                state_hbm.at[wid, pl.ds(0, SUP)], ibuf[b], isem).wait()

        def fire_gather(c, b):
            for m in range(SUP // 16):
                iv = ibuf[b][pl.ds(m * 16, 16)]
                hbuf[b][pl.ds(m * 16, 16)] = iv >> 1
                pbuf[b][pl.ds(m * 16, 16)] = iv & 1
            for j in range(SPC):
                pltpu.async_copy(
                    table_hbm.at[hbuf[b].at[pl.ds(j * 128, 128)]],
                    rows[b].at[pl.ds(j * 128, 128)], gsem[b])

        def wait_gather(b):
            pltpu.make_async_copy(
                table_hbm.at[pl.ds(0, SUP)], rows[b], gsem[b]).wait()

        def fire_out(c, b):
            pltpu.async_copy(
                ybuf[b], out_hbm.at[pl.ds(c * SPC, SPC), :, wid], osem[b])

        def wait_out(b):
            pltpu.make_async_copy(
                ybuf[b], out_hbm.at[pl.ds(0, SPC), :, wid], osem[b]).wait()

        def compute(c, b):
            buf = rows[b]

            @plsc.parallel_loop(0, GROUPS, 1, unroll=2)
            def group_body(gi):
                s_i = gi // 8
                b0 = (gi % 8) * 16
                rr = s_i * 128 + b0 + lanes
                pbase = (c * SPC + s_i) * HID
                par = plsc.load_gather(pbuf[b], [rr])
                par64 = par << 6
                xbase = (gi & 3) * (HID * 16)

                zero = jnp.zeros((16,), jnp.float32)

                @plsc.parallel_loop(0, HID, 1, unroll=16,
                                    carry=(zero, zero))
                def _p1(k, carry):
                    s, s2 = carry
                    hvec = (lanes + k) & (HID - 1)
                    t = plsc.load_gather(buf, [rr, par64 + hvec])
                    p = plsc.load_gather(pos_v, [pbase + hvec])
                    x = t + p
                    plsc.store_scatter(xpack, [xbase + k * 16 + lanes], x)
                    return s + x, s2 + x * x

                s, s2 = _p1
                mean = s * (1.0 / HID)
                var = s2 * (1.0 / HID) - mean * mean
                rstd = _rsqrt(var + EPS)

                si_v = jnp.full((16,), s_i, jnp.int32)
                blv = b0 + lanes

                @plsc.parallel_loop(0, HID, 1, unroll=16)
                def _p2(h):
                    avec = (h - lanes) & (HID - 1)
                    xh = plsc.load_gather(xpack, [xbase + (avec << 4) + lanes])
                    gam = gamma_v[pl.ds(h * 16, 16)]
                    bet = beta_v[pl.ds(h * 16, 16)]
                    yv = (xh - mean) * rstd * gam + bet
                    plsc.store_scatter(
                        ybuf[b],
                        [si_v, jnp.full((16,), h >> 3, jnp.int32),
                         jnp.full((16,), h & 7, jnp.int32), blv], yv)

            del group_body

        def body(c, b):
            wait_gather(b)

            @pl.when(c >= 2)
            def _():
                wait_out(b)

            @pl.when(c + 1 < NSUP)
            def _():
                wait_idx(1 - b)
                fire_gather(c + 1, 1 - b)

                @pl.when(c + 2 < NSUP)
                def _():
                    fire_idx(c + 2, b)

            compute(c, b)
            fire_out(c, b)

        fire_idx(0, 0)
        wait_idx(0)
        fire_gather(0, 0)
        fire_idx(1, 1)

        def loop_body(c, _):
            @pl.when(c % 2 == 0)
            def _():
                body(c, 0)

            @pl.when(c % 2 == 1)
            def _():
                body(c, 1)
            return 0

        lax.fori_loop(0, NSUP, loop_body, 0)
        wait_out(0)
        wait_out(1)

    return emb


_emb_kernel = _make_emb_kernel()


def kernel(state, token_table, pos_table, ln_gamma, ln_beta):
    table2 = token_table.reshape(VOCAB // 2, 128)
    state_t = state.reshape(NW, BPW, SEQ).transpose(0, 2, 1).reshape(NW, RPW)
    pos_flat = pos_table.reshape(-1)
    gamma_splat = jnp.repeat(ln_gamma, 16)
    beta_splat = jnp.repeat(ln_beta, 16)
    out5 = _emb_kernel(state_t, table2, pos_flat, gamma_splat, beta_splat)
    return out5.transpose(2, 4, 0, 1, 3).reshape(BATCH, SEQ, HID)

# --- scband reference (transcript-rebuilt; emitter-appended) ---
"""Pipeline reference for scband-position-embedding-47287589929795 (READ-ONLY COPY).

The authoritative reference and input builder live on the scoring server;
editing this copy changes nothing except your own understanding.
"""

import jax, jax.numpy as jnp
import numpy as np

VOCAB = 1000000
INPUT_SIZE = 200
HIDDEN = 64
BATCH = 4096
SEQ = 200
EPS = 1e-12

def setup_inputs(seed: int = 0) -> dict:
    key = jax.random.key(seed)
    k1, k2, k3 = jax.random.split(key, 3)
    state = jax.random.randint(k1, (BATCH, SEQ), 0, VOCAB, dtype=jnp.int64) if jax.config.jax_enable_x64 else jax.random.randint(k1, (BATCH, SEQ), 0, VOCAB, dtype=jnp.int32)
    token_table = jax.random.normal(k2, (VOCAB, HIDDEN), dtype=jnp.float32) * 0.02
    pos_table = jax.random.normal(k3, (INPUT_SIZE, HIDDEN), dtype=jnp.float32) * 0.02
    ln_gamma = jnp.ones((HIDDEN,), dtype=jnp.float32)
    ln_beta = jnp.zeros((HIDDEN,), dtype=jnp.float32)
    return {"state": state, "token_table": token_table, "pos_table": pos_table, "ln_gamma": ln_gamma, "ln_beta": ln_beta}

def _layer_norm(x, gamma, beta, eps=EPS):
    mean = jnp.mean(x, axis=-1, keepdims=True)
    var = jnp.mean(jnp.square(x - mean), axis=-1, keepdims=True)
    xhat = (x - mean) / jnp.sqrt(var + eps)
    return xhat * gamma + beta

def reference(state, token_table, pos_table, ln_gamma, ln_beta):
    length = state.shape[1]
    positions = jnp.arange(length)[None, :]
    tokens = jnp.take(token_table, state, axis=0)
    pos_emb = jnp.take(pos_table, positions, axis=0)
    embedded = tokens + pos_emb
    embedded = _layer_norm(embedded, ln_gamma, ln_beta)
    # dropout is identity at inference
    return embedded

if __name__ == "__main__":
    import jax
    _d = setup_inputs()
    print(jax.jit(kernel)(*tuple(_d.values())))

</pallas_src>

<mosaic_0001>
#map = affine_map<(d0, d1) -> (0, 0)>
#map1 = affine_map<(d0, d1) -> (0)>
#map2 = affine_map<(d0, d1) -> (0, 0, 0, 0, 0)>
module attributes {stable_mosaic.version = 14 : i64} {
  func.func @emb(%arg0: i32, %arg1: i32, %arg2: memref<32x25600xi32, #tpu.memory_space<hbm>>, %arg3: memref<500000x128xf32, #tpu.memory_space<hbm>>, %arg4: memref<12800xf32, #tpu.memory_space<hbm>>, %arg5: memref<1024xf32, #tpu.memory_space<hbm>>, %arg6: memref<1024xf32, #tpu.memory_space<hbm>>, %arg7: memref<200x8x32x8x128xf32, #tpu.memory_space<hbm>>, %arg8: memref<256x128xf32, #tpu.memory_space<vmem>>, %arg9: memref<256x128xf32, #tpu.memory_space<vmem>>, %arg10: memref<2x8x8x128xf32, #tpu.memory_space<vmem>>, %arg11: memref<2x8x8x128xf32, #tpu.memory_space<vmem>>, %arg12: memref<256xi32, #tpu.memory_space<vmem>>, %arg13: memref<256xi32, #tpu.memory_space<vmem>>, %arg14: memref<256xi32, #tpu.memory_space<vmem>>, %arg15: memref<256xi32, #tpu.memory_space<vmem>>, %arg16: memref<256xi32, #tpu.memory_space<vmem>>, %arg17: memref<256xi32, #tpu.memory_space<vmem>>, %arg18: memref<4096xf32, #tpu.memory_space<vmem>>, %arg19: memref<12800xf32, #tpu.memory_space<vmem>>, %arg20: memref<1024xf32, #tpu.memory_space<vmem>>, %arg21: memref<1024xf32, #tpu.memory_space<vmem>>, %arg22: memref<!tpu.dma_semaphore, #tpu.memory_space<semaphore_mem>>, %arg23: memref<!tpu.dma_semaphore, #tpu.memory_space<semaphore_mem>>, %arg24: memref<!tpu.dma_semaphore, #tpu.memory_space<semaphore_mem>>, %arg25: memref<!tpu.dma_semaphore, #tpu.memory_space<semaphore_mem>>, %arg26: memref<!tpu.dma_semaphore, #tpu.memory_space<semaphore_mem>>) attributes {dimension_semantics = [#tpu.dimension_semantics<core_parallel>, #tpu.dimension_semantics<subcore_parallel>], iteration_bounds = array<i64: 2, 16>, scalar_prefetch = 0 : i64, scratch_operands = 19 : i64, tpu.core_type = #tpu.core_type<sc_vector_subcore>, window_params = [{transform_indices = #map}, {transform_indices = #map}, {transform_indices = #map1}, {transform_indices = #map1}, {transform_indices = #map1}, {transform_indices = #map2}]} {
    %mul3A = arith.constant 2 : i32
    %mul3A_0 = arith.muli %arg1, %mul3A : i32
    %add3A = arith.addi %mul3A_0, %arg0 : i32
    "tpu.region"() ({
      %run_scoped3A = tpu.sem_alloc : memref<!tpu.dma_semaphore, #tpu.memory_space<semaphore_mem>>
      tpu.enqueue_dma source(%arg4 : memref<12800xf32, #tpu.memory_space<hbm>>) target(%arg19 : memref<12800xf32, #tpu.memory_space<vmem>>) target_semaphore(%run_scoped3A : memref<!tpu.dma_semaphore, #tpu.memory_space<semaphore_mem>>)
      tpu.wait_dma2 semaphore(%run_scoped3A : memref<!tpu.dma_semaphore, #tpu.memory_space<semaphore_mem>>) src(%arg4 : memref<12800xf32, #tpu.memory_space<hbm>>) dst(%arg19 : memref<12800xf32, #tpu.memory_space<vmem>>)
      tpu.yield
    }) : () -> ()
    "tpu.region"() ({
      %run_scoped3A = tpu.sem_alloc : memref<!tpu.dma_semaphore, #tpu.memory_space<semaphore_mem>>
      tpu.enqueue_dma source(%arg5 : memref<1024xf32, #tpu.memory_space<hbm>>) target(%arg20 : memref<1024xf32, #tpu.memory_space<vmem>>) target_semaphore(%run_scoped3A : memref<!tpu.dma_semaphore, #tpu.memory_space<semaphore_mem>>)
      tpu.wait_dma2 semaphore(%run_scoped3A : memref<!tpu.dma_semaphore, #tpu.memory_space<semaphore_mem>>) src(%arg5 : memref<1024xf32, #tpu.memory_space<hbm>>) dst(%arg20 : memref<1024xf32, #tpu.memory_space<vmem>>)
      tpu.yield
    }) : () -> ()
    "tpu.region"() ({
      %run_scoped3A = tpu.sem_alloc : memref<!tpu.dma_semaphore, #tpu.memory_space<semaphore_mem>>
      tpu.enqueue_dma source(%arg6 : memref<1024xf32, #tpu.memory_space<hbm>>) target(%arg21 : memref<1024xf32, #tpu.memory_space<vmem>>) target_semaphore(%run_scoped3A : memref<!tpu.dma_semaphore, #tpu.memory_space<semaphore_mem>>)
      tpu.wait_dma2 semaphore(%run_scoped3A : memref<!tpu.dma_semaphore, #tpu.memory_space<semaphore_mem>>) src(%arg6 : memref<1024xf32, #tpu.memory_space<hbm>>) dst(%arg21 : memref<1024xf32, #tpu.memory_space<vmem>>)
      tpu.yield
    }) : () -> ()
    %iota3A = tpu.iota {dimensions = array<i32: 0>} : vector<16xi32>
    %dma_start3A = arith.constant 0 : i32
    %dma_start3A_1 = tpu.memref_slice %arg2[%add3A, %dma_start3A] : memref<32x25600xi32, #tpu.memory_space<hbm>> -> memref<1x256xi32, #tpu.memory_space<hbm>>
    %dma_start3A_2 = tpu.memref_squeeze %dma_start3A_1 : memref<1x256xi32, #tpu.memory_space<hbm>> -> memref<256xi32, #tpu.memory_space<hbm>>
    %dma_start3A_3 = arith.constant 0 : i32
    %dma_start3A_4 = tpu.memref_slice %arg2[%add3A, %dma_start3A_3] : memref<32x25600xi32, #tpu.memory_space<hbm>> -> memref<1x256xi32, #tpu.memory_space<hbm>>
    %dma_start3A_5 = tpu.memref_squeeze %dma_start3A_4 : memref<1x256xi32, #tpu.memory_space<hbm>> -> memref<256xi32, #tpu.memory_space<hbm>>
    tpu.enqueue_dma source(%dma_start3A_5 : memref<256xi32, #tpu.memory_space<hbm>>) target(%arg12 : memref<256xi32, #tpu.memory_space<vmem>>) target_semaphore(%arg26 : memref<!tpu.dma_semaphore, #tpu.memory_space<semaphore_mem>>)
    %dma_wait3A = arith.constant 0 : i32
    %dma_wait3A_6 = tpu.memref_slice %arg2[%add3A, %dma_wait3A] : memref<32x25600xi32, #tpu.memory_space<hbm>> -> memref<1x256xi32, #tpu.memory_space<hbm>>
    %dma_wait3A_7 = tpu.memref_squeeze %dma_wait3A_6 : memref<1x256xi32, #tpu.memory_space<hbm>> -> memref<256xi32, #tpu.memory_space<hbm>>
    %dma_wait3A_8 = arith.constant 0 : i32
    %dma_wait3A_9 = tpu.memref_slice %arg2[%add3A, %dma_wait3A_8] : memref<32x25600xi32, #tpu.memory_space<hbm>> -> memref<1x256xi32, #tpu.memory_space<hbm>>
    %dma_wait3A_10 = tpu.memref_squeeze %dma_wait3A_9 : memref<1x256xi32, #tpu.memory_space<hbm>> -> memref<256xi32, #tpu.memory_space<hbm>>
    tpu.wait_dma2 semaphore(%arg26 : memref<!tpu.dma_semaphore, #tpu.memory_space<semaphore_mem>>) src(%dma_wait3A_10 : memref<256xi32, #tpu.memory_space<hbm>>) dst(%arg12 : memref<256xi32, #tpu.memory_space<vmem>>)
    %get3A = arith.constant 0 : index
    %get3A_11 = tpu.vector_load %arg12[%get3A] {strides = array<i32>} : memref<256xi32, #tpu.memory_space<vmem>>, vector<16xi32>,
    %shift_right_arithmetic3A = arith.constant 1 : i32
    %shift_right_arithmetic3A_12 = vector.broadcast %shift_right_arithmetic3A : i32 to vector<16xi32>
    %shift_right_arithmetic3A_13 = arith.shrsi %get3A_11, %shift_right_arithmetic3A_12 : vector<16xi32>
    %swap3A = arith.constant 0 : index
    %swap3A_14 = tpu.vector_load %arg14[%swap3A] {strides = array<i32>} : memref<256xi32, #tpu.memory_space<vmem>>, vector<16xi32>,
    tpu.vector_store %arg14[%swap3A], %shift_right_arithmetic3A_13 {strides = array<i32>} : memref<256xi32, #tpu.memory_space<vmem>>, vector<16xi32>,
    %and3A = arith.constant 1 : i32
    %and3A_15 = vector.broadcast %and3A : i32 to vector<16xi32>
    %and3A_16 = arith.andi %get3A_11, %and3A_15 : vector<16xi32>
    %swap3A_17 = arith.constant 0 : index
    %swap3A_18 = tpu.vector_load %arg16[%swap3A_17] {strides = array<i32>} : memref<256xi32, #tpu.memory_space<vmem>>, vector<16xi32>,
    tpu.vector_store %arg16[%swap3A_17], %and3A_16 {strides = array<i32>} : memref<256xi32, #tpu.memory_space<vmem>>, vector<16xi32>,
    %get3A_19 = arith.constant 16 : index
    %get3A_20 = tpu.vector_load %arg12[%get3A_19] {strides = array<i32>} : memref<256xi32, #tpu.memory_space<vmem>>, vector<16xi32>,
    %shift_right_arithmetic3A_21 = arith.constant 1 : i32
    %shift_right_arithmetic3A_22 = vector.broadcast %shift_right_arithmetic3A_21 : i32 to vector<16xi32>
    %shift_right_arithmetic3A_23 = arith.shrsi %get3A_20, %shift_right_arithmetic3A_22 : vector<16xi32>
    %swap3A_24 = arith.constant 16 : index
    %swap3A_25 = tpu.vector_load %arg14[%swap3A_24] {strides = array<i32>} : memref<256xi32, #tpu.memory_space<vmem>>, vector<16xi32>,
    tpu.vector_store %arg14[%swap3A_24], %shift_right_arithmetic3A_23 {strides = array<i32>} : memref<256xi32, #tpu.memory_space<vmem>>, vector<16xi32>,
    %and3A_26 = arith.constant 1 : i32
    %and3A_27 = vector.broadcast %and3A_26 : i32 to vector<16xi32>
    %and3A_28 = arith.andi %get3A_20, %and3A_27 : vector<16xi32>
    %swap3A_29 = arith.constant 16 : index
    %swap3A_30 = tpu.vector_load %arg16[%swap3A_29] {strides = array<i32>} : memref<256xi32, #tpu.memory_space<vmem>>, vector<16xi32>,
    tpu.vector_store %arg16[%swap3A_29], %and3A_28 {strides = array<i32>} : memref<256xi32, #tpu.memory_space<vmem>>, vector<16xi32>,
    %get3A_31 = arith.constant 32 : index
    %get3A_32 = tpu.vector_load %arg12[%get3A_31] {strides = array<i32>} : memref<256xi32, #tpu.memory_space<vmem>>, vector<16xi32>,
    %shift_right_arithmetic3A_33 = arith.constant 1 : i32
    %shift_right_arithmetic3A_34 = vector.broadcast %shift_right_arithmetic3A_33 : i32 to vector<16xi32>
    %shift_right_arithmetic3A_35 = arith.shrsi %get3A_32, %shift_right_arithmetic3A_34 : vector<16xi32>
    %swap3A_36 = arith.constant 32 : index
    %swap3A_37 = tpu.vector_load %arg14[%swap3A_36] {strides = array<i32>} : memref<256xi32, #tpu.memory_space<vmem>>, vector<16xi32>,
    tpu.vector_store %arg14[%swap3A_36], %shift_right_arithmetic3A_35 {strides = array<i32>} : memref<256xi32, #tpu.memory_space<vmem>>, vector<16xi32>,
    %and3A_38 = arith.constant 1 : i32
    %and3A_39 = vector.broadcast %and3A_38 : i32 to vector<16xi32>
    %and3A_40 = arith.andi %get3A_32, %and3A_39 : vector<16xi32>
    %swap3A_41 = arith.constant 32 : index
    %swap3A_42 = tpu.vector_load %arg16[%swap3A_41] {strides = array<i32>} : memref<256xi32, #tpu.memory_space<vmem>>, vector<16xi32>,
    tpu.vector_store %arg16[%swap3A_41], %and3A_40 {strides = array<i32>} : memref<256xi32, #tpu.memory_space<vmem>>, vector<16xi32>,
    %get3A_43 = arith.constant 48 : index
    %get3A_44 = tpu.vector_load %arg12[%get3A_43] {strides = array<i32>} : memref<256xi32, #tpu.memory_space<vmem>>, vector<16xi32>,
    %shift_right_arithmetic3A_45 = arith.constant 1 : i32
    %shift_right_arithmetic3A_46 = vector.broadcast %shift_right_arithmetic3A_45 : i32 to vector<16xi32>
    %shift_right_arithmetic3A_47 = arith.shrsi %get3A_44, %shift_right_arithmetic3A_46 : vector<16xi32>
    %swap3A_48 = arith.constant 48 : index
    %swap3A_49 = tpu.vector_load %arg14[%swap3A_48] {strides = array<i32>} : memref<256xi32, #tpu.memory_space<vmem>>, vector<16xi32>,
    tpu.vector_store %arg14[%swap3A_48], %shift_right_arithmetic3A_47 {strides = array<i32>} : memref<256xi32, #tpu.memory_space<vmem>>, vector<16xi32>,
    %and3A_50 = arith.constant 1 : i32
    %and3A_51 = vector.broadcast %and3A_50 : i32 to vector<16xi32>
    %and3A_52 = arith.andi %get3A_44, %and3A_51 : vector<16xi32>
    %swap3A_53 = arith.constant 48 : index
    %swap3A_54 = tpu.vector_load %arg16[%swap3A_53] {strides = array<i32>} : memref<256xi32, #tpu.memory_space<vmem>>, vector<16xi32>,
    tpu.vector_store %arg16[%swap3A_53], %and3A_52 {strides = array<i32>} : memref<256xi32, #tpu.memory_space<vmem>>, vector<16xi32>,
    %get3A_55 = arith.constant 64 : index
    %get3A_56 = tpu.vector_load %arg12[%get3A_55] {strides = array<i32>} : memref<256xi32, #tpu.memory_space<vmem>>, vector<16xi32>,
    %shift_right_arithmetic3A_57 = arith.constant 1 : i32
    %shift_right_arithmetic3A_58 = vector.broadcast %shift_right_arithmetic3A_57 : i32 to vector<16xi32>
    %shift_right_arithmetic3A_59 = arith.shrsi %get3A_56, %shift_right_arithmetic3A_58 : vector<16xi32>
    %swap3A_60 = arith.constant 64 : index
    %swap3A_61 = tpu.vector_load %arg14[%swap3A_60] {strides = array<i32>} : memref<256xi32, #tpu.memory_space<vmem>>, vector<16xi32>,
    tpu.vector_store %arg14[%swap3A_60], %shift_right_arithmetic3A_59 {strides = array<i32>} : memref<256xi32, #tpu.memory_space<vmem>>, vector<16xi32>,
    %and3A_62 = arith.constant 1 : i32
    %and3A_63 = vector.broadcast %and3A_62 : i32 to vector<16xi32>
    %and3A_64 = arith.andi %get3A_56, %and3A_63 : vector<16xi32>
    %swap3A_65 = arith.constant 64 : index
    %swap3A_66 = tpu.vector_load %arg16[%swap3A_65] {strides = array<i32>} : memref<256xi32, #tpu.memory_space<vmem>>, vector<16xi32>,
    tpu.vector_store %arg16[%swap3A_65], %and3A_64 {strides = array<i32>} : memref<256xi32, #tpu.memory_space<vmem>>, vector<16xi32>,
    %get3A_67 = arith.constant 80 : index
    %get3A_68 = tpu.vector_load %arg12[%get3A_67] {strides = array<i32>} : memref<256xi32, #tpu.memory_space<vmem>>, vector<16xi32>,
    %shift_right_arithmetic3A_69 = arith.constant 1 : i32
    %shift_right_arithmetic3A_70 = vector.broadcast %shift_right_arithmetic3A_69 : i32 to vector<16xi32>
    %shift_right_arithmetic3A_71 = arith.shrsi %get3A_68, %shift_right_arithmetic3A_70 : vector<16xi32>
    %swap3A_72 = arith.constant 80 : index
    %swap3A_73 = tpu.vector_load %arg14[%swap3A_72] {strides = array<i32>} : memref<256xi32, #tpu.memory_space<vmem>>, vector<16xi32>,
    tpu.vector_store %arg14[%swap3A_72], %shift_right_arithmetic3A_71 {strides = array<i32>} : memref<256xi32, #tpu.memory_space<vmem>>, vector<16xi32>,
    %and3A_74 = arith.constant 1 : i32
    %and3A_75 = vector.broadcast %and3A_74 : i32 to vector<16xi32>
    %and3A_76 = arith.andi %get3A_68, %and3A_75 : vector<16xi32>
    %swap3A_77 = arith.constant 80 : index
    %swap3A_78 = tpu.vector_load %arg16[%swap3A_77] {strides = array<i32>} : memref<256xi32, #tpu.memory_space<vmem>>, vector<16xi32>,
    tpu.vector_store %arg16[%swap3A_77], %and3A_76 {strides = array<i32>} : memref<256xi32, #tpu.memory_space<vmem>>, vector<16xi32>,
    %get3A_79 = arith.constant 96 : index
    %get3A_80 = tpu.vector_load %arg12[%get3A_79] {strides = array<i32>} : memref<256xi32, #tpu.memory_space<vmem>>, vector<16xi32>,
    %shift_right_arithmetic3A_81 = arith.constant 1 : i32
    %shift_right_arithmetic3A_82 = vector.broadcast %shift_right_arithmetic3A_81 : i32 to vector<16xi32>
    %shift_right_arithmetic3A_83 = arith.shrsi %get3A_80, %shift_right_arithmetic3A_82 : vector<16xi32>
    %swap3A_84 = arith.constant 96 : index
    %swap3A_85 = tpu.vector_load %arg14[%swap3A_84] {strides = array<i32>} : memref<256xi32, #tpu.memory_space<vmem>>, vector<16xi32>,
    tpu.vector_store %arg14[%swap3A_84], %shift_right_arithmetic3A_83 {strides = array<i32>} : memref<256xi32, #tpu.memory_space<vmem>>, vector<16xi32>,
    %and3A_86 = arith.constant 1 : i32
    %and3A_87 = vector.broadcast %and3A_86 : i32 to vector<16xi32>
    %and3A_88 = arith.andi %get3A_80, %and3A_87 : vector<16xi32>
    %swap3A_89 = arith.constant 96 : index
    %swap3A_90 = tpu.vector_load %arg16[%swap3A_89] {strides = array<i32>} : memref<256xi32, #tpu.memory_space<vmem>>, vector<16xi32>,
    tpu.vector_store %arg16[%swap3A_89], %and3A_88 {strides = array<i32>} : memref<256xi32, #tpu.memory_space<vmem>>, vector<16xi32>,
    %get3A_91 = arith.constant 112 : index
    %get3A_92 = tpu.vector_load %arg12[%get3A_91] {strides = array<i32>} : memref<256xi32, #tpu.memory_space<vmem>>, vector<16xi32>,
    %shift_right_arithmetic3A_93 = arith.constant 1 : i32
    %shift_right_arithmetic3A_94 = vector.broadcast %shift_right_arithmetic3A_93 : i32 to vector<16xi32>
    %shift_right_arithmetic3A_95 = arith.shrsi %get3A_92, %shift_right_arithmetic3A_94 : vector<16xi32>
    %swap3A_96 = arith.constant 112 : index
    %swap3A_97 = tpu.vector_load %arg14[%swap3A_96] {strides = array<i32>} : memref<256xi32, #tpu.memory_space<vmem>>, vector<16xi32>,
    tpu.vector_store %arg14[%swap3A_96], %shift_right_arithmetic3A_95 {strides = array<i32>} : memref<256xi32, #tpu.memory_space<vmem>>, vector<16xi32>,
    %and3A_98 = arith.constant 1 : i32
    %and3A_99 = vector.broadcast %and3A_98 : i32 to vector<16xi32>
    %and3A_100 = arith.andi %get3A_92, %and3A_99 : vector<16xi32>
    %swap3A_101 = arith.constant 112 : index
    %swap3A_102 = tpu.vector_load %arg16[%swap3A_101] {strides = array<i32>} : memref<256xi32, #tpu.memory_space<vmem>>, vector<16xi32>,
    tpu.vector_store %arg16[%swap3A_101], %and3A_100 {strides = array<i32>} : memref<256xi32, #tpu.memory_space<vmem>>, vector<16xi32>,
    %get3A_103 = arith.constant 128 : index
    %get3A_104 = tpu.vector_load %arg12[%get3A_103] {strides = array<i32>} : memref<256xi32, #tpu.memory_space<vmem>>, vector<16xi32>,
    %shift_right_arithmetic3A_105 = arith.constant 1 : i32
    %shift_right_arithmetic3A_106 = vector.broadcast %shift_right_arithmetic3A_105 : i32 to vector<16xi32>
    %shift_right_arithmetic3A_107 = arith.shrsi %get3A_104, %shift_right_arithmetic3A_106 : vector<16xi32>
    %swap3A_108 = arith.constant 128 : index
    %swap3A_109 = tpu.vector_load %arg14[%swap3A_108] {strides = array<i32>} : memref<256xi32, #tpu.memory_space<vmem>>, vector<16xi32>,
    tpu.vector_store %arg14[%swap3A_108], %shift_right_arithmetic3A_107 {strides = array<i32>} : memref<256xi32, #tpu.memory_space<vmem>>, vector<16xi32>,
    %and3A_110 = arith.constant 1 : i32
    %and3A_111 = vector.broadcast %and3A_110 : i32 to vector<16xi32>
    %and3A_112 = arith.andi %get3A_104, %and3A_111 : vector<16xi32>
    %swap3A_113 = arith.constant 128 : index
    %swap3A_114 = tpu.vector_load %arg16[%swap3A_113] {strides = array<i32>} : memref<256xi32, #tpu.memory_space<vmem>>, vector<16xi32>,
    tpu.vector_store %arg16[%swap3A_113], %and3A_112 {strides = array<i32>} : memref<256xi32, #tpu.memory_space<vmem>>, vector<16xi32>,
    %get3A_115 = arith.constant 144 : index
    %get3A_116 = tpu.vector_load %arg12[%get3A_115] {strides = array<i32>} : memref<256xi32, #tpu.memory_space<vmem>>, vector<16xi32>,
    %shift_right_arithmetic3A_117 = arith.constant 1 : i32
    %shift_right_arithmetic3A_118 = vector.broadcast %shift_right_arithmetic3A_117 : i32 to vector<16xi32>
    %shift_right_arithmetic3A_119 = arith.shrsi %get3A_116, %shift_right_arithmetic3A_118 : vector<16xi32>
    %swap3A_120 = arith.constant 144 : index
    %swap3A_121 = tpu.vector_load %arg14[%swap3A_120] {strides = array<i32>} : memref<256xi32, #tpu.memory_space<vmem>>, vector<16xi32>,
    tpu.vector_store %arg14[%swap3A_120], %shift_right_arithmetic3A_119 {strides = array<i32>} : memref<256xi32, #tpu.memory_space<vmem>>, vector<16xi32>,
    %and3A_122 = arith.constant 1 : i32
    %and3A_123 = vector.broadcast %and3A_122 : i32 to vector<16xi32>
    %and3A_124 = arith.andi %get3A_116, %and3A_123 : vector<16xi32>
    %swap3A_125 = arith.constant 144 : index
    %swap3A_126 = tpu.vector_load %arg16[%swap3A_125] {strides = array<i32>} : memref<256xi32, #tpu.memory_space<vmem>>, vector<16xi32>,
    tpu.vector_store %arg16[%swap3A_125], %and3A_124 {strides = array<i32>} : memref<256xi32, #tpu.memory_space<vmem>>, vector<16xi32>,
    %get3A_127 = arith.constant 160 : index
    %get3A_128 = tpu.vector_load %arg12[%get3A_127] {strides = array<i32>} : memref<256xi32, #tpu.memory_space<vmem>>, vector<16xi32>,
    %shift_right_arithmetic3A_129 = arith.constant 1 : i32
    %shift_right_arithmetic3A_130 = vector.broadcast %shift_right_arithmetic3A_129 : i32 to vector<16xi32>
    %shift_right_arithmetic3A_131 = arith.shrsi %get3A_128, %shift_right_arithmetic3A_130 : vector<16xi32>
    %swap3A_132 = arith.constant 160 : index
    %swap3A_133 = tpu.vector_load %arg14[%swap3A_132] {strides = array<i32>} : memref<256xi32, #tpu.memory_space<vmem>>, vector<16xi32>,
    tpu.vector_store %arg14[%swap3A_132], %shift_right_arithmetic3A_131 {strides = array<i32>} : memref<256xi32, #tpu.memory_space<vmem>>, vector<16xi32>,
    %and3A_134 = arith.constant 1 : i32
    %and3A_135 = vector.broadcast %and3A_134 : i32 to vector<16xi32>
    %and3A_136 = arith.andi %get3A_128, %and3A_135 : vector<16xi32>
    %swap3A_137 = arith.constant 160 : index
    %swap3A_138 = tpu.vector_load %arg16[%swap3A_137] {strides = array<i32>} : memref<256xi32, #tpu.memory_space<vmem>>, vector<16xi32>,
    tpu.vector_store %arg16[%swap3A_137], %and3A_136 {strides = array<i32>} : memref<256xi32, #tpu.memory_space<vmem>>, vector<16xi32>,
    %get3A_139 = arith.constant 176 : index
    %get3A_140 = tpu.vector_load %arg12[%get3A_139] {strides = array<i32>} : memref<256xi32, #tpu.memory_space<vmem>>, vector<16xi32>,
    %shift_right_arithmetic3A_141 = arith.constant 1 : i32
    %shift_right_arithmetic3A_142 = vector.broadcast %shift_right_arithmetic3A_141 : i32 to vector<16xi32>
    %shift_right_arithmetic3A_143 = arith.shrsi %get3A_140, %shift_right_arithmetic3A_142 : vector<16xi32>
    %swap3A_144 = arith.constant 176 : index
    %swap3A_145 = tpu.vector_load %arg14[%swap3A_144] {strides = array<i32>} : memref<256xi32, #tpu.memory_space<vmem>>, vector<16xi32>,
    tpu.vector_store %arg14[%swap3A_144], %shift_right_arithmetic3A_143 {strides = array<i32>} : memref<256xi32, #tpu.memory_space<vmem>>, vector<16xi32>,
    %and3A_146 = arith.constant 1 : i32
    %and3A_147 = vector.broadcast %and3A_146 : i32 to vector<16xi32>
    %and3A_148 = arith.andi %get3A_140, %and3A_147 : vector<16xi32>
    %swap3A_149 = arith.constant 176 : index
    %swap3A_150 = tpu.vector_load %arg16[%swap3A_149] {strides = array<i32>} : memref<256xi32, #tpu.memory_space<vmem>>, vector<16xi32>,
    tpu.vector_store %arg16[%swap3A_149], %and3A_148 {strides = array<i32>} : memref<256xi32, #tpu.memory_space<vmem>>, vector<16xi32>,
    %get3A_151 = arith.constant 192 : index
    %get3A_152 = tpu.vector_load %arg12[%get3A_151] {strides = array<i32>} : memref<256xi32, #tpu.memory_space<vmem>>, vector<16xi32>,
    %shift_right_arithmetic3A_153 = arith.constant 1 : i32
    %shift_right_arithmetic3A_154 = vector.broadcast %shift_right_arithmetic3A_153 : i32 to vector<16xi32>
    %shift_right_arithmetic3A_155 = arith.shrsi %get3A_152, %shift_right_arithmetic3A_154 : vector<16xi32>
    %swap3A_156 = arith.constant 192 : index
    %swap3A_157 = tpu.vector_load %arg14[%swap3A_156] {strides = array<i32>} : memref<256xi32, #tpu.memory_space<vmem>>, vector<16xi32>,
    tpu.vector_store %arg14[%swap3A_156], %shift_right_arithmetic3A_155 {strides = array<i32>} : memref<256xi32, #tpu.memory_space<vmem>>, vector<16xi32>,
    %and3A_158 = arith.constant 1 : i32
    %and3A_159 = vector.broadcast %and3A_158 : i32 to vector<16xi32>
    %and3A_160 = arith.andi %get3A_152, %and3A_159 : vector<16xi32>
    %swap3A_161 = arith.constant 192 : index
    %swap3A_162 = tpu.vector_load %arg16[%swap3A_161] {strides = array<i32>} : memref<256xi32, #tpu.memory_space<vmem>>, vector<16xi32>,
    tpu.vector_store %arg16[%swap3A_161], %and3A_160 {strides = array<i32>} : memref<256xi32, #tpu.memory_space<vmem>>, vector<16xi32>,
    %get3A_163 = arith.constant 208 : index
    %get3A_164 = tpu.vector_load %arg12[%get3A_163] {strides = array<i32>} : memref<256xi32, #tpu.memory_space<vmem>>, vector<16xi32>,
    %shift_right_arithmetic3A_165 = arith.constant 1 : i32
    %shift_right_arithmetic3A_166 = vector.broadcast %shift_right_arithmetic3A_165 : i32 to vector<16xi32>
    %shift_right_arithmetic3A_167 = arith.shrsi %get3A_164, %shift_right_arithmetic3A_166 : vector<16xi32>
    %swap3A_168 = arith.constant 208 : index
    %swap3A_169 = tpu.vector_load %arg14[%swap3A_168] {strides = array<i32>} : memref<256xi32, #tpu.memory_space<vmem>>, vector<16xi32>,
    tpu.vector_store %arg14[%swap3A_168], %shift_right_arithmetic3A_167 {strides = array<i32>} : memref<256xi32, #tpu.memory_space<vmem>>, vector<16xi32>,
    %and3A_170 = arith.constant 1 : i32
    %and3A_171 = vector.broadcast %and3A_170 : i32 to vector<16xi32>
    %and3A_172 = arith.andi %get3A_164, %and3A_171 : vector<16xi32>
    %swap3A_173 = arith.constant 208 : index
    %swap3A_174 = tpu.vector_load %arg16[%swap3A_173] {strides = array<i32>} : memref<256xi32, #tpu.memory_space<vmem>>, vector<16xi32>,
    tpu.vector_store %arg16[%swap3A_173], %and3A_172 {strides = array<i32>} : memref<256xi32, #tpu.memory_space<vmem>>, vector<16xi32>,
    %get3A_175 = arith.constant 224 : index
    %get3A_176 = tpu.vector_load %arg12[%get3A_175] {strides = array<i32>} : memref<256xi32, #tpu.memory_space<vmem>>, vector<16xi32>,
    %shift_right_arithmetic3A_177 = arith.constant 1 : i32
    %shift_right_arithmetic3A_178 = vector.broadcast %shift_right_arithmetic3A_177 : i32 to vector<16xi32>
    %shift_right_arithmetic3A_179 = arith.shrsi %get3A_176, %shift_right_arithmetic3A_178 : vector<16xi32>
    %swap3A_180 = arith.constant 224 : index
    %swap3A_181 = tpu.vector_load %arg14[%swap3A_180] {strides = array<i32>} : memref<256xi32, #tpu.memory_space<vmem>>, vector<16xi32>,
    tpu.vector_store %arg14[%swap3A_180], %shift_right_arithmetic3A_179 {strides = array<i32>} : memref<256xi32, #tpu.memory_space<vmem>>, vector<16xi32>,
    %and3A_182 = arith.constant 1 : i32
    %and3A_183 = vector.broadcast %and3A_182 : i32 to vector<16xi32>
    %and3A_184 = arith.andi %get3A_176, %and3A_183 : vector<16xi32>
    %swap3A_185 = arith.constant 224 : index
    %swap3A_186 = tpu.vector_load %arg16[%swap3A_185] {strides = array<i32>} : memref<256xi32, #tpu.memory_space<vmem>>, vector<16xi32>,
    tpu.vector_store %arg16[%swap3A_185], %and3A_184 {strides = array<i32>} : memref<256xi32, #tpu.memory_space<vmem>>, vector<16xi32>,
    %get3A_187 = arith.constant 240 : index
    %get3A_188 = tpu.vector_load %arg12[%get3A_187] {strides = array<i32>} : memref<256xi32, #tpu.memory_space<vmem>>, vector<16xi32>,
    %shift_right_arithmetic3A_189 = arith.constant 1 : i32
    %shift_right_arithmetic3A_190 = vector.broadcast %shift_right_arithmetic3A_189 : i32 to vector<16xi32>
    %shift_right_arithmetic3A_191 = arith.shrsi %get3A_188, %shift_right_arithmetic3A_190 : vector<16xi32>
    %swap3A_192 = arith.constant 240 : index
    %swap3A_193 = tpu.vector_load %arg14[%swap3A_192] {strides = array<i32>} : memref<256xi32, #tpu.memory_space<vmem>>, vector<16xi32>,
    tpu.vector_store %arg14[%swap3A_192], %shift_right_arithmetic3A_191 {strides = array<i32>} : memref<256xi32, #tpu.memory_space<vmem>>, vector<16xi32>,
    %and3A_194 = arith.constant 1 : i32
    %and3A_195 = vector.broadcast %and3A_194 : i32 to vector<16xi32>
    %and3A_196 = arith.andi %get3A_188, %and3A_195 : vector<16xi32>
    %swap3A_197 = arith.constant 240 : index
    %swap3A_198 = tpu.vector_load %arg16[%swap3A_197] {strides = array<i32>} : memref<256xi32, #tpu.memory_space<vmem>>, vector<16xi32>,
    tpu.vector_store %arg16[%swap3A_197], %and3A_196 {strides = array<i32>} : memref<256xi32, #tpu.memory_space<vmem>>, vector<16xi32>,
    %dma_start3A_199 = arith.constant 0 : i32
    %dma_start3A_200 = arith.constant 0 : i32
    %dma_start3A_201 = tpu.memref_slice %arg8[%dma_start3A_199, %dma_start3A_200] : memref<256x128xf32, #tpu.memory_space<vmem>> -> memref<128x128xf32, #tpu.memory_space<vmem>>
    %dma_start3A_202 = arith.constant 0 : i32
    %dma_start3A_203 = tpu.memref_slice %arg14[%dma_start3A_202] : memref<256xi32, #tpu.memory_space<vmem>> -> memref<128xi32, #tpu.memory_space<vmem>>
    %dma_start3A_204 = arith.constant 0 : i32
    %dma_start3A_205 = arith.constant 0 : i32
    %dma_start3A_206 = tpu.memref_slice %arg3[%dma_start3A_204, %dma_start3A_205] : memref<500000x128xf32, #tpu.memory_space<hbm>> -> memref<500000x128xf32, #tpu.memory_space<hbm>>
    tpu.enqueue_indirect_dma source(%dma_start3A_206 : memref<500000x128xf32, #tpu.memory_space<hbm>>) target(%dma_start3A_201 : memref<128x128xf32, #tpu.memory_space<vmem>>) offsets(%dma_start3A_203 : memref<128xi32, #tpu.memory_space<vmem>>) semaphore(%arg22 : memref<!tpu.dma_semaphore, #tpu.memory_space<semaphore_mem>>)
    %dma_start3A_207 = arith.constant 128 : i32
    %dma_start3A_208 = arith.constant 0 : i32
    %dma_start3A_209 = tpu.memref_slice %arg8[%dma_start3A_207, %dma_start3A_208] : memref<256x128xf32, #tpu.memory_space<vmem>> -> memref<128x128xf32, #tpu.memory_space<vmem>>
    %dma_start3A_210 = arith.constant 128 : i32
    %dma_start3A_211 = tpu.memref_slice %arg14[%dma_start3A_210] : memref<256xi32, #tpu.memory_space<vmem>> -> memref<128xi32, #tpu.memory_space<vmem>>
    %dma_start3A_212 = arith.constant 0 : i32
    %dma_start3A_213 = arith.constant 0 : i32
    %dma_start3A_214 = tpu.memref_slice %arg3[%dma_start3A_212, %dma_start3A_213] : memref<500000x128xf32, #tpu.memory_space<hbm>> -> memref<500000x128xf32, #tpu.memory_space<hbm>>
    tpu.enqueue_indirect_dma source(%dma_start3A_214 : memref<500000x128xf32, #tpu.memory_space<hbm>>) target(%dma_start3A_209 : memref<128x128xf32, #tpu.memory_space<vmem>>) offsets(%dma_start3A_211 : memref<128xi32, #tpu.memory_space<vmem>>) semaphore(%arg22 : memref<!tpu.dma_semaphore, #tpu.memory_space<semaphore_mem>>)
    %dma_start3A_215 = arith.constant 256 : i32
    %dma_start3A_216 = tpu.memref_slice %arg2[%add3A, %dma_start3A_215] : memref<32x25600xi32, #tpu.memory_space<hbm>> -> memref<1x256xi32, #tpu.memory_space<hbm>>
    %dma_start3A_217 = tpu.memref_squeeze %dma_start3A_216 : memref<1x256xi32, #tpu.memory_space<hbm>> -> memref<256xi32, #tpu.memory_space<hbm>>
    %dma_start3A_218 = arith.constant 256 : i32
    %dma_start3A_219 = tpu.memref_slice %arg2[%add3A, %dma_start3A_218] : memref<32x25600xi32, #tpu.memory_space<hbm>> -> memref<1x256xi32, #tpu.memory_space<hbm>>
    %dma_start3A_220 = tpu.memref_squeeze %dma_start3A_219 : memref<1x256xi32, #tpu.memory_space<hbm>> -> memref<256xi32, #tpu.memory_space<hbm>>
    tpu.enqueue_dma source(%dma_start3A_220 : memref<256xi32, #tpu.memory_space<hbm>>) target(%arg13 : memref<256xi32, #tpu.memory_space<vmem>>) target_semaphore(%arg26 : memref<!tpu.dma_semaphore, #tpu.memory_space<semaphore_mem>>)
    %scan3A = arith.constant 0 : i32
    %scan3A_221 = arith.constant 0 : i32
    %scan3A_222 = arith.constant 100 : i32
    %scan3A_223 = arith.addi %scan3A_221, %scan3A_222 : i32
    %scan3A_224 = arith.constant 1 : i32
    %scan3A_225 = scf.for %scan3A_251 = %scan3A_221 to %scan3A_223 step %scan3A_224 iter_args(%scan3A_252 = %scan3A) -> (i32)  : i32 {
      %jit3A = arith.constant 2 : i32
      %eq3A = arith.constant 0 : i32
      %eq3A_253 = arith.cmpi eq, %jit3A, %eq3A : i32
      %jit3A_254 = arith.constant 1 : i32
      %select_n3A = arith.select %eq3A_253, %jit3A_254, %jit3A : i32
      %rem3A = arith.remsi %scan3A_251, %select_n3A : i32
      %ne3A = arith.constant 0 : i32
      %ne3A_255 = arith.cmpi ne, %rem3A, %ne3A : i32
      %lt3A = arith.constant 0 : i32
      %lt3A_256 = arith.cmpi slt, %rem3A, %lt3A : i32
      %lt3A_257 = arith.constant 0 : i32
      %lt3A_258 = arith.cmpi slt, %select_n3A, %lt3A_257 : i32
      %ne3A_259 = arith.xori %lt3A_256, %lt3A_258 : i1
      %and3A_260 = arith.andi %ne3A_259, %ne3A_255 : i1
      %add3A_261 = arith.addi %rem3A, %select_n3A : i32
      %select_n3A_262 = arith.select %and3A_260, %add3A_261, %rem3A : i32
      %eq3A_263 = arith.constant 0 : i32
      %eq3A_264 = arith.cmpi eq, %select_n3A_262, %eq3A_263 : i32
      %convert_element_type3A = arith.extui %eq3A_264 : i1 to i32
      %cond3A = arith.constant 0 : i32
      %cond3A_265 = arith.cmpi ne, %convert_element_type3A, %cond3A : i32
      scf.if %cond3A_265 {
        %dma_wait3A_288 = arith.constant 0 : i32
        %dma_wait3A_289 = arith.constant 0 : i32
        %dma_wait3A_290 = tpu.memref_slice %arg3[%dma_wait3A_288, %dma_wait3A_289] : memref<500000x128xf32, #tpu.memory_space<hbm>> -> memref<256x128xf32, #tpu.memory_space<hbm>>
        %dma_wait3A_291 = arith.constant 0 : i32
        %dma_wait3A_292 = arith.constant 0 : i32
        %dma_wait3A_293 = tpu.memref_slice %arg3[%dma_wait3A_291, %dma_wait3A_292] : memref<500000x128xf32, #tpu.memory_space<hbm>> -> memref<256x128xf32, #tpu.memory_space<hbm>>
        tpu.wait_dma2 semaphore(%arg22 : memref<!tpu.dma_semaphore, #tpu.memory_space<semaphore_mem>>) src(%dma_wait3A_293 : memref<256x128xf32, #tpu.memory_space<hbm>>) dst(%arg8 : memref<256x128xf32, #tpu.memory_space<vmem>>)
        %ge3A = arith.constant 2 : i32
        %ge3A_294 = arith.cmpi sge, %scan3A_251, %ge3A : i32
        %convert_element_type3A_295 = arith.extui %ge3A_294 : i1 to i32
        %cond3A_296 = arith.constant 0 : i32
        %cond3A_297 = arith.cmpi ne, %convert_element_type3A_295, %cond3A_296 : i32
        scf.if %cond3A_297 {
          %dma_wait3A_319 = arith.constant 0 : i32
          %dma_wait3A_320 = arith.constant 0 : i32
          %dma_wait3A_321 = arith.constant 0 : i32
          %dma_wait3A_322 = arith.constant 0 : i32
          %dma_wait3A_323 = tpu.memref_slice %arg7[%dma_wait3A_319, %dma_wait3A_320, %add3A, %dma_wait3A_321, %dma_wait3A_322] : memref<200x8x32x8x128xf32, #tpu.memory_space<hbm>> -> memref<2x8x1x8x128xf32, #tpu.memory_space<hbm>>
          %dma_wait3A_324 = tpu.memref_squeeze %dma_wait3A_323 : memref<2x8x1x8x128xf32, #tpu.memory_space<hbm>> -> memref<2x8x8x128xf32, #tpu.memory_space<hbm>>
          %dma_wait3A_325 = arith.constant 0 : i32
          %dma_wait3A_326 = arith.constant 0 : i32
          %dma_wait3A_327 = arith.constant 0 : i32
          %dma_wait3A_328 = arith.constant 0 : i32
          %dma_wait3A_329 = tpu.memref_slice %arg7[%dma_wait3A_325, %dma_wait3A_326, %add3A, %dma_wait3A_327, %dma_wait3A_328] : memref<200x8x32x8x128xf32, #tpu.memory_space<hbm>> -> memref<2x8x1x8x128xf32, #tpu.memory_space<hbm>>
          %dma_wait3A_330 = tpu.memref_squeeze %dma_wait3A_329 : memref<2x8x1x8x128xf32, #tpu.memory_space<hbm>> -> memref<2x8x8x128xf32, #tpu.memory_space<hbm>>
          tpu.wait_dma2 semaphore(%arg24 : memref<!tpu.dma_semaphore, #tpu.memory_space<semaphore_mem>>) src(%arg10 : memref<2x8x8x128xf32, #tpu.memory_space<vmem>>) dst(%dma_wait3A_330 : memref<2x8x8x128xf32, #tpu.memory_space<hbm>>)
        } else {
        }
        %add3A_298 = arith.constant 1 : i32
        %add3A_299 = arith.addi %scan3A_251, %add3A_298 : i32
        %lt3A_300 = arith.constant 100 : i32
        %lt3A_301 = arith.cmpi slt, %add3A_299, %lt3A_300 : i32
        %convert_element_type3A_302 = arith.extui %lt3A_301 : i1 to i32
        %cond3A_303 = arith.constant 0 : i32
        %cond3A_304 = arith.cmpi ne, %convert_element_type3A_302, %cond3A_303 : i32
        scf.if %cond3A_304 {
          %dma_wait3A_319 = arith.constant 0 : i32
          %dma_wait3A_320 = tpu.memref_slice %arg2[%add3A, %dma_wait3A_319] : memref<32x25600xi32, #tpu.memory_space<hbm>> -> memref<1x256xi32, #tpu.memory_space<hbm>>
          %dma_wait3A_321 = tpu.memref_squeeze %dma_wait3A_320 : memref<1x256xi32, #tpu.memory_space<hbm>> -> memref<256xi32, #tpu.memory_space<hbm>>
          %dma_wait3A_322 = arith.constant 0 : i32
          %dma_wait3A_323 = tpu.memref_slice %arg2[%add3A, %dma_wait3A_322] : memref<32x25600xi32, #tpu.memory_space<hbm>> -> memref<1x256xi32, #tpu.memory_space<hbm>>
          %dma_wait3A_324 = tpu.memref_squeeze %dma_wait3A_323 : memref<1x256xi32, #tpu.memory_space<hbm>> -> memref<256xi32, #tpu.memory_space<hbm>>
          tpu.wait_dma2 semaphore(%arg26 : memref<!tpu.dma_semaphore, #tpu.memory_space<semaphore_mem>>) src(%dma_wait3A_324 : memref<256xi32, #tpu.memory_space<hbm>>) dst(%arg13 : memref<256xi32, #tpu.memory_space<vmem>>)
          %add3A_325 = arith.constant 1 : i32
          %add3A_326 = arith.addi %scan3A_251, %add3A_325 : i32
          %get3A_327 = arith.constant 0 : index
          %get3A_328 = tpu.vector_load %arg13[%get3A_327] {strides = array<i32>} : memref<256xi32, #tpu.memory_space<vmem>>, vector<16xi32>,
          %shift_right_arithmetic3A_329 = arith.constant 1 : i32
          %shift_right_arithmetic3A_330 = vector.broadcast %shift_right_arithmetic3A_329 : i32 to vector<16xi32>
          %shift_right_arithmetic3A_331 = arith.shrsi %get3A_328, %shift_right_arithmetic3A_330 : vector<16xi32>
          %swap3A_332 = arith.constant 0 : index
          %swap3A_333 = tpu.vector_load %arg15[%swap3A_332] {strides = array<i32>} : memref<256xi32, #tpu.memory_space<vmem>>, vector<16xi32>,
          tpu.vector_store %arg15[%swap3A_332], %shift_right_arithmetic3A_331 {strides = array<i32>} : memref<256xi32, #tpu.memory_space<vmem>>, vector<16xi32>,
          %and3A_334 = arith.constant 1 : i32
          %and3A_335 = vector.broadcast %and3A_334 : i32 to vector<16xi32>
          %and3A_336 = arith.andi %get3A_328, %and3A_335 : vector<16xi32>
          %swap3A_337 = arith.constant 0 : index
          %swap3A_338 = tpu.vector_load %arg17[%swap3A_337] {strides = array<i32>} : memref<256xi32, #tpu.memory_space<vmem>>, vector<16xi32>,
          tpu.vector_store %arg17[%swap3A_337], %and3A_336 {strides = array<i32>} : memref<256xi32, #tpu.memory_space<vmem>>, vector<16xi32>,
          %get3A_339 = arith.constant 16 : index
          %get3A_340 = tpu.vector_load %arg13[%get3A_339] {strides = array<i32>} : memref<256xi32, #tpu.memory_space<vmem>>, vector<16xi32>,
          %shift_right_arithmetic3A_341 = arith.constant 1 : i32
          %shift_right_arithmetic3A_342 = vector.broadcast %shift_right_arithmetic3A_341 : i32 to vector<16xi32>
          %shift_right_arithmetic3A_343 = arith.shrsi %get3A_340, %shift_right_arithmetic3A_342 : vector<16xi32>
          %swap3A_344 = arith.constant 16 : index
          %swap3A_345 = tpu.vector_load %arg15[%swap3A_344] {strides = array<i32>} : memref<256xi32, #tpu.memory_space<vmem>>, vector<16xi32>,
          tpu.vector_store %arg15[%swap3A_344], %shift_right_arithmetic3A_343 {strides = array<i32>} : memref<256xi32, #tpu.memory_space<vmem>>, vector<16xi32>,
          %and3A_346 = arith.constant 1 : i32
          %and3A_347 = vector.broadcast %and3A_346 : i32 to vector<16xi32>
          %and3A_348 = arith.andi %get3A_340, %and3A_347 : vector<16xi32>
          %swap3A_349 = arith.constant 16 : index
          %swap3A_350 = tpu.vector_load %arg17[%swap3A_349] {strides = array<i32>} : memref<256xi32, #tpu.memory_space<vmem>>, vector<16xi32>,
          tpu.vector_store %arg17[%swap3A_349], %and3A_348 {strides = array<i32>} : memref<256xi32, #tpu.memory_space<vmem>>, vector<16xi32>,
          %get3A_351 = arith.constant 32 : index
          %get3A_352 = tpu.vector_load %arg13[%get3A_351] {strides = array<i32>} : memref<256xi32, #tpu.memory_space<vmem>>, vector<16xi32>,
          %shift_right_arithmetic3A_353 = arith.constant 1 : i32
          %shift_right_arithmetic3A_354 = vector.broadcast %shift_right_arithmetic3A_353 : i32 to vector<16xi32>
          %shift_right_arithmetic3A_355 = arith.shrsi %get3A_352, %shift_right_arithmetic3A_354 : vector<16xi32>
          %swap3A_356 = arith.constant 32 : index
          %swap3A_357 = tpu.vector_load %arg15[%swap3A_356] {strides = array<i32>} : memref<256xi32, #tpu.memory_space<vmem>>, vector<16xi32>,
          tpu.vector_store %arg15[%swap3A_356], %shift_right_arithmetic3A_355 {strides = array<i32>} : memref<256xi32, #tpu.memory_space<vmem>>, vector<16xi32>,
          %and3A_358 = arith.constant 1 : i32
          %and3A_359 = vector.broadcast %and3A_358 : i32 to vector<16xi32>
          %and3A_360 = arith.andi %get3A_352, %and3A_359 : vector<16xi32>
          %swap3A_361 = arith.constant 32 : index
          %swap3A_362 = tpu.vector_load %arg17[%swap3A_361] {strides = array<i32>} : memref<256xi32, #tpu.memory_space<vmem>>, vector<16xi32>,
          tpu.vector_store %arg17[%swap3A_361], %and3A_360 {strides = array<i32>} : memref<256xi32, #tpu.memory_space<vmem>>, vector<16xi32>,
          %get3A_363 = arith.constant 48 : index
          %get3A_364 = tpu.vector_load %arg13[%get3A_363] {strides = array<i32>} : memref<256xi32, #tpu.memory_space<vmem>>, vector<16xi32>,
          %shift_right_arithmetic3A_365 = arith.constant 1 : i32
          %shift_right_arithmetic3A_366 = vector.broadcast %shift_right_arithmetic3A_365 : i32 to vector<16xi32>
          %shift_right_arithmetic3A_367 = arith.shrsi %get3A_364, %shift_right_arithmetic3A_366 : vector<16xi32>
          %swap3A_368 = arith.constant 48 : index
          %swap3A_369 = tpu.vector_load %arg15[%swap3A_368] {strides = array<i32>} : memref<256xi32, #tpu.memory_space<vmem>>, vector<16xi32>,
          tpu.vector_store %arg15[%swap3A_368], %shift_right_arithmetic3A_367 {strides = array<i32>} : memref<256xi32, #tpu.memory_space<vmem>>, vector<16xi32>,
          %and3A_370 = arith.constant 1 : i32
          %and3A_371 = vector.broadcast %and3A_370 : i32 to vector<16xi32>
          %and3A_372 = arith.andi %get3A_364, %and3A_371 : vector<16xi32>
          %swap3A_373 = arith.constant 48 : index
          %swap3A_374 = tpu.vector_load %arg17[%swap3A_373] {strides = array<i32>} : memref<256xi32, #tpu.memory_space<vmem>>, vector<16xi32>,
          tpu.vector_store %arg17[%swap3A_373], %and3A_372 {strides = array<i32>} : memref<256xi32, #tpu.memory_space<vmem>>, vector<16xi32>,
          %get3A_375 = arith.constant 64 : index
          %get3A_376 = tpu.vector_load %arg13[%get3A_375] {strides = array<i32>} : memref<256xi32, #tpu.memory_space<vmem>>, vector<16xi32>,
          %shift_right_arithmetic3A_377 = arith.constant 1 : i32
          %shift_right_arithmetic3A_378 = vector.broadcast %shift_right_arithmetic3A_377 : i32 to vector<16xi32>
          %shift_right_arithmetic3A_379 = arith.shrsi %get3A_376, %shift_right_arithmetic3A_378 : vector<16xi32>
          %swap3A_380 = arith.constant 64 : index
          %swap3A_381 = tpu.vector_load %arg15[%swap3A_380] {strides = array<i32>} : memref<256xi32, #tpu.memory_space<vmem>>, vector<16xi32>,
          tpu.vector_store %arg15[%swap3A_380], %shift_right_arithmetic3A_379 {strides = array<i32>} : memref<256xi32, #tpu.memory_space<vmem>>, vector<16xi32>,
          %and3A_382 = arith.constant 1 : i32
          %and3A_383 = vector.broadcast %and3A_382 : i32 to vector<16xi32>
          %and3A_384 = arith.andi %get3A_376, %and3A_383 : vector<16xi32>
          %swap3A_385 = arith.constant 64 : index
          %swap3A_386 = tpu.vector_load %arg17[%swap3A_385] {strides = array<i32>} : memref<256xi32, #tpu.memory_space<vmem>>, vector<16xi32>,
          tpu.vector_store %arg17[%swap3A_385], %and3A_384 {strides = array<i32>} : memref<256xi32, #tpu.memory_space<vmem>>, vector<16xi32>,
          %get3A_387 = arith.constant 80 : index
          %get3A_388 = tpu.vector_load %arg13[%get3A_387] {strides = array<i32>} : memref<256xi32, #tpu.memory_space<vmem>>, vector<16xi32>,
          %shift_right_arithmetic3A_389 = arith.constant 1 : i32
          %shift_right_arithmetic3A_390 = vector.broadcast %shift_right_arithmetic3A_389 : i32 to vector<16xi32>
          %shift_right_arithmetic3A_391 = arith.shrsi %get3A_388, %shift_right_arithmetic3A_390 : vector<16xi32>
          %swap3A_392 = arith.constant 80 : index
          %swap3A_393 = tpu.vector_load %arg15[%swap3A_392] {strides = array<i32>} : memref<256xi32, #tpu.memory_space<vmem>>, vector<16xi32>,
          tpu.vector_store %arg15[%swap3A_392], %shift_right_arithmetic3A_391 {strides = array<i32>} : memref<256xi32, #tpu.memory_space<vmem>>, vector<16xi32>,
          %and3A_394 = arith.constant 1 : i32
          %and3A_395 = vector.broadcast %and3A_394 : i32 to vector<16xi32>
          %and3A_396 = arith.andi %get3A_388, %and3A_395 : vector<16xi32>
          %swap3A_397 = arith.constant 80 : index
          %swap3A_398 = tpu.vector_load %arg17[%swap3A_397] {strides = array<i32>} : memref<256xi32, #tpu.memory_space<vmem>>, vector<16xi32>,
          tpu.vector_store %arg17[%swap3A_397], %and3A_396 {strides = array<i32>} : memref<256xi32, #tpu.memory_space<vmem>>, vector<16xi32>,
          %get3A_399 = arith.constant 96 : index
          %get3A_400 = tpu.vector_load %arg13[%get3A_399] {strides = array<i32>} : memref<256xi32, #tpu.memory_space<vmem>>, vector<16xi32>,
          %shift_right_arithmetic3A_401 = arith.constant 1 : i32
          %shift_right_arithmetic3A_402 = vector.broadcast %shift_right_arithmetic3A_401 : i32 to vector<16xi32>
          %shift_right_arithmetic3A_403 = arith.shrsi %get3A_400, %shift_right_arithmetic3A_402 : vector<16xi32>
          %swap3A_404 = arith.constant 96 : index
          %swap3A_405 = tpu.vector_load %arg15[%swap3A_404] {strides = array<i32>} : memref<256xi32, #tpu.memory_space<vmem>>, vector<16xi32>,
          tpu.vector_store %arg15[%swap3A_404], %shift_right_arithmetic3A_403 {strides = array<i32>} : memref<256xi32, #tpu.memory_space<vmem>>, vector<16xi32>,
          %and3A_406 = arith.constant 1 : i32
          %and3A_407 = vector.broadcast %and3A_406 : i32 to vector<16xi32>
          %and3A_408 = arith.andi %get3A_400, %and3A_407 : vector<16xi32>
          %swap3A_409 = arith.constant 96 : index
          %swap3A_410 = tpu.vector_load %arg17[%swap3A_409] {strides = array<i32>} : memref<256xi32, #tpu.memory_space<vmem>>, vector<16xi32>,
          tpu.vector_store %arg17[%swap3A_409], %and3A_408 {strides = array<i32>} : memref<256xi32, #tpu.memory_space<vmem>>, vector<16xi32>,
          %get3A_411 = arith.constant 112 : index
          %get3A_412 = tpu.vector_load %arg13[%get3A_411] {strides = array<i32>} : memref<256xi32, #tpu.memory_space<vmem>>, vector<16xi32>,
          %shift_right_arithmetic3A_413 = arith.constant 1 : i32
          %shift_right_arithmetic3A_414 = vector.broadcast %shift_right_arithmetic3A_413 : i32 to vector<16xi32>
          %shift_right_arithmetic3A_415 = arith.shrsi %get3A_412, %shift_right_arithmetic3A_414 : vector<16xi32>
          %swap3A_416 = arith.constant 112 : index
          %swap3A_417 = tpu.vector_load %arg15[%swap3A_416] {strides = array<i32>} : memref<256xi32, #tpu.memory_space<vmem>>, vector<16xi32>,
          tpu.vector_store %arg15[%swap3A_416], %shift_right_arithmetic3A_415 {strides = array<i32>} : memref<256xi32, #tpu.memory_space<vmem>>, vector<16xi32>,
          %and3A_418 = arith.constant 1 : i32
          %and3A_419 = vector.broadcast %and3A_418 : i32 to vector<16xi32>
          %and3A_420 = arith.andi %get3A_412, %and3A_419 : vector<16xi32>
          %swap3A_421 = arith.constant 112 : index
          %swap3A_422 = tpu.vector_load %arg17[%swap3A_421] {strides = array<i32>} : memref<256xi32, #tpu.memory_space<vmem>>, vector<16xi32>,
          tpu.vector_store %arg17[%swap3A_421], %and3A_420 {strides = array<i32>} : memref<256xi32, #tpu.memory_space<vmem>>, vector<16xi32>,
          %get3A_423 = arith.constant 128 : index
          %get3A_424 = tpu.vector_load %arg13[%get3A_423] {strides = array<i32>} : memref<256xi32, #tpu.memory_space<vmem>>, vector<16xi32>,
          %shift_right_arithmetic3A_425 = arith.constant 1 : i32
          %shift_right_arithmetic3A_426 = vector.broadcast %shift_right_arithmetic3A_425 : i32 to vector<16xi32>
          %shift_right_arithmetic3A_427 = arith.shrsi %get3A_424, %shift_right_arithmetic3A_426 : vector<16xi32>
          %swap3A_428 = arith.constant 128 : index
          %swap3A_429 = tpu.vector_load %arg15[%swap3A_428] {strides = array<i32>} : memref<256xi32, #tpu.memory_space<vmem>>, vector<16xi32>,
          tpu.vector_store %arg15[%swap3A_428], %shift_right_arithmetic3A_427 {strides = array<i32>} : memref<256xi32, #tpu.memory_space<vmem>>, vector<16xi32>,
          %and3A_430 = arith.constant 1 : i32
          %and3A_431 = vector.broadcast %and3A_430 : i32 to vector<16xi32>
          %and3A_432 = arith.andi %get3A_424, %and3A_431 : vector<16xi32>
          %swap3A_433 = arith.constant 128 : index
          %swap3A_434 = tpu.vector_load %arg17[%swap3A_433] {strides = array<i32>} : memref<256xi32, #tpu.memory_space<vmem>>, vector<16xi32>,
          tpu.vector_store %arg17[%swap3A_433], %and3A_432 {strides = array<i32>} : memref<256xi32, #tpu.memory_space<vmem>>, vector<16xi32>,
          %get3A_435 = arith.constant 144 : index
          %get3A_436 = tpu.vector_load %arg13[%get3A_435] {strides = array<i32>} : memref<256xi32, #tpu.memory_space<vmem>>, vector<16xi32>,
          %shift_right_arithmetic3A_437 = arith.constant 1 : i32
          %shift_right_arithmetic3A_438 = vector.broadcast %shift_right_arithmetic3A_437 : i32 to vector<16xi32>
          %shift_right_arithmetic3A_439 = arith.shrsi %get3A_436, %shift_right_arithmetic3A_438 : vector<16xi32>
          %swap3A_440 = arith.constant 144 : index
          %swap3A_441 = tpu.vector_load %arg15[%swap3A_440] {strides = array<i32>} : memref<256xi32, #tpu.memory_space<vmem>>, vector<16xi32>,
          tpu.vector_store %arg15[%swap3A_440], %shift_right_arithmetic3A_439 {strides = array<i32>} : memref<256xi32, #tpu.memory_space<vmem>>, vector<16xi32>,
          %and3A_442 = arith.constant 1 : i32
          %and3A_443 = vector.broadcast %and3A_442 : i32 to vector<16xi32>
          %and3A_444 = arith.andi %get3A_436, %and3A_443 : vector<16xi32>
          %swap3A_445 = arith.constant 144 : index
          %swap3A_446 = tpu.vector_load %arg17[%swap3A_445] {strides = array<i32>} : memref<256xi32, #tpu.memory_space<vmem>>, vector<16xi32>,
          tpu.vector_store %arg17[%swap3A_445], %and3A_444 {strides = array<i32>} : memref<256xi32, #tpu.memory_space<vmem>>, vector<16xi32>,
          %get3A_447 = arith.constant 160 : index
          %get3A_448 = tpu.vector_load %arg13[%get3A_447] {strides = array<i32>} : memref<256xi32, #tpu.memory_space<vmem>>, vector<16xi32>,
          %shift_right_arithmetic3A_449 = arith.constant 1 : i32
          %shift_right_arithmetic3A_450 = vector.broadcast %shift_right_arithmetic3A_449 : i32 to vector<16xi32>
          %shift_right_arithmetic3A_451 = arith.shrsi %get3A_448, %shift_right_arithmetic3A_450 : vector<16xi32>
          %swap3A_452 = arith.constant 160 : index
          %swap3A_453 = tpu.vector_load %arg15[%swap3A_452] {strides = array<i32>} : memref<256xi32, #tpu.memory_space<vmem>>, vector<16xi32>,
          tpu.vector_store %arg15[%swap3A_452], %shift_right_arithmetic3A_451 {strides = array<i32>} : memref<256xi32, #tpu.memory_space<vmem>>, vector<16xi32>,
          %and3A_454 = arith.constant 1 : i32
          %and3A_455 = vector.broadcast %and3A_454 : i32 to vector<16xi32>
          %and3A_456 = arith.andi %get3A_448, %and3A_455 : vector<16xi32>
          %swap3A_457 = arith.constant 160 : index
          %swap3A_458 = tpu.vector_load %arg17[%swap3A_457] {strides = array<i32>} : memref<256xi32, #tpu.memory_space<vmem>>, vector<16xi32>,
          tpu.vector_store %arg17[%swap3A_457], %and3A_456 {strides = array<i32>} : memref<256xi32, #tpu.memory_space<vmem>>, vector<16xi32>,
          %get3A_459 = arith.constant 176 : index
          %get3A_460 = tpu.vector_load %arg13[%get3A_459] {strides = array<i32>} : memref<256xi32, #tpu.memory_space<vmem>>, vector<16xi32>,
          %shift_right_arithmetic3A_461 = arith.constant 1 : i32
          %shift_right_arithmetic3A_462 = vector.broadcast %shift_right_arithmetic3A_461 : i32 to vector<16xi32>
          %shift_right_arithmetic3A_463 = arith.shrsi %get3A_460, %shift_right_arithmetic3A_462 : vector<16xi32>
          %swap3A_464 = arith.constant 176 : index
          %swap3A_465 = tpu.vector_load %arg15[%swap3A_464] {strides = array<i32>} : memref<256xi32, #tpu.memory_space<vmem>>, vector<16xi32>,
          tpu.vector_store %arg15[%swap3A_464], %shift_right_arithmetic3A_463 {strides = array<i32>} : memref<256xi32, #tpu.memory_space<vmem>>, vector<16xi32>,
          %and3A_466 = arith.constant 1 : i32
          %and3A_467 = vector.broadcast %and3A_466 : i32 to vector<16xi32>
          %and3A_468 = arith.andi %get3A_460, %and3A_467 : vector<16xi32>
          %swap3A_469 = arith.constant 176 : index
          %swap3A_470 = tpu.vector_load %arg17[%swap3A_469] {strides = array<i32>} : memref<256xi32, #tpu.memory_space<vmem>>, vector<16xi32>,
          tpu.vector_store %arg17[%swap3A_469], %and3A_468 {strides = array<i32>} : memref<256xi32, #tpu.memory_space<vmem>>, vector<16xi32>,
          %get3A_471 = arith.constant 192 : index
          %get3A_472 = tpu.vector_load %arg13[%get3A_471] {strides = array<i32>} : memref<256xi32, #tpu.memory_space<vmem>>, vector<16xi32>,
          %shift_right_arithmetic3A_473 = arith.constant 1 : i32
          %shift_right_arithmetic3A_474 = vector.broadcast %shift_right_arithmetic3A_473 : i32 to vector<16xi32>
          %shift_right_arithmetic3A_475 = arith.shrsi %get3A_472, %shift_right_arithmetic3A_474 : vector<16xi32>
          %swap3A_476 = arith.constant 192 : index
          %swap3A_477 = tpu.vector_load %arg15[%swap3A_476] {strides = array<i32>} : memref<256xi32, #tpu.memory_space<vmem>>, vector<16xi32>,
          tpu.vector_store %arg15[%swap3A_476], %shift_right_arithmetic3A_475 {strides = array<i32>} : memref<256xi32, #tpu.memory_space<vmem>>, vector<16xi32>,
          %and3A_478 = arith.constant 1 : i32
          %and3A_479 = vector.broadcast %and3A_478 : i32 to vector<16xi32>
          %and3A_480 = arith.andi %get3A_472, %and3A_479 : vector<16xi32>
          %swap3A_481 = arith.constant 192 : index
          %swap3A_482 = tpu.vector_load %arg17[%swap3A_481] {strides = array<i32>} : memref<256xi32, #tpu.memory_space<vmem>>, vector<16xi32>,
          tpu.vector_store %arg17[%swap3A_481], %and3A_480 {strides = array<i32>} : memref<256xi32, #tpu.memory_space<vmem>>, vector<16xi32>,
          %get3A_483 = arith.constant 208 : index
          %get3A_484 = tpu.vector_load %arg13[%get3A_483] {strides = array<i32>} : memref<256xi32, #tpu.memory_space<vmem>>, vector<16xi32>,
          %shift_right_arithmetic3A_485 = arith.constant 1 : i32
          %shift_right_arithmetic3A_486 = vector.broadcast %shift_right_arithmetic3A_485 : i32 to vector<16xi32>
          %shift_right_arithmetic3A_487 = arith.shrsi %get3A_484, %shift_right_arithmetic3A_486 : vector<16xi32>
          %swap3A_488 = arith.constant 208 : index
          %swap3A_489 = tpu.vector_load %arg15[%swap3A_488] {strides = array<i32>} : memref<256xi32, #tpu.memory_space<vmem>>, vector<16xi32>,
          tpu.vector_store %arg15[%swap3A_488], %shift_right_arithmetic3A_487 {strides = array<i32>} : memref<256xi32, #tpu.memory_space<vmem>>, vector<16xi32>,
          %and3A_490 = arith.constant 1 : i32
          %and3A_491 = vector.broadcast %and3A_490 : i32 to vector<16xi32>
          %and3A_492 = arith.andi %get3A_484, %and3A_491 : vector<16xi32>
          %swap3A_493 = arith.constant 208 : index
          %swap3A_494 = tpu.vector_load %arg17[%swap3A_493] {strides = array<i32>} : memref<256xi32, #tpu.memory_space<vmem>>, vector<16xi32>,
          tpu.vector_store %arg17[%swap3A_493], %and3A_492 {strides = array<i32>} : memref<256xi32, #tpu.memory_space<vmem>>, vector<16xi32>,
          %get3A_495 = arith.constant 224 : index
          %get3A_496 = tpu.vector_load %arg13[%get3A_495] {strides = array<i32>} : memref<256xi32, #tpu.memory_space<vmem>>, vector<16xi32>,
          %shift_right_arithmetic3A_497 = arith.constant 1 : i32
          %shift_right_arithmetic3A_498 = vector.broadcast %shift_right_arithmetic3A_497 : i32 to vector<16xi32>
          %shift_right_arithmetic3A_499 = arith.shrsi %get3A_496, %shift_right_arithmetic3A_498 : vector<16xi32>
          %swap3A_500 = arith.constant 224 : index
          %swap3A_501 = tpu.vector_load %arg15[%swap3A_500] {strides = array<i32>} : memref<256xi32, #tpu.memory_space<vmem>>, vector<16xi32>,
          tpu.vector_store %arg15[%swap3A_500], %shift_right_arithmetic3A_499 {strides = array<i32>} : memref<256xi32, #tpu.memory_space<vmem>>, vector<16xi32>,
          %and3A_502 = arith.constant 1 : i32
          %and3A_503 = vector.broadcast %and3A_502 : i32 to vector<16xi32>
          %and3A_504 = arith.andi %get3A_496, %and3A_503 : vector<16xi32>
          %swap3A_505 = arith.constant 224 : index
          %swap3A_506 = tpu.vector_load %arg17[%swap3A_505] {strides = array<i32>} : memref<256xi32, #tpu.memory_space<vmem>>, vector<16xi32>,
          tpu.vector_store %arg17[%swap3A_505], %and3A_504 {strides = array<i32>} : memref<256xi32, #tpu.memory_space<vmem>>, vector<16xi32>,
          %get3A_507 = arith.constant 240 : index
          %get3A_508 = tpu.vector_load %arg13[%get3A_507] {strides = array<i32>} : memref<256xi32, #tpu.memory_space<vmem>>, vector<16xi32>,
          %shift_right_arithmetic3A_509 = arith.constant 1 : i32
          %shift_right_arithmetic3A_510 = vector.broadcast %shift_right_arithmetic3A_509 : i32 to vector<16xi32>
          %shift_right_arithmetic3A_511 = arith.shrsi %get3A_508, %shift_right_arithmetic3A_510 : vector<16xi32>
          %swap3A_512 = arith.constant 240 : index
          %swap3A_513 = tpu.vector_load %arg15[%swap3A_512] {strides = array<i32>} : memref<256xi32, #tpu.memory_space<vmem>>, vector<16xi32>,
          tpu.vector_store %arg15[%swap3A_512], %shift_right_arithmetic3A_511 {strides = array<i32>} : memref<256xi32, #tpu.memory_space<vmem>>, vector<16xi32>,
          %and3A_514 = arith.constant 1 : i32
          %and3A_515 = vector.broadcast %and3A_514 : i32 to vector<16xi32>
          %and3A_516 = arith.andi %get3A_508, %and3A_515 : vector<16xi32>
          %swap3A_517 = arith.constant 240 : index
          %swap3A_518 = tpu.vector_load %arg17[%swap3A_517] {strides = array<i32>} : memref<256xi32, #tpu.memory_space<vmem>>, vector<16xi32>,
          tpu.vector_store %arg17[%swap3A_517], %and3A_516 {strides = array<i32>} : memref<256xi32, #tpu.memory_space<vmem>>, vector<16xi32>,
          %dma_start3A_519 = arith.constant 0 : i32
          %dma_start3A_520 = arith.constant 0 : i32
          %dma_start3A_521 = tpu.memref_slice %arg9[%dma_start3A_519, %dma_start3A_520] : memref<256x128xf32, #tpu.memory_space<vmem>> -> memref<128x128xf32, #tpu.memory_space<vmem>>
          %dma_start3A_522 = arith.constant 0 : i32
          %dma_start3A_523 = tpu.memref_slice %arg15[%dma_start3A_522] : memref<256xi32, #tpu.memory_space<vmem>> -> memref<128xi32, #tpu.memory_space<vmem>>
          %dma_start3A_524 = arith.constant 0 : i32
          %dma_start3A_525 = arith.constant 0 : i32
          %dma_start3A_526 = tpu.memref_slice %arg3[%dma_start3A_524, %dma_start3A_525] : memref<500000x128xf32, #tpu.memory_space<hbm>> -> memref<500000x128xf32, #tpu.memory_space<hbm>>
          tpu.enqueue_indirect_dma source(%dma_start3A_526 : memref<500000x128xf32, #tpu.memory_space<hbm>>) target(%dma_start3A_521 : memref<128x128xf32, #tpu.memory_space<vmem>>) offsets(%dma_start3A_523 : memref<128xi32, #tpu.memory_space<vmem>>) semaphore(%arg23 : memref<!tpu.dma_semaphore, #tpu.memory_space<semaphore_mem>>)
          %dma_start3A_527 = arith.constant 128 : i32
          %dma_start3A_528 = arith.constant 0 : i32
          %dma_start3A_529 = tpu.memref_slice %arg9[%dma_start3A_527, %dma_start3A_528] : memref<256x128xf32, #tpu.memory_space<vmem>> -> memref<128x128xf32, #tpu.memory_space<vmem>>
          %dma_start3A_530 = arith.constant 128 : i32
          %dma_start3A_531 = tpu.memref_slice %arg15[%dma_start3A_530] : memref<256xi32, #tpu.memory_space<vmem>> -> memref<128xi32, #tpu.memory_space<vmem>>
          %dma_start3A_532 = arith.constant 0 : i32
          %dma_start3A_533 = arith.constant 0 : i32
          %dma_start3A_534 = tpu.memref_slice %arg3[%dma_start3A_532, %dma_start3A_533] : memref<500000x128xf32, #tpu.memory_space<hbm>> -> memref<500000x128xf32, #tpu.memory_space<hbm>>
          tpu.enqueue_indirect_dma source(%dma_start3A_534 : memref<500000x128xf32, #tpu.memory_space<hbm>>) target(%dma_start3A_529 : memref<128x128xf32, #tpu.memory_space<vmem>>) offsets(%dma_start3A_531 : memref<128xi32, #tpu.memory_space<vmem>>) semaphore(%arg23 : memref<!tpu.dma_semaphore, #tpu.memory_space<semaphore_mem>>)
          %add3A_535 = arith.constant 2 : i32
          %add3A_536 = arith.addi %scan3A_251, %add3A_535 : i32
          %lt3A_537 = arith.constant 100 : i32
          %lt3A_538 = arith.cmpi slt, %add3A_536, %lt3A_537 : i32
          %convert_element_type3A_539 = arith.extui %lt3A_538 : i1 to i32
          %cond3A_540 = arith.constant 0 : i32
          %cond3A_541 = arith.cmpi ne, %convert_element_type3A_539, %cond3A_540 : i32
          scf.if %cond3A_541 {
            %add3A_542 = arith.constant 2 : i32
            %add3A_543 = arith.addi %scan3A_251, %add3A_542 : i32
            %mul3A_544 = arith.constant 256 : i32
            %mul3A_545 = arith.muli %add3A_543, %mul3A_544 : i32
            %dma_start3A_546 = tpu.memref_slice %arg2[%add3A, %mul3A_545] : memref<32x25600xi32, #tpu.memory_space<hbm>> -> memref<1x256xi32, #tpu.memory_space<hbm>>
            %dma_start3A_547 = tpu.memref_squeeze %dma_start3A_546 : memref<1x256xi32, #tpu.memory_space<hbm>> -> memref<256xi32, #tpu.memory_space<hbm>>
            %dma_start3A_548 = tpu.memref_slice %arg2[%add3A, %mul3A_545] : memref<32x25600xi32, #tpu.memory_space<hbm>> -> memref<1x256xi32, #tpu.memory_space<hbm>>
            %dma_start3A_549 = tpu.memref_squeeze %dma_start3A_548 : memref<1x256xi32, #tpu.memory_space<hbm>> -> memref<256xi32, #tpu.memory_space<hbm>>
            tpu.enqueue_dma source(%dma_start3A_549 : memref<256xi32, #tpu.memory_space<hbm>>) target(%arg12 : memref<256xi32, #tpu.memory_space<vmem>>) target_semaphore(%arg26 : memref<!tpu.dma_semaphore, #tpu.memory_space<semaphore_mem>>)
          } else {
          }
        } else {
        }
        %parallel_loop3A = arith.constant 0 : i32
        %parallel_loop3A_305 = arith.constant 16 : i32
        %parallel_loop3A_306 = arith.constant 1 : i32
        scf.for %parallel_loop3A_319 = %parallel_loop3A to %parallel_loop3A_305 step %parallel_loop3A_306  : i32 {
          %parallel_loop3A_320 = arith.constant 8 : i32
          %parallel_loop3A_321 = arith.divsi %parallel_loop3A_319, %parallel_loop3A_320 : i32
          %parallel_loop3A_322 = arith.constant 0 : i32
          %parallel_loop3A_323 = arith.cmpi sgt, %parallel_loop3A_319, %parallel_loop3A_322 : i32
          %parallel_loop3A_324 = arith.extui %parallel_loop3A_323 : i1 to i32
          %parallel_loop3A_325 = arith.constant 0 : i32
          %parallel_loop3A_326 = arith.cmpi slt, %parallel_loop3A_319, %parallel_loop3A_325 : i32
          %parallel_loop3A_327 = arith.extui %parallel_loop3A_326 : i1 to i32
          %parallel_loop3A_328 = arith.subi %parallel_loop3A_324, %parallel_loop3A_327 : i32
          %parallel_loop3A_329 = arith.constant 0 : i32
          %parallel_loop3A_330 = arith.cmpi sgt, %parallel_loop3A_320, %parallel_loop3A_329 : i32
          %parallel_loop3A_331 = arith.extui %parallel_loop3A_330 : i1 to i32
          %parallel_loop3A_332 = arith.constant 0 : i32
          %parallel_loop3A_333 = arith.cmpi slt, %parallel_loop3A_320, %parallel_loop3A_332 : i32
          %parallel_loop3A_334 = arith.extui %parallel_loop3A_333 : i1 to i32
          %parallel_loop3A_335 = arith.subi %parallel_loop3A_331, %parallel_loop3A_334 : i32
          %parallel_loop3A_336 = arith.cmpi ne, %parallel_loop3A_328, %parallel_loop3A_335 : i32
          %parallel_loop3A_337 = arith.remsi %parallel_loop3A_319, %parallel_loop3A_320 : i32
          %parallel_loop3A_338 = arith.constant 0 : i32
          %parallel_loop3A_339 = arith.cmpi ne, %parallel_loop3A_337, %parallel_loop3A_338 : i32
          %parallel_loop3A_340 = arith.andi %parallel_loop3A_336, %parallel_loop3A_339 : i1
          %parallel_loop3A_341 = arith.constant 1 : i32
          %parallel_loop3A_342 = arith.subi %parallel_loop3A_321, %parallel_loop3A_341 : i32
          %parallel_loop3A_343 = arith.select %parallel_loop3A_340, %parallel_loop3A_342, %parallel_loop3A_321 : i32
          %parallel_loop3A_344 = arith.constant 8 : i32
          %parallel_loop3A_345 = arith.constant 0 : i32
          %parallel_loop3A_346 = arith.cmpi eq, %parallel_loop3A_344, %parallel_loop3A_345 : i32
          %parallel_loop3A_347 = arith.constant 1 : i32
          %parallel_loop3A_348 = arith.select %parallel_loop3A_346, %parallel_loop3A_347, %parallel_loop3A_344 : i32
          %parallel_loop3A_349 = arith.remsi %parallel_loop3A_319, %parallel_loop3A_348 : i32
          %parallel_loop3A_350 = arith.constant 0 : i32
          %parallel_loop3A_351 = arith.cmpi ne, %parallel_loop3A_349, %parallel_loop3A_350 : i32
          %parallel_loop3A_352 = arith.constant 0 : i32
          %parallel_loop3A_353 = arith.cmpi slt, %parallel_loop3A_349, %parallel_loop3A_352 : i32
          %parallel_loop3A_354 = arith.constant 0 : i32
          %parallel_loop3A_355 = arith.cmpi slt, %parallel_loop3A_348, %parallel_loop3A_354 : i32
          %parallel_loop3A_356 = arith.xori %parallel_loop3A_353, %parallel_loop3A_355 : i1
          %parallel_loop3A_357 = arith.andi %parallel_loop3A_356, %parallel_loop3A_351 : i1
          %parallel_loop3A_358 = arith.addi %parallel_loop3A_349, %parallel_loop3A_348 : i32
          %parallel_loop3A_359 = arith.select %parallel_loop3A_357, %parallel_loop3A_358, %parallel_loop3A_349 : i32
          %parallel_loop3A_360 = arith.constant 16 : i32
          %parallel_loop3A_361 = arith.muli %parallel_loop3A_359, %parallel_loop3A_360 : i32
          %parallel_loop3A_362 = arith.constant 128 : i32
          %parallel_loop3A_363 = arith.muli %parallel_loop3A_343, %parallel_loop3A_362 : i32
          %parallel_loop3A_364 = arith.addi %parallel_loop3A_363, %parallel_loop3A_361 : i32
          %parallel_loop3A_365 = vector.broadcast %parallel_loop3A_364 : i32 to vector<16xi32>
          %parallel_loop3A_366 = arith.addi %parallel_loop3A_365, %iota3A : vector<16xi32>
          %parallel_loop3A_367 = arith.constant 2 : i32
          %parallel_loop3A_368 = arith.muli %scan3A_251, %parallel_loop3A_367 : i32
          %parallel_loop3A_369 = arith.addi %parallel_loop3A_368, %parallel_loop3A_343 : i32
          %parallel_loop3A_370 = arith.constant 64 : i32
          %parallel_loop3A_371 = arith.muli %parallel_loop3A_369, %parallel_loop3A_370 : i32
          %parallel_loop3A_372 = tpu.vector_load_idx %arg16[%parallel_loop3A_366] : memref<256xi32, #tpu.memory_space<vmem>>[vector<16xi32>], vector<16xi32>,
          %parallel_loop3A_373 = arith.constant 6 : i32
          %parallel_loop3A_374 = vector.broadcast %parallel_loop3A_373 : i32 to vector<16xi32>
          %parallel_loop3A_375 = arith.shli %parallel_loop3A_372, %parallel_loop3A_374 : vector<16xi32>
          %parallel_loop3A_376 = arith.constant 3 : i32
          %parallel_loop3A_377 = arith.andi %parallel_loop3A_319, %parallel_loop3A_376 : i32
          %parallel_loop3A_378 = arith.constant 1024 : i32
          %parallel_loop3A_379 = arith.muli %parallel_loop3A_377, %parallel_loop3A_378 : i32
          %parallel_loop3A_380 = arith.constant 0.000000e+00 : f32
          %parallel_loop3A_381 = vector.broadcast %parallel_loop3A_380 : f32 to vector<16xf32>
          %parallel_loop3A_382 = arith.constant 0 : i32
          %parallel_loop3A_383 = arith.constant 64 : i32
          %parallel_loop3A_384 = arith.constant 1 : i32
          %parallel_loop3A_385:2 = scf.for %parallel_loop3A_438 = %parallel_loop3A_382 to %parallel_loop3A_383 step %parallel_loop3A_384 iter_args(%parallel_loop3A_439 = %parallel_loop3A_381, %parallel_loop3A_440 = %parallel_loop3A_381) -> (vector<16xf32>, vector<16xf32>)  : i32 {
            %parallel_loop3A_441 = vector.broadcast %parallel_loop3A_438 : i32 to vector<16xi32>
            %parallel_loop3A_442 = arith.addi %iota3A, %parallel_loop3A_441 : vector<16xi32>
            %parallel_loop3A_443 = arith.constant 63 : i32
            %parallel_loop3A_444 = vector.broadcast %parallel_loop3A_443 : i32 to vector<16xi32>
            %parallel_loop3A_445 = arith.andi %parallel_loop3A_442, %parallel_loop3A_444 : vector<16xi32>
            %parallel_loop3A_446 = arith.addi %parallel_loop3A_375, %parallel_loop3A_445 : vector<16xi32>
            %parallel_loop3A_447 = tpu.vector_load_idx %arg8[%parallel_loop3A_366, %parallel_loop3A_446] : memref<256x128xf32, #tpu.memory_space<vmem>>[vector<16xi32>, vector<16xi32>], vector<16xf32>,
            %parallel_loop3A_448 = vector.broadcast %parallel_loop3A_371 : i32 to vector<16xi32>
            %parallel_loop3A_449 = arith.addi %parallel_loop3A_448, %parallel_loop3A_445 : vector<16xi32>
            %parallel_loop3A_450 = tpu.vector_load_idx %arg19[%parallel_loop3A_449] : memref<12800xf32, #tpu.memory_space<vmem>>[vector<16xi32>], vector<16xf32>,
            %parallel_loop3A_451 = arith.addf %parallel_loop3A_447, %parallel_loop3A_450 : vector<16xf32>
            %parallel_loop3A_452 = arith.constant 16 : i32
            %parallel_loop3A_453 = arith.muli %parallel_loop3A_438, %parallel_loop3A_452 : i32
            %parallel_loop3A_454 = arith.addi %parallel_loop3A_379, %parallel_loop3A_453 : i32
            %parallel_loop3A_455 = vector.broadcast %parallel_loop3A_454 : i32 to vector<16xi32>
            %parallel_loop3A_456 = arith.addi %parallel_loop3A_455, %iota3A : vector<16xi32>
            tpu.vector_store_idx %arg18[%parallel_loop3A_456], %parallel_loop3A_451 : memref<4096xf32, #tpu.memory_space<vmem>>[vector<16xi32>], vector<16xf32>,
            %parallel_loop3A_457 = arith.addf %parallel_loop3A_439, %parallel_loop3A_451 : vector<16xf32>
            %parallel_loop3A_458 = arith.mulf %parallel_loop3A_451, %parallel_loop3A_451 : vector<16xf32>
            %parallel_loop3A_459 = arith.addf %parallel_loop3A_440, %parallel_loop3A_458 : vector<16xf32>
            scf.yield %parallel_loop3A_457, %parallel_loop3A_459 : vector<16xf32>, vector<16xf32>
          } {sc.loop_unroll_factor = 16 : i64, sc.parallel_access}
          %parallel_loop3A_386 = arith.constant 1.562500e-02 : f32
          %parallel_loop3A_387 = vector.broadcast %parallel_loop3A_386 : f32 to vector<16xf32>
          %parallel_loop3A_388 = arith.mulf %parallel_loop3A_385#0, %parallel_loop3A_387 : vector<16xf32>
          %parallel_loop3A_389 = arith.constant 1.562500e-02 : f32
          %parallel_loop3A_390 = vector.broadcast %parallel_loop3A_389 : f32 to vector<16xf32>
          %parallel_loop3A_391 = arith.mulf %parallel_loop3A_385#1, %parallel_loop3A_390 : vector<16xf32>
          %parallel_loop3A_392 = arith.mulf %parallel_loop3A_388, %parallel_loop3A_388 : vector<16xf32>
          %parallel_loop3A_393 = arith.subf %parallel_loop3A_391, %parallel_loop3A_392 : vector<16xf32>
          %parallel_loop3A_394 = arith.constant 9.99999996E-13 : f32
          %parallel_loop3A_395 = vector.broadcast %parallel_loop3A_394 : f32 to vector<16xf32>
          %parallel_loop3A_396 = arith.addf %parallel_loop3A_393, %parallel_loop3A_395 : vector<16xf32>
          %parallel_loop3A_397 = vector.bitcast %parallel_loop3A_396 : vector<16xf32> to vector<16xi32>
          %parallel_loop3A_398 = arith.constant 1 : i32
          %parallel_loop3A_399 = vector.broadcast %parallel_loop3A_398 : i32 to vector<16xi32>
          %parallel_loop3A_400 = arith.shrsi %parallel_loop3A_397, %parallel_loop3A_399 : vector<16xi32>
          %parallel_loop3A_401 = arith.constant 1597463007 : i32
          %parallel_loop3A_402 = vector.broadcast %parallel_loop3A_401 : i32 to vector<16xi32>
          %parallel_loop3A_403 = arith.subi %parallel_loop3A_402, %parallel_loop3A_400 : vector<16xi32>
          %parallel_loop3A_404 = vector.bitcast %parallel_loop3A_403 : vector<16xi32> to vector<16xf32>
          %parallel_loop3A_405 = arith.constant 5.000000e-01 : f32
          %parallel_loop3A_406 = vector.broadcast %parallel_loop3A_405 : f32 to vector<16xf32>
          %parallel_loop3A_407 = arith.mulf %parallel_loop3A_406, %parallel_loop3A_396 : vector<16xf32>
          %parallel_loop3A_408 = arith.mulf %parallel_loop3A_407, %parallel_loop3A_404 : vector<16xf32>
          %parallel_loop3A_409 = arith.mulf %parallel_loop3A_408, %parallel_loop3A_404 : vector<16xf32>
          %parallel_loop3A_410 = arith.constant 1.500000e+00 : f32
          %parallel_loop3A_411 = vector.broadcast %parallel_loop3A_410 : f32 to vector<16xf32>
          %parallel_loop3A_412 = arith.subf %parallel_loop3A_411, %parallel_loop3A_409 : vector<16xf32>
          %parallel_loop3A_413 = arith.mulf %parallel_loop3A_404, %parallel_loop3A_412 : vector<16xf32>
          %parallel_loop3A_414 = arith.constant 5.000000e-01 : f32
          %parallel_loop3A_415 = vector.broadcast %parallel_loop3A_414 : f32 to vector<16xf32>
          %parallel_loop3A_416 = arith.mulf %parallel_loop3A_415, %parallel_loop3A_396 : vector<16xf32>
          %parallel_loop3A_417 = arith.mulf %parallel_loop3A_416, %parallel_loop3A_413 : vector<16xf32>
          %parallel_loop3A_418 = arith.mulf %parallel_loop3A_417, %parallel_loop3A_413 : vector<16xf32>
          %parallel_loop3A_419 = arith.constant 1.500000e+00 : f32
          %parallel_loop3A_420 = vector.broadcast %parallel_loop3A_419 : f32 to vector<16xf32>
          %parallel_loop3A_421 = arith.subf %parallel_loop3A_420, %parallel_loop3A_418 : vector<16xf32>
          %parallel_loop3A_422 = arith.mulf %parallel_loop3A_413, %parallel_loop3A_421 : vector<16xf32>
          %parallel_loop3A_423 = arith.constant 5.000000e-01 : f32
          %parallel_loop3A_424 = vector.broadcast %parallel_loop3A_423 : f32 to vector<16xf32>
          %parallel_loop3A_425 = arith.mulf %parallel_loop3A_424, %parallel_loop3A_396 : vector<16xf32>
          %parallel_loop3A_426 = arith.mulf %parallel_loop3A_425, %parallel_loop3A_422 : vector<16xf32>
          %parallel_loop3A_427 = arith.mulf %parallel_loop3A_426, %parallel_loop3A_422 : vector<16xf32>
          %parallel_loop3A_428 = arith.constant 1.500000e+00 : f32
          %parallel_loop3A_429 = vector.broadcast %parallel_loop3A_428 : f32 to vector<16xf32>
          %parallel_loop3A_430 = arith.subf %parallel_loop3A_429, %parallel_loop3A_427 : vector<16xf32>
          %parallel_loop3A_431 = arith.mulf %parallel_loop3A_422, %parallel_loop3A_430 : vector<16xf32>
          %parallel_loop3A_432 = vector.broadcast %parallel_loop3A_343 : i32 to vector<16xi32>
          %parallel_loop3A_433 = vector.broadcast %parallel_loop3A_361 : i32 to vector<16xi32>
          %parallel_loop3A_434 = arith.addi %parallel_loop3A_433, %iota3A : vector<16xi32>
          %parallel_loop3A_435 = arith.constant 0 : i32
          %parallel_loop3A_436 = arith.constant 64 : i32
          %parallel_loop3A_437 = arith.constant 1 : i32
          scf.for %parallel_loop3A_438 = %parallel_loop3A_435 to %parallel_loop3A_436 step %parallel_loop3A_437  : i32 {
            %parallel_loop3A_439 = vector.broadcast %parallel_loop3A_438 : i32 to vector<16xi32>
            %parallel_loop3A_440 = arith.subi %parallel_loop3A_439, %iota3A : vector<16xi32>
            %parallel_loop3A_441 = arith.constant 63 : i32
            %parallel_loop3A_442 = vector.broadcast %parallel_loop3A_441 : i32 to vector<16xi32>
            %parallel_loop3A_443 = arith.andi %parallel_loop3A_440, %parallel_loop3A_442 : vector<16xi32>
            %parallel_loop3A_444 = arith.constant 4 : i32
            %parallel_loop3A_445 = vector.broadcast %parallel_loop3A_444 : i32 to vector<16xi32>
            %parallel_loop3A_446 = arith.shli %parallel_loop3A_443, %parallel_loop3A_445 : vector<16xi32>
            %parallel_loop3A_447 = vector.broadcast %parallel_loop3A_379 : i32 to vector<16xi32>
            %parallel_loop3A_448 = arith.addi %parallel_loop3A_447, %parallel_loop3A_446 : vector<16xi32>
            %parallel_loop3A_449 = arith.addi %parallel_loop3A_448, %iota3A : vector<16xi32>
            %parallel_loop3A_450 = tpu.vector_load_idx %arg18[%parallel_loop3A_449] : memref<4096xf32, #tpu.memory_space<vmem>>[vector<16xi32>], vector<16xf32>,
            %parallel_loop3A_451 = arith.constant 16 : i32
            %parallel_loop3A_452 = arith.muli %parallel_loop3A_438, %parallel_loop3A_451 : i32
            %parallel_loop3A_453 = arith.index_cast %parallel_loop3A_452 : i32 to index
            %parallel_loop3A_454 = tpu.vector_load %arg20[%parallel_loop3A_453] {strides = array<i32>} : memref<1024xf32, #tpu.memory_space<vmem>>, vector<16xf32>,
            %parallel_loop3A_455 = arith.constant 16 : i32
            %parallel_loop3A_456 = arith.muli %parallel_loop3A_438, %parallel_loop3A_455 : i32
            %parallel_loop3A_457 = arith.index_cast %parallel_loop3A_456 : i32 to index
            %parallel_loop3A_458 = tpu.vector_load %arg21[%parallel_loop3A_457] {strides = array<i32>} : memref<1024xf32, #tpu.memory_space<vmem>>, vector<16xf32>,
            %parallel_loop3A_459 = arith.subf %parallel_loop3A_450, %parallel_loop3A_388 : vector<16xf32>
            %parallel_loop3A_460 = arith.mulf %parallel_loop3A_459, %parallel_loop3A_431 : vector<16xf32>
            %parallel_loop3A_461 = arith.mulf %parallel_loop3A_460, %parallel_loop3A_454 : vector<16xf32>
            %parallel_loop3A_462 = arith.addf %parallel_loop3A_461, %parallel_loop3A_458 : vector<16xf32>
            %parallel_loop3A_463 = arith.constant 3 : i32
            %parallel_loop3A_464 = arith.shrsi %parallel_loop3A_438, %parallel_loop3A_463 : i32
            %parallel_loop3A_465 = vector.broadcast %parallel_loop3A_464 : i32 to vector<16xi32>
            %parallel_loop3A_466 = arith.constant 7 : i32
            %parallel_loop3A_467 = arith.andi %parallel_loop3A_438, %parallel_loop3A_466 : i32
            %parallel_loop3A_468 = vector.broadcast %parallel_loop3A_467 : i32 to vector<16xi32>
            tpu.vector_store_idx %arg10[%parallel_loop3A_432, %parallel_loop3A_465, %parallel_loop3A_468, %parallel_loop3A_434], %parallel_loop3A_462 : memref<2x8x8x128xf32, #tpu.memory_space<vmem>>[vector<16xi32>, vector<16xi32>, vector<16xi32>, vector<16xi32>], vector<16xf32>,
          } {sc.loop_unroll_factor = 16 : i64, sc.parallel_access}
        } {sc.loop_unroll_factor = 2 : i64, sc.parallel_access}
        %mul3A_307 = arith.constant 2 : i32
        %mul3A_308 = arith.muli %scan3A_251, %mul3A_307 : i32
        %dma_start3A_309 = arith.constant 0 : i32
        %dma_start3A_310 = arith.constant 0 : i32
        %dma_start3A_311 = arith.constant 0 : i32
        %dma_start3A_312 = tpu.memref_slice %arg7[%mul3A_308, %dma_start3A_309, %add3A, %dma_start3A_310, %dma_start3A_311] : memref<200x8x32x8x128xf32, #tpu.memory_space<hbm>> -> memref<2x8x1x8x128xf32, #tpu.memory_space<hbm>>
        %dma_start3A_313 = tpu.memref_squeeze %dma_start3A_312 : memref<2x8x1x8x128xf32, #tpu.memory_space<hbm>> -> memref<2x8x8x128xf32, #tpu.memory_space<hbm>>
        %dma_start3A_314 = arith.constant 0 : i32
        %dma_start3A_315 = arith.constant 0 : i32
        %dma_start3A_316 = arith.constant 0 : i32
        %dma_start3A_317 = tpu.memref_slice %arg7[%mul3A_308, %dma_start3A_314, %add3A, %dma_start3A_315, %dma_start3A_316] : memref<200x8x32x8x128xf32, #tpu.memory_space<hbm>> -> memref<2x8x1x8x128xf32, #tpu.memory_space<hbm>>
        %dma_start3A_318 = tpu.memref_squeeze %dma_start3A_317 : memref<2x8x1x8x128xf32, #tpu.memory_space<hbm>> -> memref<2x8x8x128xf32, #tpu.memory_space<hbm>>
        tpu.enqueue_dma source(%arg10 : memref<2x8x8x128xf32, #tpu.memory_space<vmem>>) target(%dma_start3A_318 : memref<2x8x8x128xf32, #tpu.memory_space<hbm>>) target_semaphore(%arg24 : memref<!tpu.dma_semaphore, #tpu.memory_space<semaphore_mem>>)
      } else {
      }
      %jit3A_266 = arith.constant 2 : i32
      %eq3A_267 = arith.constant 0 : i32
      %eq3A_268 = arith.cmpi eq, %jit3A_266, %eq3A_267 : i32
      %jit3A_269 = arith.constant 1 : i32
      %select_n3A_270 = arith.select %eq3A_268, %jit3A_269, %jit3A_266 : i32
      %rem3A_271 = arith.remsi %scan3A_251, %select_n3A_270 : i32
      %ne3A_272 = arith.constant 0 : i32
      %ne3A_273 = arith.cmpi ne, %rem3A_271, %ne3A_272 : i32
      %lt3A_274 = arith.constant 0 : i32
      %lt3A_275 = arith.cmpi slt, %rem3A_271, %lt3A_274 : i32
      %lt3A_276 = arith.constant 0 : i32
      %lt3A_277 = arith.cmpi slt, %select_n3A_270, %lt3A_276 : i32
      %ne3A_278 = arith.xori %lt3A_275, %lt3A_277 : i1
      %and3A_279 = arith.andi %ne3A_278, %ne3A_273 : i1
      %add3A_280 = arith.addi %rem3A_271, %select_n3A_270 : i32
      %select_n3A_281 = arith.select %and3A_279, %add3A_280, %rem3A_271 : i32
      %eq3A_282 = arith.constant 1 : i32
      %eq3A_283 = arith.cmpi eq, %select_n3A_281, %eq3A_282 : i32
      %convert_element_type3A_284 = arith.extui %eq3A_283 : i1 to i32
      %cond3A_285 = arith.constant 0 : i32
      %cond3A_286 = arith.cmpi ne, %convert_element_type3A_284, %cond3A_285 : i32
      scf.if %cond3A_286 {
        %dma_wait3A_288 = arith.constant 0 : i32
        %dma_wait3A_289 = arith.constant 0 : i32
        %dma_wait3A_290 = tpu.memref_slice %arg3[%dma_wait3A_288, %dma_wait3A_289] : memref<500000x128xf32, #tpu.memory_space<hbm>> -> memref<256x128xf32, #tpu.memory_space<hbm>>
        %dma_wait3A_291 = arith.constant 0 : i32
        %dma_wait3A_292 = arith.constant 0 : i32
        %dma_wait3A_293 = tpu.memref_slice %arg3[%dma_wait3A_291, %dma_wait3A_292] : memref<500000x128xf32, #tpu.memory_space<hbm>> -> memref<256x128xf32, #tpu.memory_space<hbm>>
        tpu.wait_dma2 semaphore(%arg23 : memref<!tpu.dma_semaphore, #tpu.memory_space<semaphore_mem>>) src(%dma_wait3A_293 : memref<256x128xf32, #tpu.memory_space<hbm>>) dst(%arg9 : memref<256x128xf32, #tpu.memory_space<vmem>>)
        %ge3A = arith.constant 2 : i32
        %ge3A_294 = arith.cmpi sge, %scan3A_251, %ge3A : i32
        %convert_element_type3A_295 = arith.extui %ge3A_294 : i1 to i32
        %cond3A_296 = arith.constant 0 : i32
        %cond3A_297 = arith.cmpi ne, %convert_element_type3A_295, %cond3A_296 : i32
        scf.if %cond3A_297 {
          %dma_wait3A_319 = arith.constant 0 : i32
          %dma_wait3A_320 = arith.constant 0 : i32
          %dma_wait3A_321 = arith.constant 0 : i32
          %dma_wait3A_322 = arith.constant 0 : i32
          %dma_wait3A_323 = tpu.memref_slice %arg7[%dma_wait3A_319, %dma_wait3A_320, %add3A, %dma_wait3A_321, %dma_wait3A_322] : memref<200x8x32x8x128xf32, #tpu.memory_space<hbm>> -> memref<2x8x1x8x128xf32, #tpu.memory_space<hbm>>
          %dma_wait3A_324 = tpu.memref_squeeze %dma_wait3A_323 : memref<2x8x1x8x128xf32, #tpu.memory_space<hbm>> -> memref<2x8x8x128xf32, #tpu.memory_space<hbm>>
          %dma_wait3A_325 = arith.constant 0 : i32
          %dma_wait3A_326 = arith.constant 0 : i32
          %dma_wait3A_327 = arith.constant 0 : i32
          %dma_wait3A_328 = arith.constant 0 : i32
          %dma_wait3A_329 = tpu.memref_slice %arg7[%dma_wait3A_325, %dma_wait3A_326, %add3A, %dma_wait3A_327, %dma_wait3A_328] : memref<200x8x32x8x128xf32, #tpu.memory_space<hbm>> -> memref<2x8x1x8x128xf32, #tpu.memory_space<hbm>>
          %dma_wait3A_330 = tpu.memref_squeeze %dma_wait3A_329 : memref<2x8x1x8x128xf32, #tpu.memory_space<hbm>> -> memref<2x8x8x128xf32, #tpu.memory_space<hbm>>
          tpu.wait_dma2 semaphore(%arg25 : memref<!tpu.dma_semaphore, #tpu.memory_space<semaphore_mem>>) src(%arg11 : memref<2x8x8x128xf32, #tpu.memory_space<vmem>>) dst(%dma_wait3A_330 : memref<2x8x8x128xf32, #tpu.memory_space<hbm>>)
        } else {
        }
        %add3A_298 = arith.constant 1 : i32
        %add3A_299 = arith.addi %scan3A_251, %add3A_298 : i32
        %lt3A_300 = arith.constant 100 : i32
        %lt3A_301 = arith.cmpi slt, %add3A_299, %lt3A_300 : i32
        %convert_element_type3A_302 = arith.extui %lt3A_301 : i1 to i32
        %cond3A_303 = arith.constant 0 : i32
        %cond3A_304 = arith.cmpi ne, %convert_element_type3A_302, %cond3A_303 : i32
        scf.if %cond3A_304 {
          %dma_wait3A_319 = arith.constant 0 : i32
          %dma_wait3A_320 = tpu.memref_slice %arg2[%add3A, %dma_wait3A_319] : memref<32x25600xi32, #tpu.memory_space<hbm>> -> memref<1x256xi32, #tpu.memory_space<hbm>>
          %dma_wait3A_321 = tpu.memref_squeeze %dma_wait3A_320 : memref<1x256xi32, #tpu.memory_space<hbm>> -> memref<256xi32, #tpu.memory_space<hbm>>
          %dma_wait3A_322 = arith.constant 0 : i32
          %dma_wait3A_323 = tpu.memref_slice %arg2[%add3A, %dma_wait3A_322] : memref<32x25600xi32, #tpu.memory_space<hbm>> -> memref<1x256xi32, #tpu.memory_space<hbm>>
          %dma_wait3A_324 = tpu.memref_squeeze %dma_wait3A_323 : memref<1x256xi32, #tpu.memory_space<hbm>> -> memref<256xi32, #tpu.memory_space<hbm>>
          tpu.wait_dma2 semaphore(%arg26 : memref<!tpu.dma_semaphore, #tpu.memory_space<semaphore_mem>>) src(%dma_wait3A_324 : memref<256xi32, #tpu.memory_space<hbm>>) dst(%arg12 : memref<256xi32, #tpu.memory_space<vmem>>)
          %add3A_325 = arith.constant 1 : i32
          %add3A_326 = arith.addi %scan3A_251, %add3A_325 : i32
          %get3A_327 = arith.constant 0 : index
          %get3A_328 = tpu.vector_load %arg12[%get3A_327] {strides = array<i32>} : memref<256xi32, #tpu.memory_space<vmem>>, vector<16xi32>,
          %shift_right_arithmetic3A_329 = arith.constant 1 : i32
          %shift_right_arithmetic3A_330 = vector.broadcast %shift_right_arithmetic3A_329 : i32 to vector<16xi32>
          %shift_right_arithmetic3A_331 = arith.shrsi %get3A_328, %shift_right_arithmetic3A_330 : vector<16xi32>
          %swap3A_332 = arith.constant 0 : index
          %swap3A_333 = tpu.vector_load %arg14[%swap3A_332] {strides = array<i32>} : memref<256xi32, #tpu.memory_space<vmem>>, vector<16xi32>,
          tpu.vector_store %arg14[%swap3A_332], %shift_right_arithmetic3A_331 {strides = array<i32>} : memref<256xi32, #tpu.memory_space<vmem>>, vector<16xi32>,
          %and3A_334 = arith.constant 1 : i32
          %and3A_335 = vector.broadcast %and3A_334 : i32 to vector<16xi32>
          %and3A_336 = arith.andi %get3A_328, %and3A_335 : vector<16xi32>
          %swap3A_337 = arith.constant 0 : index
          %swap3A_338 = tpu.vector_load %arg16[%swap3A_337] {strides = array<i32>} : memref<256xi32, #tpu.memory_space<vmem>>, vector<16xi32>,
          tpu.vector_store %arg16[%swap3A_337], %and3A_336 {strides = array<i32>} : memref<256xi32, #tpu.memory_space<vmem>>, vector<16xi32>,
          %get3A_339 = arith.constant 16 : index
          %get3A_340 = tpu.vector_load %arg12[%get3A_339] {strides = array<i32>} : memref<256xi32, #tpu.memory_space<vmem>>, vector<16xi32>,
          %shift_right_arithmetic3A_341 = arith.constant 1 : i32
          %shift_right_arithmetic3A_342 = vector.broadcast %shift_right_arithmetic3A_341 : i32 to vector<16xi32>
          %shift_right_arithmetic3A_343 = arith.shrsi %get3A_340, %shift_right_arithmetic3A_342 : vector<16xi32>
          %swap3A_344 = arith.constant 16 : index
          %swap3A_345 = tpu.vector_load %arg14[%swap3A_344] {strides = array<i32>} : memref<256xi32, #tpu.memory_space<vmem>>, vector<16xi32>,
          tpu.vector_store %arg14[%swap3A_344], %shift_right_arithmetic3A_343 {strides = array<i32>} : memref<256xi32, #tpu.memory_space<vmem>>, vector<16xi32>,
          %and3A_346 = arith.constant 1 : i32
          %and3A_347 = vector.broadcast %and3A_346 : i32 to vector<16xi32>
          %and3A_348 = arith.andi %get3A_340, %and3A_347 : vector<16xi32>
          %swap3A_349 = arith.constant 16 : index
          %swap3A_350 = tpu.vector_load %arg16[%swap3A_349] {strides = array<i32>} : memref<256xi32, #tpu.memory_space<vmem>>, vector<16xi32>,
          tpu.vector_store %arg16[%swap3A_349], %and3A_348 {strides = array<i32>} : memref<256xi32, #tpu.memory_space<vmem>>, vector<16xi32>,
          %get3A_351 = arith.constant 32 : index
          %get3A_352 = tpu.vector_load %arg12[%get3A_351] {strides = array<i32>} : memref<256xi32, #tpu.memory_space<vmem>>, vector<16xi32>,
          %shift_right_arithmetic3A_353 = arith.constant 1 : i32
          %shift_right_arithmetic3A_354 = vector.broadcast %shift_right_arithmetic3A_353 : i32 to vector<16xi32>
          %shift_right_arithmetic3A_355 = arith.shrsi %get3A_352, %shift_right_arithmetic3A_354 : vector<16xi32>
          %swap3A_356 = arith.constant 32 : index
          %swap3A_357 = tpu.vector_load %arg14[%swap3A_356] {strides = array<i32>} : memref<256xi32, #tpu.memory_space<vmem>>, vector<16xi32>,
          tpu.vector_store %arg14[%swap3A_356], %shift_right_arithmetic3A_355 {strides = array<i32>} : memref<256xi32, #tpu.memory_space<vmem>>, vector<16xi32>,
          %and3A_358 = arith.constant 1 : i32
          %and3A_359 = vector.broadcast %and3A_358 : i32 to vector<16xi32>
          %and3A_360 = arith.andi %get3A_352, %and3A_359 : vector<16xi32>
          %swap3A_361 = arith.constant 32 : index
          %swap3A_362 = tpu.vector_load %arg16[%swap3A_361] {strides = array<i32>} : memref<256xi32, #tpu.memory_space<vmem>>, vector<16xi32>,
          tpu.vector_store %arg16[%swap3A_361], %and3A_360 {strides = array<i32>} : memref<256xi32, #tpu.memory_space<vmem>>, vector<16xi32>,
          %get3A_363 = arith.constant 48 : index
          %get3A_364 = tpu.vector_load %arg12[%get3A_363] {strides = array<i32>} : memref<256xi32, #tpu.memory_space<vmem>>, vector<16xi32>,
          %shift_right_arithmetic3A_365 = arith.constant 1 : i32
          %shift_right_arithmetic3A_366 = vector.broadcast %shift_right_arithmetic3A_365 : i32 to vector<16xi32>
          %shift_right_arithmetic3A_367 = arith.shrsi %get3A_364, %shift_right_arithmetic3A_366 : vector<16xi32>
          %swap3A_368 = arith.constant 48 : index
          %swap3A_369 = tpu.vector_load %arg14[%swap3A_368] {strides = array<i32>} : memref<256xi32, #tpu.memory_space<vmem>>, vector<16xi32>,
          tpu.vector_store %arg14[%swap3A_368], %shift_right_arithmetic3A_367 {strides = array<i32>} : memref<256xi32, #tpu.memory_space<vmem>>, vector<16xi32>,
          %and3A_370 = arith.constant 1 : i32
          %and3A_371 = vector.broadcast %and3A_370 : i32 to vector<16xi32>
          %and3A_372 = arith.andi %get3A_364, %and3A_371 : vector<16xi32>
          %swap3A_373 = arith.constant 48 : index
          %swap3A_374 = tpu.vector_load %arg16[%swap3A_373] {strides = array<i32>} : memref<256xi32, #tpu.memory_space<vmem>>, vector<16xi32>,
          tpu.vector_store %arg16[%swap3A_373], %and3A_372 {strides = array<i32>} : memref<256xi32, #tpu.memory_space<vmem>>, vector<16xi32>,
          %get3A_375 = arith.constant 64 : index
          %get3A_376 = tpu.vector_load %arg12[%get3A_375] {strides = array<i32>} : memref<256xi32, #tpu.memory_space<vmem>>, vector<16xi32>,
          %shift_right_arithmetic3A_377 = arith.constant 1 : i32
          %shift_right_arithmetic3A_378 = vector.broadcast %shift_right_arithmetic3A_377 : i32 to vector<16xi32>
          %shift_right_arithmetic3A_379 = arith.shrsi %get3A_376, %shift_right_arithmetic3A_378 : vector<16xi32>
          %swap3A_380 = arith.constant 64 : index
          %swap3A_381 = tpu.vector_load %arg14[%swap3A_380] {strides = array<i32>} : memref<256xi32, #tpu.memory_space<vmem>>, vector<16xi32>,
          tpu.vector_store %arg14[%swap3A_380], %shift_right_arithmetic3A_379 {strides = array<i32>} : memref<256xi32, #tpu.memory_space<vmem>>, vector<16xi32>,
          %and3A_382 = arith.constant 1 : i32
          %and3A_383 = vector.broadcast %and3A_382 : i32 to vector<16xi32>
          %and3A_384 = arith.andi %get3A_376, %and3A_383 : vector<16xi32>
          %swap3A_385 = arith.constant 64 : index
          %swap3A_386 = tpu.vector_load %arg16[%swap3A_385] {strides = array<i32>} : memref<256xi32, #tpu.memory_space<vmem>>, vector<16xi32>,
          tpu.vector_store %arg16[%swap3A_385], %and3A_384 {strides = array<i32>} : memref<256xi32, #tpu.memory_space<vmem>>, vector<16xi32>,
          %get3A_387 = arith.constant 80 : index
          %get3A_388 = tpu.vector_load %arg12[%get3A_387] {strides = array<i32>} : memref<256xi32, #tpu.memory_space<vmem>>, vector<16xi32>,
          %shift_right_arithmetic3A_389 = arith.constant 1 : i32
          %shift_right_arithmetic3A_390 = vector.broadcast %shift_right_arithmetic3A_389 : i32 to vector<16xi32>
          %shift_right_arithmetic3A_391 = arith.shrsi %get3A_388, %shift_right_arithmetic3A_390 : vector<16xi32>
          %swap3A_392 = arith.constant 80 : index
          %swap3A_393 = tpu.vector_load %arg14[%swap3A_392] {strides = array<i32>} : memref<256xi32, #tpu.memory_space<vmem>>, vector<16xi32>,
          tpu.vector_store %arg14[%swap3A_392], %shift_right_arithmetic3A_391 {strides = array<i32>} : memref<256xi32, #tpu.memory_space<vmem>>, vector<16xi32>,
          %and3A_394 = arith.constant 1 : i32
          %and3A_395 = vector.broadcast %and3A_394 : i32 to vector<16xi32>
          %and3A_396 = arith.andi %get3A_388, %and3A_395 : vector<16xi32>
          %swap3A_397 = arith.constant 80 : index
          %swap3A_398 = tpu.vector_load %arg16[%swap3A_397] {strides = array<i32>} : memref<256xi32, #tpu.memory_space<vmem>>, vector<16xi32>,
          tpu.vector_store %arg16[%swap3A_397], %and3A_396 {strides = array<i32>} : memref<256xi32, #tpu.memory_space<vmem>>, vector<16xi32>,
          %get3A_399 = arith.constant 96 : index
          %get3A_400 = tpu.vector_load %arg12[%get3A_399] {strides = array<i32>} : memref<256xi32, #tpu.memory_space<vmem>>, vector<16xi32>,
          %shift_right_arithmetic3A_401 = arith.constant 1 : i32
          %shift_right_arithmetic3A_402 = vector.broadcast %shift_right_arithmetic3A_401 : i32 to vector<16xi32>
          %shift_right_arithmetic3A_403 = arith.shrsi %get3A_400, %shift_right_arithmetic3A_402 : vector<16xi32>
          %swap3A_404 = arith.constant 96 : index
          %swap3A_405 = tpu.vector_load %arg14[%swap3A_404] {strides = array<i32>} : memref<256xi32, #tpu.memory_space<vmem>>, vector<16xi32>,
          tpu.vector_store %arg14[%swap3A_404], %shift_right_arithmetic3A_403 {strides = array<i32>} : memref<256xi32, #tpu.memory_space<vmem>>, vector<16xi32>,
          %and3A_406 = arith.constant 1 : i32
          %and3A_407 = vector.broadcast %and3A_406 : i32 to vector<16xi32>
          %and3A_408 = arith.andi %get3A_400, %and3A_407 : vector<16xi32>
          %swap3A_409 = arith.constant 96 : index
          %swap3A_410 = tpu.vector_load %arg16[%swap3A_409] {strides = array<i32>} : memref<256xi32, #tpu.memory_space<vmem>>, vector<16xi32>,
          tpu.vector_store %arg16[%swap3A_409], %and3A_408 {strides = array<i32>} : memref<256xi32, #tpu.memory_space<vmem>>, vector<16xi32>,
          %get3A_411 = arith.constant 112 : index
          %get3A_412 = tpu.vector_load %arg12[%get3A_411] {strides = array<i32>} : memref<256xi32, #tpu.memory_space<vmem>>, vector<16xi32>,
          %shift_right_arithmetic3A_413 = arith.constant 1 : i32
          %shift_right_arithmetic3A_414 = vector.broadcast %shift_right_arithmetic3A_413 : i32 to vector<16xi32>
          %shift_right_arithmetic3A_415 = arith.shrsi %get3A_412, %shift_right_arithmetic3A_414 : vector<16xi32>
          %swap3A_416 = arith.constant 112 : index
          %swap3A_417 = tpu.vector_load %arg14[%swap3A_416] {strides = array<i32>} : memref<256xi32, #tpu.memory_space<vmem>>, vector<16xi32>,
          tpu.vector_store %arg14[%swap3A_416], %shift_right_arithmetic3A_415 {strides = array<i32>} : memref<256xi32, #tpu.memory_space<vmem>>, vector<16xi32>,
          %and3A_418 = arith.constant 1 : i32
          %and3A_419 = vector.broadcast %and3A_418 : i32 to vector<16xi32>
          %and3A_420 = arith.andi %get3A_412, %and3A_419 : vector<16xi32>
          %swap3A_421 = arith.constant 112 : index
          %swap3A_422 = tpu.vector_load %arg16[%swap3A_421] {strides = array<i32>} : memref<256xi32, #tpu.memory_space<vmem>>, vector<16xi32>,
          tpu.vector_store %arg16[%swap3A_421], %and3A_420 {strides = array<i32>} : memref<256xi32, #tpu.memory_space<vmem>>, vector<16xi32>,
          %get3A_423 = arith.constant 128 : index
          %get3A_424 = tpu.vector_load %arg12[%get3A_423] {strides = array<i32>} : memref<256xi32, #tpu.memory_space<vmem>>, vector<16xi32>,
          %shift_right_arithmetic3A_425 = arith.constant 1 : i32
          %shift_right_arithmetic3A_426 = vector.broadcast %shift_right_arithmetic3A_425 : i32 to vector<16xi32>
          %shift_right_arithmetic3A_427 = arith.shrsi %get3A_424, %shift_right_arithmetic3A_426 : vector<16xi32>
          %swap3A_428 = arith.constant 128 : index
          %swap3A_429 = tpu.vector_load %arg14[%swap3A_428] {strides = array<i32>} : memref<256xi32, #tpu.memory_space<vmem>>, vector<16xi32>,
          tpu.vector_store %arg14[%swap3A_428], %shift_right_arithmetic3A_427 {strides = array<i32>} : memref<256xi32, #tpu.memory_space<vmem>>, vector<16xi32>,
          %and3A_430 = arith.constant 1 : i32
          %and3A_431 = vector.broadcast %and3A_430 : i32 to vector<16xi32>
          %and3A_432 = arith.andi %get3A_424, %and3A_431 : vector<16xi32>
          %swap3A_433 = arith.constant 128 : index
          %swap3A_434 = tpu.vector_load %arg16[%swap3A_433] {strides = array<i32>} : memref<256xi32, #tpu.memory_space<vmem>>, vector<16xi32>,
          tpu.vector_store %arg16[%swap3A_433], %and3A_432 {strides = array<i32>} : memref<256xi32, #tpu.memory_space<vmem>>, vector<16xi32>,
          %get3A_435 = arith.constant 144 : index
          %get3A_436 = tpu.vector_load %arg12[%get3A_435] {strides = array<i32>} : memref<256xi32, #tpu.memory_space<vmem>>, vector<16xi32>,
          %shift_right_arithmetic3A_437 = arith.constant 1 : i32
          %shift_right_arithmetic3A_438 = vector.broadcast %shift_right_arithmetic3A_437 : i32 to vector<16xi32>
          %shift_right_arithmetic3A_439 = arith.shrsi %get3A_436, %shift_right_arithmetic3A_438 : vector<16xi32>
          %swap3A_440 = arith.constant 144 : index
          %swap3A_441 = tpu.vector_load %arg14[%swap3A_440] {strides = array<i32>} : memref<256xi32, #tpu.memory_space<vmem>>, vector<16xi32>,
          tpu.vector_store %arg14[%swap3A_440], %shift_right_arithmetic3A_439 {strides = array<i32>} : memref<256xi32, #tpu.memory_space<vmem>>, vector<16xi32>,
          %and3A_442 = arith.constant 1 : i32
          %and3A_443 = vector.broadcast %and3A_442 : i32 to vector<16xi32>
          %and3A_444 = arith.andi %get3A_436, %and3A_443 : vector<16xi32>
          %swap3A_445 = arith.constant 144 : index
          %swap3A_446 = tpu.vector_load %arg16[%swap3A_445] {strides = array<i32>} : memref<256xi32, #tpu.memory_space<vmem>>, vector<16xi32>,
          tpu.vector_store %arg16[%swap3A_445], %and3A_444 {strides = array<i32>} : memref<256xi32, #tpu.memory_space<vmem>>, vector<16xi32>,
          %get3A_447 = arith.constant 160 : index
          %get3A_448 = tpu.vector_load %arg12[%get3A_447] {strides = array<i32>} : memref<256xi32, #tpu.memory_space<vmem>>, vector<16xi32>,
          %shift_right_arithmetic3A_449 = arith.constant 1 : i32
          %shift_right_arithmetic3A_450 = vector.broadcast %shift_right_arithmetic3A_449 : i32 to vector<16xi32>
          %shift_right_arithmetic3A_451 = arith.shrsi %get3A_448, %shift_right_arithmetic3A_450 : vector<16xi32>
          %swap3A_452 = arith.constant 160 : index
          %swap3A_453 = tpu.vector_load %arg14[%swap3A_452] {strides = array<i32>} : memref<256xi32, #tpu.memory_space<vmem>>, vector<16xi32>,
          tpu.vector_store %arg14[%swap3A_452], %shift_right_arithmetic3A_451 {strides = array<i32>} : memref<256xi32, #tpu.memory_space<vmem>>, vector<16xi32>,
          %and3A_454 = arith.constant 1 : i32
          %and3A_455 = vector.broadcast %and3A_454 : i32 to vector<16xi32>
          %and3A_456 = arith.andi %get3A_448, %and3A_455 : vector<16xi32>
          %swap3A_457 = arith.constant 160 : index
          %swap3A_458 = tpu.vector_load %arg16[%swap3A_457] {strides = array<i32>} : memref<256xi32, #tpu.memory_space<vmem>>, vector<16xi32>,
          tpu.vector_store %arg16[%swap3A_457], %and3A_456 {strides = array<i32>} : memref<256xi32, #tpu.memory_space<vmem>>, vector<16xi32>,
          %get3A_459 = arith.constant 176 : index
          %get3A_460 = tpu.vector_load %arg12[%get3A_459] {strides = array<i32>} : memref<256xi32, #tpu.memory_space<vmem>>, vector<16xi32>,
          %shift_right_arithmetic3A_461 = arith.constant 1 : i32
          %shift_right_arithmetic3A_462 = vector.broadcast %shift_right_arithmetic3A_461 : i32 to vector<16xi32>
          %shift_right_arithmetic3A_463 = arith.shrsi %get3A_460, %shift_right_arithmetic3A_462 : vector<16xi32>
          %swap3A_464 = arith.constant 176 : index
          %swap3A_465 = tpu.vector_load %arg14[%swap3A_464] {strides = array<i32>} : memref<256xi32, #tpu.memory_space<vmem>>, vector<16xi32>,
          tpu.vector_store %arg14[%swap3A_464], %shift_right_arithmetic3A_463 {strides = array<i32>} : memref<256xi32, #tpu.memory_space<vmem>>, vector<16xi32>,
          %and3A_466 = arith.constant 1 : i32
          %and3A_467 = vector.broadcast %and3A_466 : i32 to vector<16xi32>
          %and3A_468 = arith.andi %get3A_460, %and3A_467 : vector<16xi32>
          %swap3A_469 = arith.constant 176 : index
          %swap3A_470 = tpu.vector_load %arg16[%swap3A_469] {strides = array<i32>} : memref<256xi32, #tpu.memory_space<vmem>>, vector<16xi32>,
          tpu.vector_store %arg16[%swap3A_469], %and3A_468 {strides = array<i32>} : memref<256xi32, #tpu.memory_space<vmem>>, vector<16xi32>,
          %get3A_471 = arith.constant 192 : index
          %get3A_472 = tpu.vector_load %arg12[%get3A_471] {strides = array<i32>} : memref<256xi32, #tpu.memory_space<vmem>>, vector<16xi32>,
          %shift_right_arithmetic3A_473 = arith.constant 1 : i32
          %shift_right_arithmetic3A_474 = vector.broadcast %shift_right_arithmetic3A_473 : i32 to vector<16xi32>
          %shift_right_arithmetic3A_475 = arith.shrsi %get3A_472, %shift_right_arithmetic3A_474 : vector<16xi32>
          %swap3A_476 = arith.constant 192 : index
          %swap3A_477 = tpu.vector_load %arg14[%swap3A_476] {strides = array<i32>} : memref<256xi32, #tpu.memory_space<vmem>>, vector<16xi32>,
          tpu.vector_store %arg14[%swap3A_476], %shift_right_arithmetic3A_475 {strides = array<i32>} : memref<256xi32, #tpu.memory_space<vmem>>, vector<16xi32>,
          %and3A_478 = arith.constant 1 : i32
          %and3A_479 = vector.broadcast %and3A_478 : i32 to vector<16xi32>
          %and3A_480 = arith.andi %get3A_472, %and3A_479 : vector<16xi32>
          %swap3A_481 = arith.constant 192 : index
          %swap3A_482 = tpu.vector_load %arg16[%swap3A_481] {strides = array<i32>} : memref<256xi32, #tpu.memory_space<vmem>>, vector<16xi32>,
          tpu.vector_store %arg16[%swap3A_481], %and3A_480 {strides = array<i32>} : memref<256xi32, #tpu.memory_space<vmem>>, vector<16xi32>,
          %get3A_483 = arith.constant 208 : index
          %get3A_484 = tpu.vector_load %arg12[%get3A_483] {strides = array<i32>} : memref<256xi32, #tpu.memory_space<vmem>>, vector<16xi32>,
          %shift_right_arithmetic3A_485 = arith.constant 1 : i32
          %shift_right_arithmetic3A_486 = vector.broadcast %shift_right_arithmetic3A_485 : i32 to vector<16xi32>
          %shift_right_arithmetic3A_487 = arith.shrsi %get3A_484, %shift_right_arithmetic3A_486 : vector<16xi32>
          %swap3A_488 = arith.constant 208 : index
          %swap3A_489 = tpu.vector_load %arg14[%swap3A_488] {strides = array<i32>} : memref<256xi32, #tpu.memory_space<vmem>>, vector<16xi32>,
          tpu.vector_store %arg14[%swap3A_488], %shift_right_arithmetic3A_487 {strides = array<i32>} : memref<256xi32, #tpu.memory_space<vmem>>, vector<16xi32>,
          %and3A_490 = arith.constant 1 : i32
          %and3A_491 = vector.broadcast %and3A_490 : i32 to vector<16xi32>
          %and3A_492 = arith.andi %get3A_484, %and3A_491 : vector<16xi32>
          %swap3A_493 = arith.constant 208 : index
          %swap3A_494 = tpu.vector_load %arg16[%swap3A_493] {strides = array<i32>} : memref<256xi32, #tpu.memory_space<vmem>>, vector<16xi32>,
          tpu.vector_store %arg16[%swap3A_493], %and3A_492 {strides = array<i32>} : memref<256xi32, #tpu.memory_space<vmem>>, vector<16xi32>,
          %get3A_495 = arith.constant 224 : index
          %get3A_496 = tpu.vector_load %arg12[%get3A_495] {strides = array<i32>} : memref<256xi32, #tpu.memory_space<vmem>>, vector<16xi32>,
          %shift_right_arithmetic3A_497 = arith.constant 1 : i32
          %shift_right_arithmetic3A_498 = vector.broadcast %shift_right_arithmetic3A_497 : i32 to vector<16xi32>
          %shift_right_arithmetic3A_499 = arith.shrsi %get3A_496, %shift_right_arithmetic3A_498 : vector<16xi32>
          %swap3A_500 = arith.constant 224 : index
          %swap3A_501 = tpu.vector_load %arg14[%swap3A_500] {strides = array<i32>} : memref<256xi32, #tpu.memory_space<vmem>>, vector<16xi32>,
          tpu.vector_store %arg14[%swap3A_500], %shift_right_arithmetic3A_499 {strides = array<i32>} : memref<256xi32, #tpu.memory_space<vmem>>, vector<16xi32>,
          %and3A_502 = arith.constant 1 : i32
          %and3A_503 = vector.broadcast %and3A_502 : i32 to vector<16xi32>
          %and3A_504 = arith.andi %get3A_496, %and3A_503 : vector<16xi32>
          %swap3A_505 = arith.constant 224 : index
          %swap3A_506 = tpu.vector_load %arg16[%swap3A_505] {strides = array<i32>} : memref<256xi32, #tpu.memory_space<vmem>>, vector<16xi32>,
          tpu.vector_store %arg16[%swap3A_505], %and3A_504 {strides = array<i32>} : memref<256xi32, #tpu.memory_space<vmem>>, vector<16xi32>,
          %get3A_507 = arith.constant 240 : index
          %get3A_508 = tpu.vector_load %arg12[%get3A_507] {strides = array<i32>} : memref<256xi32, #tpu.memory_space<vmem>>, vector<16xi32>,
          %shift_right_arithmetic3A_509 = arith.constant 1 : i32
          %shift_right_arithmetic3A_510 = vector.broadcast %shift_right_arithmetic3A_509 : i32 to vector<16xi32>
          %shift_right_arithmetic3A_511 = arith.shrsi %get3A_508, %shift_right_arithmetic3A_510 : vector<16xi32>
          %swap3A_512 = arith.constant 240 : index
          %swap3A_513 = tpu.vector_load %arg14[%swap3A_512] {strides = array<i32>} : memref<256xi32, #tpu.memory_space<vmem>>, vector<16xi32>,
          tpu.vector_store %arg14[%swap3A_512], %shift_right_arithmetic3A_511 {strides = array<i32>} : memref<256xi32, #tpu.memory_space<vmem>>, vector<16xi32>,
          %and3A_514 = arith.constant 1 : i32
          %and3A_515 = vector.broadcast %and3A_514 : i32 to vector<16xi32>
          %and3A_516 = arith.andi %get3A_508, %and3A_515 : vector<16xi32>
          %swap3A_517 = arith.constant 240 : index
          %swap3A_518 = tpu.vector_load %arg16[%swap3A_517] {strides = array<i32>} : memref<256xi32, #tpu.memory_space<vmem>>, vector<16xi32>,
          tpu.vector_store %arg16[%swap3A_517], %and3A_516 {strides = array<i32>} : memref<256xi32, #tpu.memory_space<vmem>>, vector<16xi32>,
          %dma_start3A_519 = arith.constant 0 : i32
          %dma_start3A_520 = arith.constant 0 : i32
          %dma_start3A_521 = tpu.memref_slice %arg8[%dma_start3A_519, %dma_start3A_520] : memref<256x128xf32, #tpu.memory_space<vmem>> -> memref<128x128xf32, #tpu.memory_space<vmem>>
          %dma_start3A_522 = arith.constant 0 : i32
          %dma_start3A_523 = tpu.memref_slice %arg14[%dma_start3A_522] : memref<256xi32, #tpu.memory_space<vmem>> -> memref<128xi32, #tpu.memory_space<vmem>>
          %dma_start3A_524 = arith.constant 0 : i32
          %dma_start3A_525 = arith.constant 0 : i32
          %dma_start3A_526 = tpu.memref_slice %arg3[%dma_start3A_524, %dma_start3A_525] : memref<500000x128xf32, #tpu.memory_space<hbm>> -> memref<500000x128xf32, #tpu.memory_space<hbm>>
          tpu.enqueue_indirect_dma source(%dma_start3A_526 : memref<500000x128xf32, #tpu.memory_space<hbm>>) target(%dma_start3A_521 : memref<128x128xf32, #tpu.memory_space<vmem>>) offsets(%dma_start3A_523 : memref<128xi32, #tpu.memory_space<vmem>>) semaphore(%arg22 : memref<!tpu.dma_semaphore, #tpu.memory_space<semaphore_mem>>)
          %dma_start3A_527 = arith.constant 128 : i32
          %dma_start3A_528 = arith.constant 0 : i32
          %dma_start3A_529 = tpu.memref_slice %arg8[%dma_start3A_527, %dma_start3A_528] : memref<256x128xf32, #tpu.memory_space<vmem>> -> memref<128x128xf32, #tpu.memory_space<vmem>>
          %dma_start3A_530 = arith.constant 128 : i32
          %dma_start3A_531 = tpu.memref_slice %arg14[%dma_start3A_530] : memref<256xi32, #tpu.memory_space<vmem>> -> memref<128xi32, #tpu.memory_space<vmem>>
          %dma_start3A_532 = arith.constant 0 : i32
          %dma_start3A_533 = arith.constant 0 : i32
          %dma_start3A_534 = tpu.memref_slice %arg3[%dma_start3A_532, %dma_start3A_533] : memref<500000x128xf32, #tpu.memory_space<hbm>> -> memref<500000x128xf32, #tpu.memory_space<hbm>>
          tpu.enqueue_indirect_dma source(%dma_start3A_534 : memref<500000x128xf32, #tpu.memory_space<hbm>>) target(%dma_start3A_529 : memref<128x128xf32, #tpu.memory_space<vmem>>) offsets(%dma_start3A_531 : memref<128xi32, #tpu.memory_space<vmem>>) semaphore(%arg22 : memref<!tpu.dma_semaphore, #tpu.memory_space<semaphore_mem>>)
          %add3A_535 = arith.constant 2 : i32
          %add3A_536 = arith.addi %scan3A_251, %add3A_535 : i32
          %lt3A_537 = arith.constant 100 : i32
          %lt3A_538 = arith.cmpi slt, %add3A_536, %lt3A_537 : i32
          %convert_element_type3A_539 = arith.extui %lt3A_538 : i1 to i32
          %cond3A_540 = arith.constant 0 : i32
          %cond3A_541 = arith.cmpi ne, %convert_element_type3A_539, %cond3A_540 : i32
          scf.if %cond3A_541 {
            %add3A_542 = arith.constant 2 : i32
            %add3A_543 = arith.addi %scan3A_251, %add3A_542 : i32
            %mul3A_544 = arith.constant 256 : i32
            %mul3A_545 = arith.muli %add3A_543, %mul3A_544 : i32
            %dma_start3A_546 = tpu.memref_slice %arg2[%add3A, %mul3A_545] : memref<32x25600xi32, #tpu.memory_space<hbm>> -> memref<1x256xi32, #tpu.memory_space<hbm>>
            %dma_start3A_547 = tpu.memref_squeeze %dma_start3A_546 : memref<1x256xi32, #tpu.memory_space<hbm>> -> memref<256xi32, #tpu.memory_space<hbm>>
            %dma_start3A_548 = tpu.memref_slice %arg2[%add3A, %mul3A_545] : memref<32x25600xi32, #tpu.memory_space<hbm>> -> memref<1x256xi32, #tpu.memory_space<hbm>>
            %dma_start3A_549 = tpu.memref_squeeze %dma_start3A_548 : memref<1x256xi32, #tpu.memory_space<hbm>> -> memref<256xi32, #tpu.memory_space<hbm>>
            tpu.enqueue_dma source(%dma_start3A_549 : memref<256xi32, #tpu.memory_space<hbm>>) target(%arg13 : memref<256xi32, #tpu.memory_space<vmem>>) target_semaphore(%arg26 : memref<!tpu.dma_semaphore, #tpu.memory_space<semaphore_mem>>)
          } else {
          }
        } else {
        }
        %parallel_loop3A = arith.constant 0 : i32
        %parallel_loop3A_305 = arith.constant 16 : i32
        %parallel_loop3A_306 = arith.constant 1 : i32
        scf.for %parallel_loop3A_319 = %parallel_loop3A to %parallel_loop3A_305 step %parallel_loop3A_306  : i32 {
          %parallel_loop3A_320 = arith.constant 8 : i32
          %parallel_loop3A_321 = arith.divsi %parallel_loop3A_319, %parallel_loop3A_320 : i32
          %parallel_loop3A_322 = arith.constant 0 : i32
          %parallel_loop3A_323 = arith.cmpi sgt, %parallel_loop3A_319, %parallel_loop3A_322 : i32
          %parallel_loop3A_324 = arith.extui %parallel_loop3A_323 : i1 to i32
          %parallel_loop3A_325 = arith.constant 0 : i32
          %parallel_loop3A_326 = arith.cmpi slt, %parallel_loop3A_319, %parallel_loop3A_325 : i32
          %parallel_loop3A_327 = arith.extui %parallel_loop3A_326 : i1 to i32
          %parallel_loop3A_328 = arith.subi %parallel_loop3A_324, %parallel_loop3A_327 : i32
          %parallel_loop3A_329 = arith.constant 0 : i32
          %parallel_loop3A_330 = arith.cmpi sgt, %parallel_loop3A_320, %parallel_loop3A_329 : i32
          %parallel_loop3A_331 = arith.extui %parallel_loop3A_330 : i1 to i32
          %parallel_loop3A_332 = arith.constant 0 : i32
          %parallel_loop3A_333 = arith.cmpi slt, %parallel_loop3A_320, %parallel_loop3A_332 : i32
          %parallel_loop3A_334 = arith.extui %parallel_loop3A_333 : i1 to i32
          %parallel_loop3A_335 = arith.subi %parallel_loop3A_331, %parallel_loop3A_334 : i32
          %parallel_loop3A_336 = arith.cmpi ne, %parallel_loop3A_328, %parallel_loop3A_335 : i32
          %parallel_loop3A_337 = arith.remsi %parallel_loop3A_319, %parallel_loop3A_320 : i32
          %parallel_loop3A_338 = arith.constant 0 : i32
          %parallel_loop3A_339 = arith.cmpi ne, %parallel_loop3A_337, %parallel_loop3A_338 : i32
          %parallel_loop3A_340 = arith.andi %parallel_loop3A_336, %parallel_loop3A_339 : i1
          %parallel_loop3A_341 = arith.constant 1 : i32
          %parallel_loop3A_342 = arith.subi %parallel_loop3A_321, %parallel_loop3A_341 : i32
          %parallel_loop3A_343 = arith.select %parallel_loop3A_340, %parallel_loop3A_342, %parallel_loop3A_321 : i32
          %parallel_loop3A_344 = arith.constant 8 : i32
          %parallel_loop3A_345 = arith.constant 0 : i32
          %parallel_loop3A_346 = arith.cmpi eq, %parallel_loop3A_344, %parallel_loop3A_345 : i32
          %parallel_loop3A_347 = arith.constant 1 : i32
          %parallel_loop3A_348 = arith.select %parallel_loop3A_346, %parallel_loop3A_347, %parallel_loop3A_344 : i32
          %parallel_loop3A_349 = arith.remsi %parallel_loop3A_319, %parallel_loop3A_348 : i32
          %parallel_loop3A_350 = arith.constant 0 : i32
          %parallel_loop3A_351 = arith.cmpi ne, %parallel_loop3A_349, %parallel_loop3A_350 : i32
          %parallel_loop3A_352 = arith.constant 0 : i32
          %parallel_loop3A_353 = arith.cmpi slt, %parallel_loop3A_349, %parallel_loop3A_352 : i32
          %parallel_loop3A_354 = arith.constant 0 : i32
          %parallel_loop3A_355 = arith.cmpi slt, %parallel_loop3A_348, %parallel_loop3A_354 : i32
          %parallel_loop3A_356 = arith.xori %parallel_loop3A_353, %parallel_loop3A_355 : i1
          %parallel_loop3A_357 = arith.andi %parallel_loop3A_356, %parallel_loop3A_351 : i1
          %parallel_loop3A_358 = arith.addi %parallel_loop3A_349, %parallel_loop3A_348 : i32
          %parallel_loop3A_359 = arith.select %parallel_loop3A_357, %parallel_loop3A_358, %parallel_loop3A_349 : i32
          %parallel_loop3A_360 = arith.constant 16 : i32
          %parallel_loop3A_361 = arith.muli %parallel_loop3A_359, %parallel_loop3A_360 : i32
          %parallel_loop3A_362 = arith.constant 128 : i32
          %parallel_loop3A_363 = arith.muli %parallel_loop3A_343, %parallel_loop3A_362 : i32
          %parallel_loop3A_364 = arith.addi %parallel_loop3A_363, %parallel_loop3A_361 : i32
          %parallel_loop3A_365 = vector.broadcast %parallel_loop3A_364 : i32 to vector<16xi32>
          %parallel_loop3A_366 = arith.addi %parallel_loop3A_365, %iota3A : vector<16xi32>
          %parallel_loop3A_367 = arith.constant 2 : i32
          %parallel_loop3A_368 = arith.muli %scan3A_251, %parallel_loop3A_367 : i32
          %parallel_loop3A_369 = arith.addi %parallel_loop3A_368, %parallel_loop3A_343 : i32
          %parallel_loop3A_370 = arith.constant 64 : i32
          %parallel_loop3A_371 = arith.muli %parallel_loop3A_369, %parallel_loop3A_370 : i32
          %parallel_loop3A_372 = tpu.vector_load_idx %arg17[%parallel_loop3A_366] : memref<256xi32, #tpu.memory_space<vmem>>[vector<16xi32>], vector<16xi32>,
          %parallel_loop3A_373 = arith.constant 6 : i32
          %parallel_loop3A_374 = vector.broadcast %parallel_loop3A_373 : i32 to vector<16xi32>
          %parallel_loop3A_375 = arith.shli %parallel_loop3A_372, %parallel_loop3A_374 : vector<16xi32>
          %parallel_loop3A_376 = arith.constant 3 : i32
          %parallel_loop3A_377 = arith.andi %parallel_loop3A_319, %parallel_loop3A_376 : i32
          %parallel_loop3A_378 = arith.constant 1024 : i32
          %parallel_loop3A_379 = arith.muli %parallel_loop3A_377, %parallel_loop3A_378 : i32
          %parallel_loop3A_380 = arith.constant 0.000000e+00 : f32
          %parallel_loop3A_381 = vector.broadcast %parallel_loop3A_380 : f32 to vector<16xf32>
          %parallel_loop3A_382 = arith.constant 0 : i32
          %parallel_loop3A_383 = arith.constant 64 : i32
          %parallel_loop3A_384 = arith.constant 1 : i32
          %parallel_loop3A_385:2 = scf.for %parallel_loop3A_438 = %parallel_loop3A_382 to %parallel_loop3A_383 step %parallel_loop3A_384 iter_args(%parallel_loop3A_439 = %parallel_loop3A_381, %parallel_loop3A_440 = %parallel_loop3A_381) -> (vector<16xf32>, vector<16xf32>)  : i32 {
            %parallel_loop3A_441 = vector.broadcast %parallel_loop3A_438 : i32 to vector<16xi32>
            %parallel_loop3A_442 = arith.addi %iota3A, %parallel_loop3A_441 : vector<16xi32>
            %parallel_loop3A_443 = arith.constant 63 : i32
            %parallel_loop3A_444 = vector.broadcast %parallel_loop3A_443 : i32 to vector<16xi32>
            %parallel_loop3A_445 = arith.andi %parallel_loop3A_442, %parallel_loop3A_444 : vector<16xi32>
            %parallel_loop3A_446 = arith.addi %parallel_loop3A_375, %parallel_loop3A_445 : vector<16xi32>
            %parallel_loop3A_447 = tpu.vector_load_idx %arg9[%parallel_loop3A_366, %parallel_loop3A_446] : memref<256x128xf32, #tpu.memory_space<vmem>>[vector<16xi32>, vector<16xi32>], vector<16xf32>,
            %parallel_loop3A_448 = vector.broadcast %parallel_loop3A_371 : i32 to vector<16xi32>
            %parallel_loop3A_449 = arith.addi %parallel_loop3A_448, %parallel_loop3A_445 : vector<16xi32>
            %parallel_loop3A_450 = tpu.vector_load_idx %arg19[%parallel_loop3A_449] : memref<12800xf32, #tpu.memory_space<vmem>>[vector<16xi32>], vector<16xf32>,
            %parallel_loop3A_451 = arith.addf %parallel_loop3A_447, %parallel_loop3A_450 : vector<16xf32>
            %parallel_loop3A_452 = arith.constant 16 : i32
            %parallel_loop3A_453 = arith.muli %parallel_loop3A_438, %parallel_loop3A_452 : i32
            %parallel_loop3A_454 = arith.addi %parallel_loop3A_379, %parallel_loop3A_453 : i32
            %parallel_loop3A_455 = vector.broadcast %parallel_loop3A_454 : i32 to vector<16xi32>
            %parallel_loop3A_456 = arith.addi %parallel_loop3A_455, %iota3A : vector<16xi32>
            tpu.vector_store_idx %arg18[%parallel_loop3A_456], %parallel_loop3A_451 : memref<4096xf32, #tpu.memory_space<vmem>>[vector<16xi32>], vector<16xf32>,
            %parallel_loop3A_457 = arith.addf %parallel_loop3A_439, %parallel_loop3A_451 : vector<16xf32>
            %parallel_loop3A_458 = arith.mulf %parallel_loop3A_451, %parallel_loop3A_451 : vector<16xf32>
            %parallel_loop3A_459 = arith.addf %parallel_loop3A_440, %parallel_loop3A_458 : vector<16xf32>
            scf.yield %parallel_loop3A_457, %parallel_loop3A_459 : vector<16xf32>, vector<16xf32>
          } {sc.loop_unroll_factor = 16 : i64, sc.parallel_access}
          %parallel_loop3A_386 = arith.constant 1.562500e-02 : f32
          %parallel_loop3A_387 = vector.broadcast %parallel_loop3A_386 : f32 to vector<16xf32>
          %parallel_loop3A_388 = arith.mulf %parallel_loop3A_385#0, %parallel_loop3A_387 : vector<16xf32>
          %parallel_loop3A_389 = arith.constant 1.562500e-02 : f32
          %parallel_loop3A_390 = vector.broadcast %parallel_loop3A_389 : f32 to vector<16xf32>
          %parallel_loop3A_391 = arith.mulf %parallel_loop3A_385#1, %parallel_loop3A_390 : vector<16xf32>
          %parallel_loop3A_392 = arith.mulf %parallel_loop3A_388, %parallel_loop3A_388 : vector<16xf32>
          %parallel_loop3A_393 = arith.subf %parallel_loop3A_391, %parallel_loop3A_392 : vector<16xf32>
          %parallel_loop3A_394 = arith.constant 9.99999996E-13 : f32
          %parallel_loop3A_395 = vector.broadcast %parallel_loop3A_394 : f32 to vector<16xf32>
          %parallel_loop3A_396 = arith.addf %parallel_loop3A_393, %parallel_loop3A_395 : vector<16xf32>
          %parallel_loop3A_397 = vector.bitcast %parallel_loop3A_396 : vector<16xf32> to vector<16xi32>
          %parallel_loop3A_398 = arith.constant 1 : i32
          %parallel_loop3A_399 = vector.broadcast %parallel_loop3A_398 : i32 to vector<16xi32>
          %parallel_loop3A_400 = arith.shrsi %parallel_loop3A_397, %parallel_loop3A_399 : vector<16xi32>
          %parallel_loop3A_401 = arith.constant 1597463007 : i32
          %parallel_loop3A_402 = vector.broadcast %parallel_loop3A_401 : i32 to vector<16xi32>
          %parallel_loop3A_403 = arith.subi %parallel_loop3A_402, %parallel_loop3A_400 : vector<16xi32>
          %parallel_loop3A_404 = vector.bitcast %parallel_loop3A_403 : vector<16xi32> to vector<16xf32>
          %parallel_loop3A_405 = arith.constant 5.000000e-01 : f32
          %parallel_loop3A_406 = vector.broadcast %parallel_loop3A_405 : f32 to vector<16xf32>
          %parallel_loop3A_407 = arith.mulf %parallel_loop3A_406, %parallel_loop3A_396 : vector<16xf32>
          %parallel_loop3A_408 = arith.mulf %parallel_loop3A_407, %parallel_loop3A_404 : vector<16xf32>
          %parallel_loop3A_409 = arith.mulf %parallel_loop3A_408, %parallel_loop3A_404 : vector<16xf32>
          %parallel_loop3A_410 = arith.constant 1.500000e+00 : f32
          %parallel_loop3A_411 = vector.broadcast %parallel_loop3A_410 : f32 to vector<16xf32>
          %parallel_loop3A_412 = arith.subf %parallel_loop3A_411, %parallel_loop3A_409 : vector<16xf32>
          %parallel_loop3A_413 = arith.mulf %parallel_loop3A_404, %parallel_loop3A_412 : vector<16xf32>
          %parallel_loop3A_414 = arith.constant 5.000000e-01 : f32
          %parallel_loop3A_415 = vector.broadcast %parallel_loop3A_414 : f32 to vector<16xf32>
          %parallel_loop3A_416 = arith.mulf %parallel_loop3A_415, %parallel_loop3A_396 : vector<16xf32>
          %parallel_loop3A_417 = arith.mulf %parallel_loop3A_416, %parallel_loop3A_413 : vector<16xf32>
          %parallel_loop3A_418 = arith.mulf %parallel_loop3A_417, %parallel_loop3A_413 : vector<16xf32>
          %parallel_loop3A_419 = arith.constant 1.500000e+00 : f32
          %parallel_loop3A_420 = vector.broadcast %parallel_loop3A_419 : f32 to vector<16xf32>
          %parallel_loop3A_421 = arith.subf %parallel_loop3A_420, %parallel_loop3A_418 : vector<16xf32>
          %parallel_loop3A_422 = arith.mulf %parallel_loop3A_413, %parallel_loop3A_421 : vector<16xf32>
          %parallel_loop3A_423 = arith.constant 5.000000e-01 : f32
          %parallel_loop3A_424 = vector.broadcast %parallel_loop3A_423 : f32 to vector<16xf32>
          %parallel_loop3A_425 = arith.mulf %parallel_loop3A_424, %parallel_loop3A_396 : vector<16xf32>
          %parallel_loop3A_426 = arith.mulf %parallel_loop3A_425, %parallel_loop3A_422 : vector<16xf32>
          %parallel_loop3A_427 = arith.mulf %parallel_loop3A_426, %parallel_loop3A_422 : vector<16xf32>
          %parallel_loop3A_428 = arith.constant 1.500000e+00 : f32
          %parallel_loop3A_429 = vector.broadcast %parallel_loop3A_428 : f32 to vector<16xf32>
          %parallel_loop3A_430 = arith.subf %parallel_loop3A_429, %parallel_loop3A_427 : vector<16xf32>
          %parallel_loop3A_431 = arith.mulf %parallel_loop3A_422, %parallel_loop3A_430 : vector<16xf32>
          %parallel_loop3A_432 = vector.broadcast %parallel_loop3A_343 : i32 to vector<16xi32>
          %parallel_loop3A_433 = vector.broadcast %parallel_loop3A_361 : i32 to vector<16xi32>
          %parallel_loop3A_434 = arith.addi %parallel_loop3A_433, %iota3A : vector<16xi32>
          %parallel_loop3A_435 = arith.constant 0 : i32
          %parallel_loop3A_436 = arith.constant 64 : i32
          %parallel_loop3A_437 = arith.constant 1 : i32
          scf.for %parallel_loop3A_438 = %parallel_loop3A_435 to %parallel_loop3A_436 step %parallel_loop3A_437  : i32 {
            %parallel_loop3A_439 = vector.broadcast %parallel_loop3A_438 : i32 to vector<16xi32>
            %parallel_loop3A_440 = arith.subi %parallel_loop3A_439, %iota3A : vector<16xi32>
            %parallel_loop3A_441 = arith.constant 63 : i32
            %parallel_loop3A_442 = vector.broadcast %parallel_loop3A_441 : i32 to vector<16xi32>
            %parallel_loop3A_443 = arith.andi %parallel_loop3A_440, %parallel_loop3A_442 : vector<16xi32>
            %parallel_loop3A_444 = arith.constant 4 : i32
            %parallel_loop3A_445 = vector.broadcast %parallel_loop3A_444 : i32 to vector<16xi32>
            %parallel_loop3A_446 = arith.shli %parallel_loop3A_443, %parallel_loop3A_445 : vector<16xi32>
            %parallel_loop3A_447 = vector.broadcast %parallel_loop3A_379 : i32 to vector<16xi32>
            %parallel_loop3A_448 = arith.addi %parallel_loop3A_447, %parallel_loop3A_446 : vector<16xi32>
            %parallel_loop3A_449 = arith.addi %parallel_loop3A_448, %iota3A : vector<16xi32>
            %parallel_loop3A_450 = tpu.vector_load_idx %arg18[%parallel_loop3A_449] : memref<4096xf32, #tpu.memory_space<vmem>>[vector<16xi32>], vector<16xf32>,
            %parallel_loop3A_451 = arith.constant 16 : i32
            %parallel_loop3A_452 = arith.muli %parallel_loop3A_438, %parallel_loop3A_451 : i32
            %parallel_loop3A_453 = arith.index_cast %parallel_loop3A_452 : i32 to index
            %parallel_loop3A_454 = tpu.vector_load %arg20[%parallel_loop3A_453] {strides = array<i32>} : memref<1024xf32, #tpu.memory_space<vmem>>, vector<16xf32>,
            %parallel_loop3A_455 = arith.constant 16 : i32
            %parallel_loop3A_456 = arith.muli %parallel_loop3A_438, %parallel_loop3A_455 : i32
            %parallel_loop3A_457 = arith.index_cast %parallel_loop3A_456 : i32 to index
            %parallel_loop3A_458 = tpu.vector_load %arg21[%parallel_loop3A_457] {strides = array<i32>} : memref<1024xf32, #tpu.memory_space<vmem>>, vector<16xf32>,
            %parallel_loop3A_459 = arith.subf %parallel_loop3A_450, %parallel_loop3A_388 : vector<16xf32>
            %parallel_loop3A_460 = arith.mulf %parallel_loop3A_459, %parallel_loop3A_431 : vector<16xf32>
            %parallel_loop3A_461 = arith.mulf %parallel_loop3A_460, %parallel_loop3A_454 : vector<16xf32>
            %parallel_loop3A_462 = arith.addf %parallel_loop3A_461, %parallel_loop3A_458 : vector<16xf32>
            %parallel_loop3A_463 = arith.constant 3 : i32
            %parallel_loop3A_464 = arith.shrsi %parallel_loop3A_438, %parallel_loop3A_463 : i32
            %parallel_loop3A_465 = vector.broadcast %parallel_loop3A_464 : i32 to vector<16xi32>
            %parallel_loop3A_466 = arith.constant 7 : i32
            %parallel_loop3A_467 = arith.andi %parallel_loop3A_438, %parallel_loop3A_466 : i32
            %parallel_loop3A_468 = vector.broadcast %parallel_loop3A_467 : i32 to vector<16xi32>
            tpu.vector_store_idx %arg11[%parallel_loop3A_432, %parallel_loop3A_465, %parallel_loop3A_468, %parallel_loop3A_434], %parallel_loop3A_462 : memref<2x8x8x128xf32, #tpu.memory_space<vmem>>[vector<16xi32>, vector<16xi32>, vector<16xi32>, vector<16xi32>], vector<16xf32>,
          } {sc.loop_unroll_factor = 16 : i64, sc.parallel_access}
        } {sc.loop_unroll_factor = 2 : i64, sc.parallel_access}
        %mul3A_307 = arith.constant 2 : i32
        %mul3A_308 = arith.muli %scan3A_251, %mul3A_307 : i32
        %dma_start3A_309 = arith.constant 0 : i32
        %dma_start3A_310 = arith.constant 0 : i32
        %dma_start3A_311 = arith.constant 0 : i32
        %dma_start3A_312 = tpu.memref_slice %arg7[%mul3A_308, %dma_start3A_309, %add3A, %dma_start3A_310, %dma_start3A_311] : memref<200x8x32x8x128xf32, #tpu.memory_space<hbm>> -> memref<2x8x1x8x128xf32, #tpu.memory_space<hbm>>
        %dma_start3A_313 = tpu.memref_squeeze %dma_start3A_312 : memref<2x8x1x8x128xf32, #tpu.memory_space<hbm>> -> memref<2x8x8x128xf32, #tpu.memory_space<hbm>>
        %dma_start3A_314 = arith.constant 0 : i32
        %dma_start3A_315 = arith.constant 0 : i32
        %dma_start3A_316 = arith.constant 0 : i32
        %dma_start3A_317 = tpu.memref_slice %arg7[%mul3A_308, %dma_start3A_314, %add3A, %dma_start3A_315, %dma_start3A_316] : memref<200x8x32x8x128xf32, #tpu.memory_space<hbm>> -> memref<2x8x1x8x128xf32, #tpu.memory_space<hbm>>
        %dma_start3A_318 = tpu.memref_squeeze %dma_start3A_317 : memref<2x8x1x8x128xf32, #tpu.memory_space<hbm>> -> memref<2x8x8x128xf32, #tpu.memory_space<hbm>>
        tpu.enqueue_dma source(%arg11 : memref<2x8x8x128xf32, #tpu.memory_space<vmem>>) target(%dma_start3A_318 : memref<2x8x8x128xf32, #tpu.memory_space<hbm>>) target_semaphore(%arg25 : memref<!tpu.dma_semaphore, #tpu.memory_space<semaphore_mem>>)
      } else {
      }
      %scan3A_287 = arith.constant 0 : i32
      scf.yield %scan3A_287 : i32
    }
    %scan3A_226 = arith.constant 100 : i32
    %dma_wait3A_227 = arith.constant 0 : i32
    %dma_wait3A_228 = arith.constant 0 : i32
    %dma_wait3A_229 = arith.constant 0 : i32
    %dma_wait3A_230 = arith.constant 0 : i32
    %dma_wait3A_231 = tpu.memref_slice %arg7[%dma_wait3A_227, %dma_wait3A_228, %add3A, %dma_wait3A_229, %dma_wait3A_230] : memref<200x8x32x8x128xf32, #tpu.memory_space<hbm>> -> memref<2x8x1x8x128xf32, #tpu.memory_space<hbm>>
    %dma_wait3A_232 = tpu.memref_squeeze %dma_wait3A_231 : memref<2x8x1x8x128xf32, #tpu.memory_space<hbm>> -> memref<2x8x8x128xf32, #tpu.memory_space<hbm>>
    %dma_wait3A_233 = arith.constant 0 : i32
    %dma_wait3A_234 = arith.constant 0 : i32
    %dma_wait3A_235 = arith.constant 0 : i32
    %dma_wait3A_236 = arith.constant 0 : i32
    %dma_wait3A_237 = tpu.memref_slice %arg7[%dma_wait3A_233, %dma_wait3A_234, %add3A, %dma_wait3A_235, %dma_wait3A_236] : memref<200x8x32x8x128xf32, #tpu.memory_space<hbm>> -> memref<2x8x1x8x128xf32, #tpu.memory_space<hbm>>
    %dma_wait3A_238 = tpu.memref_squeeze %dma_wait3A_237 : memref<2x8x1x8x128xf32, #tpu.memory_space<hbm>> -> memref<2x8x8x128xf32, #tpu.memory_space<hbm>>
    tpu.wait_dma2 semaphore(%arg24 : memref<!tpu.dma_semaphore, #tpu.memory_space<semaphore_mem>>) src(%arg10 : memref<2x8x8x128xf32, #tpu.memory_space<vmem>>) dst(%dma_wait3A_238 : memref<2x8x8x128xf32, #tpu.memory_space<hbm>>)
    %dma_wait3A_239 = arith.constant 0 : i32
    %dma_wait3A_240 = arith.constant 0 : i32
    %dma_wait3A_241 = arith.constant 0 : i32
    %dma_wait3A_242 = arith.constant 0 : i32
    %dma_wait3A_243 = tpu.memref_slice %arg7[%dma_wait3A_239, %dma_wait3A_240, %add3A, %dma_wait3A_241, %dma_wait3A_242] : memref<200x8x32x8x128xf32, #tpu.memory_space<hbm>> -> memref<2x8x1x8x128xf32, #tpu.memory_space<hbm>>
    %dma_wait3A_244 = tpu.memref_squeeze %dma_wait3A_243 : memref<2x8x1x8x128xf32, #tpu.memory_space<hbm>> -> memref<2x8x8x128xf32, #tpu.memory_space<hbm>>
    %dma_wait3A_245 = arith.constant 0 : i32
    %dma_wait3A_246 = arith.constant 0 : i32
    %dma_wait3A_247 = arith.constant 0 : i32
    %dma_wait3A_248 = arith.constant 0 : i32
    %dma_wait3A_249 = tpu.memref_slice %arg7[%dma_wait3A_245, %dma_wait3A_246, %add3A, %dma_wait3A_247, %dma_wait3A_248] : memref<200x8x32x8x128xf32, #tpu.memory_space<hbm>> -> memref<2x8x1x8x128xf32, #tpu.memory_space<hbm>>
    %dma_wait3A_250 = tpu.memref_squeeze %dma_wait3A_249 : memref<2x8x1x8x128xf32, #tpu.memory_space<hbm>> -> memref<2x8x8x128xf32, #tpu.memory_space<hbm>>
    tpu.wait_dma2 semaphore(%arg25 : memref<!tpu.dma_semaphore, #tpu.memory_space<semaphore_mem>>) src(%arg11 : memref<2x8x8x128xf32, #tpu.memory_space<vmem>>) dst(%dma_wait3A_250 : memref<2x8x8x128xf32, #tpu.memory_space<hbm>>)
    return
  }
}

</mosaic_0001>

<sc_bundles>
// kernel: kernel.3.cloned.1.call-start
scs
__scs_entry_jumppad:
0x0: {  	(pc) =	sbr.rel $0x88, $3  }
0x1: {  	(tag) =	ssettag $0x0;
	lr =	simm.s32 $0x1  }
0x2: {  	[smem:$0x3F9C] =	sst lr;
	_ =	strace $0xD0000000  }
0x3: {  	_ = 	snop  }
0x4: {  	_ = 	snop  }
0x5: {  	_ = 	snop  }
0x6: {  	_ = 	snop  }
0x7: {  	_ = 	snop  }
__scs_overlays_trampoline_lowered:
0x8: {  	[smem:$0x3FAB] =	sst s0  }
0x9: {  	[smem:$0x3FAC] =	sst s1  }
0xa: {  	[smem:$0x3FAD] =	sst s2  }
0xb: {  	[smem:$0x3FAE] =	sst s3  }
0xc: {  	[smem:$0x3FAF] =	sst s4  }
0xd: {  	[smem:$0x3FB0] =	sst s5  }
0xe: {  	[smem:$0x3FB1] =	sst s6  }
0xf: {  	[smem:$0x3FB2] =	sst s7  }
0x10: {  	[smem:$0x3FB3] =	sst s8  }
0x11: {  	[smem:$0x3FB4] =	sst s9;
	s0 =	simm.s32 @!p0 $0x0  }
0x12: {  	s1 =	sld [smem:$0x3F9A];
	s0 =	simm.s32 @p0 $0x1  }
0x13: {  	[smem:$0x3FB5] =	sst s0;
	s0 =	simm.s32 @!p1 $0x0  }
0x14: {  	s2 =	sld [smem:$0x3F99];
	s0 =	simm.s32 @p1 $0x1  }
0x15: {  	[smem:$0x3FB6] =	sst s0;
	s0 =	simm.s32 @!p2 $0x0  }
0x16: {  	s3 =	sld [smem:$0x3FDB];
	s0 =	simm.s32 @p2 $0x1  }
0x17: {  	s4 =	simm.s32 $0x1BF5;
	[smem:$0x3FB8] =	sst s0  }
0x18: {  	s0 =	sld [smem:$0x3F9B];
	_ =	swait.ge [sflag:s4], $0x0  }
0x19: {  	s7 =	sld [smem:$0x3F9C]  }
0x1a: {  	s8 =	sadd.s32 $0xFFFFE003, lr  }
0x1b: {  	s9 =	sadd.s32 $0xFFFFFEF7, lr;
	s5 =	simm.s32 $0xFFFFFFFF;
	p2 =	slt.u32 s8, $0xFFFFF086  }
0x1c: {  	p1 =	slt.u32 s9, $0xF7A;
	s5 =	simm.s32 @!p2 $0x0  }
0x1d: {  	s5 =	simm.s32 @p1 $0x1;
	p0 =	seq.s32 s7, s2  }
0x1e: {  	s7 =	smul.u32 @!p0 $0xF7A, s2;
	p2 =	seq.s32 @!p0 s5, $0x0  }
0x1f: {  	s9 =	smul.u32 $0xF7A, s1;
	s8 =	simm.s32 @!p0 $0x1BF5;
	p2 =	por !p2, p0  }
0x20: {  	[sflag:s8] =	ssyncset.s32 @!p0 $0xFFFFF086;
	s6 =	sadd.s32 @!p0 s3, s7;
	s7 =	simm.s32 @!p0 $0x108  }
0x21: {  	s3 =	sadd.s32 s3, s9;
	s6 =	sadd.s32 @!p0 $0x88, s6;
	s7 =	simm.s32 @p2 $0x1082  }
0x22: {  	[simem:s7], [sflag:s8] =	dma.local @!p0 [hbm:s6], $0xF7A  }
0x23: {  	s9 =	sor.u32 $0xD0000000, s2;
	s6 =	simm.s32 $0x108;
	_ =	swait.ge @!p0 [sflag:s8], $0x0  }
0x24: {  	s3 =	sadd.s32 $0x88, s3;
	s6 =	simm.s32 @!p1 $0x1082;
	[sflag:s4] =	ssyncset.s32 $0xFFFFF086  }
0x25: {  	[simem:s6], [sflag:s4] =	dma.local [hbm:s3], $0xF7A  }
0x26: {  	[smem:$0x3F9C] =	sst s1;
	(tag) =	ssettag s2;
	_ =	strace s9  }
0x27: {  	s1 =	sld [smem:$0x3FAC]  }
0x28: {  	s2 =	sld [smem:$0x3FAD]  }
0x29: {  	s4 =	sld [smem:$0x3FAF]  }
0x2a: {  	p0 =	seq.s32 s5, $0x0;
	s5 =	sld [smem:$0x3FB0]  }
0x2b: {  	s6 =	sld [smem:$0x3FB1]  }
0x2c: {  	s7 =	sld [smem:$0x3FB2]  }
0x2d: {  	s3 =	simm.s32 $0x108;
	s8 =	sld [smem:$0x3FB3]  }
0x2e: {  	s3 =	simm.s32 @!p0 $0x1082;
	s9 =	sld [smem:$0x3FB4]  }
0x2f: {  	lr =	sadd.s32 s0, s3;
	s0 =	sld [smem:$0x3FAB]  }
0x30: {  	s3 =	sld [smem:$0x3FAE]  }
0x31: {  	[smem:$0x3FB7] =	sst s10  }
0x32: {  	s10 =	sld [smem:$0x3FB5];
	_ =	sdelay $0x3  }
0x33: {  	p0 =	seq.s32 s10, $0x1;
	s10 =	sld [smem:$0x3FB7];
	_ =	sdelay $0x3  }
0x34: {  	[smem:$0x3FB7] =	sst s10  }
0x35: {  	s10 =	sld [smem:$0x3FB6];
	_ =	sdelay $0x3  }
0x36: {  	p1 =	seq.s32 s10, $0x1;
	s10 =	sld [smem:$0x3FB7];
	_ =	sdelay $0x3  }
0x37: {  	[smem:$0x3FB7] =	sst s10  }
0x38: {  	s10 =	sld [smem:$0x3FB8]  }
0x39: {  	_ = 	snop;
	(pc) =	sbr.ind lr, $3  }
0x3a: {  	_ = 	snop  }
0x3b: {  	_ = 	snop  }
0x3c: {  	p2 =	seq.s32 s10, $0x1;
	s10 =	sld [smem:$0x3FB7]  }
0x3d: {  	_ =	shalt  }
0x3e: {  	_ =	shalt  }
0x3f: {  	_ =	shalt  }
0x40: {  	_ =	shalt  }
0x41: {  	_ =	shalt  }
0x42: {  	_ =	shalt  }
0x43: {  	_ =	shalt  }
0x44: {  	_ =	shalt  }
0x45: {  	_ =	shalt  }
0x46: {  	_ =	shalt  }
0x47: {  	_ =	shalt  }
0x48: {  	_ =	shalt  }
0x49: {  	_ =	shalt  }
0x4a: {  	_ =	shalt  }
0x4b: {  	_ =	shalt  }
0x4c: {  	_ =	shalt  }
0x4d: {  	_ =	shalt  }
0x4e: {  	_ =	shalt  }
0x4f: {  	_ =	shalt  }
0x50: {  	_ =	shalt  }
0x51: {  	_ =	shalt  }
0x52: {  	_ =	shalt  }
0x53: {  	_ =	shalt  }
0x54: {  	_ =	shalt  }
0x55: {  	_ =	shalt  }
0x56: {  	_ =	shalt  }
0x57: {  	_ =	shalt  }
0x58: {  	_ =	shalt  }
0x59: {  	_ =	shalt  }
0x5a: {  	_ =	shalt  }
0x5b: {  	_ =	shalt  }
0x5c: {  	_ =	shalt  }
0x5d: {  	_ =	shalt  }
0x5e: {  	_ =	shalt  }
0x5f: {  	_ =	shalt  }
0x60: {  	_ =	shalt  }
0x61: {  	_ =	shalt  }
0x62: {  	_ =	shalt  }
0x63: {  	_ =	shalt  }
0x64: {  	_ =	shalt  }
0x65: {  	_ =	shalt  }
0x66: {  	_ =	shalt  }
0x67: {  	_ =	shalt  }
0x68: {  	_ =	shalt  }
0x69: {  	_ =	shalt  }
0x6a: {  	_ =	shalt  }
0x6b: {  	_ =	shalt  }
0x6c: {  	_ =	shalt  }
0x6d: {  	_ =	shalt  }
0x6e: {  	_ =	shalt  }
0x6f: {  	_ =	shalt  }
0x70: {  	_ =	shalt  }
0x71: {  	_ =	shalt  }
0x72: {  	_ =	shalt  }
0x73: {  	_ =	shalt  }
0x74: {  	_ =	shalt  }
0x75: {  	_ =	shalt  }
0x76: {  	_ =	shalt  }
0x77: {  	_ =	shalt  }
0x78: {  	_ =	shalt  }
0x79: {  	_ =	shalt  }
0x7a: {  	_ =	shalt  }
0x7b: {  	_ =	shalt  }
0x7c: {  	_ =	shalt  }
0x7d: {  	_ =	shalt  }
0x7e: {  	_ =	shalt  }
0x7f: {  	_ =	shalt  }
0x80: {  	_ =	shalt  }
0x81: {  	_ =	shalt  }
0x82: {  	_ =	shalt  }
0x83: {  	_ =	shalt  }
0x84: {  	_ =	shalt  }
0x85: {  	_ =	shalt  }
0x86: {  	_ =	shalt  }
0x87: {  	_ =	shalt  }
.Lfunc_end0:
.L_simem_size_0:
called_computation_lowered:
.L_overlay_start_0:
0x88: {  	s2 =	sld [smem:$0x3FD9]  }
0x89: {  	s3 =	sld [smem:$0x3FFE];
	_ =	sdelay $0x1  }
0x8a: {  	s1 =	srdreg.scid  }
0x8b: {  	s0 =	sand.u32 $0x1, s1  }
0x8c: {  	s17 =	sshll.u32 s0, $0xA;
	s2 =	sadd.s32 s3, s2  }
0x8d: {  	s2 =	sadd.s32 s2, s17  }
0x8e: {  	[smem:$0x3FC3] =	sst s2  }
0x8f: {  	_ = 	snop  }
0x90: {  	s2 =	sld [smem:$0x3FD0];
	(tm) =	ssettm $0x1  }
0x91: {  	s18 =	sld [smem:$0x3FFB];
	_ =	sdelay $0x3  }
0x92: {  	_ =	strace s18  }
0x93: {  	s3 =	sld [smem:$0x3FFC];
	_ =	sdelay $0x3  }
0x94: {  	_ =	strace s3  }
0x95: {  	s3 =	sld [smem:$0x3FFD];
	_ =	sdelay $0x3  }
0x96: {  	_ =	strace s3  }
0x97: {  	_ =	strace $0x8FFFFFFF  }
0x98: {  	s19 =	sld [smem:$0x3FDB];
	_ =	sdelay $0x1  }
0x99: {  	s4 =	simm.s32 $_scs_section_size  }
0x9a: {  	s5 =	simm.s32 $_size__tile_overlayer_lowered;
	s6 =	simm.s32 $_tile_overlayer_lowered  }
0x9b: {  	s22 =	simm.s32 $0x1BFF;
	s21 =	sshll.u32 s6, $0x1;
	s3 =	sadd.s32 s4, s19  }
0x9c: {  	s7 =	simm.s32 $0x0;
	s20 =	sshll.u32 s5, $0x1;
	s5 =	sadd.s32 s21, s3  }
0x9d: {  	[timem:s7], [sflag:s22] =	dma.local [hbm:s5], s20  }
0x9e: {  	_ =	swait.ge [sflag:s22], s20  }
0x9f: {  	s4 =	ssub.s32 $0x0, s20;
	[sflag:s22] =	ssyncset.done $0x0  }
0xa0: {  	[sflag:s22] =	ssyncadd.s32 s4;
	_ =	sdelay $0x1  }
0xa1: {  	s23 =	simm.s32 $0x1B8B  }
0xa2: {  	_ =	swait.ge [sflag:s23], $0x1  }
0xa3: {  	[sflag:s23] =	ssyncset.done $0x0  }
0xa4: {  	s25 =	simm.s32 $0x1B8E;
	s24 =	sld [smem:$0x3FFE];
	[sflag:s23] =	ssyncadd.s32 $0xFFFFFFFF  }
0xa5: {  	s26 =	simm.s32 $execute0_lowered;
	[smem:$0x3FD2] =	sst s25  }
0xa6: {  	s5 =	sshll.u32 s26, $0x1;
	_ =	strace $0x80000046;
	[dreg:$0x1] =	wrdreg $0xFFFFFFFF  }
0xa7: {  	s28 =	simm.s32 $_size_execute0_lowered;
	s3 =	sadd.s32 s3, s5;
	[dreg:$0x0] =	wrdreg $0x0  }
0xa8: {  	s5 =	sshll.u32 s28, $0x1;
	[dreg:$0x2] =	wrdreg s3  }
0xa9: {  	[dreg:$0x3] =	wrdreg s5  }
0xaa: {  	[dreg:$0x4] =	wrdreg $0xC0  }
0xab: {  	_ =	task [dreg:s7], $0x5FFFF  }
0xac: {  	[dreg:$0x1] =	wrdreg $0xFFFFFFFF  }
0xad: {  	[dreg:$0x0] =	wrdreg $0x60  }
0xae: {  	[dreg:$0x2] =	wrdreg s24  }
0xaf: {  	[dreg:$0x3] =	wrdreg s2  }
0xb0: {  	[dreg:$0x4] =	wrdreg $0x9  }
0xb1: {  	_ =	task.clear_ibuf [dreg:s7], $0x5FFFF;
	_ =	strace $0x90000046  }
0xb2: {  	s29 =	simm.s32 $0x9;
	_ =	strace $0x80000048  }
0xb3: {  	_ =	swait.ge [sflag:s29], $0x1  }
0xb4: {  	[sflag:s29] =	ssyncadd.s32 $0xFFFFFFFF  }
0xb5: {  	_ =	strace $0x90000048  }
0xb6: {  	_ =	sfence  }
0xb7: {  	s30 =	sld [smem:$0x0];
	_ =	sdelay $0x2  }
0xb8: {  	s31 =	sshll.u32 s1, $0xD;
	s1 =	sshrl.u32 s1, $0x2  }
0xb9: {  	s3 =	sand.u32 $0x4000, s31;
	s1 =	sadd.s32 s1, s30  }
0xba: {  	s0 =	sor.u32 s3, s0;
	s1 =	sshll.u32 s1, $0x11  }
0xbb: {  	s0 =	sor.u32 s1, s0  }
0xbc: {  	s0 =	sadd.s32 $0x8F2B, s0  }
0xbd: {  	[sflag:s0] =	ssyncadd.remote.s32 $0x1  }
0xbe: {  	_ =	sfence.sel $0xFFFF  }
0xbf: {  	[dreg:$0x0] =	wrdreg $0xFFFFFFFF;
	(pc) =	sbr.abs _section_cstart, $3  }
0xc0: {  	[dreg:$0x1] =	wrdreg $0xFFFFFFFF  }
0xc1: {  	_ =	task.clear_ibuf [dreg:s7], $0x2FFFF;
	_ =	strace $0x9FFFFFFF  }
0xc2: {  	(tm) =	ssettm $0x7FFFFFFF  }
0xc3: {  	_ =	shalt  }
tec
execute0_lowered:
.L_overlay_start_1:
0x0: {  	(tag) =	ssettag $0x1  }
0x1: {  	s0 =	rddreg [dreg:$0x0]  }
0x2: {  	s1 =	rddreg [dreg:$0x1];
	s2 =	simm.s32 $0x0;
	s3 =	srdreg.scid  }
0x3: {  	s4 =	stileid.u32;
	s13 =	simm.s32 $0x19600;
	s17 =	simm.s32 $0x80  }
0x4: {  	s28 =	simm.s32 $0x18500;
	s29 =	simm.s32 $0x8000;
	s30 =	simm.s32 $0x18600  }
0x5: {  	s31 =	simm.s32 $0x14000;
	[smem:$0x7FF] =	sst s2;
	s5 =	sand.u32 $0x1, s3  }
0x6: {  	s20 =	sshrl.u32 s4, $0x2;
	s4 =	sshll.u32 s4, $0x8;
	s9 =	sadd.s32 $0x19C00, s0  }
0x7: {  	s22 =	sadd.s32 $0x1A400, s0;
	_ =	strace $0x80000047;
	[dreg:$0x4] =	wrdreg s9  }
0x8: {  	s21 =	sadd.s32 $0xC00, s0;
	s6 =	sshll.u32 s5, $0x7;
	[dreg:$0x5] =	wrdreg s22  }
0x9: {  	s7 =	smul.u32 $0x32000, s20;
	s5 =	ssub.s32 $0x2, s5;
	[dreg:$0x3] =	wrdreg s21  }
0xa: {  	s20 =	simm.s32 $0x5;
	s6 =	sor.u32 s6, s4;
	s4 =	sadd.s32 $0xF43000, s0  }
0xb: {  	s23 =	sshrl.u32 s5, $0x1;
	s0 =	sadd.s32 $0x1A600, s0;
	s8 =	sand.u32 $0x380, s6  }
0xc: {  	[dreg:$0x6] =	wrdreg s0;
	s25 =	ssub.s32 s5, s23;
	s11 =	sadd.s32 s1, s6  }
.Ltmp0:
0xd: {  	s7 =	sor.u32 s7, s8;
	s0 =	smax.u32 s25, $0x1;
	(pc) =	sbr.rel .LBB2_1-.Ltmp0, $4  }
0xe: {  	s24 =	sshrl.u32 s7, $0x3;
	s26 =	sor.u32 $0x1000, s7;
	[dreg:$0xa] =	wrdreg s0  }
0xf: {  	s5 =	simm.s32 $0x10000;
	s3 =	sadd.s32 s21, s24;
	[dreg:$0x9] =	wrdreg s26  }
0x10: {  	v0 =	vlaneseq.u32;
	v1 =	vimm.s32 $0x0;
	vm0 =	vcmask $0x300;
	s25 =	simm.s32 $0x2;
	[dreg:$0x7] =	wrdreg s3;
	s3 =	sadd.s32 $0x100, s3  }
0x11: {  	v1 =	vsel vm0, $0x7, v1;
	v2 =	vor.u32 $0x70, v0;
	s24 =	simm.s32 $0x18400;
	[dreg:$0x8] =	wrdreg s3;
	s3 =	simm.s32 $0x0  }
.LBB2_28:
0x12: {  	s0 =	simm.s32 $0x3  }
0x13: {  	_ =	swait.ge [sflag:s0], $0x4000  }
0x14: {  	[sflag:s0] =	ssyncset.done $0x0  }
0x15: {  	s1 =	simm.s32 $0x4;
	[sflag:s0] =	ssyncadd.s32 $0xFFFFC000  }
0x16: {  	_ =	swait.ge [sflag:s1], $0x4000  }
0x17: {  	s3 =	rddreg [dreg:$0xb]  }
0x18: {  	s26 =	rddreg [dreg:$0xa];
	s3 =	sadd.s32 $0x1, s3  }
0x19: {  	p0 =	sne.s32 s3, s26  }
.Ltmp1:
0x1a: {  	_ = 	snop;
	(pc) =	sbr.rel @!p0 .LBB2_29-.Ltmp1, $3  }
0x1b: {  	_ =	sdelay $0x1  }
0x1c: {  	[sflag:s1] =	ssyncset.done $0x0  }
0x1d: {  	[sflag:s1] =	ssyncadd.s32 $0xFFFFC000  }
.LBB2_1:
0x1e: {  	[dreg:$0xb] =	wrdreg s3  }
0x1f: {  	s0 =	rddreg [dreg:$0x4];
	s1 =	simm.s32 $0x6  }
0x20: {  	[tilespmem:s13], [sflag:$0x6] =	stream.linear.gather [hbm4b:s0+s2], $0x3200, $0x38;
	[tilespmem:$0x1D000] =	vst v63  }
0x21: {  	_ =	swait.ge [sflag:s1], $0x3200  }
0x22: {  	[sflag:s1] =	ssyncset.done $0x0  }
0x23: {  	s10 =	simm.s32 $0x1C800;
	s9 =	rddreg [dreg:$0x5];
	[sflag:s1] =	ssyncadd.s32 $0xFFFFCE00  }
0x24: {  	[tilespmem:s10], [sflag:$0x6] =	stream.linear.gather [hbm4b:s9+s2], $0x400, $0x38;
	[tilespmem:$0x1D000] =	vst v63  }
0x25: {  	_ =	swait.ge [sflag:s1], $0x400  }
0x26: {  	[sflag:s1] =	ssyncset.done $0x0  }
0x27: {  	s14 =	simm.s32 $0x1CC00;
	s12 =	rddreg [dreg:$0x6];
	[sflag:s1] =	ssyncadd.s32 $0xFFFFFC00  }
0x28: {  	[tilespmem:s14], [sflag:$0x6] =	stream.linear.gather [hbm4b:s12+s2], $0x400, $0x38;
	[tilespmem:$0x1D000] =	vst v63  }
0x29: {  	_ =	swait.ge [sflag:s1], $0x400  }
0x2a: {  	s16 =	simm.s32 $0x400;
	[sflag:s1] =	ssyncset.done $0x0  }
0x2b: {  	s18 =	simm.s32 $0x18000;
	s15 =	rddreg [dreg:$0x7];
	[sflag:s1] =	ssyncadd.s32 $0xFFFFFC00  }
0x2c: {  	[tilespmem:s18], [sflag:$0x5] =	stream.strided.gather [hbm4b:s15+s17], $0x100, s16, s17, $0x38;
	[tilespmem:$0x1D000] =	vst v63  }
0x2d: {  	_ =	swait.ge [sflag:s20], $0x100  }
0x2e: {  	[sflag:s20] =	ssyncset.done $0x0  }
0x2f: {  	[sflag:s20] =	ssyncadd.s32 $0xFFFFFF00  }
0x30: {  	v3 =	vld [tilespmem:$0x18000];
	_ =	sdelay $0x1  }
0x31: {  	v4 =	vld [tilespmem:$0x18010];
	_ =	sdelay $0x1  }
0x32: {  	v5 =	vld [tilespmem:$0x18020]  }
0x33: {  	v6 =	vshra.s32 v3, $0x1  }
0x34: {  	v51 =	vld [tilespmem:$0x18030];
	v3 =	vand.u32 $0x1, v3;
	[tilespmem:$0x18200] =	vst v6  }
0x35: {  	[tilespmem:$0x18400] =	vst v3;
	v3 =	vshra.s32 v4, $0x1  }
0x36: {  	v52 =	vld [tilespmem:$0x18040];
	[tilespmem:$0x18210] =	vst v3;
	v3 =	vand.u32 $0x1, v4  }
0x37: {  	[tilespmem:$0x18410] =	vst v3;
	v3 =	vshra.s32 v5, $0x1  }
0x38: {  	v53 =	vld [tilespmem:$0x18050];
	[tilespmem:$0x18220] =	vst v3;
	v3 =	vand.u32 $0x1, v5  }
0x39: {  	[tilespmem:$0x18420] =	vst v3;
	v3 =	vshra.s32 v51, $0x1  }
0x3a: {  	v54 =	vld [tilespmem:$0x18060];
	[tilespmem:$0x18230] =	vst v3;
	v3 =	vand.u32 $0x1, v51  }
0x3b: {  	[tilespmem:$0x18430] =	vst v3;
	v3 =	vshra.s32 v52, $0x1  }
0x3c: {  	v55 =	vld [tilespmem:$0x18070];
	[tilespmem:$0x18240] =	vst v3;
	v3 =	vand.u32 $0x1, v52  }
0x3d: {  	[tilespmem:$0x18440] =	vst v3;
	v3 =	vshra.s32 v53, $0x1  }
0x3e: {  	v56 =	vld [tilespmem:$0x18080];
	[tilespmem:$0x18250] =	vst v3;
	v3 =	vand.u32 $0x1, v53  }
0x3f: {  	[tilespmem:$0x18450] =	vst v3;
	v3 =	vshra.s32 v54, $0x1  }
0x40: {  	v57 =	vld [tilespmem:$0x18090];
	[tilespmem:$0x18260] =	vst v3;
	v3 =	vand.u32 $0x1, v54  }
0x41: {  	[tilespmem:$0x18460] =	vst v3;
	v3 =	vshra.s32 v55, $0x1  }
0x42: {  	v58 =	vld [tilespmem:$0x180A0];
	[tilespmem:$0x18270] =	vst v3;
	v3 =	vand.u32 $0x1, v55  }
0x43: {  	[tilespmem:$0x18470] =	vst v3;
	v3 =	vshra.s32 v56, $0x1  }
0x44: {  	v59 =	vld [tilespmem:$0x180B0];
	[tilespmem:$0x18280] =	vst v3;
	v3 =	vand.u32 $0x1, v56  }
0x45: {  	[tilespmem:$0x18480] =	vst v3;
	v3 =	vshra.s32 v57, $0x1  }
0x46: {  	v60 =	vld [tilespmem:$0x180C0];
	[tilespmem:$0x18290] =	vst v3;
	v3 =	vand.u32 $0x1, v57  }
0x47: {  	[tilespmem:$0x18490] =	vst v3;
	v3 =	vshra.s32 v58, $0x1  }
0x48: {  	v61 =	vld [tilespmem:$0x180D0];
	[tilespmem:$0x182A0] =	vst v3;
	v3 =	vand.u32 $0x1, v58  }
0x49: {  	[tilespmem:$0x184A0] =	vst v3;
	v3 =	vshra.s32 v59, $0x1  }
0x4a: {  	v62 =	vld [tilespmem:$0x180E0];
	[tilespmem:$0x182B0] =	vst v3;
	v3 =	vand.u32 $0x1, v59  }
0x4b: {  	[tilespmem:$0x184B0] =	vst v3;
	v3 =	vshra.s32 v60, $0x1  }
0x4c: {  	v63 =	vld [tilespmem:$0x180F0];
	[tilespmem:$0x182C0] =	vst v3;
	v3 =	vand.u32 $0x1, v60  }
0x4d: {  	[tilespmem:$0x184C0] =	vst v3;
	v3 =	vshra.s32 v61, $0x1  }
0x4e: {  	[tilespmem:$0x182D0] =	vst v3;
	v3 =	vand.u32 $0x1, v61  }
0x4f: {  	[tilespmem:$0x184D0] =	vst v3;
	v3 =	vshra.s32 v62, $0x1  }
0x50: {  	[tilespmem:$0x182E0] =	vst v3;
	v3 =	vand.u32 $0x1, v62  }
0x51: {  	[tilespmem:$0x184E0] =	vst v3;
	v3 =	vshra.s32 v63, $0x1  }
0x52: {  	[tilespmem:$0x182F0] =	vst v3;
	v3 =	vand.u32 $0x1, v63  }
0x53: {  	s19 =	simm.s32 $0x18200;
	[tilespmem:$0x184F0] =	vst v3  }
0x54: {  	[tilespmem:s2], [sflag:$0x1] =	stream.indirect.gather [hbm4b:s4+s17], $0x80, s19, s17, $0xb8;
	[tilespmem:$0x1D000] =	vst v63  }
.Ltmp2:
0x55: {  	_ = 	snop;
	(pc) =	sbr.rel .LBB2_2-.Ltmp2, $4  }
0x56: {  	s21 =	simm.s32 $0x18280;
	s22 =	simm.s32 $0x4000  }
0x57: {  	[tilespmem:s22], [sflag:$0x1] =	stream.indirect.gather [hbm4b:s4+s17], $0x80, s21, s17, $0xb8;
	[tilespmem:$0x1D000] =	vst v63  }
0x58: {  	s26 =	simm.s32 $0x18100;
	s7 =	simm.s32 $0x0;
	s23 =	rddreg [dreg:$0x8]  }
0x59: {  	[tilespmem:s26], [sflag:$0x5] =	stream.strided.gather [hbm4b:s23+s17], $0x100, s16, s17, $0x38;
	[tilespmem:$0x1D000] =	vst v63  }
.LBB2_27:
0x5a: {  	s7 =	sadd.s32 $0x1, s7  }
0x5b: {  	p0 =	sne.s32 s7, $0x64  }
.Ltmp3:
0x5c: {  	_ = 	snop;
	(pc) =	sbr.rel @!p0 .LBB2_28-.Ltmp3, $1  }
0x5d: {  	_ =	sdelay $0x3  }
.LBB2_2:
0x5e: {  	s9 =	sand.u32 $0x1, s7  }
0x5f: {  	p0 =	seq.s32 s9, $0x1  }
.Ltmp4:
0x60: {  	_ = 	snop;
	(pc) =	sbr.rel @p0 .LBB2_14-.Ltmp4, $1  }
0x61: {  	_ =	sdelay $0x3  }
0x62: {  	s0 =	simm.s32 $0x1  }
0x63: {  	_ =	swait.ge [sflag:s0], $0x8000  }
0x64: {  	p0 =	slt.u32 s7, $0x2;
	[sflag:s0] =	ssyncset.done $0x0  }
0x65: {  	[sflag:s0] =	ssyncadd.s32 $0xFFFF8000;
	s0 =	simm.s32 @!p0 $0x3  }
0x66: {  	_ =	swait.ge @!p0 [sflag:s0], $0x4000  }
0x67: {  	[sflag:s0] =	ssyncset.done @!p0 $0x0  }
0x68: {  	[sflag:s0] =	ssyncadd.s32 @!p0 $0xFFFFC000  }
0x69: {  	_ =	swait.ge [sflag:s20], $0x100  }
0x6a: {  	[sflag:s20] =	ssyncset.done $0x0  }
0x6b: {  	[sflag:s20] =	ssyncadd.s32 $0xFFFFFF00  }
0x6c: {  	v3 =	vld [tilespmem:$0x18100];
	_ =	sdelay $0x1  }
0x6d: {  	v4 =	vld [tilespmem:$0x18110];
	_ =	sdelay $0x1  }
0x6e: {  	v5 =	vld [tilespmem:$0x18120]  }
0x6f: {  	v6 =	vshra.s32 v3, $0x1  }
0x70: {  	v51 =	vld [tilespmem:$0x18130];
	v3 =	vand.u32 $0x1, v3;
	[tilespmem:$0x18300] =	vst v6  }
0x71: {  	[tilespmem:$0x18500] =	vst v3;
	v3 =	vshra.s32 v4, $0x1  }
0x72: {  	v52 =	vld [tilespmem:$0x18140];
	[tilespmem:$0x18310] =	vst v3;
	v3 =	vand.u32 $0x1, v4  }
0x73: {  	[tilespmem:$0x18510] =	vst v3;
	v3 =	vshra.s32 v5, $0x1  }
0x74: {  	v53 =	vld [tilespmem:$0x18150];
	[tilespmem:$0x18320] =	vst v3;
	v3 =	vand.u32 $0x1, v5  }
0x75: {  	[tilespmem:$0x18520] =	vst v3;
	v3 =	vshra.s32 v51, $0x1  }
0x76: {  	v54 =	vld [tilespmem:$0x18160];
	[tilespmem:$0x18330] =	vst v3;
	v3 =	vand.u32 $0x1, v51  }
0x77: {  	[tilespmem:$0x18530] =	vst v3;
	v3 =	vshra.s32 v52, $0x1  }
0x78: {  	v55 =	vld [tilespmem:$0x18170];
	[tilespmem:$0x18340] =	vst v3;
	v3 =	vand.u32 $0x1, v52  }
0x79: {  	[tilespmem:$0x18540] =	vst v3;
	v3 =	vshra.s32 v53, $0x1  }
0x7a: {  	v56 =	vld [tilespmem:$0x18180];
	[tilespmem:$0x18350] =	vst v3;
	v3 =	vand.u32 $0x1, v53  }
0x7b: {  	[tilespmem:$0x18550] =	vst v3;
	v3 =	vshra.s32 v54, $0x1  }
0x7c: {  	v57 =	vld [tilespmem:$0x18190];
	[tilespmem:$0x18360] =	vst v3;
	v3 =	vand.u32 $0x1, v54  }
0x7d: {  	[tilespmem:$0x18560] =	vst v3;
	v3 =	vshra.s32 v55, $0x1  }
0x7e: {  	v58 =	vld [tilespmem:$0x181A0];
	[tilespmem:$0x18370] =	vst v3;
	v3 =	vand.u32 $0x1, v55  }
0x7f: {  	[tilespmem:$0x18570] =	vst v3;
	v3 =	vshra.s32 v56, $0x1  }
0x80: {  	v59 =	vld [tilespmem:$0x181B0];
	[tilespmem:$0x18380] =	vst v3;
	v3 =	vand.u32 $0x1, v56  }
0x81: {  	[tilespmem:$0x18580] =	vst v3;
	v3 =	vshra.s32 v57, $0x1  }
0x82: {  	v60 =	vld [tilespmem:$0x181C0];
	[tilespmem:$0x18390] =	vst v3;
	v3 =	vand.u32 $0x1, v57  }
0x83: {  	[tilespmem:$0x18590] =	vst v3;
	v3 =	vshra.s32 v58, $0x1  }
0x84: {  	v61 =	vld [tilespmem:$0x181D0];
	[tilespmem:$0x183A0] =	vst v3;
	v3 =	vand.u32 $0x1, v58  }
0x85: {  	[tilespmem:$0x185A0] =	vst v3;
	v3 =	vshra.s32 v59, $0x1  }
0x86: {  	v62 =	vld [tilespmem:$0x181E0];
	[tilespmem:$0x183B0] =	vst v3;
	v3 =	vand.u32 $0x1, v59  }
0x87: {  	[tilespmem:$0x185B0] =	vst v3;
	v3 =	vshra.s32 v60, $0x1  }
0x88: {  	v63 =	vld [tilespmem:$0x181F0];
	[tilespmem:$0x183C0] =	vst v3;
	v3 =	vand.u32 $0x1, v60  }
0x89: {  	[tilespmem:$0x185C0] =	vst v3;
	v3 =	vshra.s32 v61, $0x1  }
0x8a: {  	[tilespmem:$0x183D0] =	vst v3;
	v3 =	vand.u32 $0x1, v61  }
0x8b: {  	[tilespmem:$0x185D0] =	vst v3;
	v3 =	vshra.s32 v62, $0x1  }
0x8c: {  	[tilespmem:$0x183E0] =	vst v3;
	v3 =	vand.u32 $0x1, v62  }
0x8d: {  	[tilespmem:$0x185E0] =	vst v3;
	v3 =	vshra.s32 v63, $0x1  }
0x8e: {  	[tilespmem:$0x183F0] =	vst v3;
	v3 =	vand.u32 $0x1, v63  }
0x8f: {  	s23 =	simm.s32 $0x18300;
	[tilespmem:$0x185F0] =	vst v3  }
0x90: {  	[tilespmem:s29], [sflag:$0x2] =	stream.indirect.gather [hbm4b:s4+s17], $0x80, s23, s17, $0xb8;
	[tilespmem:$0x1D000] =	vst v63  }
0x91: {  	s26 =	simm.s32 $0x18380;
	s1 =	simm.s32 $0xC000;
	p0 =	sgt.u32 s7, $0x61  }
0x92: {  	[tilespmem:s1], [sflag:$0x2] =	stream.indirect.gather [hbm4b:s4+s17], $0x80, s26, s17, $0xb8;
	[tilespmem:$0x1D000] =	vst v63  }
0x93: {  	s0 =	sshll.u32 @!p0 s7, $0xB;
	s1 =	rddreg [dreg:$0x9]  }
0x94: {  	s0 =	sadd.s32 @!p0 s0, s1  }
0x95: {  	s6 =	simm.s32 @!p0 $0x400;
	s1 =	rddreg [dreg:$0x3];
	s0 =	sshrl.u32 @!p0 s0, $0x3  }
0x96: {  	s8 =	simm.s32 @!p0 $0x18000;
	s0 =	sadd.s32 @!p0 s1, s0;
	s1 =	simm.s32 @!p0 $0x80  }
0x97: {  	[tilespmem:s8], [sflag:$0x5] =	stream.strided.gather @!p0 [hbm4b:s0+s1], $0x100, s6, s1, $0x38;
	[tilespmem:$0x1D000] =	vst v63  }
0x98: {  	s12 =	sshll.u32 s7, $0x7;
	s8 =	simm.s32 $0x0  }
0x99: {  	p0 =	por $0x0, $0x0;
	s0 =	simm.s32 $0x0;
	s1 =	simm.s32 $0x0  }
.LBB2_4:
0x9a: {  	s14 =	sshrl.u32 s1, $0x3;
	s6 =	sshll.u32 s1, $0x4  }
0x9b: {  	s23 =	sand.u32 $0x60, s6;
	s22 =	sshll.u32 s14, $0x7  }
0x9c: {  	s6 =	sor.u32 s23, s22  }
0x9d: {  	v3 =	vor.u32 s6, v0;
	_ =	sdelay $0x1  }
0x9e: {  	s6 =	simm.s32 $0x1  }
0x9f: {  	s6 =	simm.s32 @!p0 $0x0  }
0xa0: {  	s15 =	sshll.u32 s14, $0x6;
	s6 =	sshll.u32 s6, $0xB  }
0xa1: {  	s15 =	sadd.s32 s12, s15;
	s6 =	sor.u32 $0xF0, s6;
	v4 =	vld.idx.msk [tilespmem:v3+s24+$0x0], $0xffff  }
0xa2: {  	v15 =	vimm.f32 $0.0e+00;
	v11 =	vmov s15;
	v12 =	vor.u32 s15, v0;
	s26 =	sadd.s32 $0xFFFFFF20, s6  }
0xa3: {  	v16 =	vor.u32 s8, v12;
	s16 =	sadd.s32 $0xFFFFFF30, s6;
	s3 =	sadd.s32 $0xFFFFFF40, s6;
	s10 =	sadd.s32 $0xFFFFFF50, s6;
	v3 =	vshll.u32 v3, $0x7;
	v13 =	vor.u32 s26, v0  }
0xa4: {  	s18 =	sadd.s32 $0xFFFFFF60, s6;
	s19 =	sadd.s32 $0xFFFFFF70, s6;
	s21 =	sadd.s32 $0xFFFFFF80, s6;
	v10 =	vor.u32 s16, v0;
	v9 =	vor.u32 s3, v0;
	v8 =	vor.u32 s10, v0  }
0xa5: {  	v7 =	vor.u32 s18, v0;
	s26 =	simm.s32 $0x2;
	v6 =	vor.u32 s19, v0;
	v14 =	vmov s21;
	s3 =	simm.s32 $0xF  }
0xa6: {  	s10 =	simm.s32 $0x1;
	s19 =	simm.s32 $0xE;
	v17 =	vadd.s32 s26, v0;
	v18 =	vadd.s32 s3, v0;
	v4 =	vshll.u32 v4, $0x6  }
0xa7: {  	s21 =	simm.s32 $0xD;
	v19 =	vadd.s32 s10, v0;
	v20 =	vadd.s32 s19, v0;
	v5 =	vand.u32 $0xFFFFFF80, v4  }
0xa8: {  	s18 =	simm.s32 $0x9;
	v22 =	vadd.s32 s21, v0;
	v4 =	vand.u32 $0x40, v4;
	v3 =	vadd.s32 v3, v5  }
0xa9: {  	s26 =	simm.s32 $0xB;
	v28 =	vadd.s32 s18, v0;
	v17 =	vand.u32 $0x3F, v17;
	v3 =	vor.u32 v4, v3  }
0xaa: {  	s3 =	simm.s32 $0xC;
	s10 =	simm.s32 $0x3;
	v19 =	vand.u32 $0x3F, v19;
	v24 =	vadd.s32 s26, v0;
	v21 =	vor.u32 v3, v17  }
0xab: {  	s19 =	simm.s32 $0xA;
	v25 =	vadd.s32 s3, v0;
	v26 =	vadd.s32 s10, v0;
	v23 =	vor.u32 v3, v19  }
0xac: {  	s21 =	simm.s32 $0x8;
	v27 =	vadd.s32 s19, v0;
	v5 =	vor.u32 v0, v3;
	v19 =	vor.u32 v11, v19  }
0xad: {  	v31 =	vadd.s32 s21, v0;
	v18 =	vand.u32 $0x3F, v18;
	v4 =	vor.u32 s8, v5  }
0xae: {  	v16 =	vld.idx.msk [tilespmem:v16+s13+$0x0], $0xffff;
	s19 =	simm.s32 $0x4;
	v22 =	vand.u32 $0x3F, v22;
	v26 =	vand.u32 $0x3F, v26;
	v17 =	vor.u32 v11, v17  }
0xaf: {  	v20 =	vand.u32 $0x3F, v20;
	v30 =	vadd.s32 s19, v0;
	v29 =	vor.u32 v3, v26;
	v21 =	vld.idx.msk [tilespmem:v21+s2+$0x0], $0xffff  }
0xb0: {  	s26 =	simm.s32 $0x7;
	s3 =	simm.s32 $0x5;
	v28 =	vand.u32 $0x3F, v28;
	v30 =	vand.u32 $0x3F, v30;
	v26 =	vor.u32 v11, v26;
	v23 =	vld.idx.msk [tilespmem:v23+s2+$0x0], $0xffff  }
0xb1: {  	s10 =	simm.s32 $0x6;
	v32 =	vadd.s32 s26, v0;
	v34 =	vadd.s32 s3, v0;
	v33 =	vor.u32 v3, v30;
	v19 =	vld.idx.msk [tilespmem:v19+s13+$0x0], $0xffff  }
0xb2: {  	v35 =	vadd.s32 s10, v0;
	v34 =	vand.u32 $0x3F, v34;
	v30 =	vor.u32 v11, v30;
	v4 =	vld.idx.msk [tilespmem:v4+s2+$0x0], $0xffff  }
0xb3: {  	v25 =	vand.u32 $0x3F, v25;
	v27 =	vand.u32 $0x3F, v27;
	v36 =	vor.u32 v3, v34;
	v17 =	vld.idx.msk [tilespmem:v17+s13+$0x0], $0xffff  }
0xb4: {  	v24 =	vand.u32 $0x3F, v24;
	v35 =	vand.u32 $0x3F, v35;
	v34 =	vor.u32 v11, v34;
	v29 =	vld.idx.msk [tilespmem:v29+s2+$0x0], $0xffff  }
0xb5: {  	v31 =	vand.u32 $0x3F, v31;
	v32 =	vand.u32 $0x3F, v32;
	v37 =	vor.u32 v3, v35;
	v26 =	vld.idx.msk [tilespmem:v26+s13+$0x0], $0xffff  }
0xb6: {  	v60 =	vor.u32 v3, v32;
	v40 =	vor.u32 v3, v28;
	v28 =	vor.u32 v11, v28;
	v33 =	vld.idx.msk [tilespmem:v33+s2+$0x0], $0xffff  }
0xb7: {  	v42 =	vor.u32 v3, v27;
	v27 =	vor.u32 v11, v27;
	v30 =	vld.idx.msk [tilespmem:v30+s13+$0x0], $0xffff;
	v4 =	vadd.f32 v16, v4  }
0xb8: {  	v44 =	vor.u32 v3, v24;
	v24 =	vor.u32 v11, v24;
	v61 =	vld.idx.msk [tilespmem:v36+s2+$0x0], $0xffff;
	v16 =	vor.u32 v11, v35  }
0xb9: {  	v46 =	vor.u32 v3, v25;
	v34 =	vld.idx.msk [tilespmem:v34+s13+$0x0], $0xffff;
	v19 =	vadd.f32 v19, v23;
	v38 =	vmul.f32 v4, v4  }
0xba: {  	v37 =	vld.idx.msk [tilespmem:v37+s2+$0x0], $0xffff;
	v23 =	vor.u32 v11, v32;
	v17 =	vadd.f32 v17, v21;
	v21 =	vor.u32 v3, v31  }
0xbb: {  	v28 =	vld.idx.msk [tilespmem:v28+s13+$0x0], $0xffff;
	v63 =	vmul.f32 v19, v19;
	v62 =	vadd.f32 v4, v15;
	v15 =	vadd.f32 v38, v15  }
0xbc: {  	v25 =	vor.u32 v11, v25;
	v27 =	vld.idx.msk [tilespmem:v27+s13+$0x0], $0xffff;
	v31 =	vor.u32 v11, v31;
	v26 =	vadd.f32 v26, v29  }
0xbd: {  	v41 =	vmul.f32 v17, v17;
	v36 =	vadd.f32 v19, v62;
	v16 =	vld.idx.msk [tilespmem:v16+s13+$0x0], $0xffff;
	v15 =	vadd.f32 v63, v15  }
0xbe: {  	v48 =	vor.u32 v3, v22;
	v22 =	vor.u32 v11, v22;
	v30 =	vadd.f32 v30, v33;
	v35 =	vld.idx.msk [tilespmem:v60+s2+$0x0], $0xffff  }
0xbf: {  	v43 =	vmul.f32 v26, v26;
	v23 =	vld.idx.msk [tilespmem:v23+s13+$0x0], $0xffff;
	v36 =	vadd.f32 v17, v36;
	v15 =	vadd.f32 v41, v15  }
0xc0: {  	v50 =	vor.u32 v3, v20;
	v20 =	vor.u32 v11, v20;
	v32 =	vadd.f32 v34, v61;
	v21 =	vld.idx.msk [tilespmem:v21+s2+$0x0], $0xffff  }
0xc1: {  	v45 =	vmul.f32 v30, v30;
	v31 =	vld.idx.msk [tilespmem:v31+s13+$0x0], $0xffff;
	v36 =	vadd.f32 v26, v36;
	v15 =	vadd.f32 v43, v15  }
0xc2: {  	v52 =	vor.u32 v3, v18;
	v18 =	vor.u32 v11, v18;
	v24 =	vld.idx.msk [tilespmem:v24+s13+$0x0], $0xffff;
	v16 =	vadd.f32 v16, v37  }
0xc3: {  	v29 =	vld.idx.msk [tilespmem:v40+s2+$0x0], $0xffff;
	v47 =	vmul.f32 v32, v32;
	v36 =	vadd.f32 v30, v36;
	v15 =	vadd.f32 v45, v15  }
0xc4: {  	v25 =	vld.idx.msk [tilespmem:v25+s13+$0x0], $0xffff;
	[tilespmem:v13+s30+$0x0] =	vst.idx.msk $0xffff, v19;
	v13 =	vshrl.u32 v14, $0x7;
	v23 =	vadd.f32 v23, v35  }
0xc5: {  	v33 =	vld.idx.msk [tilespmem:v42+s2+$0x0], $0xffff;
	v36 =	vadd.f32 v32, v36;
	v49 =	vmul.f32 v16, v16;
	v15 =	vadd.f32 v47, v15  }
0xc6: {  	v22 =	vld.idx.msk [tilespmem:v22+s13+$0x0], $0xffff;
	[tilespmem:v10+s30+$0x0] =	vst.idx.msk $0xffff, v17;
	v10 =	vshll.u32 v13, v1;
	v21 =	vadd.f32 v31, v21  }
0xc7: {  	v34 =	vld.idx.msk [tilespmem:v44+s2+$0x0], $0xffff;
	v51 =	vmul.f32 v23, v23;
	v36 =	vadd.f32 v16, v36;
	v15 =	vadd.f32 v49, v15  }
0xc8: {  	v18 =	vld.idx.msk [tilespmem:v18+s13+$0x0], $0xffff;
	[tilespmem:v9+s30+$0x0] =	vst.idx.msk $0xffff, v26;
	v9 =	vbroadcast v10, $0x0;
	v28 =	vadd.f32 v28, v29  }
0xc9: {  	v37 =	vld.idx.msk [tilespmem:v46+s2+$0x0], $0xffff;
	v53 =	vmul.f32 v21, v21;
	v36 =	vadd.f32 v23, v36;
	v15 =	vadd.f32 v51, v15  }
0xca: {  	[tilespmem:v8+s30+$0x0] =	vst.idx.msk $0xffff, v30;
	v13 =	vld.idx.msk [tilespmem:v20+s13+$0x0], $0xffff;
	v19 =	vadd.f32 v27, v33;
	v8 =	vor.u32 v2, v9  }
0xcb: {  	v55 =	vmul.f32 v28, v28;
	v35 =	vld.idx.msk [tilespmem:v48+s2+$0x0], $0xffff;
	v54 =	vadd.f32 v21, v36;
	v15 =	vadd.f32 v53, v15  }
0xcc: {  	v57 =	vmov s6;
	v29 =	vld.idx.msk [tilespmem:v52+s2+$0x0], $0xffff;
	v17 =	vadd.f32 v24, v34  }
0xcd: {  	s18 =	sadd.s32 $0xFFFFFF90, s6;
	s19 =	sadd.s32 $0xFFFFFFA0, s6;
	v56 =	vmul.f32 v19, v19;
	v31 =	vld.idx.msk [tilespmem:v50+s2+$0x0], $0xffff;
	v20 =	vadd.f32 v28, v54;
	v15 =	vadd.f32 v55, v15  }
0xce: {  	v59 =	vor.u32 s19, v0;
	v14 =	vor.u32 s18, v0;
	[tilespmem:v7+s30+$0x0] =	vst.idx.msk $0xffff, v32;
	v10 =	vadd.f32 v25, v37  }
0xcf: {  	s21 =	sadd.s32 $0xFFFFFFB0, s6;
	s26 =	sadd.s32 $0xFFFFFFC0, s6;
	v58 =	vmul.f32 v17, v17;
	v20 =	vadd.f32 v19, v20;
	v15 =	vadd.f32 v56, v15  }
0xd0: {  	v61 =	vor.u32 s26, v0;
	v60 =	vor.u32 s21, v0;
	[tilespmem:v8+s30+$0x0] =	vst.idx.msk $0xffff, v23;
	v22 =	vadd.f32 v22, v35  }
0xd1: {  	s16 =	sadd.s32 $0xFFFFFFE0, s6;
	v9 =	vadd.f32 v17, v20;
	v20 =	vmul.f32 v10, v10;
	v15 =	vadd.f32 v58, v15  }
0xd2: {  	v29 =	vadd.f32 v18, v29;
	[tilespmem:v6+s30+$0x0] =	vst.idx.msk $0xffff, v16;
	v62 =	vadd.f32 v13, v31;
	v16 =	vor.u32 s16, v0  }
0xd3: {  	s10 =	sadd.s32 $0xFFFFFF10, s6;
	s18 =	sadd.s32 $0xFFFFFFF0, s6;
	s16 =	simm.s32 $0x10;
	v13 =	vmul.f32 v22, v22;
	v7 =	vadd.f32 v10, v9;
	v9 =	vadd.f32 v20, v15  }
0xd4: {  	[tilespmem:v14+s30+$0x0] =	vst.idx.msk $0xffff, v21;
	v23 =	vor.u32 s18, v0;
	v21 =	vor.u32 s16, v12;
	v15 =	vmov s10  }
0xd5: {  	s3 =	sadd.s32 $0xFFFFFFD0, s6;
	s6 =	sadd.s32 $0x100, s6;
	v6 =	vadd.f32 v22, v7;
	v7 =	vadd.f32 v13, v9;
	v13 =	vshrl.u32 v57, $0x7  }
0xd6: {  	v20 =	vor.u32 s3, v0;
	s3 =	sadd.s32 $0xFFFFFF40, s6;
	v15 =	vshrl.u32 v15, $0x7;
	v8 =	vshll.u32 v13, v1  }
0xd7: {  	[tilespmem:v59+s30+$0x0] =	vst.idx.msk $0xffff, v28;
	v18 =	vor.u32 s3, v0;
	s3 =	simm.s32 $0x12;
	v13 =	vshll.u32 v15, v1;
	v8 =	vbroadcast v8, $0x0  }
0xd8: {  	[tilespmem:v60+s30+$0x0] =	vst.idx.msk $0xffff, v19;
	v9 =	vmul.f32 v62, v62;
	v19 =	vadd.s32 s3, v0;
	v13 =	vbroadcast v13, $0x0  }
0xd9: {  	s19 =	sand.u32 $0x3, s0;
	[tilespmem:v16+s30+$0x0] =	vst.idx.msk $0xffff, v22;
	v6 =	vadd.f32 v62, v6;
	v22 =	vand.u32 $0x3F, v19;
	v63 =	vor.u32 v2, v8  }
0xda: {  	s15 =	sshll.u32 s19, $0xA;
	s26 =	sadd.s32 $0xFFFFFF30, s6;
	s3 =	simm.s32 $0x1E;
	v7 =	vadd.f32 v9, v7;
	v9 =	vmul.f32 v29, v29;
	v13 =	vor.u32 v0, v13  }
0xdb: {  	s21 =	sadd.s32 $0xFFFFFF20, s6;
	s19 =	sadd.s32 $0xFFFFFF70, s6;
	[tilespmem:v61+s30+$0x0] =	vst.idx.msk $0xffff, v17;
	s18 =	simm.s32 $0x1D;
	v19 =	vadd.s32 s3, v0;
	v15 =	vadd.f32 v29, v6;
	v6 =	vor.u32 s26, v0  }
0xdc: {  	s10 =	sadd.s32 $0xFFFFFF50, s6;
	s26 =	sadd.s32 $0xFFFFFF80, s6;
	[tilespmem:v20+s30+$0x0] =	vst.idx.msk $0xffff, v10;
	v20 =	vor.u32 s16, v5;
	v10 =	vor.u32 s19, v0;
	s19 =	simm.s32 $0x1F;
	v14 =	vadd.f32 v9, v7  }
0xdd: {  	[tilespmem:v23+s30+$0x0] =	vst.idx.msk $0xffff, v62;
	v7 =	vor.u32 s21, v0;
	s21 =	sadd.s32 $0xFFFFFF60, s6;
	v9 =	vor.u32 s10, v0;
	v8 =	vmov s26;
	s10 =	sshll.u32 s1, $0xA;
	s26 =	simm.s32 $0x11  }
0xde: {  	v16 =	vadd.s32 s19, v0;
	s19 =	simm.s32 $0x20;
	v17 =	vor.u32 s21, v0;
	s21 =	sadd.s32 $0x4F0, s15;
	s15 =	sand.u32 $0x800, s10;
	v23 =	vadd.s32 s26, v0;
	[tilespmem:v63+s30+$0x0] =	vst.idx.msk $0xffff, v29  }
.LBB2_5:
0xdf: {  	p1 =	slt.u32 s19, $0x30;
	v23 =	vand.u32 $0x3F, v23;
	v24 =	vor.u32 v3, v22;
	s3 =	sadd.s32 $0xB, s16;
	s26 =	sadd.s32 $0xC, s16;
	v25 =	vadd.s32 s18, v0;
	[tilespmem:v13+s30+$0x0] =	vst.idx.msk $0xffff, v4  }
0xe0: {  	s18 =	sadd.s32 $0x3, s16;
	s10 =	sadd.s32 $0xA, s16;
	v4 =	vor.u32 v3, v23;
	v13 =	vadd.s32 s3, v0;
	v26 =	vadd.s32 s26, v0  }
0xe1: {  	v23 =	vor.u32 v11, v23;
	v27 =	vadd.s32 s18, v0;
	s3 =	sadd.s32 $0x9, s16;
	v28 =	vadd.s32 s10, v0  }
0xe2: {  	v22 =	vor.u32 v11, v22;
	s10 =	sadd.s32 $0x4, s16;
	s18 =	sadd.s32 $0x8, s16;
	v27 =	vand.u32 $0x3F, v27;
	v29 =	vadd.s32 s3, v0;
	v20 =	vld.idx.msk [tilespmem:v20+s2+$0x0], $0xffff  }
0xe3: {  	v31 =	vadd.s32 s10, v0;
	s3 =	sadd.s32 $0x7, s16;
	v32 =	vadd.s32 s18, v0;
	v30 =	vor.u32 v3, v27;
	v21 =	vld.idx.msk [tilespmem:v21+s13+$0x0], $0xffff  }
0xe4: {  	s10 =	sadd.s32 $0x5, s16;
	s18 =	sadd.s32 $0x6, s16;
	s16 =	smov.u32 s19;
	v27 =	vor.u32 v11, v27;
	v31 =	vand.u32 $0x3F, v31;
	v33 =	vadd.s32 s3, v0;
	v24 =	vld.idx.msk [tilespmem:v24+s2+$0x0], $0xffff  }
0xe5: {  	v36 =	vadd.s32 s18, v0;
	v35 =	vor.u32 v3, v31;
	v34 =	vld.idx.msk [tilespmem:v4+s2+$0x0], $0xffff;
	v4 =	vadd.s32 s10, v0  }
0xe6: {  	v16 =	vand.u32 $0x3F, v16;
	v31 =	vor.u32 v11, v31;
	v23 =	vld.idx.msk [tilespmem:v23+s13+$0x0], $0xffff;
	v4 =	vand.u32 $0x3F, v4  }
0xe7: {  	v19 =	vand.u32 $0x3F, v19;
	v25 =	vand.u32 $0x3F, v25;
	v22 =	vld.idx.msk [tilespmem:v22+s13+$0x0], $0xffff;
	v37 =	vor.u32 v3, v4  }
0xe8: {  	v26 =	vand.u32 $0x3F, v26;
	v36 =	vand.u32 $0x3F, v36;
	v38 =	vor.u32 v11, v4;
	v30 =	vld.idx.msk [tilespmem:v30+s2+$0x0], $0xffff  }
0xe9: {  	v28 =	vand.u32 $0x3F, v28;
	v13 =	vand.u32 $0x3F, v13;
	v39 =	vor.u32 v3, v36;
	v27 =	vld.idx.msk [tilespmem:v27+s13+$0x0], $0xffff  }
0xea: {  	v33 =	vand.u32 $0x3F, v33;
	v4 =	vadd.f32 v21, v20;
	v21 =	vor.u32 v11, v36;
	v20 =	vld.idx.msk [tilespmem:v35+s2+$0x0], $0xffff  }
0xeb: {  	v32 =	vand.u32 $0x3F, v32;
	v29 =	vand.u32 $0x3F, v29;
	v35 =	vor.u32 v3, v33;
	v31 =	vld.idx.msk [tilespmem:v31+s13+$0x0], $0xffff  }
0xec: {  	v36 =	vmul.f32 v4, v4;
	v33 =	vor.u32 v11, v33;
	v23 =	vadd.f32 v23, v34;
	v34 =	vld.idx.msk [tilespmem:v37+s2+$0x0], $0xffff  }
0xed: {  	v22 =	vadd.f32 v22, v24;
	v37 =	vor.u32 v3, v32;
	v32 =	vor.u32 v11, v32;
	v24 =	vld.idx.msk [tilespmem:v38+s13+$0x0], $0xffff  }
0xee: {  	v15 =	vadd.f32 v4, v15;
	v14 =	vadd.f32 v36, v14;
	v36 =	vmul.f32 v23, v23;
	v38 =	vld.idx.msk [tilespmem:v39+s2+$0x0], $0xffff  }
0xef: {  	v27 =	vadd.f32 v27, v30;
	v30 =	vor.u32 v3, v29;
	v29 =	vor.u32 v11, v29;
	v21 =	vld.idx.msk [tilespmem:v21+s13+$0x0], $0xffff  }
0xf0: {  	v15 =	vadd.f32 v23, v15;
	v14 =	vadd.f32 v36, v14;
	v36 =	vmul.f32 v22, v22;
	v35 =	vld.idx.msk [tilespmem:v35+s2+$0x0], $0xffff  }
0xf1: {  	v20 =	vadd.f32 v31, v20;
	v31 =	vld.idx.msk [tilespmem:v33+s13+$0x0], $0xffff;
	v33 =	vor.u32 v3, v28;
	v28 =	vor.u32 v11, v28  }
0xf2: {  	v15 =	vadd.f32 v22, v15;
	v14 =	vadd.f32 v36, v14;
	v36 =	vmul.f32 v27, v27;
	v37 =	vld.idx.msk [tilespmem:v37+s2+$0x0], $0xffff  }
0xf3: {  	v24 =	vadd.f32 v24, v34;
	v34 =	vor.u32 v3, v13;
	v13 =	vor.u32 v11, v13;
	v32 =	vld.idx.msk [tilespmem:v32+s13+$0x0], $0xffff  }
0xf4: {  	v15 =	vadd.f32 v27, v15;
	v14 =	vadd.f32 v36, v14;
	v36 =	vmul.f32 v20, v20;
	v30 =	vld.idx.msk [tilespmem:v30+s2+$0x0], $0xffff  }
0xf5: {  	v21 =	vadd.f32 v21, v38;
	v38 =	vor.u32 v3, v26;
	v26 =	vor.u32 v11, v26;
	v29 =	vld.idx.msk [tilespmem:v29+s13+$0x0], $0xffff  }
0xf6: {  	v15 =	vadd.f32 v20, v15;
	v14 =	vadd.f32 v36, v14;
	v36 =	vmul.f32 v24, v24;
	v33 =	vld.idx.msk [tilespmem:v33+s2+$0x0], $0xffff  }
0xf7: {  	v31 =	vadd.f32 v31, v35;
	v35 =	vor.u32 v3, v25;
	v25 =	vor.u32 v11, v25;
	v28 =	vld.idx.msk [tilespmem:v28+s13+$0x0], $0xffff  }
0xf8: {  	v15 =	vadd.f32 v24, v15;
	v14 =	vadd.f32 v36, v14;
	v36 =	vmul.f32 v21, v21;
	v34 =	vld.idx.msk [tilespmem:v34+s2+$0x0], $0xffff  }
0xf9: {  	v32 =	vadd.f32 v32, v37;
	v37 =	vor.u32 v3, v19;
	v19 =	vor.u32 v11, v19;
	v13 =	vld.idx.msk [tilespmem:v13+s13+$0x0], $0xffff  }
0xfa: {  	v15 =	vadd.f32 v21, v15;
	v14 =	vadd.f32 v36, v14;
	v36 =	vmul.f32 v31, v31;
	v38 =	vld.idx.msk [tilespmem:v38+s2+$0x0], $0xffff  }
0xfb: {  	v29 =	vadd.f32 v29, v30;
	v30 =	vor.u32 v3, v16;
	v16 =	vor.u32 v11, v16;
	v26 =	vld.idx.msk [tilespmem:v26+s13+$0x0], $0xffff  }
0xfc: {  	s3 =	sadd.s32 $0xFFFFFF90, s6;
	v15 =	vadd.f32 v31, v15;
	v14 =	vadd.f32 v36, v14;
	v36 =	vmul.f32 v32, v32;
	v35 =	vld.idx.msk [tilespmem:v35+s2+$0x0], $0xffff  }
0xfd: {  	[tilespmem:v7+s30+$0x0] =	vst.idx.msk $0xffff, v23;
	v7 =	vshrl.u32 v8, $0x7;
	v8 =	vor.u32 s3, v0;
	v23 =	vadd.f32 v28, v33;
	v25 =	vld.idx.msk [tilespmem:v25+s13+$0x0], $0xffff  }
0xfe: {  	v15 =	vadd.f32 v32, v15;
	v14 =	vadd.f32 v36, v14;
	v28 =	vmul.f32 v29, v29;
	v33 =	vld.idx.msk [tilespmem:v37+s2+$0x0], $0xffff  }
0xff: {  	[tilespmem:v6+s30+$0x0] =	vst.idx.msk $0xffff, v22;
	v6 =	vshll.u32 v7, v1;
	v22 =	vadd.f32 v13, v34;
	v7 =	vld.idx.msk [tilespmem:v19+s13+$0x0], $0xffff;
	v13 =	vmov s6  }
0x100: {  	s3 =	sadd.s32 $0xFFFFFFA0, s6;
	v15 =	vadd.f32 v29, v15;
	v14 =	vadd.f32 v28, v14;
	v19 =	vmul.f32 v23, v23;
	v28 =	vld.idx.msk [tilespmem:v30+s2+$0x0], $0xffff  }
0x101: {  	v6 =	vbroadcast v6, $0x0;
	v26 =	vadd.f32 v26, v38;
	[tilespmem:v18+s30+$0x0] =	vst.idx.msk $0xffff, v27;
	v18 =	vor.u32 s3, v0;
	v16 =	vld.idx.msk [tilespmem:v16+s13+$0x0], $0xffff  }
0x102: {  	v15 =	vadd.f32 v23, v15;
	s3 =	sadd.s32 $0xFFFFFFB0, s6;
	v14 =	vadd.f32 v19, v14;
	v19 =	vmul.f32 v22, v22  }
0x103: {  	v6 =	vor.u32 v2, v6;
	v25 =	vadd.f32 v25, v35;
	[tilespmem:v9+s30+$0x0] =	vst.idx.msk $0xffff, v20;
	v9 =	vor.u32 s3, v0  }
0x104: {  	s10 =	sadd.s32 $0xFFFFFFD0, s6;
	v15 =	vadd.f32 v22, v15;
	s3 =	sadd.s32 $0xFFFFFFC0, s6;
	v14 =	vadd.f32 v19, v14;
	v19 =	vmul.f32 v26, v26  }
0x105: {  	v20 =	vor.u32 s10, v0;
	[tilespmem:v17+s30+$0x0] =	vst.idx.msk $0xffff, v24;
	v17 =	vor.u32 s3, v0;
	v24 =	vadd.f32 v7, v33  }
0x106: {  	s3 =	sadd.s32 $0xFFFFFF10, s6;
	v7 =	vadd.f32 v26, v15;
	v14 =	vadd.f32 v19, v14;
	v15 =	vmul.f32 v25, v25  }
0x107: {  	v19 =	vmov s3;
	v27 =	vadd.f32 v16, v28;
	[tilespmem:v10+s30+$0x0] =	vst.idx.msk $0xffff, v21;
	v10 =	vshrl.u32 v13, $0x7  }
0x108: {  	s3 =	sadd.s32 $0xFFFFFFE0, s6;
	v7 =	vadd.f32 v25, v7;
	v13 =	vadd.f32 v15, v14;
	v14 =	vmul.f32 v24, v24  }
0x109: {  	v15 =	vshrl.u32 v19, $0x7;
	v16 =	vor.u32 s3, v0;
	[tilespmem:v6+s30+$0x0] =	vst.idx.msk $0xffff, v31;
	v6 =	vshll.u32 v10, v1  }
0x10a: {  	s3 =	sadd.s32 $0xFFFFFFF0, s6;
	v7 =	vadd.f32 v24, v7;
	v10 =	vadd.f32 v14, v13;
	v13 =	vmul.f32 v27, v27  }
0x10b: {  	v19 =	vor.u32 s3, v0;
	v14 =	vshll.u32 v15, v1;
	v6 =	vbroadcast v6, $0x0;
	[tilespmem:v8+s30+$0x0] =	vst.idx.msk $0xffff, v32  }
0x10c: {  	s6 =	sadd.s32 $0x100, s6;
	v8 =	vbroadcast v14, $0x0;
	v15 =	vadd.f32 v27, v7;
	v14 =	vadd.f32 v13, v10;
	[tilespmem:v18+s30+$0x0] =	vst.idx.msk $0xffff, v29  }
0x10d: {  	s3 =	sadd.s32 $0xFFFFFF20, s6;
	s10 =	sadd.s32 $0xFFFFFF30, s6;
	s18 =	sadd.s32 $0xFFFFFF60, s6;
	v28 =	vor.u32 v2, v6;
	[tilespmem:v9+s30+$0x0] =	vst.idx.msk $0xffff, v23  }
.Ltmp5:
0x10e: {  	v7 =	vor.u32 s3, v0;
	s3 =	sadd.s32 $0xFFFFFF40, s6;
	v6 =	vor.u32 s10, v0;
	s10 =	sadd.s32 $0xFFFFFF50, s6;
	v13 =	vor.u32 v0, v8;
	[tilespmem:v17+s30+$0x0] =	vst.idx.msk $0xffff, v22;
	(pc) =	sbr.rel @p1 .LBB2_5-.Ltmp5, $4  }
0x10f: {  	v18 =	vor.u32 s3, v0;
	s3 =	sadd.s32 $0xFFFFFF70, s6;
	v9 =	vor.u32 s10, v0;
	s10 =	sadd.s32 $0xFFFFFF80, s6;
	v17 =	vor.u32 s18, v0;
	[tilespmem:v20+s30+$0x0] =	vst.idx.msk $0xffff, v26  }
0x110: {  	v10 =	vor.u32 s3, v0;
	s3 =	sadd.s32 $0xF, s19;
	s18 =	sadd.s32 $0x2, s19;
	v8 =	vmov s10;
	v20 =	vor.u32 s19, v5;
	[tilespmem:v16+s30+$0x0] =	vst.idx.msk $0xffff, v25  }
0x111: {  	s26 =	sadd.s32 $0xE, s19;
	v21 =	vor.u32 s19, v12;
	s10 =	sadd.s32 $0x1, s19;
	v22 =	vadd.s32 s18, v0;
	v16 =	vadd.s32 s3, v0;
	[tilespmem:v19+s30+$0x0] =	vst.idx.msk $0xffff, v24  }
0x112: {  	v23 =	vadd.s32 s10, v0;
	s18 =	sadd.s32 $0xD, s16;
	s19 =	sadd.s32 $0x10, s19;
	v22 =	vand.u32 $0x3F, v22;
	v19 =	vadd.s32 s26, v0;
	[tilespmem:v28+s30+$0x0] =	vst.idx.msk $0xffff, v27  }
0x113: {  	_ = 	snop  }
0x114: {  	v5 =	vand.u32 $0x3F, v23;
	v23 =	vor.u32 v3, v22  }
0x115: {  	s3 =	sadd.s32 $0xB, s16;
	v24 =	vadd.s32 s18, v0;
	v22 =	vor.u32 v11, v22  }
0x116: {  	s10 =	sadd.s32 $0xC, s16;
	v40 =	vand.u32 $0x3F, v19;
	v25 =	vor.u32 v3, v5;
	v26 =	vadd.s32 s3, v0  }
0x117: {  	s26 =	sadd.s32 $0x3, s16;
	s19 =	sadd.s32 $0xA, s16;
	v20 =	vld.idx.msk [tilespmem:v20+s2+$0x0], $0xffff;
	v27 =	vadd.s32 s10, v0;
	v5 =	vor.u32 v11, v5;
	v39 =	vand.u32 $0x3F, v24  }
0x118: {  	s18 =	sadd.s32 $0x9, s16;
	v21 =	vld.idx.msk [tilespmem:v21+s13+$0x0], $0xffff;
	v28 =	vadd.s32 s26, v0;
	v29 =	vadd.s32 s19, v0;
	v62 =	vor.u32 v3, v39  }
0x119: {  	s19 =	sadd.s32 $0x4, s16;
	s26 =	sadd.s32 $0x8, s16;
	v30 =	vadd.s32 s18, v0;
	v28 =	vand.u32 $0x3F, v28;
	v63 =	vor.u32 v11, v39;
	v23 =	vld.idx.msk [tilespmem:v23+s2+$0x0], $0xffff  }
0x11a: {  	s10 =	sadd.s32 $0x7, s16;
	v32 =	vadd.s32 s19, v0;
	v33 =	vadd.s32 s26, v0;
	v31 =	vor.u32 v3, v28;
	v22 =	vld.idx.msk [tilespmem:v22+s13+$0x0], $0xffff  }
0x11b: {  	s19 =	sadd.s32 $0x5, s16;
	v34 =	vadd.s32 s10, v0;
	v28 =	vor.u32 v11, v28;
	v32 =	vand.u32 $0x3F, v32;
	v25 =	vld.idx.msk [tilespmem:v25+s2+$0x0], $0xffff  }
0x11c: {  	v36 =	vadd.s32 s19, v0;
	v35 =	vor.u32 v3, v32;
	v32 =	vor.u32 v11, v32;
	v5 =	vld.idx.msk [tilespmem:v5+s13+$0x0], $0xffff  }
0x11d: {  	s26 =	sadd.s32 $0x6, s16;
	v36 =	vand.u32 $0x3F, v36;
	v19 =	vadd.f32 v21, v20;
	v20 =	vand.u32 $0x3F, v34;
	v34 =	vld.idx.msk [tilespmem:v62+s2+$0x0], $0xffff  }
0x11e: {  	v29 =	vand.u32 $0x3F, v29;
	v37 =	vadd.s32 s26, v0;
	v24 =	vor.u32 v11, v36;
	v48 =	vld.idx.msk [tilespmem:v63+s13+$0x0], $0xffff  }
0x11f: {  	v26 =	vand.u32 $0x3F, v26;
	v49 =	vand.u32 $0x3F, v37;
	v38 =	vor.u32 v3, v36;
	v31 =	vld.idx.msk [tilespmem:v31+s2+$0x0], $0xffff  }
0x120: {  	v30 =	vand.u32 $0x3F, v30;
	v56 =	vor.u32 v3, v29;
	v37 =	vor.u32 v3, v49;
	v28 =	vld.idx.msk [tilespmem:v28+s13+$0x0], $0xffff  }
0x121: {  	v36 =	vor.u32 v11, v49;
	v21 =	vand.u32 $0x3F, v33;
	v52 =	vmul.f32 v19, v19;
	v50 =	vld.idx.msk [tilespmem:v35+s2+$0x0], $0xffff  }
0x122: {  	v51 =	vor.u32 v3, v20;
	v15 =	vadd.f32 v19, v15;
	v32 =	vld.idx.msk [tilespmem:v32+s13+$0x0], $0xffff;
	v5 =	vadd.f32 v5, v25  }
0x123: {  	v53 =	vor.u32 v11, v20;
	v14 =	vadd.f32 v52, v14;
	v20 =	vadd.f32 v22, v23;
	v24 =	vld.idx.msk [tilespmem:v24+s13+$0x0], $0xffff  }
0x124: {  	v23 =	vor.u32 v3, v21;
	v25 =	vld.idx.msk [tilespmem:v38+s2+$0x0], $0xffff;
	v22 =	vmul.f32 v5, v5;
	v15 =	vadd.f32 v5, v15  }
0x125: {  	v54 =	vor.u32 v11, v21;
	v37 =	vld.idx.msk [tilespmem:v37+s2+$0x0], $0xffff;
	v55 =	vmul.f32 v20, v20;
	v21 =	vadd.f32 v28, v31  }
0x126: {  	v28 =	vor.u32 v3, v30;
	v31 =	vld.idx.msk [tilespmem:v36+s13+$0x0], $0xffff;
	v14 =	vadd.f32 v22, v14;
	v15 =	vadd.f32 v20, v15  }
0x127: {  	v29 =	vor.u32 v11, v29;
	v35 =	vld.idx.msk [tilespmem:v51+s2+$0x0], $0xffff;
	v30 =	vor.u32 v11, v30;
	v22 =	vadd.f32 v32, v50  }
0x128: {  	v57 =	vld.idx.msk [tilespmem:v53+s13+$0x0], $0xffff;
	v58 =	vmul.f32 v21, v21;
	v14 =	vadd.f32 v55, v14;
	v15 =	vadd.f32 v21, v15  }
0x129: {  	v27 =	vand.u32 $0x3F, v27;
	v41 =	vor.u32 v3, v26;
	v59 =	vld.idx.msk [tilespmem:v23+s2+$0x0], $0xffff;
	v23 =	vadd.f32 v24, v25  }
0x12a: {  	v33 =	vld.idx.msk [tilespmem:v54+s13+$0x0], $0xffff;
	v25 =	vmul.f32 v22, v22;
	v14 =	vadd.f32 v58, v14;
	v15 =	vadd.f32 v22, v15  }
0x12b: {  	v60 =	vor.u32 v11, v26;
	v28 =	vld.idx.msk [tilespmem:v28+s2+$0x0], $0xffff;
	v24 =	vadd.f32 v31, v37;
	v31 =	vor.u32 v3, v27  }
0x12c: {  	v30 =	vld.idx.msk [tilespmem:v30+s13+$0x0], $0xffff;
	v26 =	vmul.f32 v23, v23;
	v14 =	vadd.f32 v25, v14;
	v15 =	vadd.f32 v23, v15  }
0x12d: {  	v16 =	vand.u32 $0x3F, v16;
	v61 =	vor.u32 v11, v27;
	v29 =	vld.idx.msk [tilespmem:v29+s13+$0x0], $0xffff;
	v25 =	vadd.f32 v57, v35  }
0x12e: {  	v32 =	vld.idx.msk [tilespmem:v56+s2+$0x0], $0xffff;
	v27 =	vmul.f32 v24, v24;
	v14 =	vadd.f32 v26, v14;
	v15 =	vadd.f32 v24, v15  }
0x12f: {  	v45 =	vor.u32 v3, v40;
	v40 =	vor.u32 v11, v40;
	v44 =	vld.idx.msk [tilespmem:v41+s2+$0x0], $0xffff;
	v26 =	vadd.f32 v33, v59  }
0x130: {  	v36 =	vld.idx.msk [tilespmem:v60+s13+$0x0], $0xffff;
	v46 =	vmul.f32 v25, v25;
	v14 =	vadd.f32 v27, v14;
	v15 =	vadd.f32 v25, v15  }
0x131: {  	v3 =	vor.u32 v3, v16;
	v31 =	vld.idx.msk [tilespmem:v31+s2+$0x0], $0xffff;
	v27 =	vadd.f32 v30, v28  }
0x132: {  	v30 =	vld.idx.msk [tilespmem:v61+s13+$0x0], $0xffff;
	v47 =	vmul.f32 v26, v26;
	v14 =	vadd.f32 v46, v14;
	v15 =	vadd.f32 v26, v15  }
0x133: {  	v16 =	vor.u32 v11, v16;
	v28 =	vadd.f32 v29, v32  }
0x134: {  	v49 =	vmul.f32 v27, v27;
	v14 =	vadd.f32 v47, v14;
	v15 =	vadd.f32 v27, v15  }
0x135: {  	v8 =	vshrl.u32 v8, $0x7;
	v51 =	vld.idx.msk [tilespmem:v40+s13+$0x0], $0xffff;
	v29 =	vadd.f32 v36, v44  }
0x136: {  	v50 =	vld.idx.msk [tilespmem:v45+s2+$0x0], $0xffff;
	v52 =	vmul.f32 v28, v28;
	v14 =	vadd.f32 v49, v14;
	v15 =	vadd.f32 v28, v15  }
0x137: {  	v8 =	vshll.u32 v8, v1;
	v53 =	vadd.f32 v48, v34;
	v3 =	vld.idx.msk [tilespmem:v3+s2+$0x0], $0xffff;
	v30 =	vadd.f32 v30, v31  }
0x138: {  	v16 =	vld.idx.msk [tilespmem:v16+s13+$0x0], $0xffff;
	v31 =	vmul.f32 v29, v29;
	v14 =	vadd.f32 v52, v14;
	v15 =	vadd.f32 v29, v15  }
0x139: {  	[tilespmem:v13+s30+$0x0] =	vst.idx.msk $0xffff, v4;
	v13 =	vor.u32 s23, v0;
	v8 =	vbroadcast v8, $0x0;
	v34 =	vmul.f32 v53, v53  }
0x13a: {  	s16 =	sadd.s32 $0xFFFFFF90, s6;
	s10 =	simm.s32 $0x0;
	v54 =	vmul.f32 v30, v30;
	v14 =	vadd.f32 v31, v14;
	v15 =	vadd.f32 v30, v15  }
0x13b: {  	v56 =	vor.u32 s16, v0;
	s16 =	sadd.s32 $0xFFFFFFC0, s6;
	[tilespmem:v18+s30+$0x0] =	vst.idx.msk $0xffff, v21;
	v18 =	vmov s10;
	v31 =	vadd.f32 v51, v50  }
0x13c: {  	v60 =	vor.u32 s16, v0;
	s16 =	simm.s32 $0x2;
	v14 =	vadd.f32 v54, v14;
	v15 =	vadd.f32 v53, v15  }
0x13d: {  	[tilespmem:v6+s30+$0x0] =	vst.idx.msk $0xffff, v20;
	v18 =	vshll.u32 v18, $0x4;
	v20 =	vmov s16;
	v55 =	vadd.f32 v16, v3  }
0x13e: {  	s26 =	sadd.s32 $0xFFFFFF10, s6;
	v3 =	vadd.f32 v34, v14;
	v14 =	vmul.f32 v31, v31;
	v15 =	vadd.f32 v31, v15  }
0x13f: {  	v20 =	vshll.u32 v20, $0x4;
	v58 =	vor.u32 v2, v8;
	v8 =	vmov s26  }
0x140: {  	s23 =	simm.s32 $0x5;
	s26 =	sadd.s32 $0xFFFFFFF0, s6;
	v3 =	vadd.f32 v14, v3;
	v14 =	vmul.f32 v55, v55;
	v15 =	vadd.f32 v55, v15  }
0x141: {  	[tilespmem:v9+s30+$0x0] =	vst.idx.msk $0xffff, v22;
	v22 =	vmov s23;
	v8 =	vshrl.u32 v8, $0x7;
	v63 =	vor.u32 s26, v0  }
0x142: {  	s26 =	simm.s32 $0x6;
	v8 =	vshll.u32 v8, v1;
	v3 =	vadd.f32 v14, v3;
	v14 =	vmul.f32 $1.562500000e-02, v15  }
0x143: {  	s19 =	sadd.s32 $0xFFFFFFB0, s6;
	[tilespmem:v17+s30+$0x0] =	vst.idx.msk $0xffff, v23;
	v22 =	vshll.u32 v22, $0x4;
	v23 =	vmov s26;
	v8 =	vbroadcast v8, $0x0  }
0x144: {  	s18 =	sadd.s32 $0xFFFFFFA0, s6;
	v59 =	vor.u32 s19, v0;
	s19 =	sadd.s32 $0xFFFFFFE0, s6;
	v3 =	vmul.f32 $1.562500000e-02, v3;
	v15 =	vmul.f32 v14, v14  }
0x145: {  	v57 =	vor.u32 s18, v0;
	s18 =	sadd.s32 $0xFFFFFFD0, s6;
	v23 =	vshll.u32 v23, $0x4;
	v62 =	vor.u32 s19, v0  }
0x146: {  	s14 =	sshll.u32 s14, $0xD;
	s16 =	simm.s32 $0x8;
	[tilespmem:v10+s30+$0x0] =	vst.idx.msk $0xffff, v24;
	v43 =	vor.u32 v0, v8;
	s19 =	simm.s32 $0x4;
	v61 =	vor.u32 s18, v0;
	v3 =	vsub.f32 v3, v15  }
0x147: {  	[tilespmem:v58+s30+$0x0] =	vst.idx.msk $0xffff, v25;
	v44 =	vmov s14;
	v10 =	vmov s19;
	v25 =	vmov s16  }
0x148: {  	[tilespmem:v7+s30+$0x0] =	vst.idx.msk $0xffff, v5;
	v8 =	vor.u32 $0x80, v44;
	v7 =	vor.u32 $0x100, v44;
	v3 =	vadd.f32 $9.999999960e-13, v3  }
0x149: {  	v6 =	vor.u32 $0x180, v44;
	v5 =	vor.u32 $0x200, v44;
	v4 =	vor.u32 $0x280, v44  }
0x14a: {  	s18 =	simm.s32 $0x3;
	s19 =	simm.s32 $0xA;
	v9 =	vor.u32 $0x380, v44;
	v15 =	vshra.s32 v3, $0x1;
	v3 =	vmul.f32 $5.000000000e-01, v3  }
0x14b: {  	[tilespmem:v56+s30+$0x0] =	vst.idx.msk $0xffff, v26;
	v21 =	vmov s18;
	v26 =	vmov s19;
	s19 =	simm.s32 $0x400;
	v15 =	vsub.s32 $0x5F3759DF, v15  }
0x14c: {  	s18 =	simm.s32 $0x9;
	v25 =	vshll.u32 v25, $0x4;
	[tilespmem:v57+s30+$0x0] =	vst.idx.msk $0xffff, v27;
	v57 =	vadd.s32 s19, v9;
	v16 =	vmul.f32 v15, v3  }
0x14d: {  	v48 =	vmov s18;
	v21 =	vshll.u32 v21, $0x4;
	v35 =	vbroadcast v57, $0x0  }
0x14e: {  	s23 =	simm.s32 $0xB;
	[tilespmem:v59+s30+$0x0] =	vst.idx.msk $0xffff, v28;
	v28 =	vshll.u32 v10, $0x4;
	v10 =	vmul.u32 $0xFFFFFFF0, v0;
	v16 =	vmul.f32 v15, v16  }
0x14f: {  	v26 =	vshll.u32 v26, $0x4;
	v49 =	vmov s23;
	v35 =	vor.u32 v13, v35  }
0x150: {  	[tilespmem:v60+s30+$0x0] =	vst.idx.msk $0xffff, v29;
	v29 =	vshll.u32 v48, $0x4;
	v20 =	vadd.s32 v10, v20;
	v16 =	vsub.f32 $1.500000000e+00, v16  }
0x151: {  	v21 =	vadd.s32 v10, v21;
	v28 =	vadd.s32 v10, v28;
	v22 =	vadd.s32 v10, v22  }
0x152: {  	v23 =	vadd.s32 v10, v23;
	v25 =	vadd.s32 v10, v25;
	v15 =	vmul.f32 v15, v16  }
0x153: {  	v26 =	vadd.s32 v10, v26;
	v18 =	vadd.s32 v10, v18;
	v29 =	vadd.s32 v10, v29  }
0x154: {  	v20 =	vor.u32 v0, v20;
	v21 =	vor.u32 v0, v21;
	v16 =	vmul.f32 v15, v3  }
0x155: {  	v28 =	vor.u32 v0, v28;
	v22 =	vor.u32 v0, v22;
	v23 =	vor.u32 v0, v23  }
0x156: {  	s26 =	simm.s32 $0xC;
	s16 =	simm.s32 $0xE;
	v25 =	vor.u32 v0, v25;
	v26 =	vor.u32 v0, v26;
	v16 =	vmul.f32 v16, v15  }
0x157: {  	v18 =	vor.u32 v0, v18;
	v50 =	vmov s26;
	v51 =	vmov s16  }
0x158: {  	[tilespmem:v61+s30+$0x0] =	vst.idx.msk $0xffff, v30;
	v30 =	vshll.u32 v49, $0x4;
	v29 =	vor.u32 v0, v29;
	v16 =	vsub.f32 $1.500000000e+00, v16  }
0x159: {  	v20 =	vand.u32 $0x3FF, v20;
	v21 =	vand.u32 $0x3FF, v21;
	v28 =	vand.u32 $0x3FF, v28  }
0x15a: {  	s18 =	simm.s32 $0xF;
	v22 =	vand.u32 $0x3FF, v22;
	v15 =	vmul.f32 v16, v15;
	v16 =	vmov s6  }
0x15b: {  	v23 =	vand.u32 $0x3FF, v23;
	[tilespmem:v63+s30+$0x0] =	vst.idx.msk $0xffff, v31;
	v31 =	vmov s18;
	v16 =	vshrl.u32 v16, $0x7  }
0x15c: {  	v25 =	vand.u32 $0x3FF, v25;
	v31 =	vshll.u32 v31, $0x4;
	v16 =	vshll.u32 v16, v1  }
0x15d: {  	v26 =	vand.u32 $0x3FF, v26;
	v31 =	vadd.s32 v10, v31;
	v16 =	vbroadcast v16, $0x0  }
0x15e: {  	v18 =	vand.u32 $0x3FF, v18;
	v49 =	vadd.s32 s19, v8;
	v31 =	vor.u32 v0, v31  }
0x15f: {  	[tilespmem:v43+s30+$0x0] =	vst.idx.msk $0xffff, v19;
	v19 =	vand.u32 $0x3FF, v31;
	v42 =	vor.u32 v2, v16;
	v16 =	vmov s15  }
0x160: {  	s26 =	sadd.s32 $0x400, s14;
	v52 =	vshll.u32 v50, $0x4;
	v30 =	vadd.s32 v10, v30;
	v19 =	vor.u32 v16, v19  }
0x161: {  	v29 =	vand.u32 $0x3FF, v29;
	s3 =	sadd.s32 $0xFFFFFC00, s26;
	v50 =	vadd.s32 s19, v7;
	v49 =	vbroadcast v49, $0x0  }
0x162: {  	[tilespmem:v62+s30+$0x0] =	vst.idx.msk $0xffff, v53;
	v53 =	vshll.u32 v51, $0x4;
	v30 =	vor.u32 v0, v30;
	v61 =	vmov s3;
	s15 =	simm.s32 $0x1  }
0x163: {  	v51 =	vadd.s32 s19, v6;
	v54 =	vadd.s32 v10, v53;
	v17 =	vmov s15  }
0x164: {  	v30 =	vand.u32 $0x3FF, v30;
	v62 =	vadd.s32 $0x80, v61;
	v17 =	vshll.u32 v17, $0x4;
	[tilespmem:v42+s30+$0x0] =	vst.idx.msk $0xffff, v55  }
0x165: {  	v63 =	vadd.s32 $0x100, v61;
	v45 =	vadd.s32 $0x180, v61;
	s6 =	simm.s32 $0x1C880;
	v17 =	vadd.s32 v10, v17;
	v19 =	vld.idx.msk [tilespmem:v19+s30+$0x0], $0xffff  }
0x166: {  	v46 =	vadd.s32 $0x200, v61;
	v47 =	vadd.s32 $0x280, v61;
	v17 =	vor.u32 v0, v17;
	v56 =	vld [tilespmem:s6+$0x70]  }
0x167: {  	s23 =	simm.s32 $0x1CC80;
	v48 =	vadd.s32 $0x300, v61;
	v41 =	vadd.s32 $0x380, v61;
	v55 =	vand.u32 $0x3FF, v17;
	v17 =	vld [tilespmem:s6+$0xFFFFFF80]  }
0x168: {  	v32 =	vor.u32 v0, v54;
	v43 =	vbroadcast v62, $0x0;
	v45 =	vbroadcast v45, $0x0;
	v58 =	vld [tilespmem:s23+$0x70]  }
0x169: {  	v46 =	vbroadcast v46, $0x0;
	v47 =	vbroadcast v47, $0x0;
	v20 =	vor.u32 v16, v20;
	v37 =	vld [tilespmem:s6+$0xFFFFFF90]  }
0x16a: {  	v48 =	vbroadcast v48, $0x0;
	v41 =	vbroadcast v41, $0x0;
	s18 =	simm.s32 $0x11;
	v21 =	vor.u32 v16, v21;
	v38 =	vld [tilespmem:s6+$0xFFFFFFA0]  }
0x16b: {  	v32 =	vand.u32 $0x3FF, v32;
	v34 =	vmov s18;
	v28 =	vor.u32 v16, v28;
	v39 =	vld [tilespmem:s6+$0xFFFFFFB0]  }
0x16c: {  	v43 =	vor.u32 v13, v43;
	v3 =	vmul.f32 v15, v3;
	v22 =	vor.u32 v16, v22;
	v59 =	vld [tilespmem:s6+$0xFFFFFFC0]  }
0x16d: {  	v45 =	vor.u32 v13, v45;
	v31 =	vadd.s32 v10, v52;
	v23 =	vor.u32 v16, v23;
	v40 =	vld [tilespmem:s6+$0xFFFFFFD0]  }
0x16e: {  	v52 =	vadd.s32 s19, v5;
	v3 =	vmul.f32 v3, v15;
	v25 =	vor.u32 v16, v25;
	v20 =	vld.idx.msk [tilespmem:v20+s30+$0x0], $0xffff  }
0x16f: {  	v31 =	vor.u32 v0, v31;
	v61 =	vbroadcast v52, $0x0;
	v29 =	vor.u32 v16, v29;
	v21 =	vld.idx.msk [tilespmem:v21+s30+$0x0], $0xffff  }
0x170: {  	v31 =	vand.u32 $0x3FF, v31;
	v3 =	vsub.f32 $1.500000000e+00, v3;
	s15 =	simm.s32 $0x7;
	v26 =	vor.u32 v16, v26;
	v28 =	vld.idx.msk [tilespmem:v28+s30+$0x0], $0xffff  }
0x171: {  	v30 =	vor.u32 v16, v30;
	v31 =	vor.u32 v16, v31;
	v24 =	vmov s15;
	s15 =	simm.s32 $0xD;
	v22 =	vld.idx.msk [tilespmem:v22+s30+$0x0], $0xffff  }
0x172: {  	v18 =	vor.u32 v16, v18;
	v32 =	vor.u32 v16, v32;
	v27 =	vmov s15;
	v23 =	vld.idx.msk [tilespmem:v23+s30+$0x0], $0xffff  }
0x173: {  	v15 =	vmul.f32 v3, v15;
	v24 =	vshll.u32 v24, $0x4;
	v27 =	vshll.u32 v27, $0x4;
	v25 =	vld.idx.msk [tilespmem:v25+s30+$0x0], $0xffff  }
0x174: {  	v3 =	vor.u32 $0x300, v44;
	v24 =	vadd.s32 v10, v24;
	v27 =	vadd.s32 v10, v27;
	v29 =	vld.idx.msk [tilespmem:v29+s30+$0x0], $0xffff  }
0x175: {  	v44 =	vbroadcast v63, $0x0;
	v24 =	vor.u32 v0, v24;
	v27 =	vor.u32 v0, v27;
	v26 =	vld.idx.msk [tilespmem:v26+s30+$0x0], $0xffff  }
0x176: {  	v24 =	vand.u32 $0x3FF, v24;
	v33 =	vor.u32 v16, v55;
	v30 =	vld.idx.msk [tilespmem:v30+s30+$0x0], $0xffff;
	v19 =	vsub.f32 v19, v14  }
0x177: {  	v31 =	vld.idx.msk [tilespmem:v31+s30+$0x0], $0xffff;
	v27 =	vand.u32 $0x3FF, v27;
	v20 =	vsub.f32 v20, v14;
	v21 =	vsub.f32 v21, v14  }
0x178: {  	v32 =	vld.idx.msk [tilespmem:v32+s30+$0x0], $0xffff;
	v24 =	vor.u32 v16, v24;
	v28 =	vsub.f32 v28, v14;
	v22 =	vsub.f32 v22, v14  }
0x179: {  	v18 =	vld.idx.msk [tilespmem:v18+s30+$0x0], $0xffff;
	v27 =	vor.u32 v16, v27;
	v23 =	vsub.f32 v23, v14;
	v25 =	vsub.f32 v25, v14  }
0x17a: {  	v60 =	vld [tilespmem:s6+$0xFFFFFFE0];
	v29 =	vsub.f32 v29, v14;
	v26 =	vsub.f32 v26, v14;
	v19 =	vmul.f32 v19, v15  }
0x17b: {  	v42 =	vld [tilespmem:s6+$0xFFFFFFF0];
	v30 =	vsub.f32 v30, v14;
	v20 =	vmul.f32 v20, v15;
	v21 =	vmul.f32 v21, v15  }
0x17c: {  	v57 =	vld [tilespmem:s6+$0x10];
	v31 =	vsub.f32 v31, v14;
	v28 =	vmul.f32 v28, v15;
	v22 =	vmul.f32 v22, v15  }
0x17d: {  	v53 =	vld [tilespmem:s6+$0x60];
	v32 =	vsub.f32 v32, v14;
	v23 =	vmul.f32 v23, v15;
	v25 =	vmul.f32 v25, v15  }
0x17e: {  	v54 =	vld [tilespmem:s23+$0xFFFFFF80];
	v18 =	vsub.f32 v18, v14;
	v29 =	vmul.f32 v29, v15;
	v26 =	vmul.f32 v26, v15  }
0x17f: {  	v46 =	vor.u32 v13, v46;
	v33 =	vld.idx.msk [tilespmem:v33+s30+$0x0], $0xffff;
	v30 =	vmul.f32 v30, v15;
	v31 =	vmul.f32 v31, v15  }
0x180: {  	v47 =	vor.u32 v13, v47;
	v24 =	vld.idx.msk [tilespmem:v24+s30+$0x0], $0xffff;
	v32 =	vmul.f32 v32, v15;
	v18 =	vmul.f32 v18, v15  }
0x181: {  	v41 =	vor.u32 v13, v41;
	v27 =	vld.idx.msk [tilespmem:v27+s30+$0x0], $0xffff;
	v19 =	vmul.f32 v19, v56;
	v20 =	vmul.f32 v20, v38  }
0x182: {  	v63 =	vadd.s32 s19, v3;
	v21 =	vmul.f32 v21, v39;
	v28 =	vmul.f32 v28, v59;
	v56 =	vld [tilespmem:s6+$0x0]  }
0x183: {  	v44 =	vor.u32 v13, v44;
	v22 =	vmul.f32 v22, v40;
	v23 =	vmul.f32 v23, v60;
	v59 =	vld [tilespmem:s6+$0x30]  }
0x184: {  	v39 =	vbroadcast v50, $0x0;
	v60 =	vld [tilespmem:s6+$0x40];
	v29 =	vmul.f32 v29, v57;
	v33 =	vsub.f32 v33, v14  }
0x185: {  	v17 =	vmul.f32 v18, v17;
	v18 =	vld [tilespmem:s23+$0xFFFFFFA0];
	v32 =	vmul.f32 v32, v53;
	v24 =	vsub.f32 v24, v14  }
0x186: {  	v62 =	vld [tilespmem:s6+$0x50];
	v38 =	vor.u32 v13, v49;
	v19 =	vadd.f32 v19, v58;
	v33 =	vmul.f32 v33, v15  }
0x187: {  	v58 =	vld [tilespmem:s6+$0x20];
	v17 =	vadd.f32 v17, v54;
	v27 =	vsub.f32 v27, v14;
	v24 =	vmul.f32 v24, v15  }
0x188: {  	v55 =	vld [tilespmem:s23+$0xFFFFFF90];
	v39 =	vor.u32 v13, v39;
	[tilespmem:v35+s5+$0x0] =	vst.idx.msk $0xffff, v19;
	v19 =	vbroadcast v63, $0x0;
	v33 =	vmul.f32 v33, v37  }
0x189: {  	v37 =	vadd.s32 s19, v4;
	v25 =	vmul.f32 v25, v56;
	v27 =	vmul.f32 v27, v15;
	v56 =	vld [tilespmem:s23+$0xFFFFFFB0]  }
0x18a: {  	v57 =	vld [tilespmem:s23+$0xFFFFFFC0];
	v30 =	vmul.f32 v30, v59;
	v31 =	vmul.f32 v31, v60;
	v20 =	vadd.f32 v20, v18  }
0x18b: {  	v59 =	vld [tilespmem:s23+$0xFFFFFFD0];
	v18 =	vor.u32 s3, v13;
	v24 =	vmul.f32 v24, v42;
	v42 =	vbroadcast v51, $0x0  }
0x18c: {  	v60 =	vld [tilespmem:s23+$0xFFFFFFE0];
	v37 =	vbroadcast v37, $0x0;
	v51 =	vor.u32 v13, v19;
	v26 =	vmul.f32 v26, v58  }
0x18d: {  	s10 =	simm.s32 $0x10;
	v58 =	vor.u32 v13, v48;
	v33 =	vadd.f32 v33, v55;
	v48 =	vor.u32 v13, v61;
	v61 =	vld [tilespmem:s23+$0xFFFFFFF0]  }
0x18e: {  	s19 =	simm.s32 $0x12;
	v19 =	vmov s10;
	v27 =	vmul.f32 v27, v62;
	v62 =	vld [tilespmem:s23+$0x0];
	[tilespmem:v44+s5+$0x0] =	vst.idx.msk $0xffff, v20;
	v21 =	vadd.f32 v21, v56  }
0x18f: {  	v36 =	vmov s19;
	s10 =	simm.s32 $0x14;
	v20 =	vadd.f32 v28, v57;
	v28 =	vld [tilespmem:s23+$0x10];
	v19 =	vshll.u32 v19, $0x4;
	[tilespmem:v43+s5+$0x0] =	vst.idx.msk $0xffff, v33  }
0x190: {  	s18 =	simm.s32 $0x17;
	v63 =	vld [tilespmem:s23+$0x40];
	v40 =	vmov s10;
	v43 =	vor.u32 s26, v13;
	[tilespmem:v45+s5+$0x0] =	vst.idx.msk $0xffff, v21;
	v21 =	vadd.f32 v22, v59  }
0x191: {  	v57 =	vmov s18;
	v42 =	vor.u32 v13, v42;
	s26 =	simm.s32 $0x13;
	[tilespmem:v46+s5+$0x0] =	vst.idx.msk $0xffff, v20;
	v20 =	vadd.f32 v23, v60;
	v22 =	vld [tilespmem:s23+$0x20]  }
0x192: {  	s16 =	simm.s32 $0x16;
	v37 =	vor.u32 v13, v37;
	v44 =	vmov s26;
	v23 =	vld [tilespmem:s23+$0x30];
	s26 =	simm.s32 $0x19;
	[tilespmem:v47+s5+$0x0] =	vst.idx.msk $0xffff, v21;
	v21 =	vadd.f32 v24, v61  }
0x193: {  	s15 =	simm.s32 $0x15;
	v56 =	vmov s16;
	s16 =	simm.s32 $0x1B;
	v60 =	vmov s26;
	[tilespmem:v58+s5+$0x0] =	vst.idx.msk $0xffff, v20;
	v20 =	vadd.f32 v25, v62;
	v58 =	vld [tilespmem:s23+$0x50]  }
0x194: {  	s19 =	simm.s32 $0x18;
	v45 =	vmov s15;
	v62 =	vmov s16;
	[tilespmem:v41+s5+$0x0] =	vst.idx.msk $0xffff, v21;
	v21 =	vadd.f32 v29, v28;
	v28 =	vld [tilespmem:s23+$0x60]  }
0x195: {  	v59 =	vmov s19;
	s15 =	simm.s32 $0x1A;
	s19 =	simm.s32 $0x1D;
	v33 =	vshll.u32 v62, $0x4;
	[tilespmem:v43+s5+$0x0] =	vst.idx.msk $0xffff, v20;
	v29 =	vadd.f32 v31, v63  }
0x196: {  	s18 =	simm.s32 $0x1C;
	s26 =	simm.s32 $0x1E;
	v61 =	vmov s15;
	v20 =	vmov s19;
	v25 =	vadd.f32 v26, v22;
	[tilespmem:v38+s5+$0x0] =	vst.idx.msk $0xffff, v21  }
0x197: {  	v24 =	vmov s26;
	v22 =	vmov s18;
	v26 =	vadd.f32 v30, v23;
	[tilespmem:v48+s5+$0x0] =	vst.idx.msk $0xffff, v29  }
0x198: {  	v23 =	vshll.u32 v44, $0x4;
	v31 =	vadd.f32 v27, v58;
	v27 =	vshll.u32 v40, $0x4;
	[tilespmem:v39+s5+$0x0] =	vst.idx.msk $0xffff, v25  }
0x199: {  	v30 =	vshll.u32 v56, $0x4;
	v21 =	vshll.u32 v34, $0x4;
	[tilespmem:v42+s5+$0x0] =	vst.idx.msk $0xffff, v26;
	v63 =	vadd.f32 v32, v28  }
0x19a: {  	v29 =	vshll.u32 v59, $0x4;
	v25 =	vshll.u32 v36, $0x4;
	v26 =	vshll.u32 v45, $0x4;
	[tilespmem:v37+s5+$0x0] =	vst.idx.msk $0xffff, v31  }
0x19b: {  	s16 =	simm.s32 $0x20;
	s15 =	simm.s32 $0x1;
	s18 =	simm.s32 $0x1F;
	v31 =	vshll.u32 v60, $0x4;
	v28 =	vshll.u32 v57, $0x4;
	v32 =	vshll.u32 v61, $0x4;
	[tilespmem:v51+s5+$0x0] =	vst.idx.msk $0xffff, v63  }
.LBB2_7:
0x19c: {  	p1 =	slt.u32 s16, $0x30;
	v22 =	vshll.u32 v22, $0x4;
	v34 =	vmov s18;
	[tilespmem:v18+s5+$0x0] =	vst.idx.msk $0xffff, v17  }
0x19d: {  	v17 =	vshll.u32 v20, $0x4;
	v18 =	vshll.u32 v24, $0x4;
	v20 =	vshll.u32 v34, $0x4  }
0x19e: {  	v21 =	vadd.s32 v10, v21;
	v24 =	vadd.s32 v10, v25;
	v20 =	vadd.s32 v10, v20  }
0x19f: {  	v23 =	vadd.s32 v10, v23;
	v25 =	vadd.s32 v10, v27;
	v20 =	vor.u32 v0, v20  }
0x1a0: {  	v26 =	vadd.s32 v10, v26;
	v27 =	vadd.s32 v10, v30;
	v20 =	vand.u32 $0x3FF, v20  }
0x1a1: {  	v28 =	vadd.s32 v10, v28;
	v29 =	vadd.s32 v10, v29;
	v20 =	vor.u32 v16, v20  }
0x1a2: {  	v30 =	vadd.s32 v10, v31;
	v31 =	vadd.s32 v10, v32;
	v32 =	vadd.s32 v10, v33  }
0x1a3: {  	v22 =	vadd.s32 v10, v22;
	v17 =	vadd.s32 v10, v17;
	v18 =	vadd.s32 v10, v18  }
0x1a4: {  	v19 =	vadd.s32 v10, v19;
	v21 =	vor.u32 v0, v21;
	v24 =	vor.u32 v0, v24  }
0x1a5: {  	v23 =	vor.u32 v0, v23;
	v25 =	vor.u32 v0, v25;
	v26 =	vor.u32 v0, v26  }
0x1a6: {  	v27 =	vor.u32 v0, v27;
	v28 =	vor.u32 v0, v28;
	v29 =	vor.u32 v0, v29;
	v20 =	vld.idx.msk [tilespmem:v20+s30+$0x0], $0xffff  }
0x1a7: {  	v30 =	vor.u32 v0, v30;
	v31 =	vor.u32 v0, v31;
	v32 =	vor.u32 v0, v32  }
0x1a8: {  	v22 =	vor.u32 v0, v22;
	v33 =	vor.u32 v0, v17;
	v18 =	vor.u32 v0, v18  }
0x1a9: {  	v19 =	vor.u32 v0, v19;
	v21 =	vand.u32 $0x3FF, v21;
	v24 =	vand.u32 $0x3FF, v24  }
0x1aa: {  	s15 =	sadd.s32 $0x2, s15;
	s6 =	sadd.s32 $0x100, s6;
	v23 =	vand.u32 $0x3FF, v23;
	v25 =	vand.u32 $0x3FF, v25;
	v26 =	vand.u32 $0x3FF, v26  }
0x1ab: {  	s26 =	sshll.u32 s15, $0xA;
	v27 =	vand.u32 $0x3FF, v27;
	v28 =	vand.u32 $0x3FF, v28;
	v29 =	vand.u32 $0x3FF, v29;
	v34 =	vld [tilespmem:s6+$0x70]  }
0x1ac: {  	s23 =	sadd.s32 $0x100, s23;
	s19 =	sadd.s32 s14, s26;
	v30 =	vand.u32 $0x3FF, v30;
	v35 =	vadd.s32 s26, v9;
	v20 =	vsub.f32 v20, v14;
	v17 =	vld [tilespmem:s6+$0xFFFFFF80]  }
0x1ad: {  	v31 =	vand.u32 $0x3FF, v31;
	v32 =	vand.u32 $0x3FF, v32;
	s18 =	sadd.s32 $0xFFFFFC00, s19;
	v35 =	vbroadcast v35, $0x0;
	v36 =	vld [tilespmem:s23+$0x70]  }
0x1ae: {  	v22 =	vand.u32 $0x3FF, v22;
	v33 =	vand.u32 $0x3FF, v33;
	v20 =	vmul.f32 v20, v15;
	v37 =	vld [tilespmem:s6+$0xFFFFFF90]  }
0x1af: {  	v19 =	vand.u32 $0x3FF, v19;
	v18 =	vand.u32 $0x3FF, v18;
	v35 =	vor.u32 v13, v35;
	v38 =	vld [tilespmem:s6+$0xFFFFFFA0]  }
0x1b0: {  	v21 =	vor.u32 v16, v21;
	v24 =	vor.u32 v16, v24;
	v39 =	vld [tilespmem:s6+$0xFFFFFFB0];
	v20 =	vmul.f32 v20, v34  }
0x1b1: {  	v23 =	vor.u32 v16, v23;
	v25 =	vor.u32 v16, v25;
	v26 =	vor.u32 v16, v26;
	v34 =	vld [tilespmem:s6+$0xFFFFFFC0]  }
0x1b2: {  	v27 =	vor.u32 v16, v27;
	v28 =	vor.u32 v16, v28;
	v40 =	vld [tilespmem:s6+$0xFFFFFFD0];
	v20 =	vadd.f32 v20, v36  }
0x1b3: {  	v29 =	vor.u32 v16, v29;
	v30 =	vor.u32 v16, v30;
	v31 =	vor.u32 v16, v31;
	v36 =	vld [tilespmem:s6+$0xFFFFFFE0]  }
0x1b4: {  	v32 =	vor.u32 v16, v32;
	v41 =	vmov s18;
	v22 =	vor.u32 v16, v22;
	v42 =	vld [tilespmem:s6+$0xFFFFFFF0];
	[tilespmem:v35+s5+$0x0] =	vst.idx.msk $0xffff, v20  }
0x1b5: {  	v19 =	vor.u32 v16, v19;
	v18 =	vor.u32 v16, v18;
	v20 =	vld.idx.msk [tilespmem:v21+s30+$0x0], $0xffff;
	v21 =	vor.u32 v16, v33  }
0x1b6: {  	v43 =	vadd.s32 $0x180, v41;
	v35 =	vadd.s32 $0x100, v41;
	v33 =	vadd.s32 $0x80, v41;
	v24 =	vld.idx.msk [tilespmem:v24+s30+$0x0], $0xffff  }
0x1b7: {  	v44 =	vadd.s32 $0x200, v41;
	v45 =	vadd.s32 $0x280, v41;
	v46 =	vadd.s32 $0x300, v41;
	v23 =	vld.idx.msk [tilespmem:v23+s30+$0x0], $0xffff  }
0x1b8: {  	v47 =	vadd.s32 s26, v8;
	v48 =	vadd.s32 s26, v7;
	v41 =	vadd.s32 $0x380, v41;
	v25 =	vld.idx.msk [tilespmem:v25+s30+$0x0], $0xffff  }
0x1b9: {  	v49 =	vadd.s32 s26, v6;
	v50 =	vadd.s32 s26, v5;
	v51 =	vadd.s32 s26, v4;
	v26 =	vld.idx.msk [tilespmem:v26+s30+$0x0], $0xffff  }
0x1ba: {  	v52 =	vadd.s32 s26, v3;
	v35 =	vbroadcast v35, $0x0;
	v33 =	vbroadcast v33, $0x0;
	v27 =	vld.idx.msk [tilespmem:v27+s30+$0x0], $0xffff  }
0x1bb: {  	v43 =	vbroadcast v43, $0x0;
	v44 =	vbroadcast v44, $0x0;
	v20 =	vsub.f32 v20, v14;
	v28 =	vld.idx.msk [tilespmem:v28+s30+$0x0], $0xffff  }
0x1bc: {  	v45 =	vbroadcast v45, $0x0;
	v46 =	vbroadcast v46, $0x0;
	v24 =	vsub.f32 v24, v14;
	v29 =	vld.idx.msk [tilespmem:v29+s30+$0x0], $0xffff  }
0x1bd: {  	v41 =	vbroadcast v41, $0x0;
	v20 =	vmul.f32 v20, v15;
	v23 =	vsub.f32 v23, v14;
	v30 =	vld.idx.msk [tilespmem:v30+s30+$0x0], $0xffff  }
0x1be: {  	v47 =	vbroadcast v47, $0x0;
	v24 =	vmul.f32 v24, v15;
	v25 =	vsub.f32 v25, v14;
	v31 =	vld.idx.msk [tilespmem:v31+s30+$0x0], $0xffff  }
0x1bf: {  	v20 =	vmul.f32 v20, v37;
	v23 =	vmul.f32 v23, v15;
	v26 =	vsub.f32 v26, v14;
	v32 =	vld.idx.msk [tilespmem:v32+s30+$0x0], $0xffff  }
0x1c0: {  	v24 =	vmul.f32 v24, v38;
	v25 =	vmul.f32 v25, v15;
	v27 =	vsub.f32 v27, v14;
	v22 =	vld.idx.msk [tilespmem:v22+s30+$0x0], $0xffff  }
0x1c1: {  	v23 =	vmul.f32 v23, v39;
	v26 =	vmul.f32 v26, v15;
	v28 =	vsub.f32 v28, v14;
	v21 =	vld.idx.msk [tilespmem:v21+s30+$0x0], $0xffff  }
0x1c2: {  	v25 =	vmul.f32 v25, v34;
	v27 =	vmul.f32 v27, v15;
	v29 =	vsub.f32 v29, v14;
	v18 =	vld.idx.msk [tilespmem:v18+s30+$0x0], $0xffff  }
0x1c3: {  	v26 =	vmul.f32 v26, v40;
	v28 =	vmul.f32 v28, v15;
	v30 =	vsub.f32 v30, v14;
	v19 =	vld.idx.msk [tilespmem:v19+s30+$0x0], $0xffff  }
0x1c4: {  	v27 =	vmul.f32 v27, v36;
	v29 =	vmul.f32 v29, v15;
	v31 =	vsub.f32 v31, v14;
	v34 =	vld [tilespmem:s6+$0x0]  }
0x1c5: {  	v28 =	vmul.f32 v28, v42;
	v30 =	vmul.f32 v30, v15;
	v32 =	vsub.f32 v32, v14;
	v36 =	vld [tilespmem:s6+$0x10]  }
0x1c6: {  	v38 =	vbroadcast v48, $0x0;
	v31 =	vmul.f32 v31, v15;
	v22 =	vsub.f32 v22, v14;
	v37 =	vld [tilespmem:s6+$0x20]  }
0x1c7: {  	v40 =	vbroadcast v49, $0x0;
	v32 =	vmul.f32 v32, v15;
	v21 =	vsub.f32 v21, v14;
	v39 =	vld [tilespmem:s6+$0x30]  }
0x1c8: {  	v48 =	vbroadcast v50, $0x0;
	v22 =	vmul.f32 v22, v15;
	v18 =	vsub.f32 v18, v14;
	v42 =	vld [tilespmem:s6+$0x40]  }
0x1c9: {  	v19 =	vsub.f32 v19, v14;
	v21 =	vmul.f32 v21, v15;
	v29 =	vmul.f32 v29, v34;
	v34 =	vld [tilespmem:s6+$0x50]  }
0x1ca: {  	v33 =	vor.u32 v13, v33;
	v18 =	vmul.f32 v18, v15;
	v30 =	vmul.f32 v30, v36;
	v36 =	vld [tilespmem:s6+$0x60]  }
0x1cb: {  	v35 =	vor.u32 v13, v35;
	v19 =	vmul.f32 v19, v15;
	v49 =	vld [tilespmem:s23+$0xFFFFFF80];
	v31 =	vmul.f32 v31, v37  }
0x1cc: {  	v43 =	vor.u32 v13, v43;
	v37 =	vld [tilespmem:s23+$0xFFFFFF90];
	v32 =	vmul.f32 v32, v39;
	v39 =	vbroadcast v51, $0x0  }
0x1cd: {  	v44 =	vor.u32 v13, v44;
	v17 =	vmul.f32 v19, v17;
	v19 =	vld [tilespmem:s23+$0xFFFFFFA0];
	v42 =	vmul.f32 v22, v42  }
0x1ce: {  	v45 =	vor.u32 v13, v45;
	v22 =	vld [tilespmem:s23+$0xFFFFFFB0];
	v34 =	vmul.f32 v21, v34;
	v21 =	vbroadcast v52, $0x0  }
0x1cf: {  	v46 =	vor.u32 v13, v46;
	v41 =	vor.u32 v13, v41;
	v50 =	vld [tilespmem:s23+$0xFFFFFFC0];
	v36 =	vmul.f32 v18, v36  }
0x1d0: {  	v47 =	vor.u32 v13, v47;
	v38 =	vor.u32 v13, v38;
	v17 =	vadd.f32 v17, v49;
	v49 =	vld [tilespmem:s23+$0xFFFFFFD0]  }
0x1d1: {  	v48 =	vor.u32 v13, v48;
	v40 =	vor.u32 v13, v40;
	v20 =	vadd.f32 v20, v37;
	v37 =	vld [tilespmem:s23+$0xFFFFFFE0]  }
0x1d2: {  	v39 =	vor.u32 v13, v39;
	v51 =	vor.u32 v13, v21;
	v19 =	vadd.f32 v24, v19;
	v24 =	vld [tilespmem:s23+$0xFFFFFFF0]  }
0x1d3: {  	v18 =	vor.u32 s18, v13;
	[tilespmem:v33+s5+$0x0] =	vst.idx.msk $0xffff, v20;
	v20 =	vadd.f32 v23, v22;
	v21 =	vld [tilespmem:s23+$0x0];
	v22 =	vor.u32 s19, v13  }
0x1d4: {  	s3 =	sadd.s32 $0x1, s16;
	v23 =	vmov s16;
	[tilespmem:v35+s5+$0x0] =	vst.idx.msk $0xffff, v19;
	v25 =	vadd.f32 v25, v50;
	v33 =	vld [tilespmem:s23+$0x10]  }
0x1d5: {  	s10 =	sadd.s32 $0x3, s16;
	v19 =	vshll.u32 v23, $0x4;
	v23 =	vmov s3;
	s3 =	sadd.s32 $0x2, s16;
	[tilespmem:v43+s5+$0x0] =	vst.idx.msk $0xffff, v20;
	v20 =	vadd.f32 v26, v49;
	v26 =	vld [tilespmem:s23+$0x20]  }
0x1d6: {  	v35 =	vmov s3;
	v43 =	vmov s10;
	s3 =	sadd.s32 $0x4, s16;
	s10 =	sadd.s32 $0x5, s16;
	[tilespmem:v44+s5+$0x0] =	vst.idx.msk $0xffff, v25;
	v25 =	vadd.f32 v27, v37;
	v27 =	vld [tilespmem:s23+$0x30]  }
0x1d7: {  	v37 =	vmov s3;
	v44 =	vmov s10;
	s3 =	sadd.s32 $0x6, s16;
	s10 =	sadd.s32 $0x7, s16;
	[tilespmem:v45+s5+$0x0] =	vst.idx.msk $0xffff, v20;
	v20 =	vadd.f32 v28, v24;
	v28 =	vld [tilespmem:s23+$0x40]  }
0x1d8: {  	v45 =	vmov s3;
	v49 =	vmov s10;
	s3 =	sadd.s32 $0x8, s16;
	s10 =	sadd.s32 $0x9, s16;
	[tilespmem:v46+s5+$0x0] =	vst.idx.msk $0xffff, v25;
	v21 =	vadd.f32 v29, v21;
	v29 =	vld [tilespmem:s23+$0x50]  }
0x1d9: {  	v46 =	vmov s3;
	v50 =	vmov s10;
	s3 =	sadd.s32 $0xA, s16;
	s10 =	sadd.s32 $0xB, s16;
	[tilespmem:v41+s5+$0x0] =	vst.idx.msk $0xffff, v20;
	v24 =	vadd.f32 v30, v33;
	v30 =	vld [tilespmem:s23+$0x60]  }
0x1da: {  	v33 =	vmov s3;
	v41 =	vmov s10;
	s3 =	sadd.s32 $0xC, s16;
	s10 =	sadd.s32 $0xD, s16;
	[tilespmem:v22+s5+$0x0] =	vst.idx.msk $0xffff, v21;
	v25 =	vadd.f32 v31, v26  }
0x1db: {  	v22 =	vmov s3;
	v20 =	vmov s10;
	s3 =	sadd.s32 $0xE, s16;
	[tilespmem:v47+s5+$0x0] =	vst.idx.msk $0xffff, v24;
	v26 =	vadd.f32 v32, v27  }
.Ltmp6:
0x1dc: {  	v21 =	vshll.u32 v23, $0x4;
	v24 =	vmov s3;
	[tilespmem:v38+s5+$0x0] =	vst.idx.msk $0xffff, v25;
	v28 =	vadd.f32 v42, v28;
	(pc) =	sbr.rel @p1 .LBB2_7-.Ltmp6, $4  }
0x1dd: {  	v23 =	vshll.u32 v43, $0x4;
	v25 =	vshll.u32 v35, $0x4;
	[tilespmem:v40+s5+$0x0] =	vst.idx.msk $0xffff, v26;
	v31 =	vadd.f32 v34, v29  }
0x1de: {  	v27 =	vshll.u32 v37, $0x4;
	v26 =	vshll.u32 v44, $0x4;
	[tilespmem:v48+s5+$0x0] =	vst.idx.msk $0xffff, v28;
	v34 =	vadd.f32 v36, v30  }
0x1df: {  	v29 =	vshll.u32 v46, $0x4;
	v30 =	vshll.u32 v45, $0x4;
	v28 =	vshll.u32 v49, $0x4;
	[tilespmem:v39+s5+$0x0] =	vst.idx.msk $0xffff, v31  }
0x1e0: {  	s18 =	sadd.s32 $0xF, s16;
	s16 =	sadd.s32 $0x10, s16;
	v32 =	vshll.u32 v33, $0x4;
	v33 =	vshll.u32 v41, $0x4;
	v31 =	vshll.u32 v50, $0x4;
	[tilespmem:v51+s5+$0x0] =	vst.idx.msk $0xffff, v34  }
0x1e1: {  	v34 =	vmov s18;
	v22 =	vshll.u32 v22, $0x4  }
0x1e2: {  	v20 =	vshll.u32 v20, $0x4;
	v24 =	vshll.u32 v24, $0x4;
	v21 =	vadd.s32 v10, v21  }
0x1e3: {  	v25 =	vadd.s32 v10, v25;
	v23 =	vadd.s32 v10, v23;
	v27 =	vadd.s32 v10, v27  }
0x1e4: {  	v26 =	vadd.s32 v10, v26;
	v30 =	vadd.s32 v10, v30;
	v28 =	vadd.s32 v10, v28  }
0x1e5: {  	v29 =	vadd.s32 v10, v29;
	v31 =	vadd.s32 v10, v31;
	v32 =	vadd.s32 v10, v32  }
0x1e6: {  	v33 =	vadd.s32 v10, v33;
	v19 =	vadd.s32 v10, v19;
	v34 =	vshll.u32 v34, $0x4  }
0x1e7: {  	v22 =	vadd.s32 v10, v22;
	v35 =	vadd.s32 v10, v20;
	v24 =	vadd.s32 v10, v24  }
0x1e8: {  	v21 =	vor.u32 v0, v21;
	v25 =	vor.u32 v0, v25;
	v23 =	vor.u32 v0, v23  }
0x1e9: {  	v27 =	vor.u32 v0, v27;
	v26 =	vor.u32 v0, v26;
	v30 =	vor.u32 v0, v30  }
0x1ea: {  	v28 =	vor.u32 v0, v28;
	v29 =	vor.u32 v0, v29;
	v31 =	vor.u32 v0, v31  }
0x1eb: {  	s19 =	sadd.s32 $0x100, s6;
	v32 =	vor.u32 v0, v32;
	v33 =	vor.u32 v0, v33;
	v19 =	vor.u32 v0, v19  }
0x1ec: {  	v36 =	vld [tilespmem:s19+$0x70];
	v34 =	vadd.s32 v10, v34;
	v22 =	vor.u32 v0, v22;
	v35 =	vor.u32 v0, v35  }
0x1ed: {  	s18 =	sadd.s32 $0x100, s23;
	v20 =	vld [tilespmem:s19+$0xFFFFFF80];
	v24 =	vor.u32 v0, v24;
	v21 =	vand.u32 $0x3FF, v21;
	v25 =	vand.u32 $0x3FF, v25  }
0x1ee: {  	s3 =	sadd.s32 $0x2, s15;
	v37 =	vld [tilespmem:s18+$0x70];
	v23 =	vand.u32 $0x3FF, v23;
	v27 =	vand.u32 $0x3FF, v27;
	v26 =	vand.u32 $0x3FF, v26  }
0x1ef: {  	v38 =	vld [tilespmem:s19+$0xFFFFFF90];
	s26 =	sshll.u32 s3, $0xA;
	v30 =	vand.u32 $0x3FF, v30;
	v28 =	vand.u32 $0x3FF, v28;
	v29 =	vand.u32 $0x3FF, v29  }
0x1f0: {  	v39 =	vld [tilespmem:s19+$0xFFFFFFA0];
	v31 =	vand.u32 $0x3FF, v31;
	v43 =	vadd.s32 s26, v9;
	v32 =	vand.u32 $0x3FF, v32  }
0x1f1: {  	v40 =	vld [tilespmem:s19+$0xFFFFFFB0];
	v33 =	vand.u32 $0x3FF, v33;
	v47 =	vand.u32 $0x3FF, v19;
	v50 =	vadd.s32 s26, v8  }
0x1f2: {  	v41 =	vld [tilespmem:s19+$0xFFFFFFC0];
	v51 =	vadd.s32 s26, v7;
	v53 =	vadd.s32 s26, v5;
	v34 =	vor.u32 v0, v34  }
0x1f3: {  	v42 =	vld [tilespmem:s19+$0xFFFFFFD0];
	v21 =	vor.u32 v16, v21;
	v25 =	vor.u32 v16, v25;
	v23 =	vor.u32 v16, v23  }
0x1f4: {  	v44 =	vld [tilespmem:s19+$0xFFFFFFE0];
	v27 =	vor.u32 v16, v27;
	v26 =	vor.u32 v16, v26;
	v43 =	vbroadcast v43, $0x0  }
0x1f5: {  	v45 =	vld [tilespmem:s19+$0xFFFFFFF0];
	s16 =	sadd.s32 s14, s26;
	v30 =	vor.u32 v16, v30;
	v46 =	vand.u32 $0x3FF, v22;
	v35 =	vand.u32 $0x3FF, v35  }
0x1f6: {  	v58 =	vld [tilespmem:s19+$0x0];
	v28 =	vor.u32 v16, v28;
	v29 =	vor.u32 v16, v29;
	s10 =	sadd.s32 $0xFFFFFC00, s16;
	v24 =	vand.u32 $0x3FF, v24  }
0x1f7: {  	v59 =	vld [tilespmem:s19+$0x20];
	v31 =	vor.u32 v16, v31;
	v32 =	vor.u32 v16, v32;
	v62 =	vmov s10  }
0x1f8: {  	v61 =	vld [tilespmem:s19+$0x50];
	v33 =	vor.u32 v16, v33;
	v54 =	vor.u32 v16, v47;
	v57 =	vadd.s32 $0x200, v62  }
0x1f9: {  	v50 =	vbroadcast v50, $0x0;
	v34 =	vand.u32 $0x3FF, v34;
	v47 =	vbroadcast v57, $0x0;
	v57 =	vld [tilespmem:s18+$0xFFFFFFA0]  }
0x1fa: {  	v51 =	vbroadcast v51, $0x0;
	v63 =	vor.u32 v16, v46;
	v34 =	vor.u32 v16, v34;
	v21 =	vld.idx.msk [tilespmem:v21+s30+$0x0], $0xffff  }
0x1fb: {  	v35 =	vor.u32 v16, v35;
	v19 =	vor.u32 v13, v43;
	v16 =	vor.u32 v16, v24;
	v25 =	vld.idx.msk [tilespmem:v25+s30+$0x0], $0xffff  }
0x1fc: {  	v24 =	vadd.s32 $0x80, v62;
	v55 =	vadd.s32 $0x100, v62;
	v56 =	vadd.s32 $0x180, v62;
	v23 =	vld.idx.msk [tilespmem:v23+s30+$0x0], $0xffff  }
0x1fd: {  	v48 =	vadd.s32 $0x280, v62;
	v49 =	vadd.s32 $0x300, v62;
	v24 =	vbroadcast v24, $0x0;
	v27 =	vld.idx.msk [tilespmem:v27+s30+$0x0], $0xffff  }
0x1fe: {  	v50 =	vor.u32 v13, v50;
	v43 =	vbroadcast v55, $0x0;
	v46 =	vbroadcast v56, $0x0;
	v30 =	vld.idx.msk [tilespmem:v30+s30+$0x0], $0xffff  }
0x1ff: {  	v51 =	vor.u32 v13, v51;
	v48 =	vbroadcast v48, $0x0;
	v49 =	vbroadcast v49, $0x0;
	v34 =	vld.idx.msk [tilespmem:v34+s30+$0x0], $0xffff  }
0x200: {  	v26 =	vld.idx.msk [tilespmem:v26+s30+$0x0], $0xffff;
	v24 =	vor.u32 v13, v24;
	v43 =	vor.u32 v13, v43;
	v46 =	vor.u32 v13, v46  }
0x201: {  	v29 =	vld.idx.msk [tilespmem:v29+s30+$0x0], $0xffff;
	v47 =	vor.u32 v13, v47;
	v48 =	vor.u32 v13, v48;
	v21 =	vsub.f32 v21, v14  }
0x202: {  	v28 =	vld.idx.msk [tilespmem:v28+s30+$0x0], $0xffff;
	v49 =	vor.u32 v13, v49;
	v25 =	vsub.f32 v25, v14;
	v23 =	vsub.f32 v23, v14  }
0x203: {  	v32 =	vld.idx.msk [tilespmem:v32+s30+$0x0], $0xffff;
	v27 =	vsub.f32 v27, v14;
	v30 =	vsub.f32 v30, v14;
	v21 =	vmul.f32 v21, v15  }
0x204: {  	v31 =	vld.idx.msk [tilespmem:v31+s30+$0x0], $0xffff;
	v34 =	vsub.f32 v34, v14;
	v25 =	vmul.f32 v25, v15;
	v23 =	vmul.f32 v23, v15  }
0x205: {  	v35 =	vld.idx.msk [tilespmem:v35+s30+$0x0], $0xffff;
	v26 =	vsub.f32 v26, v14;
	v27 =	vmul.f32 v27, v15;
	v30 =	vmul.f32 v30, v15  }
0x206: {  	v33 =	vld.idx.msk [tilespmem:v33+s30+$0x0], $0xffff;
	v29 =	vsub.f32 v29, v14;
	v34 =	vmul.f32 v34, v15;
	v25 =	vmul.f32 v25, v39  }
0x207: {  	v39 =	vmul.f32 v23, v40;
	v23 =	vmul.f32 v26, v15;
	v26 =	vsub.f32 v28, v14;
	v28 =	vld [tilespmem:s19+$0x10]  }
0x208: {  	v32 =	vsub.f32 v32, v14;
	v27 =	vmul.f32 v27, v41;
	v22 =	vmul.f32 v34, v36;
	v36 =	vld.idx.msk [tilespmem:v63+s30+$0x0], $0xffff  }
0x209: {  	v41 =	vmul.f32 v23, v42;
	v23 =	vmul.f32 v26, v15;
	v26 =	vsub.f32 v31, v14;
	v31 =	vld [tilespmem:s19+$0x30]  }
0x20a: {  	v35 =	vsub.f32 v35, v14;
	v29 =	vmul.f32 v29, v15;
	v32 =	vmul.f32 v32, v15;
	v42 =	vld [tilespmem:s19+$0x40]  }
0x20b: {  	s15 =	sor.u32 $0x1, s1;
	v21 =	vmul.f32 v21, v38;
	v30 =	vmul.f32 v30, v44;
	v34 =	vadd.s32 $0x380, v62;
	v62 =	vld [tilespmem:s19+$0x60]  }
0x20c: {  	v63 =	vadd.s32 s26, v6;
	s19 =	sshll.u32 s15, $0x4;
	v34 =	vbroadcast v34, $0x0;
	v22 =	vadd.f32 v22, v37;
	v37 =	vld.idx.msk [tilespmem:v54+s30+$0x0], $0xffff  }
0x20d: {  	v16 =	vld.idx.msk [tilespmem:v16+s30+$0x0], $0xffff;
	v25 =	vadd.f32 v25, v57;
	s23 =	sand.u32 $0x70, s19;
	v38 =	vbroadcast v63, $0x0;
	v44 =	vmul.f32 v23, v45  }
0x20e: {  	v63 =	vld [tilespmem:s18+$0x10];
	v23 =	vsub.f32 v33, v14;
	v26 =	vmul.f32 v26, v15;
	v54 =	vadd.s32 s26, v3;
	s3 =	sor.u32 s22, s23  }
0x20f: {  	s6 =	sadd.s32 $0xFFFFFF40, s21;
	v45 =	vor.u32 s3, v0;
	v34 =	vor.u32 v13, v34;
	v38 =	vor.u32 v13, v38  }
0x210: {  	v23 =	vmul.f32 v23, v15;
	v26 =	vmul.f32 v26, v28;
	[tilespmem:v19+s5+$0x0] =	vst.idx.msk $0xffff, v22;
	v19 =	vor.u32 s6, v0  }
0x211: {  	v52 =	vld [tilespmem:s18+$0xFFFFFF80];
	v60 =	vsub.f32 v36, v14;
	v36 =	vimm.f32 $0.0e+00;
	v37 =	vsub.f32 v37, v14  }
0x212: {  	v14 =	vsub.f32 v16, v14;
	v16 =	vmul.f32 v29, v58;
	v29 =	vmul.f32 v35, v15;
	v35 =	vld [tilespmem:s18+$0xFFFFFF90]  }
0x213: {  	v26 =	vadd.f32 v26, v63;
	v63 =	vor.u32 s16, v13;
	s16 =	sadd.s32 $0xFFFFFF50, s21;
	v33 =	vmul.f32 v60, v15;
	v58 =	vld [tilespmem:s18+$0xFFFFFFB0]  }
0x214: {  	[tilespmem:v18+s5+$0x0] =	vst.idx.msk $0xffff, v17;
	v60 =	vld [tilespmem:s18+$0xFFFFFFD0];
	v18 =	vor.u32 s16, v0;
	v28 =	vmul.f32 v37, v15;
	v14 =	vmul.f32 v14, v15  }
0x215: {  	s16 =	simm.s32 $0x1;
	v15 =	vmul.f32 v32, v59;
	v59 =	vadd.s32 s26, v4;
	v29 =	vmul.f32 v29, v61;
	v61 =	vld [tilespmem:s18+$0xFFFFFFE0]  }
0x216: {  	v31 =	vmul.f32 v23, v31;
	v55 =	vadd.s32 s16, v0;
	v40 =	vbroadcast v59, $0x0;
	v59 =	vld [tilespmem:s18+$0x30]  }
0x217: {  	v33 =	vmul.f32 v33, v42;
	v37 =	vor.u32 s10, v13;
	s10 =	sadd.s32 $0xFFFFFF60, s21;
	v20 =	vmul.f32 v28, v20;
	v28 =	vld [tilespmem:s18+$0xFFFFFFC0]  }
0x218: {  	v17 =	vor.u32 s10, v0;
	v14 =	vmul.f32 v14, v62;
	v35 =	vadd.f32 v21, v35;
	v21 =	vld [tilespmem:s18+$0x0]  }
0x219: {  	v62 =	vbroadcast v53, $0x0;
	v32 =	vadd.f32 v39, v58;
	v41 =	vadd.f32 v41, v60;
	v60 =	vld [tilespmem:s18+$0x40]  }
0x21a: {  	s6 =	simm.s32 $0xF;
	v58 =	vbroadcast v54, $0x0;
	v40 =	vor.u32 v13, v40;
	v23 =	vadd.f32 v20, v52;
	v20 =	vld [tilespmem:s18+$0xFFFFFFF0]  }
0x21b: {  	v39 =	vadd.s32 s6, v0;
	v52 =	vor.u32 v13, v62;
	v30 =	vadd.f32 v30, v61  }
0x21c: {  	s16 =	simm.s32 $0x3;
	v62 =	vshll.u32 v45, $0x7;
	v39 =	vand.u32 $0x3F, v39;
	v27 =	vadd.f32 v27, v28;
	v28 =	vld.idx.msk [tilespmem:v45+s24+$0x0], $0xffff  }
0x21d: {  	v57 =	vld [tilespmem:s18+$0x20];
	s6 =	simm.s32 $0x7;
	v53 =	vor.u32 v13, v58;
	v31 =	vadd.f32 v31, v59;
	[tilespmem:v49+s5+$0x0] =	vst.idx.msk $0xffff, v30;
	v30 =	vadd.s32 s16, v0  }
0x21e: {  	[tilespmem:v50+s5+$0x0] =	vst.idx.msk $0xffff, v26;
	s16 =	simm.s32 $0x6;
	v45 =	vadd.s32 s6, v0;
	v61 =	vadd.f32 v16, v21;
	v16 =	vld [tilespmem:s18+$0x60];
	v33 =	vadd.f32 v33, v60  }
0x21f: {  	s10 =	simm.s32 $0x5;
	v30 =	vand.u32 $0x3F, v30;
	v54 =	vadd.s32 s16, v0;
	v44 =	vadd.f32 v44, v20;
	v20 =	vld [tilespmem:s18+$0x50];
	[tilespmem:v47+s5+$0x0] =	vst.idx.msk $0xffff, v27  }
0x220: {  	s18 =	simm.s32 $0x0;
	v27 =	vand.u32 $0x3F, v55;
	v26 =	vor.u32 v11, v30;
	[tilespmem:v63+s5+$0x0] =	vst.idx.msk $0xffff, v61;
	v63 =	vadd.s32 s10, v0  }
0x221: {  	[tilespmem:v43+s5+$0x0] =	vst.idx.msk $0xffff, v25;
	v25 =	vor.u32 s18, v12;
	v55 =	vand.u32 $0x3F, v63;
	v21 =	vshll.u32 v28, $0x6  }
0x222: {  	s19 =	sadd.s32 $0xFFFFFF70, s21;
	s22 =	sadd.s32 $0xFFFFFF20, s21;
	v28 =	vadd.f32 v15, v57;
	v15 =	vand.u32 $0xFFFFFF80, v21;
	v13 =	vand.u32 $0x40, v21  }
0x223: {  	v14 =	vadd.f32 v14, v16;
	v21 =	vor.u32 s22, v0;
	v16 =	vor.u32 s19, v0;
	s19 =	simm.s32 $0xD  }
0x224: {  	[tilespmem:v24+s5+$0x0] =	vst.idx.msk $0xffff, v35;
	v15 =	vadd.s32 v62, v15;
	v29 =	vadd.f32 v29, v20;
	v57 =	vadd.s32 s19, v0  }
0x225: {  	s26 =	sadd.s32 $0xFFFFFF30, s21;
	[tilespmem:v48+s5+$0x0] =	vst.idx.msk $0xffff, v41;
	v13 =	vor.u32 v13, v15;
	v41 =	vand.u32 $0x3F, v57;
	v57 =	vor.u32 v11, v55  }
0x226: {  	[tilespmem:v46+s5+$0x0] =	vst.idx.msk $0xffff, v32;
	s22 =	sadd.s32 $0xFFFFFF80, s21;
	v20 =	vor.u32 s26, v0;
	s26 =	simm.s32 $0x2;
	v15 =	vor.u32 v0, v13;
	v58 =	vor.u32 v13, v27  }
0x227: {  	[tilespmem:v37+s5+$0x0] =	vst.idx.msk $0xffff, v23;
	v22 =	vmov s22;
	s22 =	simm.s32 $0xB;
	v43 =	vadd.s32 s26, v0;
	v24 =	vor.u32 s18, v15  }
0x228: {  	[tilespmem:v38+s5+$0x0] =	vst.idx.msk $0xffff, v31;
	v26 =	vld.idx.msk [tilespmem:v26+s13+$0x0], $0xffff;
	s26 =	simm.s32 $0xC;
	v46 =	vadd.s32 s22, v0;
	v35 =	vand.u32 $0x3F, v43;
	v27 =	vor.u32 v11, v27  }
0x229: {  	s22 =	simm.s32 $0x4;
	v25 =	vld.idx.msk [tilespmem:v25+s13+$0x0], $0xffff;
	v59 =	vadd.s32 s26, v0;
	v61 =	vor.u32 v13, v30;
	v56 =	vor.u32 v13, v35  }
0x22a: {  	[tilespmem:v34+s5+$0x0] =	vst.idx.msk $0xffff, v44;
	v62 =	vadd.s32 s22, v0;
	v46 =	vand.u32 $0x3F, v46;
	v60 =	vor.u32 v11, v35;
	v34 =	vld.idx.msk [tilespmem:v57+s13+$0x0], $0xffff  }
0x22b: {  	s19 =	simm.s32 $0x9;
	s26 =	simm.s32 $0x8;
	v47 =	vor.u32 v13, v39;
	v39 =	vor.u32 v11, v39;
	v30 =	vand.u32 $0x3F, v62;
	v31 =	vld.idx.msk [tilespmem:v58+s2+$0x0], $0xffff  }
0x22c: {  	[tilespmem:v52+s5+$0x0] =	vst.idx.msk $0xffff, v33;
	s18 =	simm.s32 $0xE;
	v35 =	vadd.s32 s19, v0;
	v49 =	vadd.s32 s26, v0;
	v32 =	vor.u32 v13, v30;
	v24 =	vld.idx.msk [tilespmem:v24+s2+$0x0], $0xffff  }
0x22d: {  	[tilespmem:v51+s5+$0x0] =	vst.idx.msk $0xffff, v28;
	v59 =	vand.u32 $0x3F, v59;
	v42 =	vadd.s32 s18, v0;
	s18 =	simm.s32 $0xA;
	v30 =	vor.u32 v11, v30;
	v27 =	vld.idx.msk [tilespmem:v27+s13+$0x0], $0xffff  }
0x22e: {  	[tilespmem:v40+s5+$0x0] =	vst.idx.msk $0xffff, v29;
	v35 =	vand.u32 $0x3F, v35;
	v40 =	vor.u32 v11, v59;
	v48 =	vadd.s32 s18, v0;
	v28 =	vld.idx.msk [tilespmem:v56+s2+$0x0], $0xffff  }
0x22f: {  	v42 =	vand.u32 $0x3F, v42;
	v52 =	vor.u32 v13, v35;
	v35 =	vor.u32 v11, v35;
	v29 =	vld.idx.msk [tilespmem:v60+s13+$0x0], $0xffff  }
0x230: {  	[tilespmem:v53+s5+$0x0] =	vst.idx.msk $0xffff, v14;
	v62 =	vand.u32 $0x3F, v48;
	v58 =	vand.u32 $0x3F, v54;
	v56 =	vor.u32 v13, v55;
	v60 =	vld.idx.msk [tilespmem:v61+s2+$0x0], $0xffff  }
0x231: {  	v54 =	vor.u32 v11, v62;
	v61 =	vor.u32 v13, v58;
	v23 =	vld.idx.msk [tilespmem:v32+s2+$0x0], $0xffff;
	v14 =	vadd.f32 v25, v24  }
0x232: {  	v30 =	vld.idx.msk [tilespmem:v30+s13+$0x0], $0xffff;
	v27 =	vadd.f32 v27, v31;
	v24 =	vor.u32 v11, v58;
	v25 =	vand.u32 $0x3F, v45  }
0x233: {  	v40 =	vld.idx.msk [tilespmem:v40+s13+$0x0], $0xffff;
	v45 =	vand.u32 $0x3F, v49;
	v63 =	vor.u32 v13, v25;
	v48 =	vmul.f32 v14, v14  }
0x234: {  	v43 =	vld.idx.msk [tilespmem:v52+s2+$0x0], $0xffff;
	v28 =	vadd.f32 v29, v28;
	v25 =	vor.u32 v11, v25;
	v29 =	vor.u32 v13, v45  }
0x235: {  	v31 =	vld.idx.msk [tilespmem:v56+s2+$0x0], $0xffff;
	v51 =	vmul.f32 v27, v27;
	v50 =	vadd.f32 v14, v36;
	v36 =	vadd.f32 v48, v36  }
0x236: {  	v44 =	vld.idx.msk [tilespmem:v61+s2+$0x0], $0xffff;
	v26 =	vadd.f32 v26, v60;
	v56 =	vor.u32 v13, v46;
	v49 =	vor.u32 v11, v45  }
0x237: {  	v53 =	vmul.f32 v28, v28;
	v37 =	vadd.f32 v27, v50;
	v24 =	vld.idx.msk [tilespmem:v24+s13+$0x0], $0xffff;
	v36 =	vadd.f32 v51, v36  }
0x238: {  	v46 =	vor.u32 v11, v46;
	v58 =	vor.u32 v13, v59;
	v23 =	vadd.f32 v30, v23;
	v32 =	vld.idx.msk [tilespmem:v63+s2+$0x0], $0xffff  }
0x239: {  	v55 =	vmul.f32 v26, v26;
	v25 =	vld.idx.msk [tilespmem:v25+s13+$0x0], $0xffff;
	v37 =	vadd.f32 v28, v37;
	v36 =	vadd.f32 v53, v36  }
0x23a: {  	v60 =	vor.u32 v13, v41;
	v30 =	vor.u32 v13, v62;
	v31 =	vadd.f32 v34, v31;
	v29 =	vld.idx.msk [tilespmem:v29+s2+$0x0], $0xffff  }
0x23b: {  	v57 =	vmul.f32 v23, v23;
	v33 =	vld.idx.msk [tilespmem:v49+s13+$0x0], $0xffff;
	v37 =	vadd.f32 v26, v37;
	v36 =	vadd.f32 v55, v36  }
0x23c: {  	v35 =	vld.idx.msk [tilespmem:v35+s13+$0x0], $0xffff;
	v41 =	vor.u32 v11, v41;
	v62 =	vor.u32 v13, v42;
	v24 =	vadd.f32 v24, v44  }
0x23d: {  	v45 =	vld.idx.msk [tilespmem:v54+s13+$0x0], $0xffff;
	v59 =	vmul.f32 v31, v31;
	v37 =	vadd.f32 v23, v37;
	v36 =	vadd.f32 v57, v36  }
0x23e: {  	v42 =	vor.u32 v11, v42;
	[tilespmem:v21+s30+$0x0] =	vst.idx.msk $0xffff, v27;
	v21 =	vshrl.u32 v22, $0x7;
	v25 =	vadd.f32 v25, v32  }
0x23f: {  	v30 =	vld.idx.msk [tilespmem:v30+s2+$0x0], $0xffff;
	v37 =	vadd.f32 v31, v37;
	v61 =	vmul.f32 v24, v24;
	v36 =	vadd.f32 v59, v36  }
0x240: {  	[tilespmem:v20+s30+$0x0] =	vst.idx.msk $0xffff, v28;
	v20 =	vshll.u32 v21, v1;
	v34 =	vld.idx.msk [tilespmem:v56+s2+$0x0], $0xffff;
	v29 =	vadd.f32 v33, v29  }
0x241: {  	v46 =	vld.idx.msk [tilespmem:v46+s13+$0x0], $0xffff;
	v63 =	vmul.f32 v25, v25;
	v37 =	vadd.f32 v24, v37;
	v36 =	vadd.f32 v61, v36  }
0x242: {  	v35 =	vadd.f32 v35, v43;
	[tilespmem:v19+s30+$0x0] =	vst.idx.msk $0xffff, v26;
	v19 =	vbroadcast v20, $0x0;
	v20 =	vld.idx.msk [tilespmem:v39+s13+$0x0], $0xffff  }
0x243: {  	v44 =	vld.idx.msk [tilespmem:v58+s2+$0x0], $0xffff;
	v48 =	vmul.f32 v29, v29;
	v37 =	vadd.f32 v25, v37;
	v36 =	vadd.f32 v63, v36  }
0x244: {  	v32 =	vld.idx.msk [tilespmem:v60+s2+$0x0], $0xffff;
	v27 =	vadd.f32 v45, v30  }
0x245: {  	s18 =	sadd.s32 $0xFFFFFF90, s21;
	v49 =	vmul.f32 v35, v35;
	v30 =	vld.idx.msk [tilespmem:v41+s13+$0x0], $0xffff;
	v37 =	vadd.f32 v29, v37;
	v36 =	vadd.f32 v48, v36  }
0x246: {  	v52 =	vmov s21;
	v22 =	vor.u32 s18, v0;
	[tilespmem:v18+s30+$0x0] =	vst.idx.msk $0xffff, v23;
	v21 =	vld.idx.msk [tilespmem:v42+s13+$0x0], $0xffff;
	v28 =	vadd.f32 v46, v34  }
0x247: {  	s26 =	sadd.s32 $0xFFFFFFC0, s21;
	v33 =	vld.idx.msk [tilespmem:v62+s2+$0x0], $0xffff;
	v51 =	vmul.f32 v27, v27;
	v50 =	vadd.f32 v35, v37;
	v36 =	vadd.f32 v49, v36  }
0x248: {  	v18 =	vor.u32 v2, v19;
	[tilespmem:v17+s30+$0x0] =	vst.idx.msk $0xffff, v31;
	v17 =	vor.u32 s26, v0;
	v26 =	vadd.f32 v40, v44  }
0x249: {  	s10 =	sadd.s32 $0xFFFFFFD0, s21;
	s19 =	sadd.s32 $0xFFFFFFA0, s21;
	v53 =	vld.idx.msk [tilespmem:v47+s2+$0x0], $0xffff;
	v54 =	vmul.f32 v28, v28;
	v34 =	vadd.f32 v27, v50;
	v36 =	vadd.f32 v51, v36  }
0x24a: {  	v55 =	vor.u32 s19, v0;
	v58 =	vor.u32 s10, v0;
	v30 =	vadd.f32 v30, v32  }
0x24b: {  	s22 =	sadd.s32 $0xFFFFFFB0, s21;
	s19 =	sadd.s32 $0xFFFFFFF0, s21;
	v56 =	vmul.f32 v26, v26;
	v19 =	vadd.f32 v28, v34;
	v23 =	vadd.f32 v54, v36  }
0x24c: {  	s6 =	sadd.s32 $0x100, s21;
	v62 =	vor.u32 s19, v0;
	v57 =	vor.u32 s22, v0;
	v31 =	vadd.f32 v21, v33  }
0x24d: {  	s16 =	sadd.s32 $0xFFFFFF10, s21;
	s19 =	sadd.s32 $0xFFFFFF60, s6;
	v19 =	vadd.f32 v26, v19;
	v21 =	vadd.f32 v56, v23;
	v23 =	vmul.f32 v30, v30  }
0x24e: {  	[tilespmem:v17+s30+$0x0] =	vst.idx.msk $0xffff, v28;
	v17 =	vor.u32 s19, v0;
	v60 =	vadd.f32 v20, v53;
	v59 =	vmov s16  }
0x24f: {  	s18 =	sadd.s32 $0xFFFFFFE0, s21;
	[tilespmem:v16+s30+$0x0] =	vst.idx.msk $0xffff, v24;
	v16 =	vadd.f32 v30, v19;
	v19 =	vadd.f32 v23, v21;
	v21 =	vshrl.u32 v52, $0x7  }
0x250: {  	[tilespmem:v18+s30+$0x0] =	vst.idx.msk $0xffff, v25;
	v61 =	vor.u32 s18, v0;
	v23 =	vshrl.u32 v59, $0x7;
	v18 =	vshll.u32 v21, v1  }
0x251: {  	[tilespmem:v22+s30+$0x0] =	vst.idx.msk $0xffff, v29;
	s16 =	simm.s32 $0x10;
	v20 =	vmul.f32 v31, v31;
	v21 =	vshll.u32 v23, v1;
	v18 =	vbroadcast v18, $0x0  }
0x252: {  	s19 =	simm.s32 $0x1F;
	[tilespmem:v55+s30+$0x0] =	vst.idx.msk $0xffff, v35;
	v29 =	vor.u32 s16, v12;
	v28 =	vor.u32 s16, v15;
	v22 =	vbroadcast v21, $0x0  }
0x253: {  	[tilespmem:v58+s30+$0x0] =	vst.idx.msk $0xffff, v26;
	v26 =	vadd.s32 s19, v0;
	v16 =	vadd.f32 v31, v16;
	v63 =	vor.u32 v2, v18  }
0x254: {  	s21 =	sadd.s32 $0xFFFFFF70, s6;
	s22 =	sadd.s32 $0xFFFFFF20, s6;
	v19 =	vadd.f32 v20, v19;
	v20 =	vmul.f32 v60, v60;
	v23 =	vor.u32 v0, v22  }
0x255: {  	s26 =	sadd.s32 $0xFFFFFF30, s6;
	s10 =	sadd.s32 $0xFFFFFF40, s6;
	[tilespmem:v57+s30+$0x0] =	vst.idx.msk $0xffff, v27;
	v25 =	vadd.f32 v60, v16;
	v21 =	vor.u32 s22, v0;
	v16 =	vor.u32 s21, v0  }
0x256: {  	s18 =	sadd.s32 $0xFFFFFF50, s6;
	[tilespmem:v62+s30+$0x0] =	vst.idx.msk $0xffff, v31;
	s22 =	sadd.s32 $0xFFFFFF80, s6;
	v24 =	vadd.f32 v20, v19;
	v20 =	vor.u32 s26, v0;
	v19 =	vor.u32 s10, v0;
	s26 =	simm.s32 $0x12  }
0x257: {  	[tilespmem:v61+s30+$0x0] =	vst.idx.msk $0xffff, v30;
	s21 =	sshll.u32 s15, $0xA;
	v18 =	vor.u32 s18, v0;
	v22 =	vmov s22;
	s22 =	simm.s32 $0x11;
	v27 =	vadd.s32 s26, v0;
	s26 =	simm.s32 $0x1E  }
0x258: {  	s19 =	simm.s32 $0x20;
	s15 =	sand.u32 $0xC00, s21;
	s18 =	simm.s32 $0x1D;
	v31 =	vadd.s32 s22, v0;
	v30 =	vand.u32 $0x3F, v27;
	v27 =	vadd.s32 s26, v0;
	[tilespmem:v63+s30+$0x0] =	vst.idx.msk $0xffff, v60  }
.LBB2_9:
0x259: {  	p1 =	slt.u32 s19, $0x30;
	v31 =	vand.u32 $0x3F, v31;
	v32 =	vor.u32 v13, v30;
	s3 =	sadd.s32 $0xB, s16;
	s10 =	sadd.s32 $0xC, s16;
	v33 =	vadd.s32 s18, v0;
	[tilespmem:v23+s30+$0x0] =	vst.idx.msk $0xffff, v14  }
0x25a: {  	s18 =	sadd.s32 $0x3, s16;
	s21 =	sadd.s32 $0xA, s16;
	v14 =	vor.u32 v13, v31;
	v23 =	vadd.s32 s3, v0;
	v34 =	vadd.s32 s10, v0  }
0x25b: {  	v31 =	vor.u32 v11, v31;
	v35 =	vadd.s32 s18, v0;
	s3 =	sadd.s32 $0x9, s16;
	v36 =	vadd.s32 s21, v0  }
0x25c: {  	v30 =	vor.u32 v11, v30;
	s10 =	sadd.s32 $0x4, s16;
	s18 =	sadd.s32 $0x8, s16;
	v35 =	vand.u32 $0x3F, v35;
	v37 =	vadd.s32 s3, v0;
	v28 =	vld.idx.msk [tilespmem:v28+s2+$0x0], $0xffff  }
0x25d: {  	v39 =	vadd.s32 s10, v0;
	s3 =	sadd.s32 $0x7, s16;
	v40 =	vadd.s32 s18, v0;
	v38 =	vor.u32 v13, v35;
	v29 =	vld.idx.msk [tilespmem:v29+s13+$0x0], $0xffff  }
0x25e: {  	s10 =	sadd.s32 $0x5, s16;
	s18 =	sadd.s32 $0x6, s16;
	s16 =	smov.u32 s19;
	v35 =	vor.u32 v11, v35;
	v39 =	vand.u32 $0x3F, v39;
	v41 =	vadd.s32 s3, v0;
	v32 =	vld.idx.msk [tilespmem:v32+s2+$0x0], $0xffff  }
0x25f: {  	v44 =	vadd.s32 s18, v0;
	v43 =	vor.u32 v13, v39;
	v42 =	vld.idx.msk [tilespmem:v14+s2+$0x0], $0xffff;
	v14 =	vadd.s32 s10, v0  }
0x260: {  	v26 =	vand.u32 $0x3F, v26;
	v39 =	vor.u32 v11, v39;
	v31 =	vld.idx.msk [tilespmem:v31+s13+$0x0], $0xffff;
	v14 =	vand.u32 $0x3F, v14  }
0x261: {  	v27 =	vand.u32 $0x3F, v27;
	v33 =	vand.u32 $0x3F, v33;
	v30 =	vld.idx.msk [tilespmem:v30+s13+$0x0], $0xffff;
	v45 =	vor.u32 v13, v14  }
0x262: {  	v34 =	vand.u32 $0x3F, v34;
	v44 =	vand.u32 $0x3F, v44;
	v46 =	vor.u32 v11, v14;
	v38 =	vld.idx.msk [tilespmem:v38+s2+$0x0], $0xffff  }
0x263: {  	v36 =	vand.u32 $0x3F, v36;
	v23 =	vand.u32 $0x3F, v23;
	v47 =	vor.u32 v13, v44;
	v35 =	vld.idx.msk [tilespmem:v35+s13+$0x0], $0xffff  }
0x264: {  	v41 =	vand.u32 $0x3F, v41;
	v14 =	vadd.f32 v29, v28;
	v29 =	vor.u32 v11, v44;
	v28 =	vld.idx.msk [tilespmem:v43+s2+$0x0], $0xffff  }
0x265: {  	v40 =	vand.u32 $0x3F, v40;
	v37 =	vand.u32 $0x3F, v37;
	v43 =	vor.u32 v13, v41;
	v39 =	vld.idx.msk [tilespmem:v39+s13+$0x0], $0xffff  }
0x266: {  	v44 =	vmul.f32 v14, v14;
	v41 =	vor.u32 v11, v41;
	v31 =	vadd.f32 v31, v42;
	v42 =	vld.idx.msk [tilespmem:v45+s2+$0x0], $0xffff  }
0x267: {  	v30 =	vadd.f32 v30, v32;
	v45 =	vor.u32 v13, v40;
	v40 =	vor.u32 v11, v40;
	v32 =	vld.idx.msk [tilespmem:v46+s13+$0x0], $0xffff  }
0x268: {  	v25 =	vadd.f32 v14, v25;
	v24 =	vadd.f32 v44, v24;
	v44 =	vmul.f32 v31, v31;
	v46 =	vld.idx.msk [tilespmem:v47+s2+$0x0], $0xffff  }
0x269: {  	v35 =	vadd.f32 v35, v38;
	v38 =	vor.u32 v13, v37;
	v37 =	vor.u32 v11, v37;
	v29 =	vld.idx.msk [tilespmem:v29+s13+$0x0], $0xffff  }
0x26a: {  	v25 =	vadd.f32 v31, v25;
	v24 =	vadd.f32 v44, v24;
	v44 =	vmul.f32 v30, v30;
	v43 =	vld.idx.msk [tilespmem:v43+s2+$0x0], $0xffff  }
0x26b: {  	v28 =	vadd.f32 v39, v28;
	v39 =	vld.idx.msk [tilespmem:v41+s13+$0x0], $0xffff;
	v41 =	vor.u32 v13, v36;
	v36 =	vor.u32 v11, v36  }
0x26c: {  	v25 =	vadd.f32 v30, v25;
	v24 =	vadd.f32 v44, v24;
	v44 =	vmul.f32 v35, v35;
	v45 =	vld.idx.msk [tilespmem:v45+s2+$0x0], $0xffff  }
0x26d: {  	v32 =	vadd.f32 v32, v42;
	v42 =	vor.u32 v13, v23;
	v23 =	vor.u32 v11, v23;
	v40 =	vld.idx.msk [tilespmem:v40+s13+$0x0], $0xffff  }
0x26e: {  	v25 =	vadd.f32 v35, v25;
	v24 =	vadd.f32 v44, v24;
	v44 =	vmul.f32 v28, v28;
	v38 =	vld.idx.msk [tilespmem:v38+s2+$0x0], $0xffff  }
0x26f: {  	v29 =	vadd.f32 v29, v46;
	v46 =	vor.u32 v13, v34;
	v34 =	vor.u32 v11, v34;
	v37 =	vld.idx.msk [tilespmem:v37+s13+$0x0], $0xffff  }
0x270: {  	v25 =	vadd.f32 v28, v25;
	v24 =	vadd.f32 v44, v24;
	v44 =	vmul.f32 v32, v32;
	v41 =	vld.idx.msk [tilespmem:v41+s2+$0x0], $0xffff  }
0x271: {  	v39 =	vadd.f32 v39, v43;
	v43 =	vor.u32 v13, v33;
	v33 =	vor.u32 v11, v33;
	v36 =	vld.idx.msk [tilespmem:v36+s13+$0x0], $0xffff  }
0x272: {  	v25 =	vadd.f32 v32, v25;
	v24 =	vadd.f32 v44, v24;
	v44 =	vmul.f32 v29, v29;
	v42 =	vld.idx.msk [tilespmem:v42+s2+$0x0], $0xffff  }
0x273: {  	v40 =	vadd.f32 v40, v45;
	v45 =	vor.u32 v13, v27;
	v27 =	vor.u32 v11, v27;
	v23 =	vld.idx.msk [tilespmem:v23+s13+$0x0], $0xffff  }
0x274: {  	v25 =	vadd.f32 v29, v25;
	v24 =	vadd.f32 v44, v24;
	v44 =	vmul.f32 v39, v39;
	v46 =	vld.idx.msk [tilespmem:v46+s2+$0x0], $0xffff  }
0x275: {  	v37 =	vadd.f32 v37, v38;
	v38 =	vor.u32 v13, v26;
	v26 =	vor.u32 v11, v26;
	v34 =	vld.idx.msk [tilespmem:v34+s13+$0x0], $0xffff  }
0x276: {  	s3 =	sadd.s32 $0xFFFFFF90, s6;
	v25 =	vadd.f32 v39, v25;
	v24 =	vadd.f32 v44, v24;
	v44 =	vmul.f32 v40, v40;
	v43 =	vld.idx.msk [tilespmem:v43+s2+$0x0], $0xffff  }
0x277: {  	[tilespmem:v21+s30+$0x0] =	vst.idx.msk $0xffff, v31;
	v21 =	vshrl.u32 v22, $0x7;
	v22 =	vor.u32 s3, v0;
	v31 =	vadd.f32 v36, v41;
	v33 =	vld.idx.msk [tilespmem:v33+s13+$0x0], $0xffff  }
0x278: {  	v25 =	vadd.f32 v40, v25;
	v24 =	vadd.f32 v44, v24;
	v36 =	vmul.f32 v37, v37;
	v41 =	vld.idx.msk [tilespmem:v45+s2+$0x0], $0xffff  }
0x279: {  	[tilespmem:v20+s30+$0x0] =	vst.idx.msk $0xffff, v30;
	v20 =	vshll.u32 v21, v1;
	v30 =	vadd.f32 v23, v42;
	v21 =	vld.idx.msk [tilespmem:v27+s13+$0x0], $0xffff;
	v23 =	vmov s6  }
0x27a: {  	s3 =	sadd.s32 $0xFFFFFFA0, s6;
	v25 =	vadd.f32 v37, v25;
	v24 =	vadd.f32 v36, v24;
	v27 =	vmul.f32 v31, v31;
	v36 =	vld.idx.msk [tilespmem:v38+s2+$0x0], $0xffff  }
0x27b: {  	v34 =	vadd.f32 v34, v46;
	[tilespmem:v19+s30+$0x0] =	vst.idx.msk $0xffff, v35;
	v19 =	vbroadcast v20, $0x0;
	v20 =	vor.u32 s3, v0;
	v26 =	vld.idx.msk [tilespmem:v26+s13+$0x0], $0xffff  }
0x27c: {  	v25 =	vadd.f32 v31, v25;
	s3 =	sadd.s32 $0xFFFFFFB0, s6;
	v24 =	vadd.f32 v27, v24;
	v27 =	vmul.f32 v30, v30  }
0x27d: {  	v33 =	vadd.f32 v33, v43;
	[tilespmem:v18+s30+$0x0] =	vst.idx.msk $0xffff, v28;
	v18 =	vor.u32 v2, v19;
	v19 =	vor.u32 s3, v0  }
0x27e: {  	s10 =	sadd.s32 $0xFFFFFFD0, s6;
	v25 =	vadd.f32 v30, v25;
	s3 =	sadd.s32 $0xFFFFFFC0, s6;
	v24 =	vadd.f32 v27, v24;
	v27 =	vmul.f32 v34, v34  }
0x27f: {  	v28 =	vor.u32 s10, v0;
	[tilespmem:v17+s30+$0x0] =	vst.idx.msk $0xffff, v32;
	v17 =	vor.u32 s3, v0;
	v32 =	vadd.f32 v21, v41  }
0x280: {  	s3 =	sadd.s32 $0xFFFFFF10, s6;
	v21 =	vadd.f32 v34, v25;
	v24 =	vadd.f32 v27, v24;
	v25 =	vmul.f32 v33, v33  }
0x281: {  	v27 =	vmov s3;
	v35 =	vadd.f32 v26, v36;
	[tilespmem:v16+s30+$0x0] =	vst.idx.msk $0xffff, v29;
	v16 =	vshrl.u32 v23, $0x7  }
0x282: {  	s3 =	sadd.s32 $0xFFFFFFE0, s6;
	v21 =	vadd.f32 v33, v21;
	v23 =	vadd.f32 v25, v24;
	v24 =	vmul.f32 v32, v32  }
0x283: {  	v25 =	vshrl.u32 v27, $0x7;
	v26 =	vor.u32 s3, v0;
	v16 =	vshll.u32 v16, v1;
	[tilespmem:v18+s30+$0x0] =	vst.idx.msk $0xffff, v39  }
0x284: {  	s3 =	sadd.s32 $0xFFFFFFF0, s6;
	v18 =	vadd.f32 v32, v21;
	v21 =	vadd.f32 v24, v23;
	v23 =	vmul.f32 v35, v35  }
0x285: {  	v27 =	vor.u32 s3, v0;
	v24 =	vshll.u32 v25, v1;
	v16 =	vbroadcast v16, $0x0;
	[tilespmem:v22+s30+$0x0] =	vst.idx.msk $0xffff, v40  }
0x286: {  	s6 =	sadd.s32 $0x100, s6;
	v22 =	vbroadcast v24, $0x0;
	v25 =	vadd.f32 v35, v18;
	v24 =	vadd.f32 v23, v21;
	[tilespmem:v20+s30+$0x0] =	vst.idx.msk $0xffff, v37  }
0x287: {  	s3 =	sadd.s32 $0xFFFFFF20, s6;
	s10 =	sadd.s32 $0xFFFFFF30, s6;
	s18 =	sadd.s32 $0xFFFFFF60, s6;
	v36 =	vor.u32 v2, v16;
	[tilespmem:v19+s30+$0x0] =	vst.idx.msk $0xffff, v31  }
.Ltmp7:
0x288: {  	v21 =	vor.u32 s3, v0;
	s3 =	sadd.s32 $0xFFFFFF40, s6;
	v20 =	vor.u32 s10, v0;
	s10 =	sadd.s32 $0xFFFFFF50, s6;
	v23 =	vor.u32 v0, v22;
	[tilespmem:v17+s30+$0x0] =	vst.idx.msk $0xffff, v30;
	(pc) =	sbr.rel @p1 .LBB2_9-.Ltmp7, $4  }
0x289: {  	v19 =	vor.u32 s3, v0;
	v18 =	vor.u32 s10, v0;
	s3 =	sadd.s32 $0xFFFFFF70, s6;
	s10 =	sadd.s32 $0xFFFFFF80, s6;
	v17 =	vor.u32 s18, v0;
	[tilespmem:v28+s30+$0x0] =	vst.idx.msk $0xffff, v34  }
0x28a: {  	s18 =	sadd.s32 $0x2, s19;
	v16 =	vor.u32 s3, v0;
	v22 =	vmov s10;
	s3 =	sadd.s32 $0xF, s19;
	v28 =	vor.u32 s19, v15;
	[tilespmem:v26+s30+$0x0] =	vst.idx.msk $0xffff, v33  }
0x28b: {  	s21 =	sadd.s32 $0xE, s19;
	v29 =	vor.u32 s19, v12;
	s10 =	sadd.s32 $0x1, s19;
	v30 =	vadd.s32 s18, v0;
	v26 =	vadd.s32 s3, v0;
	[tilespmem:v27+s30+$0x0] =	vst.idx.msk $0xffff, v32  }
0x28c: {  	v31 =	vadd.s32 s10, v0;
	s18 =	sadd.s32 $0xD, s16;
	s19 =	sadd.s32 $0x10, s19;
	v30 =	vand.u32 $0x3F, v30;
	v27 =	vadd.s32 s21, v0;
	[tilespmem:v36+s30+$0x0] =	vst.idx.msk $0xffff, v35  }
0x28d: {  	v12 =	vand.u32 $0x3F, v31;
	v15 =	vor.u32 v13, v30;
	v31 =	vadd.s32 s18, v0  }
0x28e: {  	s3 =	sadd.s32 $0xB, s16;
	s10 =	sadd.s32 $0xC, s16;
	v30 =	vor.u32 v11, v30;
	v45 =	vand.u32 $0x3F, v26;
	v46 =	vand.u32 $0x3F, v27  }
0x28f: {  	s26 =	sadd.s32 $0x3, s16;
	s19 =	sadd.s32 $0xA, s16;
	v32 =	vor.u32 v13, v12;
	v33 =	vadd.s32 s3, v0;
	v34 =	vadd.s32 s10, v0  }
0x290: {  	s18 =	sadd.s32 $0x4, s16;
	s21 =	sadd.s32 $0x7, s16;
	v12 =	vor.u32 v11, v12;
	v35 =	vadd.s32 s26, v0;
	v36 =	vadd.s32 s19, v0  }
0x291: {  	v28 =	vld.idx.msk [tilespmem:v28+s2+$0x0], $0xffff;
	s10 =	sadd.s32 $0x9, s16;
	s19 =	sadd.s32 $0x8, s16;
	v39 =	vadd.s32 s18, v0;
	v41 =	vadd.s32 s21, v0;
	v35 =	vand.u32 $0x3F, v35  }
0x292: {  	v29 =	vld.idx.msk [tilespmem:v29+s13+$0x0], $0xffff;
	s26 =	sadd.s32 $0x6, s16;
	v37 =	vadd.s32 s10, v0;
	v40 =	vadd.s32 s19, v0;
	v38 =	vor.u32 v13, v35  }
0x293: {  	s22 =	sadd.s32 $0x5, s16;
	v39 =	vand.u32 $0x3F, v39;
	v44 =	vadd.s32 s26, v0;
	v35 =	vor.u32 v11, v35;
	v42 =	vld.idx.msk [tilespmem:v15+s2+$0x0], $0xffff  }
0x294: {  	v34 =	vand.u32 $0x3F, v34;
	v43 =	vor.u32 v13, v39;
	v15 =	vadd.s32 s22, v0;
	v32 =	vld.idx.msk [tilespmem:v32+s2+$0x0], $0xffff  }
0x295: {  	v36 =	vand.u32 $0x3F, v36;
	v39 =	vor.u32 v11, v39;
	v15 =	vand.u32 $0x3F, v15;
	v12 =	vld.idx.msk [tilespmem:v12+s13+$0x0], $0xffff  }
0x296: {  	v33 =	vand.u32 $0x3F, v33;
	v27 =	vand.u32 $0x3F, v44;
	v30 =	vld.idx.msk [tilespmem:v30+s13+$0x0], $0xffff;
	v26 =	vor.u32 v13, v15  }
0x297: {  	v40 =	vand.u32 $0x3F, v40;
	v37 =	vand.u32 $0x3F, v37;
	v47 =	vor.u32 v11, v15;
	v38 =	vld.idx.msk [tilespmem:v38+s2+$0x0], $0xffff  }
0x298: {  	v44 =	vor.u32 v13, v27;
	v15 =	vadd.f32 v29, v28;
	v29 =	vand.u32 $0x3F, v41;
	v35 =	vld.idx.msk [tilespmem:v35+s13+$0x0], $0xffff  }
0x299: {  	v57 =	vor.u32 v13, v37;
	v28 =	vor.u32 v11, v27;
	v52 =	vld.idx.msk [tilespmem:v43+s2+$0x0], $0xffff;
	v53 =	vor.u32 v13, v29  }
0x29a: {  	v39 =	vld.idx.msk [tilespmem:v39+s13+$0x0], $0xffff;
	v48 =	vmul.f32 v15, v15;
	v27 =	vadd.f32 v12, v32;
	v12 =	vadd.f32 v15, v25  }
0x29b: {  	v29 =	vor.u32 v11, v29;
	v25 =	vadd.f32 v30, v42;
	v30 =	vor.u32 v13, v40;
	v54 =	vld.idx.msk [tilespmem:v26+s2+$0x0], $0xffff  }
0x29c: {  	v55 =	vld.idx.msk [tilespmem:v47+s13+$0x0], $0xffff;
	v26 =	vadd.f32 v48, v24;
	v56 =	vmul.f32 v27, v27;
	v12 =	vadd.f32 v27, v12  }
0x29d: {  	v37 =	vor.u32 v11, v37;
	v44 =	vld.idx.msk [tilespmem:v44+s2+$0x0], $0xffff;
	v40 =	vor.u32 v11, v40;
	v24 =	vadd.f32 v35, v38  }
0x29e: {  	v58 =	vld.idx.msk [tilespmem:v28+s13+$0x0], $0xffff;
	v59 =	vmul.f32 v25, v25;
	v28 =	vadd.f32 v56, v26;
	v12 =	vadd.f32 v25, v12  }
0x29f: {  	v60 =	vor.u32 v13, v36;
	v36 =	vor.u32 v11, v36;
	v43 =	vld.idx.msk [tilespmem:v53+s2+$0x0], $0xffff;
	v26 =	vadd.f32 v39, v52  }
0x2a0: {  	v61 =	vld.idx.msk [tilespmem:v29+s13+$0x0], $0xffff;
	v62 =	vmul.f32 v24, v24;
	v29 =	vadd.f32 v59, v28;
	v12 =	vadd.f32 v24, v12  }
0x2a1: {  	v51 =	vor.u32 v13, v33;
	v33 =	vor.u32 v11, v33;
	v63 =	vld.idx.msk [tilespmem:v30+s2+$0x0], $0xffff;
	v28 =	vadd.f32 v55, v54  }
0x2a2: {  	v40 =	vld.idx.msk [tilespmem:v40+s13+$0x0], $0xffff;
	v52 =	vmul.f32 v26, v26;
	v30 =	vadd.f32 v62, v29;
	v12 =	vadd.f32 v26, v12  }
0x2a3: {  	v31 =	vand.u32 $0x3F, v31;
	v37 =	vld.idx.msk [tilespmem:v37+s13+$0x0], $0xffff;
	v53 =	vor.u32 v13, v34;
	v29 =	vadd.f32 v58, v44  }
0x2a4: {  	v35 =	vld.idx.msk [tilespmem:v57+s2+$0x0], $0xffff;
	v54 =	vmul.f32 v28, v28;
	v42 =	vadd.f32 v52, v30;
	v12 =	vadd.f32 v28, v12  }
0x2a5: {  	v36 =	vld.idx.msk [tilespmem:v36+s13+$0x0], $0xffff;
	v34 =	vor.u32 v11, v34;
	v57 =	vor.u32 v11, v31;
	v30 =	vadd.f32 v61, v43  }
0x2a6: {  	v39 =	vld.idx.msk [tilespmem:v60+s2+$0x0], $0xffff;
	v56 =	vmul.f32 v29, v29;
	v42 =	vadd.f32 v54, v42;
	v12 =	vadd.f32 v29, v12  }
0x2a7: {  	v33 =	vld.idx.msk [tilespmem:v33+s13+$0x0], $0xffff;
	v55 =	vor.u32 v13, v31;
	v59 =	vor.u32 v13, v46;
	v31 =	vadd.f32 v40, v63  }
0x2a8: {  	v58 =	vld.idx.msk [tilespmem:v51+s2+$0x0], $0xffff;
	v60 =	vmul.f32 v30, v30;
	v42 =	vadd.f32 v56, v42;
	v12 =	vadd.f32 v30, v12  }
0x2a9: {  	v46 =	vor.u32 v11, v46;
	v13 =	vor.u32 v13, v45;
	v38 =	vld.idx.msk [tilespmem:v53+s2+$0x0], $0xffff;
	v32 =	vadd.f32 v37, v35  }
0x2aa: {  	v34 =	vld.idx.msk [tilespmem:v34+s13+$0x0], $0xffff;
	v62 =	vmul.f32 v31, v31;
	v61 =	vadd.f32 v60, v42;
	v12 =	vadd.f32 v31, v12  }
0x2ab: {  	v11 =	vor.u32 v11, v45;
	v35 =	vadd.f32 v36, v39;
	v63 =	vld.idx.msk [tilespmem:v57+s13+$0x0], $0xffff  }
0x2ac: {  	v45 =	vmul.f32 v32, v32;
	v41 =	vld.idx.msk [tilespmem:v55+s2+$0x0], $0xffff;
	v37 =	vadd.f32 v62, v61;
	v12 =	vadd.f32 v32, v12  }
0x2ad: {  	v40 =	vld.idx.msk [tilespmem:v59+s2+$0x0], $0xffff;
	v36 =	vadd.f32 v33, v58  }
0x2ae: {  	v46 =	vld.idx.msk [tilespmem:v46+s13+$0x0], $0xffff;
	v47 =	vmul.f32 v35, v35;
	v42 =	vadd.f32 v45, v37;
	v12 =	vadd.f32 v35, v12  }
0x2af: {  	v13 =	vld.idx.msk [tilespmem:v13+s2+$0x0], $0xffff;
	v37 =	vadd.f32 v34, v38  }
0x2b0: {  	v11 =	vld.idx.msk [tilespmem:v11+s13+$0x0], $0xffff;
	v49 =	vmul.f32 v36, v36;
	v48 =	vadd.f32 v47, v42;
	v12 =	vadd.f32 v36, v12  }
0x2b1: {  	v38 =	vadd.f32 v63, v41  }
0x2b2: {  	v51 =	vmul.f32 v37, v37;
	v50 =	vadd.f32 v49, v48;
	v12 =	vadd.f32 v37, v12  }
0x2b3: {  	v34 =	vadd.f32 v46, v40  }
0x2b4: {  	v52 =	vmul.f32 v38, v38;
	v39 =	vadd.f32 v51, v50;
	v12 =	vadd.f32 v38, v12  }
0x2b5: {  	v33 =	vadd.f32 v11, v13  }
0x2b6: {  	v13 =	vmul.f32 v34, v34;
	v11 =	vadd.f32 v52, v39;
	v12 =	vadd.f32 v34, v12;
	_ =	sdelay $0x1  }
0x2b7: {  	v11 =	vadd.f32 v13, v11;
	v13 =	vmul.f32 v33, v33;
	v12 =	vadd.f32 v33, v12  }
0x2b8: {  	v22 =	vshrl.u32 v22, $0x7  }
0x2b9: {  	v22 =	vshll.u32 v22, v1;
	v11 =	vadd.f32 v13, v11;
	v12 =	vmul.f32 $1.562500000e-02, v12  }
0x2ba: {  	[tilespmem:v23+s30+$0x0] =	vst.idx.msk $0xffff, v14;
	v14 =	vmov s15;
	v22 =	vbroadcast v22, $0x0;
	s19 =	sadd.s32 $0xFFFFFF10, s6  }
0x2bb: {  	s16 =	sadd.s32 $0xFFFFFFA0, s6;
	v57 =	vmov s19;
	v11 =	vmul.f32 $1.562500000e-02, v11;
	v13 =	vmul.f32 v12, v12  }
0x2bc: {  	v22 =	vor.u32 v2, v22;
	s22 =	sadd.s32 $0xFFFFFFD0, s6;
	s19 =	simm.s32 $0x2;
	v55 =	vor.u32 s16, v0;
	v43 =	vshrl.u32 v57, $0x7  }
0x2bd: {  	[tilespmem:v21+s30+$0x0] =	vst.idx.msk $0xffff, v27;
	v59 =	vor.u32 s22, v0;
	v27 =	vmov s19;
	s22 =	simm.s32 $0x4;
	v11 =	vsub.f32 v11, v13  }
0x2be: {  	[tilespmem:v20+s30+$0x0] =	vst.idx.msk $0xffff, v25;
	v54 =	vmov s6;
	v43 =	vshll.u32 v43, v1;
	v20 =	vmov s22  }
0x2bf: {  	s18 =	sadd.s32 $0xFFFFFFB0, s6;
	s21 =	sadd.s32 $0xFFFFFFC0, s6;
	v43 =	vbroadcast v43, $0x0;
	v20 =	vshll.u32 v20, $0x4;
	v11 =	vadd.f32 $9.999999960e-13, v11  }
0x2c0: {  	v58 =	vor.u32 s21, v0;
	v56 =	vor.u32 s18, v0;
	v20 =	vadd.s32 v10, v20  }
0x2c1: {  	s18 =	simm.s32 $0x1;
	v43 =	vor.u32 v0, v43;
	v13 =	vshra.s32 v11, $0x1;
	v11 =	vmul.f32 $5.000000000e-01, v11  }
0x2c2: {  	s26 =	sadd.s32 $0xFFFFFFE0, s6;
	v21 =	vmov s18;
	v20 =	vor.u32 v0, v20;
	v13 =	vsub.s32 $0x5F3759DF, v13  }
0x2c3: {  	[tilespmem:v16+s30+$0x0] =	vst.idx.msk $0xffff, v29;
	s18 =	simm.s32 $0xB;
	v60 =	vor.u32 s26, v0;
	v16 =	vshll.u32 v21, $0x4;
	v53 =	vmul.f32 v13, v11  }
0x2c4: {  	[tilespmem:v18+s30+$0x0] =	vst.idx.msk $0xffff, v26;
	v26 =	vmov s18;
	v21 =	vshll.u32 v27, $0x4;
	v16 =	vadd.s32 v10, v16  }
0x2c5: {  	s16 =	simm.s32 $0x0;
	v21 =	vadd.s32 v10, v21;
	v26 =	vshll.u32 v26, $0x4;
	v39 =	vmul.f32 v13, v53  }
0x2c6: {  	v62 =	vmov s16;
	v26 =	vadd.s32 v10, v26;
	v16 =	vor.u32 v0, v16  }
0x2c7: {  	s16 =	simm.s32 $0xA;
	v21 =	vor.u32 v0, v21;
	v23 =	vshll.u32 v62, $0x4;
	v39 =	vsub.f32 $1.500000000e+00, v39  }
0x2c8: {  	v18 =	vmov s16;
	v16 =	vand.u32 $0x3FF, v16;
	v21 =	vand.u32 $0x3FF, v21  }
0x2c9: {  	s21 =	simm.s32 $0x3;
	v26 =	vor.u32 v0, v26;
	v40 =	vshrl.u32 v54, $0x7;
	v13 =	vmul.f32 v13, v39  }
0x2ca: {  	v63 =	vmov s21;
	v23 =	vadd.s32 v10, v23;
	v18 =	vshll.u32 v18, $0x4  }
0x2cb: {  	v16 =	vor.u32 v14, v16;
	v21 =	vor.u32 v14, v21;
	v39 =	vmul.f32 v13, v11  }
0x2cc: {  	s21 =	simm.s32 $0xD;
	[tilespmem:v43+s30+$0x0] =	vst.idx.msk $0xffff, v15;
	v15 =	vand.u32 $0x3FF, v20;
	v26 =	vand.u32 $0x3FF, v26;
	v40 =	vshll.u32 v40, v1  }
0x2cd: {  	[tilespmem:v17+s30+$0x0] =	vst.idx.msk $0xffff, v28;
	v17 =	vmov s21;
	v27 =	vshll.u32 v63, $0x4;
	v39 =	vmul.f32 v39, v13  }
0x2ce: {  	v23 =	vor.u32 v0, v23;
	v18 =	vadd.s32 v10, v18;
	v15 =	vor.u32 v14, v15  }
0x2cf: {  	v26 =	vor.u32 v14, v26;
	v40 =	vbroadcast v40, $0x0;
	v39 =	vsub.f32 $1.500000000e+00, v39  }
0x2d0: {  	[tilespmem:v19+s30+$0x0] =	vst.idx.msk $0xffff, v24;
	v27 =	vadd.s32 v10, v27;
	v17 =	vshll.u32 v17, $0x4;
	v23 =	vand.u32 $0x3FF, v23  }
0x2d1: {  	v18 =	vor.u32 v0, v18;
	v17 =	vadd.s32 v10, v17;
	v13 =	vmul.f32 v39, v13  }
0x2d2: {  	s26 =	simm.s32 $0x6;
	v23 =	vor.u32 v14, v23;
	v27 =	vor.u32 v0, v27;
	v40 =	vor.u32 v2, v40  }
0x2d3: {  	s15 =	simm.s32 $0x9;
	[tilespmem:v22+s30+$0x0] =	vst.idx.msk $0xffff, v30;
	v49 =	vmov s26;
	v27 =	vand.u32 $0x3FF, v27;
	v11 =	vmul.f32 v13, v11  }
0x2d4: {  	s10 =	sadd.s32 $0xFFFFFF90, s6;
	s19 =	simm.s32 $0xC;
	[tilespmem:v55+s30+$0x0] =	vst.idx.msk $0xffff, v32;
	v17 =	vor.u32 v0, v17;
	v27 =	vor.u32 v14, v27;
	v50 =	vmov s15  }
0x2d5: {  	[tilespmem:v58+s30+$0x0] =	vst.idx.msk $0xffff, v36;
	v51 =	vmov s19;
	v39 =	vor.u32 s10, v0;
	s10 =	sadd.s32 $0xFFFFFFF0, s6;
	s6 =	simm.s32 $0x7;
	v11 =	vmul.f32 v11, v13  }
0x2d6: {  	[tilespmem:v56+s30+$0x0] =	vst.idx.msk $0xffff, v35;
	v29 =	vshll.u32 v50, $0x4;
	v61 =	vor.u32 s10, v0;
	s10 =	simm.s32 $0x8;
	v19 =	vmov s6  }
0x2d7: {  	[tilespmem:v59+s30+$0x0] =	vst.idx.msk $0xffff, v37;
	v24 =	vmov s10;
	v19 =	vshll.u32 v19, $0x4;
	v11 =	vsub.f32 $1.500000000e+00, v11  }
0x2d8: {  	[tilespmem:v60+s30+$0x0] =	vst.idx.msk $0xffff, v38;
	v29 =	vadd.s32 v10, v29;
	v24 =	vshll.u32 v24, $0x4;
	v19 =	vadd.s32 v10, v19  }
0x2d9: {  	[tilespmem:v40+s30+$0x0] =	vst.idx.msk $0xffff, v33;
	v19 =	vor.u32 v0, v19;
	v13 =	vmul.f32 v11, v13;
	v11 =	vor.u32 s23, v0;
	s23 =	simm.s32 $0x5  }
0x2da: {  	v24 =	vadd.s32 v10, v24;
	[tilespmem:v39+s30+$0x0] =	vst.idx.msk $0xffff, v31;
	v19 =	vand.u32 $0x3FF, v19;
	v25 =	vmov s23  }
0x2db: {  	v24 =	vor.u32 v0, v24;
	[tilespmem:v61+s30+$0x0] =	vst.idx.msk $0xffff, v34;
	v19 =	vor.u32 v14, v19;
	v22 =	vshll.u32 v25, $0x4  }
0x2dc: {  	v24 =	vand.u32 $0x3FF, v24;
	v23 =	vld.idx.msk [tilespmem:v23+s30+$0x0], $0xffff;
	v25 =	vshll.u32 v49, $0x4;
	v22 =	vadd.s32 v10, v22  }
0x2dd: {  	v16 =	vld.idx.msk [tilespmem:v16+s30+$0x0], $0xffff;
	v24 =	vor.u32 v14, v24;
	v25 =	vadd.s32 v10, v25;
	v22 =	vor.u32 v0, v22  }
0x2de: {  	v20 =	vor.u32 v0, v25;
	v25 =	vor.u32 v0, v29;
	v29 =	vld.idx.msk [tilespmem:v15+s30+$0x0], $0xffff;
	v15 =	vand.u32 $0x3FF, v18  }
0x2df: {  	v30 =	vshll.u32 v51, $0x4;
	v21 =	vld.idx.msk [tilespmem:v21+s30+$0x0], $0xffff;
	v22 =	vand.u32 $0x3FF, v22;
	v15 =	vor.u32 v14, v15  }
0x2e0: {  	v30 =	vadd.s32 v10, v30;
	v27 =	vld.idx.msk [tilespmem:v27+s30+$0x0], $0xffff;
	v20 =	vand.u32 $0x3FF, v20;
	v22 =	vor.u32 v14, v22  }
0x2e1: {  	v26 =	vld.idx.msk [tilespmem:v26+s30+$0x0], $0xffff;
	s23 =	simm.s32 $0xF;
	v18 =	vor.u32 v0, v30;
	v25 =	vand.u32 $0x3FF, v25;
	v20 =	vor.u32 v14, v20  }
0x2e2: {  	v19 =	vld.idx.msk [tilespmem:v19+s30+$0x0], $0xffff;
	v30 =	vmov s23;
	v18 =	vand.u32 $0x3FF, v18;
	v25 =	vor.u32 v14, v25  }
0x2e3: {  	s22 =	simm.s32 $0xE;
	v17 =	vand.u32 $0x3FF, v17;
	v24 =	vld.idx.msk [tilespmem:v24+s30+$0x0], $0xffff;
	v30 =	vshll.u32 v30, $0x4;
	v18 =	vor.u32 v14, v18  }
0x2e4: {  	v28 =	vmov s22;
	v17 =	vor.u32 v14, v17;
	v30 =	vadd.s32 v10, v30;
	v32 =	vld.idx.msk [tilespmem:v15+s30+$0x0], $0xffff  }
0x2e5: {  	v28 =	vshll.u32 v28, $0x4;
	s26 =	simm.s32 $0x10;
	v30 =	vor.u32 v0, v30;
	v22 =	vld.idx.msk [tilespmem:v22+s30+$0x0], $0xffff  }
0x2e6: {  	v28 =	vadd.s32 v10, v28;
	v31 =	vmov s26;
	v15 =	vand.u32 $0x3FF, v30;
	v20 =	vld.idx.msk [tilespmem:v20+s30+$0x0], $0xffff  }
0x2e7: {  	v28 =	vor.u32 v0, v28;
	v25 =	vld.idx.msk [tilespmem:v25+s30+$0x0], $0xffff;
	v30 =	vor.u32 v14, v15;
	v15 =	vshll.u32 v31, $0x4  }
0x2e8: {  	v28 =	vand.u32 $0x3FF, v28;
	v18 =	vld.idx.msk [tilespmem:v18+s30+$0x0], $0xffff;
	[tilespmem:$0x1FFA0] =	vst v15  }
0x2e9: {  	v28 =	vor.u32 v14, v28;
	v17 =	vld.idx.msk [tilespmem:v17+s30+$0x0], $0xffff;
	_ =	sdelay $0x1  }
0x2ea: {  	s6 =	simm.s32 $0x11  }
0x2eb: {  	s16 =	simm.s32 $0x400;
	v15 =	vmov s6  }
0x2ec: {  	v56 =	vadd.s32 s16, v9;
	v44 =	vadd.s32 s16, v5;
	s10 =	simm.s32 $0x12;
	[tilespmem:$0x1FFB0] =	vst v15;
	v18 =	vsub.f32 v18, v12  }
0x2ed: {  	s18 =	sadd.s32 $0x400, s14;
	v45 =	vadd.s32 s16, v3;
	s15 =	simm.s32 $0x13;
	v28 =	vld.idx.msk [tilespmem:v28+s30+$0x0], $0xffff;
	v55 =	vsub.f32 v17, v12;
	v17 =	vmov s10  }
0x2ee: {  	v44 =	vbroadcast v44, $0x0;
	s19 =	sadd.s32 $0xFFFFFC00, s18;
	v30 =	vld.idx.msk [tilespmem:v30+s30+$0x0], $0xffff;
	v34 =	vmul.f32 v18, v13;
	v18 =	vmov s15;
	[tilespmem:$0x1FFD0] =	vst v17  }
0x2ef: {  	v45 =	vbroadcast v45, $0x0;
	v37 =	vadd.s32 s16, v8;
	v57 =	vmov s19;
	s6 =	simm.s32 $0x1C880;
	[tilespmem:$0x1FFE0] =	vst v18  }
0x2f0: {  	v37 =	vbroadcast v37, $0x0;
	v38 =	vbroadcast v56, $0x0;
	v58 =	vadd.s32 $0x80, v57;
	v35 =	vld [tilespmem:s6+$0x70]  }
0x2f1: {  	s21 =	simm.s32 $0x1CC80;
	v47 =	vadd.s32 $0x100, v57;
	v60 =	vadd.s32 $0x180, v57;
	v63 =	vadd.s32 $0x280, v57;
	v36 =	vld [tilespmem:s6+$0xFFFFFF80]  }
0x2f2: {  	v51 =	vadd.s32 $0x300, v57;
	v42 =	vadd.s32 $0x380, v57;
	v40 =	vadd.s32 s16, v6;
	v41 =	vld [tilespmem:s21+$0x70]  }
0x2f3: {  	v42 =	vbroadcast v42, $0x0;
	v40 =	vbroadcast v40, $0x0;
	v18 =	vor.u32 v11, v38;
	v43 =	vld [tilespmem:s6+$0xFFFFFF90]  }
0x2f4: {  	v39 =	vadd.s32 s16, v7;
	v61 =	vadd.s32 $0x200, v57;
	v57 =	vbroadcast v58, $0x0;
	v46 =	vld [tilespmem:s6+$0xFFFFFFA0];
	[tilespmem:$0x1FFC0] =	vst v18  }
0x2f5: {  	v39 =	vbroadcast v39, $0x0;
	v23 =	vsub.f32 v23, v12;
	v21 =	vsub.f32 v21, v12;
	v59 =	vld [tilespmem:s6+$0xFFFFFFB0]  }
0x2f6: {  	v61 =	vbroadcast v61, $0x0;
	v27 =	vsub.f32 v27, v12;
	v29 =	vsub.f32 v29, v12;
	v62 =	vld [tilespmem:s6+$0xFFFFFFC0]  }
0x2f7: {  	v23 =	vmul.f32 v23, v13;
	v21 =	vmul.f32 v21, v13;
	v20 =	vsub.f32 v20, v12;
	v52 =	vld [tilespmem:s6+$0xFFFFFFD0]  }
0x2f8: {  	s22 =	simm.s32 $0x14;
	v27 =	vmul.f32 v27, v13;
	v29 =	vmul.f32 v29, v13;
	v58 =	vld [tilespmem:s6+$0xFFFFFFE0]  }
0x2f9: {  	v50 =	vmov s22;
	v20 =	vmul.f32 v20, v13;
	v33 =	vmul.f32 v55, v13;
	v56 =	vld [tilespmem:s6+$0xFFFFFFF0]  }
0x2fa: {  	v30 =	vsub.f32 v30, v12;
	v23 =	vmul.f32 v23, v36;
	v36 =	vbroadcast v63, $0x0;
	v63 =	vld [tilespmem:s6+$0x20]  }
0x2fb: {  	v18 =	vor.u32 v11, v61;
	v27 =	vmul.f32 v27, v59;
	v59 =	vbroadcast v60, $0x0;
	v60 =	vld [tilespmem:s6+$0x0]  }
0x2fc: {  	v53 =	vadd.s32 s16, v4;
	v30 =	vmul.f32 v30, v13;
	v29 =	vmul.f32 v29, v62;
	v62 =	vld [tilespmem:s6+$0x10];
	[tilespmem:$0x1FFF0] =	vst v18  }
0x2fd: {  	v22 =	vsub.f32 v22, v12;
	v55 =	vbroadcast v47, $0x0;
	v20 =	vmul.f32 v20, v58;
	v58 =	vld [tilespmem:s6+$0x30]  }
0x2fe: {  	v24 =	vsub.f32 v24, v12;
	v32 =	vsub.f32 v32, v12;
	v30 =	vmul.f32 v30, v35;
	v61 =	vld [tilespmem:s6+$0x60]  }
0x2ff: {  	v22 =	vmul.f32 v22, v13;
	v21 =	vmul.f32 v21, v46;
	v46 =	vor.u32 v11, v55;
	v55 =	vld [tilespmem:s21+$0xFFFFFF80]  }
0x300: {  	v38 =	vadd.f32 v30, v41;
	v41 =	vor.u32 v11, v57;
	v57 =	vbroadcast v51, $0x0;
	v51 =	vld [tilespmem:s21+$0xFFFFFFA0]  }
0x301: {  	v42 =	vor.u32 v11, v42;
	v26 =	vsub.f32 v26, v12;
	v15 =	vmul.f32 v24, v13;
	v49 =	vld [tilespmem:s21+$0xFFFFFFC0]  }
0x302: {  	v37 =	vor.u32 v11, v37;
	v32 =	vmul.f32 v32, v13;
	v22 =	vmul.f32 v22, v52;
	v52 =	vld [tilespmem:s21+$0xFFFFFFE0]  }
0x303: {  	v25 =	vsub.f32 v25, v12;
	v17 =	vmul.f32 v26, v13;
	v48 =	vor.u32 v11, v59;
	v59 =	vld [tilespmem:s6+$0x40]  }
0x304: {  	v39 =	vor.u32 v11, v39;
	v32 =	vmul.f32 v32, v63;
	v63 =	vbroadcast v53, $0x0;
	v53 =	vld [tilespmem:s21+$0xFFFFFFB0]  }
0x305: {  	v54 =	vsub.f32 v16, v12;
	v16 =	vmul.f32 v25, v13;
	v35 =	vmul.f32 v17, v58;
	v17 =	vld [tilespmem:$0x1FFC0]  }
0x306: {  	v40 =	vor.u32 v11, v40;
	v19 =	vsub.f32 v19, v12;
	v26 =	vmul.f32 v15, v60;
	v60 =	vld [tilespmem:s6+$0x50]  }
0x307: {  	v31 =	vmul.f32 v54, v13;
	v28 =	vsub.f32 v28, v12;
	v30 =	vmul.f32 v16, v62;
	v62 =	vld [tilespmem:s21+$0xFFFFFF90]  }
0x308: {  	v44 =	vor.u32 v11, v44;
	v45 =	vor.u32 v11, v45;
	v19 =	vmul.f32 v19, v13;
	v15 =	vld [tilespmem:$0x1FFA0]  }
0x309: {  	v54 =	vor.u32 s19, v11;
	v28 =	vmul.f32 v28, v13;
	v31 =	vmul.f32 v31, v43;
	v16 =	vld [tilespmem:$0x1FFB0]  }
0x30a: {  	s22 =	simm.s32 $0x1C;
	v25 =	vmul.f32 v19, v56;
	v56 =	vor.u32 s18, v11;
	v23 =	vadd.f32 v23, v55;
	v55 =	vld [tilespmem:s21+$0xFFFFFFD0]  }
0x30b: {  	s23 =	simm.s32 $0x15;
	v19 =	vmov s22;
	v36 =	vor.u32 v11, v36;
	v21 =	vadd.f32 v21, v51;
	v51 =	vld [tilespmem:s21+$0xFFFFFFF0]  }
0x30c: {  	v43 =	vor.u32 v11, v57;
	v57 =	vmov s23;
	s23 =	simm.s32 $0x1D;
	v29 =	vadd.f32 v29, v49;
	v49 =	vld [tilespmem:s21+$0x10]  }
0x30d: {  	v19 =	vshll.u32 v19, $0x4;
	v18 =	vmov s23;
	v27 =	vadd.f32 v27, v53;
	v53 =	vld [tilespmem:s21+$0x0];
	[tilespmem:v17+s5+$0x0] =	vst.idx.msk $0xffff, v38  }
0x30e: {  	s26 =	simm.s32 $0x16;
	s16 =	simm.s32 $0x19;
	v18 =	vshll.u32 v18, $0x4;
	v47 =	vor.u32 v11, v63;
	v28 =	vmul.f32 v28, v61;
	v17 =	vld [tilespmem:$0x1FFD0]  }
0x30f: {  	s19 =	simm.s32 $0x1B;
	v58 =	vmov s26;
	v61 =	vmov s16;
	v20 =	vadd.f32 v20, v52;
	v52 =	vld [tilespmem:s21+$0x30]  }
0x310: {  	s10 =	simm.s32 $0x17;
	v63 =	vmov s19;
	s26 =	simm.s32 $0x1E;
	v34 =	vmul.f32 v34, v59;
	v22 =	vadd.f32 v22, v55;
	v55 =	vld [tilespmem:s21+$0x20]  }
0x311: {  	v59 =	vmov s10;
	v24 =	vmov s26;
	v25 =	vadd.f32 v25, v51;
	v51 =	vld [tilespmem:s21+$0x40]  }
0x312: {  	s15 =	simm.s32 $0x18;
	v24 =	vshll.u32 v24, $0x4;
	v31 =	vadd.f32 v31, v62;
	v26 =	vadd.f32 v26, v53;
	v53 =	vld [tilespmem:s21+$0x50]  }
0x313: {  	v33 =	vmul.f32 v33, v60;
	v60 =	vmov s15;
	v38 =	vshll.u32 v17, $0x4;
	v17 =	vld [tilespmem:$0x1FFE0];
	[tilespmem:v54+s5+$0x0] =	vst.idx.msk $0xffff, v23  }
0x314: {  	s18 =	simm.s32 $0x1A;
	v15 =	vadd.s32 v10, v15;
	v16 =	vshll.u32 v16, $0x4;
	v30 =	vadd.f32 v30, v49;
	[tilespmem:v41+s5+$0x0] =	vst.idx.msk $0xffff, v31  }
0x315: {  	v62 =	vmov s18;
	v15 =	vor.u32 v0, v15;
	v16 =	vadd.s32 v10, v16;
	[tilespmem:v46+s5+$0x0] =	vst.idx.msk $0xffff, v21  }
0x316: {  	v35 =	vadd.f32 v35, v52;
	v15 =	vand.u32 $0x3FF, v15;
	v16 =	vor.u32 v0, v16;
	[tilespmem:v48+s5+$0x0] =	vst.idx.msk $0xffff, v27  }
0x317: {  	v15 =	vor.u32 v14, v15;
	v16 =	vand.u32 $0x3FF, v16;
	v32 =	vadd.f32 v32, v55;
	v46 =	vld [tilespmem:$0x1FFF0]  }
0x318: {  	v16 =	vor.u32 v14, v16;
	v34 =	vadd.f32 v34, v51;
	v33 =	vadd.f32 v33, v53  }
0x319: {  	v23 =	vshll.u32 v50, $0x4;
	v50 =	vshll.u32 v57, $0x4;
	v31 =	vshll.u32 v58, $0x4;
	[tilespmem:v36+s5+$0x0] =	vst.idx.msk $0xffff, v22  }
0x31a: {  	v57 =	vshll.u32 v59, $0x4;
	v21 =	vshll.u32 v60, $0x4;
	v27 =	vshll.u32 v61, $0x4;
	[tilespmem:v43+s5+$0x0] =	vst.idx.msk $0xffff, v20  }
0x31b: {  	v59 =	vshll.u32 v62, $0x4;
	v61 =	vadd.s32 v10, v19;
	v62 =	vadd.s32 v10, v18;
	[tilespmem:v42+s5+$0x0] =	vst.idx.msk $0xffff, v25  }
0x31c: {  	v58 =	vld [tilespmem:s21+$0x60];
	v22 =	vshll.u32 v63, $0x4;
	v20 =	vadd.s32 v10, v23;
	v25 =	vadd.s32 v10, v50;
	[tilespmem:v56+s5+$0x0] =	vst.idx.msk $0xffff, v26  }
0x31d: {  	v26 =	vadd.s32 v10, v57;
	v21 =	vadd.s32 v10, v21;
	v27 =	vadd.s32 v10, v27  }
0x31e: {  	v63 =	vadd.s32 v10, v24;
	v60 =	vadd.s32 v10, v22;
	v19 =	vor.u32 v0, v20  }
0x31f: {  	v20 =	vor.u32 v0, v25;
	v17 =	vshll.u32 v17, $0x4;
	[tilespmem:v46+s5+$0x0] =	vst.idx.msk $0xffff, v29;
	v29 =	vadd.s32 v10, v38  }
0x320: {  	v15 =	vld.idx.msk [tilespmem:v15+s30+$0x0], $0xffff;
	v27 =	vor.u32 v0, v27;
	v17 =	vadd.s32 v10, v17;
	v18 =	vor.u32 v0, v29  }
0x321: {  	v16 =	vld.idx.msk [tilespmem:v16+s30+$0x0], $0xffff;
	v23 =	vadd.f32 v28, v58;
	v17 =	vor.u32 v0, v17;
	v18 =	vand.u32 $0x3FF, v18  }
0x322: {  	[tilespmem:v37+s5+$0x0] =	vst.idx.msk $0xffff, v30;
	v28 =	vadd.s32 v10, v31;
	v17 =	vand.u32 $0x3FF, v17;
	v18 =	vor.u32 v14, v18  }
0x323: {  	[tilespmem:v39+s5+$0x0] =	vst.idx.msk $0xffff, v32;
	v31 =	vadd.s32 v10, v59;
	v24 =	vor.u32 v14, v17;
	v17 =	vand.u32 $0x3FF, v19  }
0x324: {  	[tilespmem:v40+s5+$0x0] =	vst.idx.msk $0xffff, v35;
	v19 =	vor.u32 v0, v28;
	v25 =	vor.u32 v14, v17;
	v17 =	vand.u32 $0x3FF, v20  }
0x325: {  	[tilespmem:v44+s5+$0x0] =	vst.idx.msk $0xffff, v34;
	v20 =	vor.u32 v0, v26;
	v26 =	vor.u32 v14, v17;
	v17 =	vand.u32 $0x3FF, v19  }
0x326: {  	[tilespmem:v45+s5+$0x0] =	vst.idx.msk $0xffff, v23;
	v19 =	vor.u32 v0, v21;
	v20 =	vand.u32 $0x3FF, v20;
	v21 =	vor.u32 v14, v17  }
0x327: {  	v28 =	vor.u32 v0, v61;
	v22 =	vor.u32 v14, v20;
	v19 =	vand.u32 $0x3FF, v19;
	v17 =	vld.idx.msk [tilespmem:v18+s30+$0x0], $0xffff  }
0x328: {  	v20 =	vor.u32 v0, v31;
	v23 =	vor.u32 v14, v19;
	v18 =	vld.idx.msk [tilespmem:v24+s30+$0x0], $0xffff;
	v24 =	vand.u32 $0x3FF, v27  }
0x329: {  	v19 =	vld.idx.msk [tilespmem:v25+s30+$0x0], $0xffff;
	v25 =	vand.u32 $0x3FF, v20;
	v27 =	vor.u32 v0, v60;
	v24 =	vor.u32 v14, v24  }
0x32a: {  	[tilespmem:v47+s5+$0x0] =	vst.idx.msk $0xffff, v33;
	v29 =	vand.u32 $0x3FF, v28;
	v20 =	vld.idx.msk [tilespmem:v26+s30+$0x0], $0xffff;
	v25 =	vor.u32 v14, v25;
	v26 =	vand.u32 $0x3FF, v27  }
0x32b: {  	s16 =	simm.s32 $0x20;
	s15 =	simm.s32 $0x1;
	s18 =	simm.s32 $0x1F;
	v28 =	vor.u32 v0, v63;
	v21 =	vld.idx.msk [tilespmem:v21+s30+$0x0], $0xffff;
	v27 =	vor.u32 v0, v62;
	v26 =	vor.u32 v14, v26  }
.LBB2_11:
0x32c: {  	p1 =	slt.u32 s16, $0x30;
	v22 =	vld.idx.msk [tilespmem:v22+s30+$0x0], $0xffff;
	v29 =	vor.u32 v14, v29;
	v27 =	vand.u32 $0x3FF, v27;
	v30 =	vmov s18  }
0x32d: {  	v28 =	vand.u32 $0x3FF, v28;
	v23 =	vld.idx.msk [tilespmem:v23+s30+$0x0], $0xffff;
	v27 =	vor.u32 v14, v27;
	v30 =	vshll.u32 v30, $0x4  }
0x32e: {  	v28 =	vor.u32 v14, v28;
	v24 =	vld.idx.msk [tilespmem:v24+s30+$0x0], $0xffff;
	v30 =	vadd.s32 v10, v30  }
0x32f: {  	v31 =	vmov s16;
	v25 =	vld.idx.msk [tilespmem:v25+s30+$0x0], $0xffff;
	v30 =	vor.u32 v0, v30  }
0x330: {  	v32 =	vsub.f32 v15, v12;
	v33 =	vsub.f32 v16, v12;
	v26 =	vld.idx.msk [tilespmem:v26+s30+$0x0], $0xffff;
	v15 =	vand.u32 $0x3FF, v30  }
0x331: {  	v17 =	vsub.f32 v17, v12;
	v18 =	vsub.f32 v18, v12;
	v29 =	vld.idx.msk [tilespmem:v29+s30+$0x0], $0xffff;
	v30 =	vor.u32 v14, v15  }
0x332: {  	s3 =	sadd.s32 $0x1, s16;
	v19 =	vsub.f32 v19, v12;
	v20 =	vsub.f32 v20, v12;
	v15 =	vshll.u32 v31, $0x4;
	v27 =	vld.idx.msk [tilespmem:v27+s30+$0x0], $0xffff  }
0x333: {  	v16 =	vmov s3;
	v21 =	vsub.f32 v21, v12;
	v22 =	vsub.f32 v22, v12;
	v28 =	vld.idx.msk [tilespmem:v28+s30+$0x0], $0xffff  }
0x334: {  	v31 =	vmul.f32 v32, v13;
	v23 =	vsub.f32 v23, v12;
	v24 =	vsub.f32 v24, v12  }
0x335: {  	v32 =	vmul.f32 v33, v13;
	v33 =	vmul.f32 v17, v13;
	v17 =	vsub.f32 v25, v12  }
0x336: {  	v19 =	vmul.f32 v19, v13;
	v25 =	vmul.f32 v18, v13;
	v18 =	vsub.f32 v26, v12;
	v26 =	vld.idx.msk [tilespmem:v30+s30+$0x0], $0xffff  }
0x337: {  	v20 =	vmul.f32 v20, v13;
	v21 =	vmul.f32 v21, v13;
	v29 =	vsub.f32 v29, v12  }
0x338: {  	v22 =	vmul.f32 v22, v13;
	v23 =	vmul.f32 v23, v13;
	v27 =	vsub.f32 v27, v12  }
0x339: {  	s3 =	sadd.s32 $0x2, s16;
	v24 =	vmul.f32 v24, v13;
	v30 =	vmul.f32 v17, v13;
	v28 =	vsub.f32 v28, v12  }
0x33a: {  	s15 =	sadd.s32 $0x2, s15;
	s6 =	sadd.s32 $0x100, s6;
	v17 =	vmov s3;
	s3 =	sadd.s32 $0x3, s16;
	v34 =	vmul.f32 v18, v13;
	v29 =	vmul.f32 v29, v13  }
0x33b: {  	v18 =	vmov s3;
	s3 =	sshll.u32 s15, $0xA;
	v27 =	vmul.f32 v27, v13;
	v28 =	vmul.f32 v28, v13;
	v35 =	vld [tilespmem:s6+$0x70]  }
0x33c: {  	s21 =	sadd.s32 $0x100, s21;
	s18 =	sadd.s32 s14, s3;
	v37 =	vadd.s32 s3, v8;
	v38 =	vadd.s32 s3, v9;
	v26 =	vsub.f32 v26, v12;
	v36 =	vld [tilespmem:s6+$0xFFFFFF80]  }
0x33d: {  	v39 =	vadd.s32 s3, v7;
	v40 =	vadd.s32 s3, v6;
	s10 =	sadd.s32 $0xFFFFFC00, s18;
	v38 =	vbroadcast v38, $0x0;
	v41 =	vld [tilespmem:s21+$0x70]  }
0x33e: {  	v44 =	vadd.s32 s3, v5;
	v42 =	vmov s10;
	v26 =	vmul.f32 v26, v13;
	v43 =	vld [tilespmem:s6+$0xFFFFFF90]  }
0x33f: {  	v45 =	vadd.s32 $0x80, v42;
	v47 =	vadd.s32 $0x100, v42;
	v38 =	vor.u32 v11, v38;
	v46 =	vld [tilespmem:s6+$0xFFFFFFA0]  }
0x340: {  	v49 =	vadd.s32 $0x180, v42;
	v50 =	vadd.s32 $0x200, v42;
	v48 =	vld [tilespmem:s6+$0xFFFFFFB0];
	v26 =	vmul.f32 v26, v35  }
0x341: {  	v51 =	vadd.s32 $0x300, v42;
	v31 =	vmul.f32 v31, v36;
	v35 =	vld [tilespmem:s6+$0xFFFFFFC0];
	v36 =	vadd.s32 $0x280, v42  }
0x342: {  	v53 =	vadd.s32 s3, v4;
	v42 =	vadd.s32 $0x380, v42;
	v52 =	vld [tilespmem:s6+$0xFFFFFFD0];
	v26 =	vadd.f32 v26, v41  }
0x343: {  	v41 =	vbroadcast v45, $0x0;
	v45 =	vadd.s32 s3, v3;
	v32 =	vmul.f32 v32, v43;
	v43 =	vld [tilespmem:s6+$0xFFFFFFE0]  }
0x344: {  	v54 =	vor.u32 s10, v11;
	v33 =	vmul.f32 v33, v46;
	v46 =	vbroadcast v47, $0x0;
	v47 =	vld [tilespmem:s6+$0xFFFFFFF0];
	[tilespmem:v38+s5+$0x0] =	vst.idx.msk $0xffff, v26  }
0x345: {  	v26 =	vor.u32 v11, v41;
	v38 =	vbroadcast v49, $0x0;
	v25 =	vmul.f32 v25, v48;
	v41 =	vld [tilespmem:s6+$0x0]  }
0x346: {  	v46 =	vor.u32 v11, v46;
	v19 =	vmul.f32 v19, v35;
	v35 =	vbroadcast v50, $0x0;
	v48 =	vld [tilespmem:s6+$0x10]  }
0x347: {  	v36 =	vbroadcast v36, $0x0;
	v38 =	vor.u32 v11, v38;
	v20 =	vmul.f32 v20, v52;
	v49 =	vld [tilespmem:s6+$0x20]  }
0x348: {  	v35 =	vor.u32 v11, v35;
	v21 =	vmul.f32 v21, v43;
	v43 =	vbroadcast v51, $0x0;
	v50 =	vld [tilespmem:s6+$0x30]  }
0x349: {  	v42 =	vbroadcast v42, $0x0;
	v36 =	vor.u32 v11, v36;
	v22 =	vmul.f32 v22, v47;
	v47 =	vld [tilespmem:s6+$0x40]  }
0x34a: {  	v37 =	vbroadcast v37, $0x0;
	v43 =	vor.u32 v11, v43;
	v23 =	vmul.f32 v23, v41;
	v41 =	vld [tilespmem:s6+$0x50]  }
0x34b: {  	v39 =	vbroadcast v39, $0x0;
	v42 =	vor.u32 v11, v42;
	v24 =	vmul.f32 v24, v48;
	v48 =	vld [tilespmem:s6+$0x60]  }
0x34c: {  	v40 =	vbroadcast v40, $0x0;
	v37 =	vor.u32 v11, v37;
	v51 =	vld [tilespmem:s21+$0xFFFFFF80];
	v30 =	vmul.f32 v30, v49  }
0x34d: {  	v44 =	vbroadcast v44, $0x0;
	v39 =	vor.u32 v11, v39;
	v49 =	vld [tilespmem:s21+$0xFFFFFF90];
	v34 =	vmul.f32 v34, v50  }
0x34e: {  	v40 =	vor.u32 v11, v40;
	v50 =	vld [tilespmem:s21+$0xFFFFFFA0];
	v29 =	vmul.f32 v29, v47;
	v47 =	vbroadcast v53, $0x0  }
0x34f: {  	v44 =	vor.u32 v11, v44;
	v52 =	vld [tilespmem:s21+$0xFFFFFFB0];
	v27 =	vmul.f32 v27, v41;
	v41 =	vbroadcast v45, $0x0  }
0x350: {  	s3 =	sadd.s32 $0x4, s16;
	v53 =	vor.u32 s18, v11;
	v45 =	vld [tilespmem:s21+$0xFFFFFFC0];
	v47 =	vor.u32 v11, v47;
	v28 =	vmul.f32 v28, v48  }
0x351: {  	s10 =	sadd.s32 $0x6, s16;
	v48 =	vmov s3;
	s3 =	sadd.s32 $0x5, s16;
	v31 =	vadd.f32 v31, v51;
	v51 =	vld [tilespmem:s21+$0xFFFFFFD0];
	v41 =	vor.u32 v11, v41  }
0x352: {  	v56 =	vmov s10;
	s10 =	sadd.s32 $0x8, s16;
	v55 =	vmov s3;
	s3 =	sadd.s32 $0x7, s16;
	v32 =	vadd.f32 v32, v49;
	v49 =	vld [tilespmem:s21+$0xFFFFFFE0]  }
0x353: {  	v58 =	vmov s10;
	s10 =	sadd.s32 $0xA, s16;
	v57 =	vmov s3;
	s3 =	sadd.s32 $0x9, s16;
	[tilespmem:v54+s5+$0x0] =	vst.idx.msk $0xffff, v31;
	v31 =	vadd.f32 v33, v50;
	v33 =	vld [tilespmem:s21+$0xFFFFFFF0]  }
0x354: {  	v50 =	vmov s3;
	v54 =	vmov s10;
	s3 =	sadd.s32 $0xB, s16;
	s10 =	sadd.s32 $0xC, s16;
	[tilespmem:v26+s5+$0x0] =	vst.idx.msk $0xffff, v32;
	v25 =	vadd.f32 v25, v52;
	v26 =	vld [tilespmem:s21+$0x0]  }
0x355: {  	v32 =	vmov s3;
	v52 =	vmov s10;
	s3 =	sadd.s32 $0xD, s16;
	s10 =	sadd.s32 $0xE, s16;
	[tilespmem:v46+s5+$0x0] =	vst.idx.msk $0xffff, v31;
	v19 =	vadd.f32 v19, v45;
	v31 =	vld [tilespmem:s21+$0x10]  }
0x356: {  	v45 =	vmov s3;
	v46 =	vmov s10;
	[tilespmem:v38+s5+$0x0] =	vst.idx.msk $0xffff, v25;
	v20 =	vadd.f32 v20, v51;
	v25 =	vld [tilespmem:s21+$0x20]  }
0x357: {  	v16 =	vshll.u32 v16, $0x4;
	v15 =	vadd.s32 v10, v15;
	[tilespmem:v35+s5+$0x0] =	vst.idx.msk $0xffff, v19;
	v19 =	vadd.f32 v21, v49;
	v21 =	vld [tilespmem:s21+$0x30]  }
0x358: {  	v17 =	vshll.u32 v17, $0x4;
	v18 =	vshll.u32 v18, $0x4;
	[tilespmem:v36+s5+$0x0] =	vst.idx.msk $0xffff, v20;
	v20 =	vadd.f32 v22, v33;
	v22 =	vld [tilespmem:s21+$0x40]  }
0x359: {  	v35 =	vshll.u32 v55, $0x4;
	v33 =	vshll.u32 v48, $0x4;
	[tilespmem:v43+s5+$0x0] =	vst.idx.msk $0xffff, v19;
	v19 =	vadd.f32 v23, v26;
	v23 =	vld [tilespmem:s21+$0x50]  }
0x35a: {  	v36 =	vshll.u32 v57, $0x4;
	v26 =	vshll.u32 v56, $0x4;
	[tilespmem:v42+s5+$0x0] =	vst.idx.msk $0xffff, v20;
	v20 =	vadd.f32 v24, v31;
	v24 =	vld [tilespmem:s21+$0x60]  }
0x35b: {  	v15 =	vor.u32 v0, v15;
	v31 =	vshll.u32 v58, $0x4;
	[tilespmem:v53+s5+$0x0] =	vst.idx.msk $0xffff, v19;
	v19 =	vadd.f32 v30, v25  }
0x35c: {  	v16 =	vadd.s32 v10, v16;
	v25 =	vshll.u32 v50, $0x4;
	[tilespmem:v37+s5+$0x0] =	vst.idx.msk $0xffff, v20;
	v20 =	vadd.f32 v34, v21  }
0x35d: {  	v17 =	vadd.s32 v10, v17;
	v21 =	vshll.u32 v54, $0x4;
	[tilespmem:v39+s5+$0x0] =	vst.idx.msk $0xffff, v19;
	v19 =	vadd.f32 v29, v22  }
0x35e: {  	v18 =	vadd.s32 v10, v18;
	v22 =	vshll.u32 v32, $0x4;
	[tilespmem:v40+s5+$0x0] =	vst.idx.msk $0xffff, v20;
	v20 =	vadd.f32 v27, v23  }
0x35f: {  	v23 =	vadd.s32 v10, v33;
	v27 =	vshll.u32 v52, $0x4;
	[tilespmem:v44+s5+$0x0] =	vst.idx.msk $0xffff, v19;
	v19 =	vadd.f32 v28, v24  }
0x360: {  	v26 =	vadd.s32 v10, v26;
	v24 =	vadd.s32 v10, v35;
	v28 =	vshll.u32 v45, $0x4;
	[tilespmem:v47+s5+$0x0] =	vst.idx.msk $0xffff, v20  }
0x361: {  	v30 =	vshll.u32 v46, $0x4;
	v29 =	vadd.s32 v10, v31;
	v20 =	vadd.s32 v10, v36;
	[tilespmem:v41+s5+$0x0] =	vst.idx.msk $0xffff, v19  }
0x362: {  	v21 =	vadd.s32 v10, v21;
	v19 =	vadd.s32 v10, v25;
	v25 =	vadd.s32 v10, v22  }
0x363: {  	v30 =	vadd.s32 v10, v30;
	v27 =	vadd.s32 v10, v27;
	v28 =	vadd.s32 v10, v28  }
0x364: {  	v16 =	vor.u32 v0, v16;
	v15 =	vand.u32 $0x3FF, v15;
	v17 =	vor.u32 v0, v17  }
0x365: {  	v16 =	vand.u32 $0x3FF, v16;
	v15 =	vor.u32 v14, v15;
	v18 =	vor.u32 v0, v18  }
0x366: {  	v16 =	vor.u32 v14, v16;
	v17 =	vand.u32 $0x3FF, v17;
	v22 =	vor.u32 v0, v23  }
0x367: {  	v17 =	vor.u32 v14, v17;
	v18 =	vand.u32 $0x3FF, v18;
	v23 =	vor.u32 v0, v24  }
0x368: {  	v18 =	vor.u32 v14, v18;
	v24 =	vor.u32 v0, v26;
	v22 =	vand.u32 $0x3FF, v22  }
0x369: {  	v20 =	vor.u32 v0, v20;
	v26 =	vor.u32 v14, v22;
	v22 =	vand.u32 $0x3FF, v23  }
0x36a: {  	v23 =	vor.u32 v0, v29;
	v31 =	vor.u32 v14, v22;
	v22 =	vand.u32 $0x3FF, v24;
	v15 =	vld.idx.msk [tilespmem:v15+s30+$0x0], $0xffff  }
0x36b: {  	v20 =	vand.u32 $0x3FF, v20;
	v19 =	vor.u32 v0, v19;
	v29 =	vor.u32 v14, v22;
	v16 =	vld.idx.msk [tilespmem:v16+s30+$0x0], $0xffff  }
.Ltmp8:
0x36c: {  	v21 =	vor.u32 v0, v21;
	v22 =	vor.u32 v14, v20;
	v20 =	vand.u32 $0x3FF, v23;
	v17 =	vld.idx.msk [tilespmem:v17+s30+$0x0], $0xffff;
	(pc) =	sbr.rel @p1 .LBB2_11-.Ltmp8, $4  }
0x36d: {  	v32 =	vor.u32 v0, v25;
	v23 =	vor.u32 v14, v20;
	v20 =	vand.u32 $0x3FF, v19;
	v18 =	vld.idx.msk [tilespmem:v18+s30+$0x0], $0xffff  }
0x36e: {  	v21 =	vand.u32 $0x3FF, v21;
	v33 =	vor.u32 v0, v27;
	v24 =	vor.u32 v14, v20;
	v19 =	vld.idx.msk [tilespmem:v26+s30+$0x0], $0xffff  }
0x36f: {  	v27 =	vor.u32 v0, v28;
	v25 =	vor.u32 v14, v21;
	v26 =	vand.u32 $0x3FF, v32;
	v20 =	vld.idx.msk [tilespmem:v31+s30+$0x0], $0xffff  }
0x370: {  	s18 =	sadd.s32 $0xF, s16;
	s16 =	sadd.s32 $0x10, s16;
	v28 =	vor.u32 v0, v30;
	v26 =	vor.u32 v14, v26;
	v21 =	vld.idx.msk [tilespmem:v29+s30+$0x0], $0xffff;
	v29 =	vand.u32 $0x3FF, v33  }
0x371: {  	_ =	sdelay $0x3  }
0x372: {  	v22 =	vld.idx.msk [tilespmem:v22+s30+$0x0], $0xffff  }
0x373: {  	v30 =	vmov s18;
	v23 =	vld.idx.msk [tilespmem:v23+s30+$0x0], $0xffff  }
0x374: {  	v29 =	vor.u32 v14, v29;
	v27 =	vand.u32 $0x3FF, v27;
	v24 =	vld.idx.msk [tilespmem:v24+s30+$0x0], $0xffff;
	v15 =	vsub.f32 v15, v12  }
0x375: {  	v28 =	vand.u32 $0x3FF, v28;
	v25 =	vld.idx.msk [tilespmem:v25+s30+$0x0], $0xffff;
	v16 =	vsub.f32 v16, v12;
	v17 =	vsub.f32 v17, v12  }
0x376: {  	v44 =	vld.idx.msk [tilespmem:v26+s30+$0x0], $0xffff;
	s16 =	sadd.s32 $0x100, s6;
	v30 =	vshll.u32 v30, $0x4;
	v27 =	vor.u32 v14, v27;
	v28 =	vor.u32 v14, v28  }
0x377: {  	s3 =	sadd.s32 $0x2, s15;
	v18 =	vsub.f32 v18, v12;
	v46 =	vld [tilespmem:s16+$0x70];
	v10 =	vadd.s32 v10, v30;
	v15 =	vmul.f32 v15, v13  }
0x378: {  	s22 =	sadd.s32 $0x100, s21;
	v47 =	vld [tilespmem:s16+$0xFFFFFF80];
	s15 =	sshll.u32 s3, $0xA;
	v19 =	vsub.f32 v19, v12;
	v16 =	vmul.f32 v16, v13;
	v17 =	vmul.f32 v17, v13  }
0x379: {  	v31 =	vld [tilespmem:s22+$0x70];
	v8 =	vadd.s32 s15, v8;
	v9 =	vadd.s32 s15, v9;
	v7 =	vadd.s32 s15, v7  }
0x37a: {  	v32 =	vld [tilespmem:s16+$0xFFFFFF90];
	v6 =	vadd.s32 s15, v6;
	v4 =	vadd.s32 s15, v4;
	v18 =	vmul.f32 v18, v13  }
0x37b: {  	v33 =	vld [tilespmem:s16+$0xFFFFFFA0];
	v3 =	vadd.s32 s15, v3;
	v9 =	vbroadcast v9, $0x0;
	v8 =	vbroadcast v8, $0x0  }
0x37c: {  	v34 =	vld [tilespmem:s16+$0xFFFFFFB0];
	v10 =	vor.u32 v0, v10;
	v7 =	vbroadcast v7, $0x0;
	v6 =	vbroadcast v6, $0x0  }
0x37d: {  	v35 =	vld [tilespmem:s16+$0xFFFFFFC0];
	s14 =	sadd.s32 s14, s15;
	v20 =	vsub.f32 v20, v12;
	v4 =	vbroadcast v4, $0x0;
	v3 =	vbroadcast v3, $0x0  }
0x37e: {  	v48 =	vld [tilespmem:s16+$0xFFFFFFD0];
	s23 =	sadd.s32 $0xFFFFFC00, s14;
	v10 =	vand.u32 $0x3FF, v10;
	v21 =	vsub.f32 v21, v12;
	v19 =	vmul.f32 v19, v13  }
0x37f: {  	v36 =	vld [tilespmem:s16+$0xFFFFFFE0];
	v37 =	vmov s23;
	v55 =	vor.u32 s23, v11;
	v22 =	vsub.f32 v22, v12  }
0x380: {  	v49 =	vld [tilespmem:s16+$0xFFFFFFF0];
	v10 =	vor.u32 v14, v10;
	v23 =	vsub.f32 v23, v12;
	v24 =	vsub.f32 v24, v12  }
0x381: {  	v38 =	vld [tilespmem:s16+$0x0];
	v25 =	vsub.f32 v25, v12;
	v14 =	vsub.f32 v44, v12;
	v20 =	vmul.f32 v20, v13  }
0x382: {  	v50 =	vld [tilespmem:s16+$0x10];
	v39 =	vadd.s32 $0x80, v37;
	v40 =	vadd.s32 $0x100, v37;
	v9 =	vor.u32 v11, v9  }
0x383: {  	v42 =	vld [tilespmem:s16+$0x20];
	v41 =	vadd.s32 $0x180, v37;
	v43 =	vadd.s32 $0x200, v37;
	v21 =	vmul.f32 v21, v13  }
0x384: {  	v51 =	vld [tilespmem:s16+$0x30];
	v52 =	vadd.s32 $0x280, v37;
	v15 =	vmul.f32 v15, v47;
	v16 =	vmul.f32 v16, v32  }
0x385: {  	v53 =	vld [tilespmem:s16+$0x40];
	v54 =	vadd.s32 $0x300, v37;
	v17 =	vmul.f32 v17, v33;
	v39 =	vbroadcast v39, $0x0  }
0x386: {  	v56 =	vld [tilespmem:s22+$0xFFFFFF80];
	v37 =	vadd.s32 $0x380, v37;
	v18 =	vmul.f32 v18, v34;
	v19 =	vmul.f32 v19, v35  }
0x387: {  	v57 =	vld [tilespmem:s22+$0xFFFFFF90];
	v8 =	vor.u32 v11, v8;
	v40 =	vbroadcast v40, $0x0;
	v41 =	vbroadcast v41, $0x0  }
0x388: {  	v58 =	vld [tilespmem:s22+$0xFFFFFFA0];
	v7 =	vor.u32 v11, v7;
	v43 =	vbroadcast v43, $0x0;
	v33 =	vbroadcast v54, $0x0  }
0x389: {  	v59 =	vld [tilespmem:s22+$0xFFFFFFB0];
	v6 =	vor.u32 v11, v6;
	v37 =	vbroadcast v37, $0x0;
	v22 =	vmul.f32 v22, v13  }
0x38a: {  	v60 =	vld [tilespmem:s22+$0xFFFFFFC0];
	v4 =	vor.u32 v11, v4;
	v23 =	vmul.f32 v23, v13;
	v24 =	vmul.f32 v24, v13  }
0x38b: {  	v45 =	vld.idx.msk [tilespmem:v29+s30+$0x0], $0xffff;
	v3 =	vor.u32 v11, v3;
	v25 =	vmul.f32 v25, v13;
	v14 =	vmul.f32 v14, v13  }
0x38c: {  	v27 =	vld.idx.msk [tilespmem:v27+s30+$0x0], $0xffff;
	v21 =	vmul.f32 v21, v36;
	v39 =	vor.u32 v11, v39;
	v40 =	vor.u32 v11, v40  }
0x38d: {  	v28 =	vld.idx.msk [tilespmem:v28+s30+$0x0], $0xffff;
	v41 =	vor.u32 v11, v41;
	v43 =	vor.u32 v11, v43;
	v15 =	vadd.f32 v15, v56  }
0x38e: {  	v62 =	vor.u32 v11, v33;
	v63 =	vadd.f32 v16, v57;
	v35 =	vor.u32 v11, v37;
	v10 =	vld.idx.msk [tilespmem:v10+s30+$0x0], $0xffff  }
0x38f: {  	v34 =	vld [tilespmem:s16+$0x50];
	v17 =	vadd.f32 v17, v58;
	v44 =	vadd.f32 v19, v60;
	v23 =	vmul.f32 v23, v38  }
0x390: {  	v33 =	vld [tilespmem:s22+$0xFFFFFFE0];
	v24 =	vmul.f32 v24, v50;
	v25 =	vmul.f32 v25, v42;
	v26 =	vsub.f32 v45, v12  }
0x391: {  	v38 =	vadd.f32 v18, v59;
	[tilespmem:v55+s5+$0x0] =	vst.idx.msk $0xffff, v15;
	v45 =	vld [tilespmem:s22+$0x10];
	v27 =	vsub.f32 v27, v12  }
0x392: {  	v54 =	vld [tilespmem:s22+$0x50];
	v28 =	vsub.f32 v28, v12;
	v26 =	vmul.f32 v26, v13;
	[tilespmem:v39+s5+$0x0] =	vst.idx.msk $0xffff, v63  }
0x393: {  	v37 =	vld [tilespmem:s22+$0xFFFFFFF0];
	v27 =	vmul.f32 v27, v13;
	[tilespmem:v40+s5+$0x0] =	vst.idx.msk $0xffff, v17;
	v10 =	vsub.f32 v10, v12  }
0x394: {  	v28 =	vmul.f32 v28, v13;
	[tilespmem:v41+s5+$0x0] =	vst.idx.msk $0xffff, v38;
	v12 =	vmul.f32 v20, v48;
	v48 =	vld [tilespmem:s22+$0x20]  }
0x395: {  	v39 =	vld [tilespmem:s22+$0x0];
	v16 =	vadd.f32 v21, v33;
	v55 =	vmul.f32 v27, v34;
	v10 =	vmul.f32 v10, v13  }
0x396: {  	[tilespmem:v43+s5+$0x0] =	vst.idx.msk $0xffff, v44;
	v20 =	vld [tilespmem:s16+$0x60];
	v56 =	vadd.f32 v24, v45;
	v13 =	vmul.f32 v22, v49  }
0x397: {  	v5 =	vadd.s32 s15, v5;
	[tilespmem:v62+s5+$0x0] =	vst.idx.msk $0xffff, v16;
	v49 =	vld [tilespmem:s22+$0x30];
	v62 =	vadd.f32 v55, v54;
	v10 =	vmul.f32 v10, v46  }
0x398: {  	v57 =	vld [tilespmem:s22+$0x60];
	v14 =	vmul.f32 v14, v51;
	[tilespmem:v8+s5+$0x0] =	vst.idx.msk $0xffff, v56;
	v46 =	vor.u32 s14, v11;
	v51 =	vadd.f32 v13, v37  }
0x399: {  	v61 =	vld [tilespmem:s22+$0xFFFFFFD0];
	[tilespmem:v4+s5+$0x0] =	vst.idx.msk $0xffff, v62;
	v58 =	vadd.f32 v25, v48;
	v10 =	vadd.f32 v10, v31;
	v31 =	vbroadcast v52, $0x0  }
0x39a: {  	v5 =	vbroadcast v5, $0x0;
	v50 =	vmul.f32 v26, v53;
	v53 =	vadd.f32 v23, v39;
	v52 =	vld [tilespmem:s22+$0x40];
	[tilespmem:v35+s5+$0x0] =	vst.idx.msk $0xffff, v51  }
0x39b: {  	v60 =	vmul.f32 v28, v20;
	[tilespmem:v7+s5+$0x0] =	vst.idx.msk $0xffff, v58;
	v31 =	vor.u32 v11, v31  }
0x39c: {  	p1 =	slt.u32 s1, $0xE;
	v5 =	vor.u32 v11, v5;
	v59 =	vadd.f32 v14, v49;
	[tilespmem:v9+s5+$0x0] =	vst.idx.msk $0xffff, v10  }
.Ltmp9:
0x39d: {  	v63 =	vadd.f32 v60, v57;
	[tilespmem:v46+s5+$0x0] =	vst.idx.msk $0xffff, v53;
	(pc) =	sbr.rel @p1 .LBB2_4-.Ltmp9, $4  }
0x39e: {  	v47 =	vadd.f32 v12, v61;
	[tilespmem:v6+s5+$0x0] =	vst.idx.msk $0xffff, v59  }
0x39f: {  	[tilespmem:v3+s5+$0x0] =	vst.idx.msk $0xffff, v63;
	v61 =	vadd.f32 v50, v52  }
0x3a0: {  	s26 =	sadd.s32 $0x2, s1;
	[tilespmem:v31+s5+$0x0] =	vst.idx.msk $0xffff, v47  }
0x3a1: {  	p0 =	por !p0, !p0;
	s0 =	sadd.s32 $0x2, s0;
	s1 =	smov.u32 s26;
	[tilespmem:v5+s5+$0x0] =	vst.idx.msk $0xffff, v61  }
0x3a2: {  	p0 =	seq.s32 s9, $0x0  }
.Ltmp10:
0x3a3: {  	_ = 	snop;
	(pc) =	sbr.rel @p0 .LBB2_27-.Ltmp10, $4  }
0x3a4: {  	_ = 	snop  }
0x3a5: {  	s0 =	sshll.u32 s7, $0x10  }
0x3a6: {  	s1 =	simm.s32 $0x400;
	s0 =	sadd.s32 s0, s11  }
0x3a7: {  	[hbm4b:s0+s1] =	stream.strided.scatter [tilespmem:s5], [sflag:$0x3], $0x4000, s29, s1, $0x38;
	[tilespmem:$0x1D000] =	vst v63  }
.LBB2_14:
0x3a8: {  	p0 =	slt.u32 s7, $0x2  }
0x3a9: {  	p1 =	seq.s32 @!p0 s7, $0x63  }
0x3aa: {  	_ =	swait.ge [sflag:s25], $0x8000;
	p1 =	por p0, !p1  }
.Ltmp11:
0x3ab: {  	[sflag:s25] =	ssyncset.done $0x0;
	(pc) =	sbr.rel @!p1 .LBB2_16-.Ltmp11, $4  }
0x3ac: {  	s0 =	simm.s32 @!p0 $0x4;
	[sflag:s25] =	ssyncadd.s32 $0xFFFF8000  }
0x3ad: {  	_ =	swait.ge @!p0 [sflag:s0], $0x4000  }
0x3ae: {  	[sflag:s0] =	ssyncset.done @!p0 $0x0  }
0x3af: {  	[sflag:s0] =	ssyncadd.s32 @!p0 $0xFFFFC000  }
0x3b0: {  	_ =	swait.ge [sflag:s20], $0x100  }
0x3b1: {  	[sflag:s20] =	ssyncset.done $0x0  }
0x3b2: {  	[sflag:s20] =	ssyncadd.s32 $0xFFFFFF00  }
0x3b3: {  	v3 =	vld [tilespmem:$0x18000];
	_ =	sdelay $0x1  }
0x3b4: {  	v4 =	vld [tilespmem:$0x18010];
	_ =	sdelay $0x1  }
0x3b5: {  	v5 =	vld [tilespmem:$0x18020]  }
0x3b6: {  	v6 =	vshra.s32 v3, $0x1  }
0x3b7: {  	v51 =	vld [tilespmem:$0x18030];
	v3 =	vand.u32 $0x1, v3;
	[tilespmem:$0x18200] =	vst v6  }
0x3b8: {  	[tilespmem:$0x18400] =	vst v3;
	v3 =	vshra.s32 v4, $0x1  }
0x3b9: {  	v52 =	vld [tilespmem:$0x18040];
	[tilespmem:$0x18210] =	vst v3;
	v3 =	vand.u32 $0x1, v4  }
0x3ba: {  	[tilespmem:$0x18410] =	vst v3;
	v3 =	vshra.s32 v5, $0x1  }
0x3bb: {  	v53 =	vld [tilespmem:$0x18050];
	[tilespmem:$0x18220] =	vst v3;
	v3 =	vand.u32 $0x1, v5  }
0x3bc: {  	[tilespmem:$0x18420] =	vst v3;
	v3 =	vshra.s32 v51, $0x1  }
0x3bd: {  	v54 =	vld [tilespmem:$0x18060];
	[tilespmem:$0x18230] =	vst v3;
	v3 =	vand.u32 $0x1, v51  }
0x3be: {  	[tilespmem:$0x18430] =	vst v3;
	v3 =	vshra.s32 v52, $0x1  }
0x3bf: {  	v55 =	vld [tilespmem:$0x18070];
	[tilespmem:$0x18240] =	vst v3;
	v3 =	vand.u32 $0x1, v52  }
0x3c0: {  	[tilespmem:$0x18440] =	vst v3;
	v3 =	vshra.s32 v53, $0x1  }
0x3c1: {  	v56 =	vld [tilespmem:$0x18080];
	[tilespmem:$0x18250] =	vst v3;
	v3 =	vand.u32 $0x1, v53  }
0x3c2: {  	[tilespmem:$0x18450] =	vst v3;
	v3 =	vshra.s32 v54, $0x1  }
0x3c3: {  	v57 =	vld [tilespmem:$0x18090];
	[tilespmem:$0x18260] =	vst v3;
	v3 =	vand.u32 $0x1, v54  }
0x3c4: {  	[tilespmem:$0x18460] =	vst v3;
	v3 =	vshra.s32 v55, $0x1  }
0x3c5: {  	v58 =	vld [tilespmem:$0x180A0];
	[tilespmem:$0x18270] =	vst v3;
	v3 =	vand.u32 $0x1, v55  }
0x3c6: {  	[tilespmem:$0x18470] =	vst v3;
	v3 =	vshra.s32 v56, $0x1  }
0x3c7: {  	v59 =	vld [tilespmem:$0x180B0];
	[tilespmem:$0x18280] =	vst v3;
	v3 =	vand.u32 $0x1, v56  }
0x3c8: {  	[tilespmem:$0x18480] =	vst v3;
	v3 =	vshra.s32 v57, $0x1  }
0x3c9: {  	v60 =	vld [tilespmem:$0x180C0];
	[tilespmem:$0x18290] =	vst v3;
	v3 =	vand.u32 $0x1, v57  }
0x3ca: {  	[tilespmem:$0x18490] =	vst v3;
	v3 =	vshra.s32 v58, $0x1  }
0x3cb: {  	v61 =	vld [tilespmem:$0x180D0];
	[tilespmem:$0x182A0] =	vst v3;
	v3 =	vand.u32 $0x1, v58  }
0x3cc: {  	[tilespmem:$0x184A0] =	vst v3;
	v3 =	vshra.s32 v59, $0x1  }
0x3cd: {  	v62 =	vld [tilespmem:$0x180E0];
	[tilespmem:$0x182B0] =	vst v3;
	v3 =	vand.u32 $0x1, v59  }
0x3ce: {  	[tilespmem:$0x184B0] =	vst v3;
	v3 =	vshra.s32 v60, $0x1  }
0x3cf: {  	v63 =	vld [tilespmem:$0x180F0];
	[tilespmem:$0x182C0] =	vst v3;
	v3 =	vand.u32 $0x1, v60  }
0x3d0: {  	[tilespmem:$0x184C0] =	vst v3;
	v3 =	vshra.s32 v61, $0x1  }
0x3d1: {  	[tilespmem:$0x182D0] =	vst v3;
	v3 =	vand.u32 $0x1, v61  }
0x3d2: {  	[tilespmem:$0x184D0] =	vst v3;
	v3 =	vshra.s32 v62, $0x1  }
0x3d3: {  	[tilespmem:$0x182E0] =	vst v3;
	v3 =	vand.u32 $0x1, v62  }
0x3d4: {  	[tilespmem:$0x184E0] =	vst v3;
	v3 =	vshra.s32 v63, $0x1  }
0x3d5: {  	[tilespmem:$0x182F0] =	vst v3;
	v3 =	vand.u32 $0x1, v63  }
0x3d6: {  	s0 =	simm.s32 $0x18200;
	[tilespmem:$0x184F0] =	vst v3  }
0x3d7: {  	[tilespmem:s2], [sflag:$0x1] =	stream.indirect.gather [hbm4b:s4+s17], $0x80, s0, s17, $0xb8;
	[tilespmem:$0x1D000] =	vst v63  }
0x3d8: {  	s26 =	simm.s32 $0x18280;
	s1 =	simm.s32 $0x4000;
	p0 =	sgt.u32 s7, $0x61  }
0x3d9: {  	[tilespmem:s1], [sflag:$0x1] =	stream.indirect.gather [hbm4b:s4+s17], $0x80, s26, s17, $0xb8;
	[tilespmem:$0x1D000] =	vst v63  }
0x3da: {  	s0 =	sshll.u32 @!p0 s7, $0xB;
	s1 =	rddreg [dreg:$0x9]  }
0x3db: {  	s0 =	sadd.s32 @!p0 s0, s1  }
0x3dc: {  	s3 =	simm.s32 @!p0 $0x400;
	s1 =	rddreg [dreg:$0x3];
	s0 =	sshrl.u32 @!p0 s0, $0x3  }
0x3dd: {  	s6 =	simm.s32 @!p0 $0x18100;
	s0 =	sadd.s32 @!p0 s1, s0;
	s1 =	simm.s32 @!p0 $0x80  }
0x3de: {  	[tilespmem:s6], [sflag:$0x5] =	stream.strided.gather @!p0 [hbm4b:s0+s1], $0x100, s3, s1, $0x38;
	[tilespmem:$0x1D000] =	vst v63  }
.LBB2_16:
0x3df: {  	s9 =	sshll.u32 s7, $0x7;
	s8 =	simm.s32 $0x0  }
0x3e0: {  	p0 =	por $0x0, $0x0;
	s0 =	simm.s32 $0x0;
	s1 =	simm.s32 $0x0  }
.LBB2_17:
0x3e1: {  	s12 =	sshrl.u32 s1, $0x3;
	s3 =	sshll.u32 s1, $0x4  }
0x3e2: {  	s22 =	sand.u32 $0x60, s3;
	s21 =	sshll.u32 s12, $0x7  }
0x3e3: {  	s3 =	sor.u32 s22, s21  }
0x3e4: {  	v3 =	vor.u32 s3, v0;
	_ =	sdelay $0x3  }
0x3e5: {  	s10 =	sshll.u32 s12, $0x6;
	s3 =	simm.s32 $0x1  }
0x3e6: {  	s16 =	sadd.s32 s9, s10;
	s10 =	simm.s32 $0xD;
	s3 =	simm.s32 @!p0 $0x0;
	v4 =	vld.idx.msk [tilespmem:v3+s28+$0x0], $0xffff  }
0x3e7: {  	v15 =	vimm.f32 $0.0e+00;
	v22 =	vadd.s32 s10, v0;
	s10 =	simm.s32 $0x7;
	s3 =	sshll.u32 s3, $0xB  }
0x3e8: {  	v11 =	vmov s16;
	v12 =	vor.u32 s16, v0;
	v32 =	vadd.s32 s10, v0;
	s6 =	sor.u32 $0xF0, s3  }
0x3e9: {  	v16 =	vor.u32 s8, v12;
	v22 =	vand.u32 $0x3F, v22;
	v32 =	vand.u32 $0x3F, v32;
	s18 =	sadd.s32 $0xFFFFFF20, s6;
	s19 =	sadd.s32 $0xFFFFFF30, s6  }
0x3ea: {  	s23 =	sadd.s32 $0xFFFFFF40, s6;
	s26 =	sadd.s32 $0xFFFFFF50, s6;
	v3 =	vshll.u32 v3, $0x7;
	v13 =	vor.u32 s18, v0;
	v10 =	vor.u32 s19, v0  }
0x3eb: {  	s14 =	sadd.s32 $0xFFFFFF60, s6;
	s15 =	sadd.s32 $0xFFFFFF70, s6;
	v9 =	vor.u32 s23, v0;
	v8 =	vor.u32 s26, v0;
	v4 =	vshll.u32 v4, $0x6  }
0x3ec: {  	v7 =	vor.u32 s14, v0;
	s18 =	simm.s32 $0x2;
	v6 =	vor.u32 s15, v0;
	v5 =	vand.u32 $0xFFFFFF80, v4  }
0x3ed: {  	s23 =	simm.s32 $0x1;
	v17 =	vadd.s32 s18, v0;
	v4 =	vand.u32 $0x40, v4;
	v3 =	vadd.s32 v3, v5  }
0x3ee: {  	s16 =	sadd.s32 $0xFFFFFF80, s6;
	v19 =	vadd.s32 s23, v0;
	v17 =	vand.u32 $0x3F, v17;
	v3 =	vor.u32 v4, v3  }
0x3ef: {  	v14 =	vmov s16;
	s19 =	simm.s32 $0xF;
	v19 =	vand.u32 $0x3F, v19;
	v21 =	vor.u32 v3, v17  }
0x3f0: {  	s26 =	simm.s32 $0xE;
	s14 =	simm.s32 $0xB;
	v18 =	vadd.s32 s19, v0;
	v5 =	vor.u32 v0, v3;
	v23 =	vor.u32 v3, v19  }
0x3f1: {  	s16 =	simm.s32 $0xC;
	v20 =	vadd.s32 s26, v0;
	s18 =	simm.s32 $0x3;
	v24 =	vadd.s32 s14, v0;
	v4 =	vor.u32 s8, v5  }
0x3f2: {  	s15 =	simm.s32 $0xA;
	v25 =	vadd.s32 s16, v0;
	v26 =	vadd.s32 s18, v0;
	v19 =	vor.u32 v11, v19  }
0x3f3: {  	s19 =	simm.s32 $0x9;
	v27 =	vadd.s32 s15, v0;
	s23 =	simm.s32 $0x4;
	v16 =	vld.idx.msk [tilespmem:v16+s13+$0x0], $0xffff;
	v26 =	vand.u32 $0x3F, v26;
	v17 =	vor.u32 v11, v17  }
0x3f4: {  	s26 =	simm.s32 $0x8;
	v28 =	vadd.s32 s19, v0;
	v30 =	vadd.s32 s23, v0;
	v29 =	vor.u32 v3, v26;
	v21 =	vld.idx.msk [tilespmem:v21+s29+$0x0], $0xffff  }
0x3f5: {  	s15 =	simm.s32 $0x5;
	s16 =	simm.s32 $0x6;
	v31 =	vadd.s32 s26, v0;
	v30 =	vand.u32 $0x3F, v30;
	v26 =	vor.u32 v11, v26;
	v23 =	vld.idx.msk [tilespmem:v23+s29+$0x0], $0xffff  }
0x3f6: {  	v34 =	vadd.s32 s15, v0;
	v35 =	vadd.s32 s16, v0;
	v33 =	vor.u32 v3, v30;
	v4 =	vld.idx.msk [tilespmem:v4+s29+$0x0], $0xffff  }
0x3f7: {  	v18 =	vand.u32 $0x3F, v18;
	v34 =	vand.u32 $0x3F, v34;
	v30 =	vor.u32 v11, v30;
	v19 =	vld.idx.msk [tilespmem:v19+s13+$0x0], $0xffff  }
0x3f8: {  	v20 =	vand.u32 $0x3F, v20;
	v25 =	vand.u32 $0x3F, v25;
	v36 =	vor.u32 v3, v34;
	v17 =	vld.idx.msk [tilespmem:v17+s13+$0x0], $0xffff  }
0x3f9: {  	v27 =	vand.u32 $0x3F, v27;
	v35 =	vand.u32 $0x3F, v35;
	v34 =	vor.u32 v11, v34;
	v29 =	vld.idx.msk [tilespmem:v29+s29+$0x0], $0xffff  }
0x3fa: {  	v24 =	vand.u32 $0x3F, v24;
	v28 =	vand.u32 $0x3F, v28;
	v37 =	vor.u32 v3, v35;
	v26 =	vld.idx.msk [tilespmem:v26+s13+$0x0], $0xffff  }
0x3fb: {  	v40 =	vor.u32 v3, v28;
	v28 =	vor.u32 v11, v28;
	v33 =	vld.idx.msk [tilespmem:v33+s29+$0x0], $0xffff;
	v4 =	vadd.f32 v16, v4  }
0x3fc: {  	v31 =	vand.u32 $0x3F, v31;
	v60 =	vor.u32 v3, v32;
	v30 =	vld.idx.msk [tilespmem:v30+s13+$0x0], $0xffff;
	v16 =	vor.u32 v11, v35  }
0x3fd: {  	v42 =	vor.u32 v3, v27;
	v61 =	vld.idx.msk [tilespmem:v36+s29+$0x0], $0xffff;
	v19 =	vadd.f32 v19, v23;
	v38 =	vmul.f32 v4, v4  }
0x3fe: {  	v34 =	vld.idx.msk [tilespmem:v34+s13+$0x0], $0xffff;
	v23 =	vor.u32 v11, v32;
	v17 =	vadd.f32 v17, v21;
	v21 =	vor.u32 v3, v31  }
0x3ff: {  	v37 =	vld.idx.msk [tilespmem:v37+s29+$0x0], $0xffff;
	v63 =	vmul.f32 v19, v19;
	v62 =	vadd.f32 v4, v15;
	v15 =	vadd.f32 v38, v15  }
0x400: {  	v27 =	vor.u32 v11, v27;
	v28 =	vld.idx.msk [tilespmem:v28+s13+$0x0], $0xffff;
	v31 =	vor.u32 v11, v31;
	v26 =	vadd.f32 v26, v29  }
0x401: {  	v41 =	vmul.f32 v17, v17;
	v36 =	vadd.f32 v19, v62;
	v16 =	vld.idx.msk [tilespmem:v16+s13+$0x0], $0xffff;
	v15 =	vadd.f32 v63, v15  }
0x402: {  	v44 =	vor.u32 v3, v24;
	v24 =	vor.u32 v11, v24;
	v30 =	vadd.f32 v30, v33;
	v35 =	vld.idx.msk [tilespmem:v60+s29+$0x0], $0xffff  }
0x403: {  	v43 =	vmul.f32 v26, v26;
	v23 =	vld.idx.msk [tilespmem:v23+s13+$0x0], $0xffff;
	v36 =	vadd.f32 v17, v36;
	v15 =	vadd.f32 v41, v15  }
0x404: {  	v46 =	vor.u32 v3, v25;
	v25 =	vor.u32 v11, v25;
	v32 =	vadd.f32 v34, v61;
	v21 =	vld.idx.msk [tilespmem:v21+s29+$0x0], $0xffff  }
0x405: {  	v45 =	vmul.f32 v30, v30;
	v31 =	vld.idx.msk [tilespmem:v31+s13+$0x0], $0xffff;
	v36 =	vadd.f32 v26, v36;
	v15 =	vadd.f32 v43, v15  }
0x406: {  	v48 =	vor.u32 v3, v22;
	v22 =	vor.u32 v11, v22;
	v27 =	vld.idx.msk [tilespmem:v27+s13+$0x0], $0xffff;
	v16 =	vadd.f32 v16, v37  }
0x407: {  	v29 =	vld.idx.msk [tilespmem:v40+s29+$0x0], $0xffff;
	v47 =	vmul.f32 v32, v32;
	v36 =	vadd.f32 v30, v36;
	v15 =	vadd.f32 v45, v15  }
0x408: {  	v52 =	vor.u32 v3, v18;
	v18 =	vor.u32 v11, v18;
	v24 =	vld.idx.msk [tilespmem:v24+s13+$0x0], $0xffff;
	v23 =	vadd.f32 v23, v35  }
0x409: {  	v33 =	vld.idx.msk [tilespmem:v42+s29+$0x0], $0xffff;
	v36 =	vadd.f32 v32, v36;
	v49 =	vmul.f32 v16, v16;
	v15 =	vadd.f32 v47, v15  }
0x40a: {  	v50 =	vor.u32 v3, v20;
	v20 =	vor.u32 v11, v20;
	v25 =	vld.idx.msk [tilespmem:v25+s13+$0x0], $0xffff;
	v21 =	vadd.f32 v31, v21  }
0x40b: {  	v34 =	vld.idx.msk [tilespmem:v44+s29+$0x0], $0xffff;
	v51 =	vmul.f32 v23, v23;
	v36 =	vadd.f32 v16, v36;
	v15 =	vadd.f32 v49, v15  }
0x40c: {  	v22 =	vld.idx.msk [tilespmem:v22+s13+$0x0], $0xffff;
	[tilespmem:v13+s30+$0x0] =	vst.idx.msk $0xffff, v19;
	v13 =	vshrl.u32 v14, $0x7;
	v28 =	vadd.f32 v28, v29  }
0x40d: {  	v37 =	vld.idx.msk [tilespmem:v46+s29+$0x0], $0xffff;
	v53 =	vmul.f32 v21, v21;
	v36 =	vadd.f32 v23, v36;
	v15 =	vadd.f32 v51, v15  }
0x40e: {  	v57 =	vmov s6;
	v18 =	vld.idx.msk [tilespmem:v18+s13+$0x0], $0xffff;
	[tilespmem:v10+s30+$0x0] =	vst.idx.msk $0xffff, v17;
	v10 =	vshll.u32 v13, v1;
	v19 =	vadd.f32 v27, v33  }
0x40f: {  	s19 =	sadd.s32 $0xFFFFFFA0, s6;
	v55 =	vmul.f32 v28, v28;
	v35 =	vld.idx.msk [tilespmem:v48+s29+$0x0], $0xffff;
	v54 =	vadd.f32 v21, v36;
	v15 =	vadd.f32 v53, v15  }
0x410: {  	v59 =	vor.u32 s19, v0;
	[tilespmem:v9+s30+$0x0] =	vst.idx.msk $0xffff, v26;
	v13 =	vld.idx.msk [tilespmem:v20+s13+$0x0], $0xffff;
	v9 =	vbroadcast v10, $0x0;
	v17 =	vadd.f32 v24, v34  }
0x411: {  	s18 =	sadd.s32 $0xFFFFFF90, s6;
	v56 =	vmul.f32 v19, v19;
	v31 =	vld.idx.msk [tilespmem:v50+s29+$0x0], $0xffff;
	v20 =	vadd.f32 v28, v54;
	v15 =	vadd.f32 v55, v15  }
0x412: {  	v14 =	vor.u32 s18, v0;
	[tilespmem:v8+s30+$0x0] =	vst.idx.msk $0xffff, v30;
	v8 =	vor.u32 v2, v9;
	v10 =	vadd.f32 v25, v37  }
0x413: {  	s23 =	sadd.s32 $0xFFFFFFB0, s6;
	s26 =	sadd.s32 $0xFFFFFFC0, s6;
	v29 =	vld.idx.msk [tilespmem:v52+s29+$0x0], $0xffff;
	v58 =	vmul.f32 v17, v17;
	v20 =	vadd.f32 v19, v20;
	v15 =	vadd.f32 v56, v15  }
0x414: {  	v61 =	vor.u32 s26, v0;
	v60 =	vor.u32 s23, v0;
	[tilespmem:v7+s30+$0x0] =	vst.idx.msk $0xffff, v32;
	v22 =	vadd.f32 v22, v35  }
0x415: {  	s16 =	sadd.s32 $0xFFFFFFE0, s6;
	v9 =	vadd.f32 v17, v20;
	v20 =	vmul.f32 v10, v10;
	v15 =	vadd.f32 v58, v15  }
0x416: {  	s18 =	sadd.s32 $0xFFFFFFF0, s6;
	[tilespmem:v6+s30+$0x0] =	vst.idx.msk $0xffff, v16;
	v62 =	vadd.f32 v13, v31;
	v16 =	vor.u32 s16, v0;
	v13 =	vmul.f32 v22, v22  }
0x417: {  	s15 =	sadd.s32 $0xFFFFFF10, s6;
	[tilespmem:v8+s30+$0x0] =	vst.idx.msk $0xffff, v23;
	s16 =	simm.s32 $0x10;
	v23 =	vor.u32 s18, v0;
	v7 =	vadd.f32 v10, v9;
	v9 =	vadd.f32 v20, v15  }
0x418: {  	v29 =	vadd.f32 v18, v29;
	[tilespmem:v14+s30+$0x0] =	vst.idx.msk $0xffff, v21;
	v21 =	vor.u32 s16, v12;
	v15 =	vmov s15  }
0x419: {  	s14 =	sadd.s32 $0xFFFFFFD0, s6;
	s6 =	sadd.s32 $0x100, s6;
	v6 =	vadd.f32 v22, v7;
	v7 =	vadd.f32 v13, v9;
	v13 =	vshrl.u32 v57, $0x7  }
0x41a: {  	s18 =	sadd.s32 $0xFFFFFF60, s6;
	v20 =	vor.u32 s14, v0;
	v15 =	vshrl.u32 v15, $0x7;
	v8 =	vshll.u32 v13, v1  }
0x41b: {  	[tilespmem:v61+s30+$0x0] =	vst.idx.msk $0xffff, v17;
	v17 =	vor.u32 s18, v0;
	s18 =	simm.s32 $0x11;
	v13 =	vshll.u32 v15, v1;
	v8 =	vbroadcast v8, $0x0  }
0x41c: {  	[tilespmem:v23+s30+$0x0] =	vst.idx.msk $0xffff, v62;
	v23 =	vadd.s32 s18, v0;
	s14 =	sadd.s32 $0xFFFFFF40, s6;
	v9 =	vmul.f32 v62, v62;
	v13 =	vbroadcast v13, $0x0  }
0x41d: {  	s19 =	sand.u32 $0x3, s0;
	[tilespmem:v59+s30+$0x0] =	vst.idx.msk $0xffff, v28;
	v18 =	vor.u32 s14, v0;
	v6 =	vadd.f32 v62, v6;
	v63 =	vor.u32 v2, v8  }
0x41e: {  	s3 =	sshll.u32 s19, $0xA;
	s26 =	sadd.s32 $0xFFFFFF30, s6;
	v7 =	vadd.f32 v9, v7;
	v9 =	vmul.f32 v29, v29;
	v13 =	vor.u32 v0, v13  }
0x41f: {  	s23 =	sadd.s32 $0xFFFFFF20, s6;
	s19 =	sadd.s32 $0xFFFFFF70, s6;
	s18 =	simm.s32 $0x1D;
	v15 =	vadd.f32 v29, v6;
	v6 =	vor.u32 s26, v0;
	[tilespmem:v20+s30+$0x0] =	vst.idx.msk $0xffff, v10;
	v20 =	vor.u32 s16, v5  }
0x420: {  	[tilespmem:v60+s30+$0x0] =	vst.idx.msk $0xffff, v19;
	s15 =	sadd.s32 $0xFFFFFF50, s6;
	s26 =	simm.s32 $0x12;
	v10 =	vor.u32 s19, v0;
	v14 =	vadd.f32 v9, v7;
	v7 =	vor.u32 s23, v0;
	s23 =	sadd.s32 $0xFFFFFF80, s6  }
0x421: {  	[tilespmem:v16+s30+$0x0] =	vst.idx.msk $0xffff, v22;
	s19 =	simm.s32 $0x1F;
	v19 =	vadd.s32 s26, v0;
	s26 =	simm.s32 $0x1E;
	v9 =	vor.u32 s15, v0;
	v8 =	vmov s23;
	s23 =	sshll.u32 s1, $0xA  }
0x422: {  	s14 =	sadd.s32 $0x4F0, s3;
	v16 =	vadd.s32 s19, v0;
	v22 =	vand.u32 $0x3F, v19;
	v19 =	vadd.s32 s26, v0;
	s19 =	simm.s32 $0x20;
	s15 =	sand.u32 $0x800, s23;
	[tilespmem:v63+s30+$0x0] =	vst.idx.msk $0xffff, v29  }
.LBB2_18:
0x423: {  	p1 =	slt.u32 s19, $0x30;
	v23 =	vand.u32 $0x3F, v23;
	v24 =	vor.u32 v3, v22;
	s3 =	sadd.s32 $0xB, s16;
	s10 =	sadd.s32 $0xC, s16;
	v25 =	vadd.s32 s18, v0;
	[tilespmem:v13+s30+$0x0] =	vst.idx.msk $0xffff, v4  }
0x424: {  	s18 =	sadd.s32 $0x3, s16;
	s23 =	sadd.s32 $0xA, s16;
	v4 =	vor.u32 v3, v23;
	v13 =	vadd.s32 s3, v0;
	v26 =	vadd.s32 s10, v0  }
0x425: {  	v23 =	vor.u32 v11, v23;
	v27 =	vadd.s32 s18, v0;
	s3 =	sadd.s32 $0x9, s16;
	v28 =	vadd.s32 s23, v0  }
0x426: {  	v22 =	vor.u32 v11, v22;
	s10 =	sadd.s32 $0x4, s16;
	s18 =	sadd.s32 $0x8, s16;
	v27 =	vand.u32 $0x3F, v27;
	v29 =	vadd.s32 s3, v0;
	v20 =	vld.idx.msk [tilespmem:v20+s29+$0x0], $0xffff  }
0x427: {  	v31 =	vadd.s32 s10, v0;
	s3 =	sadd.s32 $0x7, s16;
	v32 =	vadd.s32 s18, v0;
	v30 =	vor.u32 v3, v27;
	v21 =	vld.idx.msk [tilespmem:v21+s13+$0x0], $0xffff  }
0x428: {  	s10 =	sadd.s32 $0x5, s16;
	s18 =	sadd.s32 $0x6, s16;
	s16 =	smov.u32 s19;
	v27 =	vor.u32 v11, v27;
	v31 =	vand.u32 $0x3F, v31;
	v33 =	vadd.s32 s3, v0;
	v24 =	vld.idx.msk [tilespmem:v24+s29+$0x0], $0xffff  }
0x429: {  	v36 =	vadd.s32 s18, v0;
	v35 =	vor.u32 v3, v31;
	v34 =	vld.idx.msk [tilespmem:v4+s29+$0x0], $0xffff;
	v4 =	vadd.s32 s10, v0  }
0x42a: {  	v16 =	vand.u32 $0x3F, v16;
	v31 =	vor.u32 v11, v31;
	v23 =	vld.idx.msk [tilespmem:v23+s13+$0x0], $0xffff;
	v4 =	vand.u32 $0x3F, v4  }
0x42b: {  	v19 =	vand.u32 $0x3F, v19;
	v25 =	vand.u32 $0x3F, v25;
	v22 =	vld.idx.msk [tilespmem:v22+s13+$0x0], $0xffff;
	v37 =	vor.u32 v3, v4  }
0x42c: {  	v26 =	vand.u32 $0x3F, v26;
	v36 =	vand.u32 $0x3F, v36;
	v38 =	vor.u32 v11, v4;
	v30 =	vld.idx.msk [tilespmem:v30+s29+$0x0], $0xffff  }
0x42d: {  	v28 =	vand.u32 $0x3F, v28;
	v13 =	vand.u32 $0x3F, v13;
	v39 =	vor.u32 v3, v36;
	v27 =	vld.idx.msk [tilespmem:v27+s13+$0x0], $0xffff  }
0x42e: {  	v33 =	vand.u32 $0x3F, v33;
	v4 =	vadd.f32 v21, v20;
	v21 =	vor.u32 v11, v36;
	v20 =	vld.idx.msk [tilespmem:v35+s29+$0x0], $0xffff  }
0x42f: {  	v32 =	vand.u32 $0x3F, v32;
	v29 =	vand.u32 $0x3F, v29;
	v35 =	vor.u32 v3, v33;
	v31 =	vld.idx.msk [tilespmem:v31+s13+$0x0], $0xffff  }
0x430: {  	v36 =	vmul.f32 v4, v4;
	v33 =	vor.u32 v11, v33;
	v23 =	vadd.f32 v23, v34;
	v34 =	vld.idx.msk [tilespmem:v37+s29+$0x0], $0xffff  }
0x431: {  	v22 =	vadd.f32 v22, v24;
	v37 =	vor.u32 v3, v32;
	v32 =	vor.u32 v11, v32;
	v24 =	vld.idx.msk [tilespmem:v38+s13+$0x0], $0xffff  }
0x432: {  	v15 =	vadd.f32 v4, v15;
	v14 =	vadd.f32 v36, v14;
	v36 =	vmul.f32 v23, v23;
	v38 =	vld.idx.msk [tilespmem:v39+s29+$0x0], $0xffff  }
0x433: {  	v27 =	vadd.f32 v27, v30;
	v30 =	vor.u32 v3, v29;
	v29 =	vor.u32 v11, v29;
	v21 =	vld.idx.msk [tilespmem:v21+s13+$0x0], $0xffff  }
0x434: {  	v15 =	vadd.f32 v23, v15;
	v14 =	vadd.f32 v36, v14;
	v36 =	vmul.f32 v22, v22;
	v35 =	vld.idx.msk [tilespmem:v35+s29+$0x0], $0xffff  }
0x435: {  	v20 =	vadd.f32 v31, v20;
	v31 =	vld.idx.msk [tilespmem:v33+s13+$0x0], $0xffff;
	v33 =	vor.u32 v3, v28;
	v28 =	vor.u32 v11, v28  }
0x436: {  	v15 =	vadd.f32 v22, v15;
	v14 =	vadd.f32 v36, v14;
	v36 =	vmul.f32 v27, v27;
	v37 =	vld.idx.msk [tilespmem:v37+s29+$0x0], $0xffff  }
0x437: {  	v24 =	vadd.f32 v24, v34;
	v34 =	vor.u32 v3, v13;
	v13 =	vor.u32 v11, v13;
	v32 =	vld.idx.msk [tilespmem:v32+s13+$0x0], $0xffff  }
0x438: {  	v15 =	vadd.f32 v27, v15;
	v14 =	vadd.f32 v36, v14;
	v36 =	vmul.f32 v20, v20;
	v30 =	vld.idx.msk [tilespmem:v30+s29+$0x0], $0xffff  }
0x439: {  	v21 =	vadd.f32 v21, v38;
	v38 =	vor.u32 v3, v26;
	v26 =	vor.u32 v11, v26;
	v29 =	vld.idx.msk [tilespmem:v29+s13+$0x0], $0xffff  }
0x43a: {  	v15 =	vadd.f32 v20, v15;
	v14 =	vadd.f32 v36, v14;
	v36 =	vmul.f32 v24, v24;
	v33 =	vld.idx.msk [tilespmem:v33+s29+$0x0], $0xffff  }
0x43b: {  	v31 =	vadd.f32 v31, v35;
	v35 =	vor.u32 v3, v25;
	v25 =	vor.u32 v11, v25;
	v28 =	vld.idx.msk [tilespmem:v28+s13+$0x0], $0xffff  }
0x43c: {  	v15 =	vadd.f32 v24, v15;
	v14 =	vadd.f32 v36, v14;
	v36 =	vmul.f32 v21, v21;
	v34 =	vld.idx.msk [tilespmem:v34+s29+$0x0], $0xffff  }
0x43d: {  	v32 =	vadd.f32 v32, v37;
	v37 =	vor.u32 v3, v19;
	v19 =	vor.u32 v11, v19;
	v13 =	vld.idx.msk [tilespmem:v13+s13+$0x0], $0xffff  }
0x43e: {  	v15 =	vadd.f32 v21, v15;
	v14 =	vadd.f32 v36, v14;
	v36 =	vmul.f32 v31, v31;
	v38 =	vld.idx.msk [tilespmem:v38+s29+$0x0], $0xffff  }
0x43f: {  	v29 =	vadd.f32 v29, v30;
	v30 =	vor.u32 v3, v16;
	v16 =	vor.u32 v11, v16;
	v26 =	vld.idx.msk [tilespmem:v26+s13+$0x0], $0xffff  }
0x440: {  	s3 =	sadd.s32 $0xFFFFFF90, s6;
	v15 =	vadd.f32 v31, v15;
	v14 =	vadd.f32 v36, v14;
	v36 =	vmul.f32 v32, v32;
	v35 =	vld.idx.msk [tilespmem:v35+s29+$0x0], $0xffff  }
0x441: {  	[tilespmem:v7+s30+$0x0] =	vst.idx.msk $0xffff, v23;
	v7 =	vshrl.u32 v8, $0x7;
	v8 =	vor.u32 s3, v0;
	v23 =	vadd.f32 v28, v33;
	v25 =	vld.idx.msk [tilespmem:v25+s13+$0x0], $0xffff  }
0x442: {  	v15 =	vadd.f32 v32, v15;
	v14 =	vadd.f32 v36, v14;
	v28 =	vmul.f32 v29, v29;
	v33 =	vld.idx.msk [tilespmem:v37+s29+$0x0], $0xffff  }
0x443: {  	[tilespmem:v6+s30+$0x0] =	vst.idx.msk $0xffff, v22;
	v6 =	vshll.u32 v7, v1;
	v22 =	vadd.f32 v13, v34;
	v7 =	vld.idx.msk [tilespmem:v19+s13+$0x0], $0xffff;
	v13 =	vmov s6  }
0x444: {  	s3 =	sadd.s32 $0xFFFFFFA0, s6;
	v15 =	vadd.f32 v29, v15;
	v14 =	vadd.f32 v28, v14;
	v19 =	vmul.f32 v23, v23;
	v28 =	vld.idx.msk [tilespmem:v30+s29+$0x0], $0xffff  }
0x445: {  	v6 =	vbroadcast v6, $0x0;
	v26 =	vadd.f32 v26, v38;
	[tilespmem:v18+s30+$0x0] =	vst.idx.msk $0xffff, v27;
	v18 =	vor.u32 s3, v0;
	v16 =	vld.idx.msk [tilespmem:v16+s13+$0x0], $0xffff  }
0x446: {  	v15 =	vadd.f32 v23, v15;
	s3 =	sadd.s32 $0xFFFFFFB0, s6;
	v14 =	vadd.f32 v19, v14;
	v19 =	vmul.f32 v22, v22  }
0x447: {  	v6 =	vor.u32 v2, v6;
	v25 =	vadd.f32 v25, v35;
	[tilespmem:v9+s30+$0x0] =	vst.idx.msk $0xffff, v20;
	v9 =	vor.u32 s3, v0  }
0x448: {  	s10 =	sadd.s32 $0xFFFFFFD0, s6;
	v15 =	vadd.f32 v22, v15;
	s3 =	sadd.s32 $0xFFFFFFC0, s6;
	v14 =	vadd.f32 v19, v14;
	v19 =	vmul.f32 v26, v26  }
0x449: {  	v20 =	vor.u32 s10, v0;
	[tilespmem:v17+s30+$0x0] =	vst.idx.msk $0xffff, v24;
	v17 =	vor.u32 s3, v0;
	v24 =	vadd.f32 v7, v33  }
0x44a: {  	s3 =	sadd.s32 $0xFFFFFF10, s6;
	v7 =	vadd.f32 v26, v15;
	v14 =	vadd.f32 v19, v14;
	v15 =	vmul.f32 v25, v25  }
0x44b: {  	v19 =	vmov s3;
	v27 =	vadd.f32 v16, v28;
	[tilespmem:v10+s30+$0x0] =	vst.idx.msk $0xffff, v21;
	v10 =	vshrl.u32 v13, $0x7  }
0x44c: {  	s3 =	sadd.s32 $0xFFFFFFE0, s6;
	v7 =	vadd.f32 v25, v7;
	v13 =	vadd.f32 v15, v14;
	v14 =	vmul.f32 v24, v24  }
0x44d: {  	v15 =	vshrl.u32 v19, $0x7;
	v16 =	vor.u32 s3, v0;
	[tilespmem:v6+s30+$0x0] =	vst.idx.msk $0xffff, v31;
	v6 =	vshll.u32 v10, v1  }
0x44e: {  	s3 =	sadd.s32 $0xFFFFFFF0, s6;
	v7 =	vadd.f32 v24, v7;
	v10 =	vadd.f32 v14, v13;
	v13 =	vmul.f32 v27, v27  }
0x44f: {  	v19 =	vor.u32 s3, v0;
	v14 =	vshll.u32 v15, v1;
	v6 =	vbroadcast v6, $0x0;
	[tilespmem:v8+s30+$0x0] =	vst.idx.msk $0xffff, v32  }
0x450: {  	s6 =	sadd.s32 $0x100, s6;
	v8 =	vbroadcast v14, $0x0;
	v15 =	vadd.f32 v27, v7;
	v14 =	vadd.f32 v13, v10;
	[tilespmem:v18+s30+$0x0] =	vst.idx.msk $0xffff, v29  }
0x451: {  	s3 =	sadd.s32 $0xFFFFFF20, s6;
	s10 =	sadd.s32 $0xFFFFFF30, s6;
	s18 =	sadd.s32 $0xFFFFFF60, s6;
	v28 =	vor.u32 v2, v6;
	[tilespmem:v9+s30+$0x0] =	vst.idx.msk $0xffff, v23  }
.Ltmp12:
0x452: {  	v7 =	vor.u32 s3, v0;
	s3 =	sadd.s32 $0xFFFFFF40, s6;
	v6 =	vor.u32 s10, v0;
	s10 =	sadd.s32 $0xFFFFFF50, s6;
	v13 =	vor.u32 v0, v8;
	[tilespmem:v17+s30+$0x0] =	vst.idx.msk $0xffff, v22;
	(pc) =	sbr.rel @p1 .LBB2_18-.Ltmp12, $4  }
0x453: {  	v18 =	vor.u32 s3, v0;
	s3 =	sadd.s32 $0xFFFFFF70, s6;
	v9 =	vor.u32 s10, v0;
	s10 =	sadd.s32 $0xFFFFFF80, s6;
	v17 =	vor.u32 s18, v0;
	[tilespmem:v20+s30+$0x0] =	vst.idx.msk $0xffff, v26  }
0x454: {  	v10 =	vor.u32 s3, v0;
	s3 =	sadd.s32 $0xF, s19;
	s18 =	sadd.s32 $0x2, s19;
	v8 =	vmov s10;
	v20 =	vor.u32 s19, v5;
	[tilespmem:v16+s30+$0x0] =	vst.idx.msk $0xffff, v25  }
0x455: {  	s23 =	sadd.s32 $0xE, s19;
	v21 =	vor.u32 s19, v12;
	s10 =	sadd.s32 $0x1, s19;
	v22 =	vadd.s32 s18, v0;
	v16 =	vadd.s32 s3, v0;
	[tilespmem:v19+s30+$0x0] =	vst.idx.msk $0xffff, v24  }
0x456: {  	v23 =	vadd.s32 s10, v0;
	s18 =	sadd.s32 $0xD, s16;
	s19 =	sadd.s32 $0x10, s19;
	v22 =	vand.u32 $0x3F, v22;
	v19 =	vadd.s32 s23, v0;
	[tilespmem:v28+s30+$0x0] =	vst.idx.msk $0xffff, v27  }
0x457: {  	v5 =	vand.u32 $0x3F, v23  }
0x458: {  	v23 =	vor.u32 v3, v22;
	v24 =	vadd.s32 s18, v0;
	v22 =	vor.u32 v11, v22  }
0x459: {  	s3 =	sadd.s32 $0xB, s16;
	s10 =	sadd.s32 $0xC, s16;
	v16 =	vand.u32 $0x3F, v16;
	v40 =	vand.u32 $0x3F, v19;
	v25 =	vor.u32 v3, v5  }
0x45a: {  	s26 =	sadd.s32 $0x3, s16;
	s19 =	sadd.s32 $0xA, s16;
	s18 =	sadd.s32 $0x9, s16;
	v26 =	vadd.s32 s3, v0;
	v27 =	vadd.s32 s10, v0;
	v5 =	vor.u32 v11, v5  }
0x45b: {  	s23 =	sadd.s32 $0x4, s16;
	v28 =	vadd.s32 s26, v0;
	v29 =	vadd.s32 s19, v0;
	v30 =	vadd.s32 s18, v0  }
0x45c: {  	v20 =	vld.idx.msk [tilespmem:v20+s29+$0x0], $0xffff;
	s26 =	sadd.s32 $0x8, s16;
	v32 =	vadd.s32 s23, v0;
	v39 =	vand.u32 $0x3F, v24;
	v28 =	vand.u32 $0x3F, v28  }
0x45d: {  	v21 =	vld.idx.msk [tilespmem:v21+s13+$0x0], $0xffff;
	s19 =	sadd.s32 $0x7, s16;
	v45 =	vor.u32 v3, v40;
	v33 =	vadd.s32 s26, v0;
	v31 =	vor.u32 v3, v28  }
0x45e: {  	s23 =	sadd.s32 $0x5, s16;
	v32 =	vand.u32 $0x3F, v32;
	v34 =	vadd.s32 s19, v0;
	v28 =	vor.u32 v11, v28;
	v23 =	vld.idx.msk [tilespmem:v23+s29+$0x0], $0xffff  }
0x45f: {  	v36 =	vadd.s32 s23, v0;
	v29 =	vand.u32 $0x3F, v29;
	v35 =	vor.u32 v3, v32;
	v25 =	vld.idx.msk [tilespmem:v25+s29+$0x0], $0xffff  }
0x460: {  	s26 =	sadd.s32 $0x6, s16;
	v26 =	vand.u32 $0x3F, v26;
	v32 =	vor.u32 v11, v32;
	v36 =	vand.u32 $0x3F, v36;
	v5 =	vld.idx.msk [tilespmem:v5+s13+$0x0], $0xffff  }
0x461: {  	v30 =	vand.u32 $0x3F, v30;
	v37 =	vadd.s32 s26, v0;
	v24 =	vor.u32 v11, v36;
	v22 =	vld.idx.msk [tilespmem:v22+s13+$0x0], $0xffff  }
0x462: {  	v38 =	vor.u32 v3, v36;
	v49 =	vand.u32 $0x3F, v37;
	v19 =	vadd.f32 v21, v20;
	v31 =	vld.idx.msk [tilespmem:v31+s29+$0x0], $0xffff  }
0x463: {  	v56 =	vor.u32 v3, v29;
	v37 =	vor.u32 v3, v49;
	v36 =	vor.u32 v11, v49;
	v28 =	vld.idx.msk [tilespmem:v28+s13+$0x0], $0xffff  }
0x464: {  	v20 =	vand.u32 $0x3F, v34;
	v21 =	vand.u32 $0x3F, v33;
	v52 =	vmul.f32 v19, v19;
	v50 =	vld.idx.msk [tilespmem:v35+s29+$0x0], $0xffff  }
0x465: {  	v51 =	vor.u32 v3, v20;
	v15 =	vadd.f32 v19, v15;
	v32 =	vld.idx.msk [tilespmem:v32+s13+$0x0], $0xffff;
	v5 =	vadd.f32 v5, v25  }
0x466: {  	v53 =	vor.u32 v11, v20;
	v24 =	vld.idx.msk [tilespmem:v24+s13+$0x0], $0xffff;
	v14 =	vadd.f32 v52, v14;
	v20 =	vadd.f32 v22, v23  }
0x467: {  	v23 =	vor.u32 v3, v21;
	v25 =	vld.idx.msk [tilespmem:v38+s29+$0x0], $0xffff;
	v22 =	vmul.f32 v5, v5;
	v15 =	vadd.f32 v5, v15  }
0x468: {  	v54 =	vor.u32 v11, v21;
	v37 =	vld.idx.msk [tilespmem:v37+s29+$0x0], $0xffff;
	v55 =	vmul.f32 v20, v20;
	v21 =	vadd.f32 v28, v31  }
0x469: {  	v28 =	vor.u32 v3, v30;
	v31 =	vld.idx.msk [tilespmem:v36+s13+$0x0], $0xffff;
	v14 =	vadd.f32 v22, v14;
	v15 =	vadd.f32 v20, v15  }
0x46a: {  	v29 =	vor.u32 v11, v29;
	v35 =	vld.idx.msk [tilespmem:v51+s29+$0x0], $0xffff;
	v30 =	vor.u32 v11, v30;
	v22 =	vadd.f32 v32, v50  }
0x46b: {  	v57 =	vld.idx.msk [tilespmem:v53+s13+$0x0], $0xffff;
	v58 =	vmul.f32 v21, v21;
	v14 =	vadd.f32 v55, v14;
	v15 =	vadd.f32 v21, v15  }
0x46c: {  	v27 =	vand.u32 $0x3F, v27;
	v41 =	vor.u32 v3, v26;
	v59 =	vld.idx.msk [tilespmem:v23+s29+$0x0], $0xffff;
	v23 =	vadd.f32 v24, v25  }
0x46d: {  	v33 =	vld.idx.msk [tilespmem:v54+s13+$0x0], $0xffff;
	v25 =	vmul.f32 v22, v22;
	v14 =	vadd.f32 v58, v14;
	v15 =	vadd.f32 v22, v15  }
0x46e: {  	v60 =	vor.u32 v11, v26;
	v28 =	vld.idx.msk [tilespmem:v28+s29+$0x0], $0xffff;
	v24 =	vadd.f32 v31, v37;
	v31 =	vor.u32 v3, v27  }
0x46f: {  	v30 =	vld.idx.msk [tilespmem:v30+s13+$0x0], $0xffff;
	v26 =	vmul.f32 v23, v23;
	v14 =	vadd.f32 v25, v14;
	v15 =	vadd.f32 v23, v15  }
0x470: {  	v62 =	vor.u32 v3, v39;
	v61 =	vor.u32 v11, v27;
	v29 =	vld.idx.msk [tilespmem:v29+s13+$0x0], $0xffff;
	v25 =	vadd.f32 v57, v35  }
0x471: {  	v32 =	vld.idx.msk [tilespmem:v56+s29+$0x0], $0xffff;
	v27 =	vmul.f32 v24, v24;
	v14 =	vadd.f32 v26, v14;
	v15 =	vadd.f32 v24, v15  }
0x472: {  	v40 =	vor.u32 v11, v40;
	v63 =	vor.u32 v11, v39;
	v44 =	vld.idx.msk [tilespmem:v41+s29+$0x0], $0xffff;
	v26 =	vadd.f32 v33, v59  }
0x473: {  	v36 =	vld.idx.msk [tilespmem:v60+s13+$0x0], $0xffff;
	v46 =	vmul.f32 v25, v25;
	v14 =	vadd.f32 v27, v14;
	v15 =	vadd.f32 v25, v15  }
0x474: {  	v3 =	vor.u32 v3, v16;
	v31 =	vld.idx.msk [tilespmem:v31+s29+$0x0], $0xffff;
	v27 =	vadd.f32 v30, v28  }
0x475: {  	v30 =	vld.idx.msk [tilespmem:v61+s13+$0x0], $0xffff;
	v47 =	vmul.f32 v26, v26;
	v14 =	vadd.f32 v46, v14;
	v15 =	vadd.f32 v26, v15  }
0x476: {  	v34 =	vld.idx.msk [tilespmem:v62+s29+$0x0], $0xffff;
	v16 =	vor.u32 v11, v16;
	v28 =	vadd.f32 v29, v32  }
0x477: {  	v48 =	vld.idx.msk [tilespmem:v63+s13+$0x0], $0xffff;
	v49 =	vmul.f32 v27, v27;
	v14 =	vadd.f32 v47, v14;
	v15 =	vadd.f32 v27, v15  }
0x478: {  	v51 =	vld.idx.msk [tilespmem:v40+s13+$0x0], $0xffff;
	v29 =	vadd.f32 v36, v44  }
0x479: {  	v50 =	vld.idx.msk [tilespmem:v45+s29+$0x0], $0xffff;
	v52 =	vmul.f32 v28, v28;
	v14 =	vadd.f32 v49, v14;
	v15 =	vadd.f32 v28, v15  }
0x47a: {  	v8 =	vshrl.u32 v8, $0x7;
	v3 =	vld.idx.msk [tilespmem:v3+s29+$0x0], $0xffff;
	v30 =	vadd.f32 v30, v31  }
0x47b: {  	v16 =	vld.idx.msk [tilespmem:v16+s13+$0x0], $0xffff;
	v31 =	vmul.f32 v29, v29;
	v14 =	vadd.f32 v52, v14;
	v15 =	vadd.f32 v29, v15  }
0x47c: {  	v8 =	vshll.u32 v8, v1;
	v53 =	vadd.f32 v48, v34  }
0x47d: {  	v54 =	vmul.f32 v30, v30;
	v14 =	vadd.f32 v31, v14;
	v15 =	vadd.f32 v30, v15  }
0x47e: {  	[tilespmem:v13+s30+$0x0] =	vst.idx.msk $0xffff, v4;
	v13 =	vor.u32 s22, v0;
	v8 =	vbroadcast v8, $0x0;
	v31 =	vadd.f32 v51, v50  }
0x47f: {  	s16 =	sadd.s32 $0xFFFFFF90, s6;
	s26 =	sadd.s32 $0xFFFFFFC0, s6;
	v34 =	vmul.f32 v53, v53;
	v14 =	vadd.f32 v54, v14;
	v15 =	vadd.f32 v53, v15  }
0x480: {  	v60 =	vor.u32 s26, v0;
	v56 =	vor.u32 s16, v0;
	[tilespmem:v18+s30+$0x0] =	vst.idx.msk $0xffff, v21;
	v55 =	vadd.f32 v16, v3  }
0x481: {  	s22 =	simm.s32 $0x1;
	s26 =	simm.s32 $0x3;
	s16 =	sadd.s32 $0xFFFFFFE0, s6;
	v3 =	vadd.f32 v34, v14;
	v14 =	vmul.f32 v31, v31;
	v15 =	vadd.f32 v31, v15  }
0x482: {  	v62 =	vor.u32 s16, v0;
	v21 =	vmov s26;
	[tilespmem:v17+s30+$0x0] =	vst.idx.msk $0xffff, v23;
	v17 =	vmov s22  }
0x483: {  	s23 =	sadd.s32 $0xFFFFFF10, s6;
	v3 =	vadd.f32 v14, v3;
	v14 =	vmul.f32 v55, v55;
	v15 =	vadd.f32 v55, v15  }
0x484: {  	v21 =	vshll.u32 v21, $0x4;
	v58 =	vor.u32 v2, v8;
	v8 =	vmov s23  }
0x485: {  	s18 =	sadd.s32 $0xFFFFFFA0, s6;
	s23 =	simm.s32 $0x2;
	v17 =	vshll.u32 v17, $0x4;
	v3 =	vadd.f32 v14, v3;
	v14 =	vmul.f32 $1.562500000e-02, v15  }
0x486: {  	[tilespmem:v6+s30+$0x0] =	vst.idx.msk $0xffff, v20;
	v8 =	vshrl.u32 v8, $0x7;
	v20 =	vmov s23;
	v57 =	vor.u32 s18, v0  }
0x487: {  	v8 =	vshll.u32 v8, v1;
	s18 =	sadd.s32 $0xFFFFFFF0, s6;
	v3 =	vmul.f32 $1.562500000e-02, v3;
	v15 =	vmul.f32 v14, v14  }
0x488: {  	s19 =	sadd.s32 $0xFFFFFFB0, s6;
	s16 =	simm.s32 $0x7;
	v20 =	vshll.u32 v20, $0x4;
	v8 =	vbroadcast v8, $0x0;
	v63 =	vor.u32 s18, v0  }
0x489: {  	[tilespmem:v10+s30+$0x0] =	vst.idx.msk $0xffff, v24;
	v59 =	vor.u32 s19, v0;
	s19 =	simm.s32 $0x0;
	v24 =	vmov s16;
	v3 =	vsub.f32 v3, v15  }
0x48a: {  	s12 =	sshll.u32 s12, $0xD;
	s10 =	sadd.s32 $0xFFFFFFD0, s6;
	v43 =	vor.u32 v0, v8;
	v18 =	vmov s19;
	v24 =	vshll.u32 v24, $0x4  }
0x48b: {  	s18 =	simm.s32 $0x8;
	s19 =	simm.s32 $0x9;
	v61 =	vor.u32 s10, v0;
	v44 =	vmov s12;
	v3 =	vadd.f32 $9.999999960e-13, v3  }
0x48c: {  	[tilespmem:v58+s30+$0x0] =	vst.idx.msk $0xffff, v25;
	v18 =	vshll.u32 v18, $0x4;
	v25 =	vmov s18;
	v48 =	vmov s19  }
0x48d: {  	v8 =	vor.u32 $0x80, v44;
	v15 =	vshra.s32 v3, $0x1;
	v3 =	vmul.f32 $5.000000000e-01, v3  }
0x48e: {  	[tilespmem:v7+s30+$0x0] =	vst.idx.msk $0xffff, v5;
	v7 =	vor.u32 $0x100, v44;
	v6 =	vor.u32 $0x180, v44;
	v15 =	vsub.s32 $0x5F3759DF, v15  }
0x48f: {  	[tilespmem:v9+s30+$0x0] =	vst.idx.msk $0xffff, v22;
	s10 =	simm.s32 $0x5;
	v5 =	vor.u32 $0x200, v44;
	v4 =	vor.u32 $0x280, v44;
	v16 =	vmul.f32 v15, v3  }
0x490: {  	s22 =	simm.s32 $0xA;
	s16 =	simm.s32 $0x400;
	[tilespmem:v56+s30+$0x0] =	vst.idx.msk $0xffff, v26;
	v9 =	vor.u32 $0x380, v44;
	v22 =	vmov s10;
	v25 =	vshll.u32 v25, $0x4  }
0x491: {  	s23 =	simm.s32 $0xB;
	s19 =	sadd.s32 $0x400, s12;
	v26 =	vmov s22;
	[tilespmem:v57+s30+$0x0] =	vst.idx.msk $0xffff, v27;
	v57 =	vadd.s32 s16, v9;
	v16 =	vmul.f32 v15, v16  }
0x492: {  	[tilespmem:v62+s30+$0x0] =	vst.idx.msk $0xffff, v53;
	v22 =	vshll.u32 v22, $0x4;
	v35 =	vbroadcast v57, $0x0;
	v49 =	vmov s23;
	s23 =	sadd.s32 $0xFFFFFC00, s19  }
0x493: {  	v26 =	vshll.u32 v26, $0x4;
	[tilespmem:v61+s30+$0x0] =	vst.idx.msk $0xffff, v30;
	v61 =	vmov s23;
	v16 =	vsub.f32 $1.500000000e+00, v16  }
0x494: {  	[tilespmem:v60+s30+$0x0] =	vst.idx.msk $0xffff, v29;
	v35 =	vor.u32 v13, v35;
	v29 =	vshll.u32 v48, $0x4;
	v62 =	vadd.s32 $0x80, v61  }
0x495: {  	v45 =	vadd.s32 $0x180, v61;
	v46 =	vadd.s32 $0x200, v61;
	v15 =	vmul.f32 v15, v16  }
0x496: {  	[tilespmem:v43+s30+$0x0] =	vst.idx.msk $0xffff, v19;
	v47 =	vadd.s32 $0x280, v61;
	v43 =	vbroadcast v62, $0x0;
	v45 =	vbroadcast v45, $0x0  }
0x497: {  	v48 =	vadd.s32 $0x300, v61;
	v46 =	vbroadcast v46, $0x0;
	v16 =	vmul.f32 v15, v3  }
0x498: {  	s26 =	simm.s32 $0xC;
	v41 =	vadd.s32 $0x380, v61;
	v47 =	vbroadcast v47, $0x0;
	v48 =	vbroadcast v48, $0x0  }
0x499: {  	s10 =	simm.s32 $0xE;
	v41 =	vbroadcast v41, $0x0;
	v50 =	vmov s26;
	v16 =	vmul.f32 v16, v15  }
0x49a: {  	v51 =	vmov s10;
	v30 =	vshll.u32 v49, $0x4;
	v49 =	vadd.s32 s16, v8  }
0x49b: {  	v52 =	vshll.u32 v50, $0x4;
	v50 =	vadd.s32 s16, v7;
	v16 =	vsub.f32 $1.500000000e+00, v16  }
0x49c: {  	v49 =	vbroadcast v49, $0x0;
	v43 =	vor.u32 v13, v43;
	v45 =	vor.u32 v13, v45  }
0x49d: {  	v46 =	vor.u32 v13, v46;
	v47 =	vor.u32 v13, v47;
	v15 =	vmul.f32 v16, v15  }
0x49e: {  	v41 =	vor.u32 v13, v41;
	v53 =	vshll.u32 v51, $0x4;
	v16 =	vmov s6;
	s6 =	simm.s32 $0x4  }
0x49f: {  	v16 =	vshrl.u32 v16, $0x7;
	v10 =	vmov s6;
	v3 =	vmul.f32 v15, v3  }
0x4a0: {  	[tilespmem:v59+s30+$0x0] =	vst.idx.msk $0xffff, v28;
	s6 =	simm.s32 $0xD;
	v16 =	vshll.u32 v16, v1;
	v28 =	vshll.u32 v10, $0x4;
	v10 =	vmul.u32 $0xFFFFFFF0, v0  }
0x4a1: {  	[tilespmem:v63+s30+$0x0] =	vst.idx.msk $0xffff, v31;
	v63 =	vadd.s32 $0x100, v61;
	v27 =	vmov s6;
	v16 =	vbroadcast v16, $0x0  }
0x4a2: {  	v27 =	vshll.u32 v27, $0x4;
	v3 =	vmul.f32 v3, v15;
	v17 =	vadd.s32 v10, v17  }
0x4a3: {  	v20 =	vadd.s32 v10, v20;
	v21 =	vadd.s32 v10, v21;
	v42 =	vor.u32 v2, v16  }
0x4a4: {  	v28 =	vadd.s32 v10, v28;
	v22 =	vadd.s32 v10, v22;
	v24 =	vadd.s32 v10, v24  }
0x4a5: {  	v25 =	vadd.s32 v10, v25;
	v29 =	vadd.s32 v10, v29;
	v26 =	vadd.s32 v10, v26  }
0x4a6: {  	v30 =	vadd.s32 v10, v30;
	v27 =	vadd.s32 v10, v27;
	v54 =	vadd.s32 v10, v53  }
0x4a7: {  	v18 =	vadd.s32 v10, v18;
	v17 =	vor.u32 v0, v17;
	v20 =	vor.u32 v0, v20  }
0x4a8: {  	s6 =	simm.s32 $0x1C880;
	v16 =	vmov s15;
	v21 =	vor.u32 v0, v21;
	v28 =	vor.u32 v0, v28;
	[tilespmem:v42+s30+$0x0] =	vst.idx.msk $0xffff, v55  }
0x4a9: {  	v22 =	vor.u32 v0, v22;
	v24 =	vor.u32 v0, v24;
	v25 =	vor.u32 v0, v25;
	v56 =	vld [tilespmem:s6+$0x70]  }
0x4aa: {  	s22 =	simm.s32 $0x1CC80;
	v29 =	vor.u32 v0, v29;
	v26 =	vor.u32 v0, v26;
	v55 =	vand.u32 $0x3FF, v17;
	v17 =	vld [tilespmem:s6+$0xFFFFFF80]  }
0x4ab: {  	v30 =	vor.u32 v0, v30;
	v27 =	vor.u32 v0, v27;
	v32 =	vor.u32 v0, v54;
	v58 =	vld [tilespmem:s22+$0x70]  }
0x4ac: {  	s15 =	simm.s32 $0x6;
	v18 =	vor.u32 v0, v18;
	v3 =	vsub.f32 $1.500000000e+00, v3;
	v20 =	vand.u32 $0x3FF, v20;
	v37 =	vld [tilespmem:s6+$0xFFFFFF90]  }
0x4ad: {  	v23 =	vmov s15;
	v21 =	vand.u32 $0x3FF, v21;
	v20 =	vor.u32 v16, v20;
	v38 =	vld [tilespmem:s6+$0xFFFFFFA0]  }
0x4ae: {  	v28 =	vand.u32 $0x3FF, v28;
	v22 =	vand.u32 $0x3FF, v22;
	v21 =	vor.u32 v16, v21;
	v39 =	vld [tilespmem:s6+$0xFFFFFFB0]  }
0x4af: {  	v24 =	vand.u32 $0x3FF, v24;
	v25 =	vand.u32 $0x3FF, v25;
	v28 =	vor.u32 v16, v28;
	v59 =	vld [tilespmem:s6+$0xFFFFFFC0]  }
0x4b0: {  	v29 =	vand.u32 $0x3FF, v29;
	v26 =	vand.u32 $0x3FF, v26;
	v22 =	vor.u32 v16, v22;
	v40 =	vld [tilespmem:s6+$0xFFFFFFD0]  }
0x4b1: {  	v30 =	vand.u32 $0x3FF, v30;
	v27 =	vand.u32 $0x3FF, v27;
	v24 =	vor.u32 v16, v24;
	v60 =	vld [tilespmem:s6+$0xFFFFFFE0]  }
0x4b2: {  	s15 =	simm.s32 $0xF;
	v18 =	vand.u32 $0x3FF, v18;
	v32 =	vand.u32 $0x3FF, v32;
	v25 =	vor.u32 v16, v25;
	v20 =	vld.idx.msk [tilespmem:v20+s30+$0x0], $0xffff  }
0x4b3: {  	v23 =	vshll.u32 v23, $0x4;
	v31 =	vmov s15;
	v29 =	vor.u32 v16, v29;
	v21 =	vld.idx.msk [tilespmem:v21+s30+$0x0], $0xffff  }
0x4b4: {  	v26 =	vor.u32 v16, v26;
	v30 =	vor.u32 v16, v30;
	v18 =	vor.u32 v16, v18;
	v28 =	vld.idx.msk [tilespmem:v28+s30+$0x0], $0xffff  }
0x4b5: {  	v27 =	vor.u32 v16, v27;
	v32 =	vor.u32 v16, v32;
	v31 =	vshll.u32 v31, $0x4;
	v22 =	vld.idx.msk [tilespmem:v22+s30+$0x0], $0xffff  }
0x4b6: {  	v15 =	vmul.f32 v3, v15;
	v23 =	vadd.s32 v10, v23;
	v31 =	vadd.s32 v10, v31;
	v24 =	vld.idx.msk [tilespmem:v24+s30+$0x0], $0xffff  }
0x4b7: {  	v3 =	vor.u32 $0x300, v44;
	v23 =	vor.u32 v0, v23;
	v31 =	vor.u32 v0, v31;
	v25 =	vld.idx.msk [tilespmem:v25+s30+$0x0], $0xffff  }
0x4b8: {  	v44 =	vbroadcast v63, $0x0;
	v23 =	vand.u32 $0x3FF, v23;
	v19 =	vand.u32 $0x3FF, v31;
	v29 =	vld.idx.msk [tilespmem:v29+s30+$0x0], $0xffff  }
0x4b9: {  	v31 =	vadd.s32 v10, v52;
	v33 =	vor.u32 v16, v55;
	v23 =	vor.u32 v16, v23;
	v26 =	vld.idx.msk [tilespmem:v26+s30+$0x0], $0xffff  }
0x4ba: {  	v52 =	vadd.s32 s16, v5;
	v19 =	vor.u32 v16, v19;
	v31 =	vor.u32 v0, v31;
	v30 =	vld.idx.msk [tilespmem:v30+s30+$0x0], $0xffff  }
0x4bb: {  	v27 =	vld.idx.msk [tilespmem:v27+s30+$0x0], $0xffff;
	v61 =	vbroadcast v52, $0x0;
	v20 =	vsub.f32 v20, v14;
	v21 =	vsub.f32 v21, v14  }
0x4bc: {  	v32 =	vld.idx.msk [tilespmem:v32+s30+$0x0], $0xffff;
	v31 =	vand.u32 $0x3FF, v31;
	v28 =	vsub.f32 v28, v14;
	v22 =	vsub.f32 v22, v14  }
0x4bd: {  	v18 =	vld.idx.msk [tilespmem:v18+s30+$0x0], $0xffff;
	v31 =	vor.u32 v16, v31;
	v24 =	vsub.f32 v24, v14;
	v25 =	vsub.f32 v25, v14  }
0x4be: {  	v42 =	vld [tilespmem:s6+$0xFFFFFFF0];
	v29 =	vsub.f32 v29, v14;
	v26 =	vsub.f32 v26, v14;
	v20 =	vmul.f32 v20, v15  }
0x4bf: {  	v19 =	vld.idx.msk [tilespmem:v19+s30+$0x0], $0xffff;
	v30 =	vsub.f32 v30, v14;
	v21 =	vmul.f32 v21, v15;
	v28 =	vmul.f32 v28, v15  }
0x4c0: {  	v57 =	vld [tilespmem:s6+$0x10];
	v27 =	vsub.f32 v27, v14;
	v22 =	vmul.f32 v22, v15;
	v24 =	vmul.f32 v24, v15  }
0x4c1: {  	v62 =	vld [tilespmem:s6+$0x50];
	v32 =	vsub.f32 v32, v14;
	v25 =	vmul.f32 v25, v15;
	v29 =	vmul.f32 v29, v15  }
0x4c2: {  	v23 =	vld.idx.msk [tilespmem:v23+s30+$0x0], $0xffff;
	v18 =	vsub.f32 v18, v14;
	v26 =	vmul.f32 v26, v15;
	v30 =	vmul.f32 v30, v15  }
0x4c3: {  	v51 =	vadd.s32 s16, v6;
	v53 =	vld [tilespmem:s6+$0x60];
	v27 =	vmul.f32 v27, v15;
	v32 =	vmul.f32 v32, v15  }
0x4c4: {  	s10 =	simm.s32 $0x11;
	v54 =	vld [tilespmem:s22+$0xFFFFFF80];
	v18 =	vmul.f32 v18, v15;
	v20 =	vmul.f32 v20, v38;
	v19 =	vsub.f32 v19, v14  }
0x4c5: {  	v34 =	vmov s10;
	s15 =	simm.s32 $0x12;
	v33 =	vld.idx.msk [tilespmem:v33+s30+$0x0], $0xffff;
	v21 =	vmul.f32 v21, v39;
	v28 =	vmul.f32 v28, v59  }
0x4c6: {  	v36 =	vmov s15;
	v55 =	vld [tilespmem:s22+$0xFFFFFF90];
	v22 =	vmul.f32 v22, v40;
	v19 =	vmul.f32 v19, v15  }
0x4c7: {  	v31 =	vld.idx.msk [tilespmem:v31+s30+$0x0], $0xffff;
	v23 =	vsub.f32 v23, v14;
	v24 =	vmul.f32 v24, v42;
	v39 =	vbroadcast v50, $0x0  }
0x4c8: {  	v63 =	vadd.s32 s16, v3;
	v42 =	vbroadcast v51, $0x0;
	v19 =	vmul.f32 v19, v56;
	v56 =	vld [tilespmem:s6+$0x0]  }
0x4c9: {  	v44 =	vor.u32 v13, v44;
	v17 =	vmul.f32 v18, v17;
	v18 =	vld [tilespmem:s22+$0xFFFFFFA0];
	v23 =	vmul.f32 v23, v15  }
0x4ca: {  	v33 =	vsub.f32 v33, v14;
	v59 =	vld [tilespmem:s6+$0x30];
	v29 =	vmul.f32 v29, v57;
	v27 =	vmul.f32 v27, v62  }
0x4cb: {  	v32 =	vmul.f32 v32, v53;
	v38 =	vor.u32 v13, v49;
	v23 =	vmul.f32 v23, v60;
	v60 =	vld [tilespmem:s6+$0x40]  }
0x4cc: {  	s18 =	simm.s32 $0x14;
	v33 =	vmul.f32 v33, v15;
	v31 =	vsub.f32 v31, v14;
	v19 =	vadd.f32 v19, v58;
	v58 =	vld [tilespmem:s6+$0x20]  }
0x4cd: {  	v40 =	vmov s18;
	v17 =	vadd.f32 v17, v54;
	v25 =	vmul.f32 v25, v56;
	v56 =	vld [tilespmem:s22+$0xFFFFFFB0]  }
0x4ce: {  	v57 =	vld [tilespmem:s22+$0xFFFFFFC0];
	v33 =	vmul.f32 v33, v37;
	v31 =	vmul.f32 v31, v15;
	v20 =	vadd.f32 v20, v18  }
0x4cf: {  	v39 =	vor.u32 v13, v39;
	v37 =	vadd.s32 s16, v4;
	v30 =	vmul.f32 v30, v59;
	v59 =	vld [tilespmem:s22+$0xFFFFFFD0]  }
0x4d0: {  	v37 =	vbroadcast v37, $0x0;
	v33 =	vadd.f32 v33, v55;
	[tilespmem:v44+s31+$0x0] =	vst.idx.msk $0xffff, v20;
	v31 =	vmul.f32 v31, v60;
	v60 =	vld [tilespmem:s22+$0xFFFFFFE0]  }
0x4d1: {  	v26 =	vmul.f32 v26, v58;
	v58 =	vor.u32 v13, v48;
	v48 =	vor.u32 v13, v61;
	v61 =	vld [tilespmem:s22+$0xFFFFFFF0]  }
0x4d2: {  	v62 =	vld [tilespmem:s22+$0x0];
	v42 =	vor.u32 v13, v42;
	v18 =	vor.u32 s23, v13;
	[tilespmem:v43+s31+$0x0] =	vst.idx.msk $0xffff, v33;
	v21 =	vadd.f32 v21, v56  }
0x4d3: {  	s16 =	simm.s32 $0x13;
	v37 =	vor.u32 v13, v37;
	v20 =	vadd.f32 v28, v57;
	v28 =	vld [tilespmem:s22+$0x10];
	[tilespmem:v35+s31+$0x0] =	vst.idx.msk $0xffff, v19;
	v19 =	vbroadcast v63, $0x0  }
0x4d4: {  	s26 =	simm.s32 $0x10;
	v44 =	vmov s16;
	v43 =	vor.u32 s19, v13;
	v63 =	vld [tilespmem:s22+$0x40];
	[tilespmem:v45+s31+$0x0] =	vst.idx.msk $0xffff, v21;
	v21 =	vadd.f32 v22, v59  }
0x4d5: {  	[tilespmem:v46+s31+$0x0] =	vst.idx.msk $0xffff, v20;
	v51 =	vor.u32 v13, v19;
	v19 =	vmov s26;
	s26 =	simm.s32 $0x17;
	v20 =	vadd.f32 v23, v60;
	v22 =	vld [tilespmem:s22+$0x20]  }
0x4d6: {  	s15 =	simm.s32 $0x19;
	s23 =	simm.s32 $0x16;
	v19 =	vshll.u32 v19, $0x4;
	v57 =	vmov s26;
	v23 =	vld [tilespmem:s22+$0x30];
	[tilespmem:v47+s31+$0x0] =	vst.idx.msk $0xffff, v21;
	v21 =	vadd.f32 v24, v61  }
0x4d7: {  	s18 =	simm.s32 $0x1B;
	s19 =	simm.s32 $0x15;
	v60 =	vmov s15;
	v56 =	vmov s23;
	[tilespmem:v58+s31+$0x0] =	vst.idx.msk $0xffff, v20;
	v20 =	vadd.f32 v25, v62;
	v58 =	vld [tilespmem:s22+$0x50]  }
0x4d8: {  	s10 =	simm.s32 $0x18;
	v45 =	vmov s19;
	v62 =	vmov s18;
	[tilespmem:v41+s31+$0x0] =	vst.idx.msk $0xffff, v21;
	v21 =	vadd.f32 v29, v28;
	v28 =	vld [tilespmem:s22+$0x60]  }
0x4d9: {  	s16 =	simm.s32 $0x1A;
	s23 =	simm.s32 $0x1D;
	v59 =	vmov s10;
	v33 =	vshll.u32 v62, $0x4;
	[tilespmem:v43+s31+$0x0] =	vst.idx.msk $0xffff, v20;
	v29 =	vadd.f32 v31, v63  }
0x4da: {  	s26 =	simm.s32 $0x1E;
	s19 =	simm.s32 $0x1C;
	v61 =	vmov s16;
	v20 =	vmov s23;
	v25 =	vadd.f32 v26, v22;
	[tilespmem:v38+s31+$0x0] =	vst.idx.msk $0xffff, v21  }
0x4db: {  	v24 =	vmov s26;
	v22 =	vmov s19;
	v26 =	vadd.f32 v30, v23;
	[tilespmem:v48+s31+$0x0] =	vst.idx.msk $0xffff, v29  }
0x4dc: {  	v23 =	vshll.u32 v44, $0x4;
	v31 =	vadd.f32 v27, v58;
	v27 =	vshll.u32 v40, $0x4;
	[tilespmem:v39+s31+$0x0] =	vst.idx.msk $0xffff, v25  }
0x4dd: {  	v30 =	vshll.u32 v56, $0x4;
	v21 =	vshll.u32 v34, $0x4;
	[tilespmem:v42+s31+$0x0] =	vst.idx.msk $0xffff, v26;
	v63 =	vadd.f32 v32, v28  }
0x4de: {  	v29 =	vshll.u32 v59, $0x4;
	v25 =	vshll.u32 v36, $0x4;
	v26 =	vshll.u32 v45, $0x4;
	[tilespmem:v37+s31+$0x0] =	vst.idx.msk $0xffff, v31  }
0x4df: {  	s15 =	simm.s32 $0x1;
	s18 =	simm.s32 $0x1F;
	s16 =	simm.s32 $0x20;
	v31 =	vshll.u32 v60, $0x4;
	v28 =	vshll.u32 v57, $0x4;
	v32 =	vshll.u32 v61, $0x4;
	[tilespmem:v51+s31+$0x0] =	vst.idx.msk $0xffff, v63  }
.LBB2_20:
0x4e0: {  	p1 =	slt.u32 s16, $0x30;
	v22 =	vshll.u32 v22, $0x4;
	v34 =	vmov s18;
	[tilespmem:v18+s31+$0x0] =	vst.idx.msk $0xffff, v17  }
0x4e1: {  	v17 =	vshll.u32 v20, $0x4;
	v18 =	vshll.u32 v24, $0x4;
	v20 =	vshll.u32 v34, $0x4  }
0x4e2: {  	v21 =	vadd.s32 v10, v21;
	v24 =	vadd.s32 v10, v25;
	v20 =	vadd.s32 v10, v20  }
0x4e3: {  	v23 =	vadd.s32 v10, v23;
	v25 =	vadd.s32 v10, v27;
	v20 =	vor.u32 v0, v20  }
0x4e4: {  	v26 =	vadd.s32 v10, v26;
	v27 =	vadd.s32 v10, v30;
	v20 =	vand.u32 $0x3FF, v20  }
0x4e5: {  	v28 =	vadd.s32 v10, v28;
	v29 =	vadd.s32 v10, v29;
	v20 =	vor.u32 v16, v20  }
0x4e6: {  	v30 =	vadd.s32 v10, v31;
	v31 =	vadd.s32 v10, v32;
	v32 =	vadd.s32 v10, v33  }
0x4e7: {  	v22 =	vadd.s32 v10, v22;
	v17 =	vadd.s32 v10, v17;
	v18 =	vadd.s32 v10, v18  }
0x4e8: {  	v19 =	vadd.s32 v10, v19;
	v21 =	vor.u32 v0, v21;
	v24 =	vor.u32 v0, v24  }
0x4e9: {  	v23 =	vor.u32 v0, v23;
	v25 =	vor.u32 v0, v25;
	v26 =	vor.u32 v0, v26  }
0x4ea: {  	v27 =	vor.u32 v0, v27;
	v28 =	vor.u32 v0, v28;
	v29 =	vor.u32 v0, v29;
	v20 =	vld.idx.msk [tilespmem:v20+s30+$0x0], $0xffff  }
0x4eb: {  	v30 =	vor.u32 v0, v30;
	v31 =	vor.u32 v0, v31;
	v32 =	vor.u32 v0, v32  }
0x4ec: {  	v22 =	vor.u32 v0, v22;
	v33 =	vor.u32 v0, v17;
	v18 =	vor.u32 v0, v18  }
0x4ed: {  	v19 =	vor.u32 v0, v19;
	v21 =	vand.u32 $0x3FF, v21;
	v24 =	vand.u32 $0x3FF, v24  }
0x4ee: {  	s15 =	sadd.s32 $0x2, s15;
	s6 =	sadd.s32 $0x100, s6;
	v23 =	vand.u32 $0x3FF, v23;
	v25 =	vand.u32 $0x3FF, v25;
	v26 =	vand.u32 $0x3FF, v26  }
0x4ef: {  	s23 =	sshll.u32 s15, $0xA;
	v27 =	vand.u32 $0x3FF, v27;
	v28 =	vand.u32 $0x3FF, v28;
	v29 =	vand.u32 $0x3FF, v29;
	v34 =	vld [tilespmem:s6+$0x70]  }
0x4f0: {  	s22 =	sadd.s32 $0x100, s22;
	s19 =	sadd.s32 s12, s23;
	v30 =	vand.u32 $0x3FF, v30;
	v35 =	vadd.s32 s23, v9;
	v20 =	vsub.f32 v20, v14;
	v17 =	vld [tilespmem:s6+$0xFFFFFF80]  }
0x4f1: {  	v31 =	vand.u32 $0x3FF, v31;
	v32 =	vand.u32 $0x3FF, v32;
	s18 =	sadd.s32 $0xFFFFFC00, s19;
	v35 =	vbroadcast v35, $0x0;
	v36 =	vld [tilespmem:s22+$0x70]  }
0x4f2: {  	v22 =	vand.u32 $0x3FF, v22;
	v33 =	vand.u32 $0x3FF, v33;
	v20 =	vmul.f32 v20, v15;
	v37 =	vld [tilespmem:s6+$0xFFFFFF90]  }
0x4f3: {  	v19 =	vand.u32 $0x3FF, v19;
	v18 =	vand.u32 $0x3FF, v18;
	v35 =	vor.u32 v13, v35;
	v38 =	vld [tilespmem:s6+$0xFFFFFFA0]  }
0x4f4: {  	v21 =	vor.u32 v16, v21;
	v24 =	vor.u32 v16, v24;
	v39 =	vld [tilespmem:s6+$0xFFFFFFB0];
	v20 =	vmul.f32 v20, v34  }
0x4f5: {  	v23 =	vor.u32 v16, v23;
	v25 =	vor.u32 v16, v25;
	v26 =	vor.u32 v16, v26;
	v34 =	vld [tilespmem:s6+$0xFFFFFFC0]  }
0x4f6: {  	v27 =	vor.u32 v16, v27;
	v28 =	vor.u32 v16, v28;
	v40 =	vld [tilespmem:s6+$0xFFFFFFD0];
	v20 =	vadd.f32 v20, v36  }
0x4f7: {  	v29 =	vor.u32 v16, v29;
	v30 =	vor.u32 v16, v30;
	v31 =	vor.u32 v16, v31;
	v36 =	vld [tilespmem:s6+$0xFFFFFFE0]  }
0x4f8: {  	v32 =	vor.u32 v16, v32;
	v41 =	vmov s18;
	v22 =	vor.u32 v16, v22;
	v42 =	vld [tilespmem:s6+$0xFFFFFFF0];
	[tilespmem:v35+s31+$0x0] =	vst.idx.msk $0xffff, v20  }
0x4f9: {  	v19 =	vor.u32 v16, v19;
	v18 =	vor.u32 v16, v18;
	v20 =	vld.idx.msk [tilespmem:v21+s30+$0x0], $0xffff;
	v21 =	vor.u32 v16, v33  }
0x4fa: {  	v43 =	vadd.s32 $0x180, v41;
	v35 =	vadd.s32 $0x100, v41;
	v33 =	vadd.s32 $0x80, v41;
	v24 =	vld.idx.msk [tilespmem:v24+s30+$0x0], $0xffff  }
0x4fb: {  	v44 =	vadd.s32 $0x200, v41;
	v45 =	vadd.s32 $0x280, v41;
	v46 =	vadd.s32 $0x300, v41;
	v23 =	vld.idx.msk [tilespmem:v23+s30+$0x0], $0xffff  }
0x4fc: {  	v47 =	vadd.s32 s23, v8;
	v48 =	vadd.s32 s23, v7;
	v41 =	vadd.s32 $0x380, v41;
	v25 =	vld.idx.msk [tilespmem:v25+s30+$0x0], $0xffff  }
0x4fd: {  	v49 =	vadd.s32 s23, v6;
	v50 =	vadd.s32 s23, v5;
	v51 =	vadd.s32 s23, v4;
	v26 =	vld.idx.msk [tilespmem:v26+s30+$0x0], $0xffff  }
0x4fe: {  	v52 =	vadd.s32 s23, v3;
	v35 =	vbroadcast v35, $0x0;
	v33 =	vbroadcast v33, $0x0;
	v27 =	vld.idx.msk [tilespmem:v27+s30+$0x0], $0xffff  }
0x4ff: {  	v43 =	vbroadcast v43, $0x0;
	v44 =	vbroadcast v44, $0x0;
	v20 =	vsub.f32 v20, v14;
	v28 =	vld.idx.msk [tilespmem:v28+s30+$0x0], $0xffff  }
0x500: {  	v45 =	vbroadcast v45, $0x0;
	v46 =	vbroadcast v46, $0x0;
	v24 =	vsub.f32 v24, v14;
	v29 =	vld.idx.msk [tilespmem:v29+s30+$0x0], $0xffff  }
0x501: {  	v41 =	vbroadcast v41, $0x0;
	v20 =	vmul.f32 v20, v15;
	v23 =	vsub.f32 v23, v14;
	v30 =	vld.idx.msk [tilespmem:v30+s30+$0x0], $0xffff  }
0x502: {  	v47 =	vbroadcast v47, $0x0;
	v24 =	vmul.f32 v24, v15;
	v25 =	vsub.f32 v25, v14;
	v31 =	vld.idx.msk [tilespmem:v31+s30+$0x0], $0xffff  }
0x503: {  	v20 =	vmul.f32 v20, v37;
	v23 =	vmul.f32 v23, v15;
	v26 =	vsub.f32 v26, v14;
	v32 =	vld.idx.msk [tilespmem:v32+s30+$0x0], $0xffff  }
0x504: {  	v24 =	vmul.f32 v24, v38;
	v25 =	vmul.f32 v25, v15;
	v27 =	vsub.f32 v27, v14;
	v22 =	vld.idx.msk [tilespmem:v22+s30+$0x0], $0xffff  }
0x505: {  	v23 =	vmul.f32 v23, v39;
	v26 =	vmul.f32 v26, v15;
	v28 =	vsub.f32 v28, v14;
	v21 =	vld.idx.msk [tilespmem:v21+s30+$0x0], $0xffff  }
0x506: {  	v25 =	vmul.f32 v25, v34;
	v27 =	vmul.f32 v27, v15;
	v29 =	vsub.f32 v29, v14;
	v18 =	vld.idx.msk [tilespmem:v18+s30+$0x0], $0xffff  }
0x507: {  	v26 =	vmul.f32 v26, v40;
	v28 =	vmul.f32 v28, v15;
	v30 =	vsub.f32 v30, v14;
	v19 =	vld.idx.msk [tilespmem:v19+s30+$0x0], $0xffff  }
0x508: {  	v27 =	vmul.f32 v27, v36;
	v29 =	vmul.f32 v29, v15;
	v31 =	vsub.f32 v31, v14;
	v34 =	vld [tilespmem:s6+$0x0]  }
0x509: {  	v28 =	vmul.f32 v28, v42;
	v30 =	vmul.f32 v30, v15;
	v32 =	vsub.f32 v32, v14;
	v36 =	vld [tilespmem:s6+$0x10]  }
0x50a: {  	v38 =	vbroadcast v48, $0x0;
	v31 =	vmul.f32 v31, v15;
	v22 =	vsub.f32 v22, v14;
	v37 =	vld [tilespmem:s6+$0x20]  }
0x50b: {  	v40 =	vbroadcast v49, $0x0;
	v32 =	vmul.f32 v32, v15;
	v21 =	vsub.f32 v21, v14;
	v39 =	vld [tilespmem:s6+$0x30]  }
0x50c: {  	v48 =	vbroadcast v50, $0x0;
	v22 =	vmul.f32 v22, v15;
	v18 =	vsub.f32 v18, v14;
	v42 =	vld [tilespmem:s6+$0x40]  }
0x50d: {  	v19 =	vsub.f32 v19, v14;
	v21 =	vmul.f32 v21, v15;
	v29 =	vmul.f32 v29, v34;
	v34 =	vld [tilespmem:s6+$0x50]  }
0x50e: {  	v33 =	vor.u32 v13, v33;
	v18 =	vmul.f32 v18, v15;
	v30 =	vmul.f32 v30, v36;
	v36 =	vld [tilespmem:s6+$0x60]  }
0x50f: {  	v35 =	vor.u32 v13, v35;
	v19 =	vmul.f32 v19, v15;
	v49 =	vld [tilespmem:s22+$0xFFFFFF80];
	v31 =	vmul.f32 v31, v37  }
0x510: {  	v43 =	vor.u32 v13, v43;
	v37 =	vld [tilespmem:s22+$0xFFFFFF90];
	v32 =	vmul.f32 v32, v39;
	v39 =	vbroadcast v51, $0x0  }
0x511: {  	v44 =	vor.u32 v13, v44;
	v17 =	vmul.f32 v19, v17;
	v19 =	vld [tilespmem:s22+$0xFFFFFFA0];
	v42 =	vmul.f32 v22, v42  }
0x512: {  	v45 =	vor.u32 v13, v45;
	v22 =	vld [tilespmem:s22+$0xFFFFFFB0];
	v34 =	vmul.f32 v21, v34;
	v21 =	vbroadcast v52, $0x0  }
0x513: {  	v46 =	vor.u32 v13, v46;
	v41 =	vor.u32 v13, v41;
	v50 =	vld [tilespmem:s22+$0xFFFFFFC0];
	v36 =	vmul.f32 v18, v36  }
0x514: {  	v47 =	vor.u32 v13, v47;
	v38 =	vor.u32 v13, v38;
	v17 =	vadd.f32 v17, v49;
	v49 =	vld [tilespmem:s22+$0xFFFFFFD0]  }
0x515: {  	v48 =	vor.u32 v13, v48;
	v40 =	vor.u32 v13, v40;
	v20 =	vadd.f32 v20, v37;
	v37 =	vld [tilespmem:s22+$0xFFFFFFE0]  }
0x516: {  	v39 =	vor.u32 v13, v39;
	v51 =	vor.u32 v13, v21;
	v19 =	vadd.f32 v24, v19;
	v24 =	vld [tilespmem:s22+$0xFFFFFFF0]  }
0x517: {  	v18 =	vor.u32 s18, v13;
	[tilespmem:v33+s31+$0x0] =	vst.idx.msk $0xffff, v20;
	v20 =	vadd.f32 v23, v22;
	v21 =	vld [tilespmem:s22+$0x0];
	v22 =	vor.u32 s19, v13  }
0x518: {  	s3 =	sadd.s32 $0x1, s16;
	v23 =	vmov s16;
	[tilespmem:v35+s31+$0x0] =	vst.idx.msk $0xffff, v19;
	v25 =	vadd.f32 v25, v50;
	v33 =	vld [tilespmem:s22+$0x10]  }
0x519: {  	s10 =	sadd.s32 $0x3, s16;
	v19 =	vshll.u32 v23, $0x4;
	v23 =	vmov s3;
	s3 =	sadd.s32 $0x2, s16;
	[tilespmem:v43+s31+$0x0] =	vst.idx.msk $0xffff, v20;
	v20 =	vadd.f32 v26, v49;
	v26 =	vld [tilespmem:s22+$0x20]  }
0x51a: {  	v35 =	vmov s3;
	v43 =	vmov s10;
	s3 =	sadd.s32 $0x4, s16;
	s10 =	sadd.s32 $0x5, s16;
	[tilespmem:v44+s31+$0x0] =	vst.idx.msk $0xffff, v25;
	v25 =	vadd.f32 v27, v37;
	v27 =	vld [tilespmem:s22+$0x30]  }
0x51b: {  	v37 =	vmov s3;
	v44 =	vmov s10;
	s3 =	sadd.s32 $0x6, s16;
	s10 =	sadd.s32 $0x7, s16;
	[tilespmem:v45+s31+$0x0] =	vst.idx.msk $0xffff, v20;
	v20 =	vadd.f32 v28, v24;
	v28 =	vld [tilespmem:s22+$0x40]  }
0x51c: {  	v45 =	vmov s3;
	v49 =	vmov s10;
	s3 =	sadd.s32 $0x8, s16;
	s10 =	sadd.s32 $0x9, s16;
	[tilespmem:v46+s31+$0x0] =	vst.idx.msk $0xffff, v25;
	v21 =	vadd.f32 v29, v21;
	v29 =	vld [tilespmem:s22+$0x50]  }
0x51d: {  	v46 =	vmov s3;
	v50 =	vmov s10;
	s3 =	sadd.s32 $0xA, s16;
	s10 =	sadd.s32 $0xB, s16;
	[tilespmem:v41+s31+$0x0] =	vst.idx.msk $0xffff, v20;
	v24 =	vadd.f32 v30, v33;
	v30 =	vld [tilespmem:s22+$0x60]  }
0x51e: {  	v33 =	vmov s3;
	v41 =	vmov s10;
	s3 =	sadd.s32 $0xC, s16;
	s10 =	sadd.s32 $0xD, s16;
	[tilespmem:v22+s31+$0x0] =	vst.idx.msk $0xffff, v21;
	v25 =	vadd.f32 v31, v26  }
0x51f: {  	v22 =	vmov s3;
	v20 =	vmov s10;
	s3 =	sadd.s32 $0xE, s16;
	[tilespmem:v47+s31+$0x0] =	vst.idx.msk $0xffff, v24;
	v26 =	vadd.f32 v32, v27  }
.Ltmp13:
0x520: {  	v21 =	vshll.u32 v23, $0x4;
	v24 =	vmov s3;
	[tilespmem:v38+s31+$0x0] =	vst.idx.msk $0xffff, v25;
	v28 =	vadd.f32 v42, v28;
	(pc) =	sbr.rel @p1 .LBB2_20-.Ltmp13, $4  }
0x521: {  	v23 =	vshll.u32 v43, $0x4;
	v25 =	vshll.u32 v35, $0x4;
	[tilespmem:v40+s31+$0x0] =	vst.idx.msk $0xffff, v26;
	v31 =	vadd.f32 v34, v29  }
0x522: {  	v27 =	vshll.u32 v37, $0x4;
	v26 =	vshll.u32 v44, $0x4;
	[tilespmem:v48+s31+$0x0] =	vst.idx.msk $0xffff, v28;
	v34 =	vadd.f32 v36, v30  }
0x523: {  	v29 =	vshll.u32 v46, $0x4;
	v30 =	vshll.u32 v45, $0x4;
	v28 =	vshll.u32 v49, $0x4;
	[tilespmem:v39+s31+$0x0] =	vst.idx.msk $0xffff, v31  }
0x524: {  	s18 =	sadd.s32 $0xF, s16;
	s16 =	sadd.s32 $0x10, s16;
	v32 =	vshll.u32 v33, $0x4;
	v33 =	vshll.u32 v41, $0x4;
	v31 =	vshll.u32 v50, $0x4;
	[tilespmem:v51+s31+$0x0] =	vst.idx.msk $0xffff, v34  }
0x525: {  	v34 =	vmov s18;
	v22 =	vshll.u32 v22, $0x4  }
0x526: {  	v20 =	vshll.u32 v20, $0x4;
	v24 =	vshll.u32 v24, $0x4;
	v21 =	vadd.s32 v10, v21  }
0x527: {  	v25 =	vadd.s32 v10, v25;
	v23 =	vadd.s32 v10, v23;
	v27 =	vadd.s32 v10, v27  }
0x528: {  	v26 =	vadd.s32 v10, v26;
	v30 =	vadd.s32 v10, v30;
	v28 =	vadd.s32 v10, v28  }
0x529: {  	v29 =	vadd.s32 v10, v29;
	v31 =	vadd.s32 v10, v31;
	v32 =	vadd.s32 v10, v32  }
0x52a: {  	v33 =	vadd.s32 v10, v33;
	v19 =	vadd.s32 v10, v19;
	v34 =	vshll.u32 v34, $0x4  }
0x52b: {  	v22 =	vadd.s32 v10, v22;
	v35 =	vadd.s32 v10, v20;
	v24 =	vadd.s32 v10, v24  }
0x52c: {  	v21 =	vor.u32 v0, v21;
	v25 =	vor.u32 v0, v25;
	v23 =	vor.u32 v0, v23  }
0x52d: {  	v27 =	vor.u32 v0, v27;
	v26 =	vor.u32 v0, v26;
	v30 =	vor.u32 v0, v30  }
0x52e: {  	v28 =	vor.u32 v0, v28;
	v29 =	vor.u32 v0, v29;
	v31 =	vor.u32 v0, v31  }
0x52f: {  	s16 =	sadd.s32 $0x100, s6;
	v32 =	vor.u32 v0, v32;
	v33 =	vor.u32 v0, v33;
	v19 =	vor.u32 v0, v19  }
0x530: {  	v36 =	vld [tilespmem:s16+$0x70];
	v34 =	vadd.s32 v10, v34;
	v22 =	vor.u32 v0, v22;
	v35 =	vor.u32 v0, v35  }
0x531: {  	s18 =	sadd.s32 $0x100, s22;
	v20 =	vld [tilespmem:s16+$0xFFFFFF80];
	v24 =	vor.u32 v0, v24;
	v21 =	vand.u32 $0x3FF, v21;
	v25 =	vand.u32 $0x3FF, v25  }
0x532: {  	s3 =	sadd.s32 $0x2, s15;
	v37 =	vld [tilespmem:s18+$0x70];
	v23 =	vand.u32 $0x3FF, v23;
	v27 =	vand.u32 $0x3FF, v27;
	v26 =	vand.u32 $0x3FF, v26  }
0x533: {  	v38 =	vld [tilespmem:s16+$0xFFFFFF90];
	s19 =	sshll.u32 s3, $0xA;
	v30 =	vand.u32 $0x3FF, v30;
	v28 =	vand.u32 $0x3FF, v28;
	v29 =	vand.u32 $0x3FF, v29  }
0x534: {  	v39 =	vld [tilespmem:s16+$0xFFFFFFA0];
	v31 =	vand.u32 $0x3FF, v31;
	v43 =	vadd.s32 s19, v9;
	v32 =	vand.u32 $0x3FF, v32  }
0x535: {  	v40 =	vld [tilespmem:s16+$0xFFFFFFB0];
	v33 =	vand.u32 $0x3FF, v33;
	v47 =	vand.u32 $0x3FF, v19;
	v50 =	vadd.s32 s19, v8  }
0x536: {  	v41 =	vld [tilespmem:s16+$0xFFFFFFC0];
	v51 =	vadd.s32 s19, v7;
	v53 =	vadd.s32 s19, v5;
	v34 =	vor.u32 v0, v34  }
0x537: {  	v42 =	vld [tilespmem:s16+$0xFFFFFFD0];
	v21 =	vor.u32 v16, v21;
	v25 =	vor.u32 v16, v25;
	v23 =	vor.u32 v16, v23  }
0x538: {  	v44 =	vld [tilespmem:s16+$0xFFFFFFE0];
	v27 =	vor.u32 v16, v27;
	v26 =	vor.u32 v16, v26;
	v43 =	vbroadcast v43, $0x0  }
0x539: {  	v45 =	vld [tilespmem:s16+$0xFFFFFFF0];
	s23 =	sadd.s32 s12, s19;
	v30 =	vor.u32 v16, v30;
	v46 =	vand.u32 $0x3FF, v22;
	v35 =	vand.u32 $0x3FF, v35  }
0x53a: {  	v58 =	vld [tilespmem:s16+$0x0];
	v28 =	vor.u32 v16, v28;
	v29 =	vor.u32 v16, v29;
	s26 =	sadd.s32 $0xFFFFFC00, s23;
	v24 =	vand.u32 $0x3FF, v24  }
0x53b: {  	v59 =	vld [tilespmem:s16+$0x20];
	v31 =	vor.u32 v16, v31;
	v32 =	vor.u32 v16, v32;
	v62 =	vmov s26  }
0x53c: {  	v61 =	vld [tilespmem:s16+$0x50];
	v33 =	vor.u32 v16, v33;
	v54 =	vor.u32 v16, v47;
	v57 =	vadd.s32 $0x200, v62  }
0x53d: {  	v50 =	vbroadcast v50, $0x0;
	v34 =	vand.u32 $0x3FF, v34;
	v47 =	vbroadcast v57, $0x0;
	v57 =	vld [tilespmem:s18+$0xFFFFFFA0]  }
0x53e: {  	v51 =	vbroadcast v51, $0x0;
	v63 =	vor.u32 v16, v46;
	v34 =	vor.u32 v16, v34;
	v21 =	vld.idx.msk [tilespmem:v21+s30+$0x0], $0xffff  }
0x53f: {  	v35 =	vor.u32 v16, v35;
	v19 =	vor.u32 v13, v43;
	v16 =	vor.u32 v16, v24;
	v25 =	vld.idx.msk [tilespmem:v25+s30+$0x0], $0xffff  }
0x540: {  	v24 =	vadd.s32 $0x80, v62;
	v55 =	vadd.s32 $0x100, v62;
	v56 =	vadd.s32 $0x180, v62;
	v23 =	vld.idx.msk [tilespmem:v23+s30+$0x0], $0xffff  }
0x541: {  	v48 =	vadd.s32 $0x280, v62;
	v49 =	vadd.s32 $0x300, v62;
	v24 =	vbroadcast v24, $0x0;
	v27 =	vld.idx.msk [tilespmem:v27+s30+$0x0], $0xffff  }
0x542: {  	v50 =	vor.u32 v13, v50;
	v43 =	vbroadcast v55, $0x0;
	v46 =	vbroadcast v56, $0x0;
	v30 =	vld.idx.msk [tilespmem:v30+s30+$0x0], $0xffff  }
0x543: {  	v51 =	vor.u32 v13, v51;
	v48 =	vbroadcast v48, $0x0;
	v49 =	vbroadcast v49, $0x0;
	v34 =	vld.idx.msk [tilespmem:v34+s30+$0x0], $0xffff  }
0x544: {  	v26 =	vld.idx.msk [tilespmem:v26+s30+$0x0], $0xffff;
	v24 =	vor.u32 v13, v24;
	v43 =	vor.u32 v13, v43;
	v46 =	vor.u32 v13, v46  }
0x545: {  	v29 =	vld.idx.msk [tilespmem:v29+s30+$0x0], $0xffff;
	v47 =	vor.u32 v13, v47;
	v48 =	vor.u32 v13, v48;
	v21 =	vsub.f32 v21, v14  }
0x546: {  	v28 =	vld.idx.msk [tilespmem:v28+s30+$0x0], $0xffff;
	v49 =	vor.u32 v13, v49;
	v25 =	vsub.f32 v25, v14;
	v23 =	vsub.f32 v23, v14  }
0x547: {  	v32 =	vld.idx.msk [tilespmem:v32+s30+$0x0], $0xffff;
	v27 =	vsub.f32 v27, v14;
	v30 =	vsub.f32 v30, v14;
	v21 =	vmul.f32 v21, v15  }
0x548: {  	v31 =	vld.idx.msk [tilespmem:v31+s30+$0x0], $0xffff;
	v34 =	vsub.f32 v34, v14;
	v25 =	vmul.f32 v25, v15;
	v23 =	vmul.f32 v23, v15  }
0x549: {  	v35 =	vld.idx.msk [tilespmem:v35+s30+$0x0], $0xffff;
	v26 =	vsub.f32 v26, v14;
	v27 =	vmul.f32 v27, v15;
	v30 =	vmul.f32 v30, v15  }
0x54a: {  	v33 =	vld.idx.msk [tilespmem:v33+s30+$0x0], $0xffff;
	v29 =	vsub.f32 v29, v14;
	v34 =	vmul.f32 v34, v15;
	v25 =	vmul.f32 v25, v39  }
0x54b: {  	v39 =	vmul.f32 v23, v40;
	v23 =	vmul.f32 v26, v15;
	v26 =	vsub.f32 v28, v14;
	v28 =	vld [tilespmem:s16+$0x10]  }
0x54c: {  	v32 =	vsub.f32 v32, v14;
	v27 =	vmul.f32 v27, v41;
	v22 =	vmul.f32 v34, v36;
	v36 =	vld.idx.msk [tilespmem:v63+s30+$0x0], $0xffff  }
0x54d: {  	v41 =	vmul.f32 v23, v42;
	v23 =	vmul.f32 v26, v15;
	v26 =	vsub.f32 v31, v14;
	v31 =	vld [tilespmem:s16+$0x30]  }
0x54e: {  	v35 =	vsub.f32 v35, v14;
	v29 =	vmul.f32 v29, v15;
	v32 =	vmul.f32 v32, v15;
	v42 =	vld [tilespmem:s16+$0x40]  }
0x54f: {  	v21 =	vmul.f32 v21, v38;
	v30 =	vmul.f32 v30, v44;
	v34 =	vadd.s32 $0x380, v62;
	v62 =	vld [tilespmem:s16+$0x60]  }
0x550: {  	v63 =	vadd.s32 s19, v6;
	s16 =	sor.u32 $0x1, s1;
	v34 =	vbroadcast v34, $0x0;
	v22 =	vadd.f32 v22, v37;
	v37 =	vld.idx.msk [tilespmem:v54+s30+$0x0], $0xffff  }
0x551: {  	v16 =	vld.idx.msk [tilespmem:v16+s30+$0x0], $0xffff;
	v25 =	vadd.f32 v25, v57;
	s10 =	sshll.u32 s16, $0x4;
	v38 =	vbroadcast v63, $0x0;
	v44 =	vmul.f32 v23, v45  }
0x552: {  	v63 =	vld [tilespmem:s18+$0x10];
	v23 =	vsub.f32 v33, v14;
	v26 =	vmul.f32 v26, v15;
	s22 =	sand.u32 $0x70, s10;
	v54 =	vadd.s32 s19, v3;
	s10 =	sadd.s32 $0xFFFFFF60, s14  }
0x553: {  	[tilespmem:v18+s31+$0x0] =	vst.idx.msk $0xffff, v17;
	s3 =	sor.u32 s21, s22;
	v34 =	vor.u32 v13, v34;
	v38 =	vor.u32 v13, v38;
	v17 =	vor.u32 s10, v0  }
0x554: {  	s21 =	sadd.s32 $0xFFFFFF40, s14;
	v23 =	vmul.f32 v23, v15;
	v26 =	vmul.f32 v26, v28;
	v45 =	vor.u32 s3, v0  }
0x555: {  	v52 =	vld [tilespmem:s18+$0xFFFFFF80];
	[tilespmem:v19+s31+$0x0] =	vst.idx.msk $0xffff, v22;
	v19 =	vor.u32 s21, v0;
	v60 =	vsub.f32 v36, v14;
	v37 =	vsub.f32 v37, v14  }
0x556: {  	v14 =	vsub.f32 v16, v14;
	v16 =	vmul.f32 v29, v58;
	v29 =	vmul.f32 v35, v15;
	v35 =	vld [tilespmem:s18+$0xFFFFFF90]  }
0x557: {  	v36 =	vimm.f32 $0.0e+00;
	v31 =	vmul.f32 v23, v31;
	v26 =	vadd.f32 v26, v63;
	v58 =	vld [tilespmem:s18+$0xFFFFFFB0]  }
0x558: {  	v63 =	vor.u32 s23, v13;
	s23 =	sadd.s32 $0xFFFFFF50, s14;
	v33 =	vmul.f32 v60, v15;
	v60 =	vld [tilespmem:s18+$0xFFFFFFD0];
	v28 =	vmul.f32 v37, v15  }
0x559: {  	v18 =	vor.u32 s23, v0;
	v14 =	vmul.f32 v14, v15;
	v29 =	vmul.f32 v29, v61;
	v61 =	vld [tilespmem:s18+$0xFFFFFFE0]  }
0x55a: {  	s23 =	simm.s32 $0x1;
	v15 =	vmul.f32 v32, v59;
	v59 =	vadd.s32 s19, v4;
	v20 =	vmul.f32 v28, v20;
	v28 =	vld [tilespmem:s18+$0xFFFFFFC0]  }
0x55b: {  	v55 =	vadd.s32 s23, v0;
	v37 =	vor.u32 s26, v13;
	s26 =	simm.s32 $0x0;
	v40 =	vbroadcast v59, $0x0;
	v59 =	vld [tilespmem:s18+$0x30]  }
0x55c: {  	[tilespmem:v43+s31+$0x0] =	vst.idx.msk $0xffff, v25;
	v33 =	vmul.f32 v33, v42;
	v25 =	vor.u32 s26, v12;
	v35 =	vadd.f32 v21, v35;
	v21 =	vld [tilespmem:s18+$0x0]  }
0x55d: {  	v14 =	vmul.f32 v14, v62;
	v62 =	vbroadcast v53, $0x0;
	v41 =	vadd.f32 v41, v60;
	v60 =	vld [tilespmem:s18+$0x40]  }
0x55e: {  	s21 =	simm.s32 $0xF;
	v32 =	vadd.f32 v39, v58;
	v58 =	vbroadcast v54, $0x0;
	v23 =	vadd.f32 v20, v52;
	v20 =	vld [tilespmem:s18+$0xFFFFFFF0]  }
0x55f: {  	v40 =	vor.u32 v13, v40;
	v39 =	vadd.s32 s21, v0;
	v27 =	vadd.f32 v27, v28;
	v28 =	vld.idx.msk [tilespmem:v45+s28+$0x0], $0xffff  }
0x560: {  	s15 =	simm.s32 $0xC;
	v57 =	vld [tilespmem:s18+$0x20];
	v52 =	vor.u32 v13, v62;
	v62 =	vshll.u32 v45, $0x7;
	v30 =	vadd.f32 v30, v61  }
0x561: {  	v31 =	vadd.f32 v31, v59;
	v59 =	vadd.s32 s15, v0;
	v61 =	vadd.f32 v16, v21;
	v16 =	vld [tilespmem:s18+$0x60]  }
0x562: {  	v39 =	vand.u32 $0x3F, v39;
	v53 =	vor.u32 v13, v58;
	s15 =	simm.s32 $0x5;
	v59 =	vand.u32 $0x3F, v59  }
0x563: {  	v33 =	vadd.f32 v33, v60;
	v44 =	vadd.f32 v44, v20;
	[tilespmem:v63+s31+$0x0] =	vst.idx.msk $0xffff, v61;
	v63 =	vadd.s32 s15, v0  }
0x564: {  	s6 =	simm.s32 $0xD;
	v20 =	vld [tilespmem:s18+$0x50];
	[tilespmem:v47+s31+$0x0] =	vst.idx.msk $0xffff, v27;
	v27 =	vand.u32 $0x3F, v55;
	v55 =	vand.u32 $0x3F, v63;
	v21 =	vshll.u32 v28, $0x6  }
0x565: {  	s18 =	sadd.s32 $0xFFFFFF20, s14;
	v28 =	vadd.f32 v15, v57;
	v57 =	vadd.s32 s6, v0;
	v15 =	vand.u32 $0xFFFFFF80, v21  }
0x566: {  	s10 =	sadd.s32 $0xFFFFFF70, s14;
	[tilespmem:v50+s31+$0x0] =	vst.idx.msk $0xffff, v26;
	s6 =	simm.s32 $0x7;
	v13 =	vand.u32 $0x40, v21;
	v14 =	vadd.f32 v14, v16;
	v21 =	vor.u32 s18, v0  }
0x567: {  	[tilespmem:v24+s31+$0x0] =	vst.idx.msk $0xffff, v35;
	v16 =	vor.u32 s10, v0;
	v45 =	vadd.s32 s6, v0;
	v15 =	vadd.s32 v62, v15  }
0x568: {  	s19 =	sadd.s32 $0xFFFFFF30, s14;
	[tilespmem:v48+s31+$0x0] =	vst.idx.msk $0xffff, v41;
	v41 =	vand.u32 $0x3F, v57;
	v57 =	vor.u32 v11, v55;
	v13 =	vor.u32 v13, v15  }
0x569: {  	[tilespmem:v46+s31+$0x0] =	vst.idx.msk $0xffff, v32;
	s18 =	sadd.s32 $0xFFFFFF80, s14;
	v29 =	vadd.f32 v29, v20;
	v20 =	vor.u32 s19, v0;
	v58 =	vor.u32 v13, v27  }
0x56a: {  	[tilespmem:v37+s31+$0x0] =	vst.idx.msk $0xffff, v23;
	s10 =	simm.s32 $0xB;
	s19 =	simm.s32 $0x2;
	v22 =	vmov s18;
	v15 =	vor.u32 v0, v13;
	v27 =	vor.u32 v11, v27  }
0x56b: {  	s23 =	simm.s32 $0x4;
	[tilespmem:v49+s31+$0x0] =	vst.idx.msk $0xffff, v30;
	v46 =	vadd.s32 s10, v0;
	v43 =	vadd.s32 s19, v0;
	v24 =	vor.u32 s26, v15  }
0x56c: {  	v25 =	vld.idx.msk [tilespmem:v25+s13+$0x0], $0xffff;
	s18 =	simm.s32 $0x3;
	v62 =	vadd.s32 s23, v0;
	v35 =	vand.u32 $0x3F, v43;
	[tilespmem:v40+s31+$0x0] =	vst.idx.msk $0xffff, v29;
	v40 =	vor.u32 v11, v59  }
0x56d: {  	[tilespmem:v34+s31+$0x0] =	vst.idx.msk $0xffff, v44;
	s19 =	simm.s32 $0xA;
	v30 =	vadd.s32 s18, v0;
	v46 =	vand.u32 $0x3F, v46;
	v56 =	vor.u32 v13, v35;
	v34 =	vld.idx.msk [tilespmem:v57+s13+$0x0], $0xffff  }
0x56e: {  	[tilespmem:v38+s31+$0x0] =	vst.idx.msk $0xffff, v31;
	s18 =	simm.s32 $0x6;
	v48 =	vadd.s32 s19, v0;
	v30 =	vand.u32 $0x3F, v30;
	v60 =	vor.u32 v11, v35;
	v31 =	vld.idx.msk [tilespmem:v58+s29+$0x0], $0xffff  }
0x56f: {  	v54 =	vadd.s32 s18, v0;
	v47 =	vor.u32 v13, v39;
	v61 =	vor.u32 v13, v30;
	v27 =	vld.idx.msk [tilespmem:v27+s13+$0x0], $0xffff  }
0x570: {  	s21 =	simm.s32 $0x9;
	v39 =	vor.u32 v11, v39;
	v26 =	vor.u32 v11, v30;
	v30 =	vand.u32 $0x3F, v62;
	v24 =	vld.idx.msk [tilespmem:v24+s29+$0x0], $0xffff  }
0x571: {  	[tilespmem:v52+s31+$0x0] =	vst.idx.msk $0xffff, v33;
	s26 =	simm.s32 $0xE;
	v35 =	vadd.s32 s21, v0;
	v62 =	vand.u32 $0x3F, v48;
	v32 =	vor.u32 v13, v30;
	v40 =	vld.idx.msk [tilespmem:v40+s13+$0x0], $0xffff  }
0x572: {  	[tilespmem:v51+s31+$0x0] =	vst.idx.msk $0xffff, v28;
	v42 =	vadd.s32 s26, v0;
	s26 =	simm.s32 $0x8;
	v30 =	vor.u32 v11, v30;
	v35 =	vand.u32 $0x3F, v35;
	v28 =	vld.idx.msk [tilespmem:v56+s29+$0x0], $0xffff  }
0x573: {  	[tilespmem:v53+s31+$0x0] =	vst.idx.msk $0xffff, v14;
	v49 =	vadd.s32 s26, v0;
	v42 =	vand.u32 $0x3F, v42;
	v52 =	vor.u32 v13, v35;
	v29 =	vld.idx.msk [tilespmem:v60+s13+$0x0], $0xffff  }
0x574: {  	v35 =	vor.u32 v11, v35;
	v58 =	vand.u32 $0x3F, v54;
	v56 =	vor.u32 v13, v55;
	v60 =	vld.idx.msk [tilespmem:v61+s29+$0x0], $0xffff  }
0x575: {  	v54 =	vor.u32 v11, v62;
	v61 =	vor.u32 v13, v58;
	v26 =	vld.idx.msk [tilespmem:v26+s13+$0x0], $0xffff;
	v14 =	vadd.f32 v25, v24  }
0x576: {  	v23 =	vld.idx.msk [tilespmem:v32+s29+$0x0], $0xffff;
	v27 =	vadd.f32 v27, v31;
	v24 =	vor.u32 v11, v58;
	v25 =	vand.u32 $0x3F, v45  }
0x577: {  	v30 =	vld.idx.msk [tilespmem:v30+s13+$0x0], $0xffff;
	v45 =	vand.u32 $0x3F, v49;
	v63 =	vor.u32 v13, v25;
	v48 =	vmul.f32 v14, v14  }
0x578: {  	v43 =	vld.idx.msk [tilespmem:v52+s29+$0x0], $0xffff;
	v28 =	vadd.f32 v29, v28;
	v25 =	vor.u32 v11, v25;
	v29 =	vor.u32 v13, v45  }
0x579: {  	v31 =	vld.idx.msk [tilespmem:v56+s29+$0x0], $0xffff;
	v51 =	vmul.f32 v27, v27;
	v50 =	vadd.f32 v14, v36;
	v36 =	vadd.f32 v48, v36  }
0x57a: {  	v44 =	vld.idx.msk [tilespmem:v61+s29+$0x0], $0xffff;
	v26 =	vadd.f32 v26, v60;
	v56 =	vor.u32 v13, v46;
	v49 =	vor.u32 v11, v45  }
0x57b: {  	v53 =	vmul.f32 v28, v28;
	v37 =	vadd.f32 v27, v50;
	v24 =	vld.idx.msk [tilespmem:v24+s13+$0x0], $0xffff;
	v36 =	vadd.f32 v51, v36  }
0x57c: {  	v46 =	vor.u32 v11, v46;
	v58 =	vor.u32 v13, v59;
	v23 =	vadd.f32 v30, v23;
	v32 =	vld.idx.msk [tilespmem:v63+s29+$0x0], $0xffff  }
0x57d: {  	v55 =	vmul.f32 v26, v26;
	v25 =	vld.idx.msk [tilespmem:v25+s13+$0x0], $0xffff;
	v37 =	vadd.f32 v28, v37;
	v36 =	vadd.f32 v53, v36  }
0x57e: {  	v60 =	vor.u32 v13, v41;
	v30 =	vor.u32 v13, v62;
	v31 =	vadd.f32 v34, v31;
	v29 =	vld.idx.msk [tilespmem:v29+s29+$0x0], $0xffff  }
0x57f: {  	v57 =	vmul.f32 v23, v23;
	v33 =	vld.idx.msk [tilespmem:v49+s13+$0x0], $0xffff;
	v37 =	vadd.f32 v26, v37;
	v36 =	vadd.f32 v55, v36  }
0x580: {  	v35 =	vld.idx.msk [tilespmem:v35+s13+$0x0], $0xffff;
	v41 =	vor.u32 v11, v41;
	v62 =	vor.u32 v13, v42;
	v24 =	vadd.f32 v24, v44  }
0x581: {  	v45 =	vld.idx.msk [tilespmem:v54+s13+$0x0], $0xffff;
	v59 =	vmul.f32 v31, v31;
	v37 =	vadd.f32 v23, v37;
	v36 =	vadd.f32 v57, v36  }
0x582: {  	v42 =	vor.u32 v11, v42;
	[tilespmem:v21+s30+$0x0] =	vst.idx.msk $0xffff, v27;
	v21 =	vshrl.u32 v22, $0x7;
	v25 =	vadd.f32 v25, v32  }
0x583: {  	v30 =	vld.idx.msk [tilespmem:v30+s29+$0x0], $0xffff;
	v37 =	vadd.f32 v31, v37;
	v61 =	vmul.f32 v24, v24;
	v36 =	vadd.f32 v59, v36  }
0x584: {  	[tilespmem:v20+s30+$0x0] =	vst.idx.msk $0xffff, v28;
	v20 =	vshll.u32 v21, v1;
	v34 =	vld.idx.msk [tilespmem:v56+s29+$0x0], $0xffff;
	v29 =	vadd.f32 v33, v29  }
0x585: {  	v46 =	vld.idx.msk [tilespmem:v46+s13+$0x0], $0xffff;
	v63 =	vmul.f32 v25, v25;
	v37 =	vadd.f32 v24, v37;
	v36 =	vadd.f32 v61, v36  }
0x586: {  	v35 =	vadd.f32 v35, v43;
	[tilespmem:v19+s30+$0x0] =	vst.idx.msk $0xffff, v26;
	v19 =	vbroadcast v20, $0x0;
	v20 =	vld.idx.msk [tilespmem:v39+s13+$0x0], $0xffff  }
0x587: {  	v44 =	vld.idx.msk [tilespmem:v58+s29+$0x0], $0xffff;
	v48 =	vmul.f32 v29, v29;
	v37 =	vadd.f32 v25, v37;
	v36 =	vadd.f32 v63, v36  }
0x588: {  	v32 =	vld.idx.msk [tilespmem:v60+s29+$0x0], $0xffff;
	v27 =	vadd.f32 v45, v30  }
0x589: {  	s19 =	sadd.s32 $0xFFFFFF90, s14;
	v49 =	vmul.f32 v35, v35;
	v30 =	vld.idx.msk [tilespmem:v41+s13+$0x0], $0xffff;
	v37 =	vadd.f32 v29, v37;
	v36 =	vadd.f32 v48, v36  }
0x58a: {  	v52 =	vmov s14;
	v22 =	vor.u32 s19, v0;
	[tilespmem:v18+s30+$0x0] =	vst.idx.msk $0xffff, v23;
	v21 =	vld.idx.msk [tilespmem:v42+s13+$0x0], $0xffff;
	v28 =	vadd.f32 v46, v34  }
0x58b: {  	s26 =	sadd.s32 $0xFFFFFFC0, s14;
	v33 =	vld.idx.msk [tilespmem:v62+s29+$0x0], $0xffff;
	v51 =	vmul.f32 v27, v27;
	v50 =	vadd.f32 v35, v37;
	v36 =	vadd.f32 v49, v36  }
0x58c: {  	v18 =	vor.u32 v2, v19;
	[tilespmem:v17+s30+$0x0] =	vst.idx.msk $0xffff, v31;
	v17 =	vor.u32 s26, v0;
	v26 =	vadd.f32 v40, v44  }
0x58d: {  	s6 =	sadd.s32 $0xFFFFFFD0, s14;
	s21 =	sadd.s32 $0xFFFFFFA0, s14;
	v53 =	vld.idx.msk [tilespmem:v47+s29+$0x0], $0xffff;
	v54 =	vmul.f32 v28, v28;
	v34 =	vadd.f32 v27, v50;
	v36 =	vadd.f32 v51, v36  }
0x58e: {  	v55 =	vor.u32 s21, v0;
	v58 =	vor.u32 s6, v0;
	v30 =	vadd.f32 v30, v32  }
0x58f: {  	s23 =	sadd.s32 $0xFFFFFFB0, s14;
	s18 =	sadd.s32 $0xFFFFFFF0, s14;
	v56 =	vmul.f32 v26, v26;
	v19 =	vadd.f32 v28, v34;
	v23 =	vadd.f32 v54, v36  }
0x590: {  	s6 =	sadd.s32 $0x100, s14;
	v62 =	vor.u32 s18, v0;
	v57 =	vor.u32 s23, v0;
	v31 =	vadd.f32 v21, v33  }
0x591: {  	s15 =	sadd.s32 $0xFFFFFFE0, s14;
	s10 =	sadd.s32 $0xFFFFFF10, s14;
	s14 =	sadd.s32 $0xFFFFFF60, s6;
	v19 =	vadd.f32 v26, v19;
	v21 =	vadd.f32 v56, v23;
	v23 =	vmul.f32 v30, v30  }
0x592: {  	[tilespmem:v17+s30+$0x0] =	vst.idx.msk $0xffff, v28;
	v17 =	vor.u32 s14, v0;
	v60 =	vadd.f32 v20, v53;
	v59 =	vmov s10  }
0x593: {  	[tilespmem:v16+s30+$0x0] =	vst.idx.msk $0xffff, v24;
	v16 =	vadd.f32 v30, v19;
	v19 =	vadd.f32 v23, v21;
	v21 =	vshrl.u32 v52, $0x7  }
0x594: {  	[tilespmem:v18+s30+$0x0] =	vst.idx.msk $0xffff, v25;
	v61 =	vor.u32 s15, v0;
	v23 =	vshrl.u32 v59, $0x7;
	v18 =	vshll.u32 v21, v1  }
0x595: {  	s18 =	simm.s32 $0x12;
	[tilespmem:v22+s30+$0x0] =	vst.idx.msk $0xffff, v29;
	s15 =	simm.s32 $0x10;
	v20 =	vmul.f32 v31, v31;
	v21 =	vshll.u32 v23, v1;
	v18 =	vbroadcast v18, $0x0  }
0x596: {  	[tilespmem:v57+s30+$0x0] =	vst.idx.msk $0xffff, v27;
	v29 =	vor.u32 s15, v12;
	v27 =	vadd.s32 s18, v0;
	v22 =	vbroadcast v21, $0x0  }
0x597: {  	[tilespmem:v55+s30+$0x0] =	vst.idx.msk $0xffff, v35;
	v28 =	vor.u32 s15, v15;
	v16 =	vadd.f32 v31, v16;
	v63 =	vor.u32 v2, v18  }
0x598: {  	s19 =	sadd.s32 $0xFFFFFF20, s6;
	v19 =	vadd.f32 v20, v19;
	v20 =	vmul.f32 v60, v60;
	v23 =	vor.u32 v0, v22  }
0x599: {  	s21 =	sadd.s32 $0xFFFFFF30, s6;
	s10 =	sadd.s32 $0xFFFFFF70, s6;
	[tilespmem:v61+s30+$0x0] =	vst.idx.msk $0xffff, v30;
	v30 =	vand.u32 $0x3F, v27;
	v25 =	vadd.f32 v60, v16;
	v21 =	vor.u32 s19, v0;
	s19 =	simm.s32 $0x1F  }
0x59a: {  	s26 =	sadd.s32 $0xFFFFFF50, s6;
	s23 =	sadd.s32 $0xFFFFFF40, s6;
	s14 =	sadd.s32 $0xFFFFFF80, s6;
	[tilespmem:v58+s30+$0x0] =	vst.idx.msk $0xffff, v26;
	v16 =	vor.u32 s10, v0;
	v26 =	vadd.s32 s19, v0;
	v24 =	vadd.f32 v20, v19  }
0x59b: {  	[tilespmem:v62+s30+$0x0] =	vst.idx.msk $0xffff, v31;
	v20 =	vor.u32 s21, v0;
	v19 =	vor.u32 s23, v0;
	v18 =	vor.u32 s26, v0;
	s21 =	sshll.u32 s16, $0xA;
	s23 =	simm.s32 $0x11;
	s26 =	simm.s32 $0x1E  }
0x59c: {  	s18 =	simm.s32 $0x1D;
	v22 =	vmov s14;
	s16 =	simm.s32 $0x20;
	s14 =	sand.u32 $0xC00, s21;
	v31 =	vadd.s32 s23, v0;
	v27 =	vadd.s32 s26, v0;
	[tilespmem:v63+s30+$0x0] =	vst.idx.msk $0xffff, v60  }
.LBB2_22:
0x59d: {  	p1 =	slt.u32 s16, $0x30;
	v31 =	vand.u32 $0x3F, v31;
	v32 =	vor.u32 v13, v30;
	s3 =	sadd.s32 $0xB, s15;
	s10 =	sadd.s32 $0xC, s15;
	v33 =	vadd.s32 s18, v0;
	[tilespmem:v23+s30+$0x0] =	vst.idx.msk $0xffff, v14  }
0x59e: {  	s18 =	sadd.s32 $0x3, s15;
	s19 =	sadd.s32 $0xA, s15;
	v14 =	vor.u32 v13, v31;
	v23 =	vadd.s32 s3, v0;
	v34 =	vadd.s32 s10, v0  }
0x59f: {  	v31 =	vor.u32 v11, v31;
	v35 =	vadd.s32 s18, v0;
	s3 =	sadd.s32 $0x9, s15;
	v36 =	vadd.s32 s19, v0  }
0x5a0: {  	v30 =	vor.u32 v11, v30;
	s10 =	sadd.s32 $0x4, s15;
	s18 =	sadd.s32 $0x8, s15;
	v35 =	vand.u32 $0x3F, v35;
	v37 =	vadd.s32 s3, v0;
	v28 =	vld.idx.msk [tilespmem:v28+s29+$0x0], $0xffff  }
0x5a1: {  	v39 =	vadd.s32 s10, v0;
	s3 =	sadd.s32 $0x7, s15;
	v40 =	vadd.s32 s18, v0;
	v38 =	vor.u32 v13, v35;
	v29 =	vld.idx.msk [tilespmem:v29+s13+$0x0], $0xffff  }
0x5a2: {  	s10 =	sadd.s32 $0x5, s15;
	s18 =	sadd.s32 $0x6, s15;
	s15 =	smov.u32 s16;
	v35 =	vor.u32 v11, v35;
	v39 =	vand.u32 $0x3F, v39;
	v41 =	vadd.s32 s3, v0;
	v32 =	vld.idx.msk [tilespmem:v32+s29+$0x0], $0xffff  }
0x5a3: {  	v44 =	vadd.s32 s18, v0;
	v43 =	vor.u32 v13, v39;
	v42 =	vld.idx.msk [tilespmem:v14+s29+$0x0], $0xffff;
	v14 =	vadd.s32 s10, v0  }
0x5a4: {  	v26 =	vand.u32 $0x3F, v26;
	v39 =	vor.u32 v11, v39;
	v31 =	vld.idx.msk [tilespmem:v31+s13+$0x0], $0xffff;
	v14 =	vand.u32 $0x3F, v14  }
0x5a5: {  	v27 =	vand.u32 $0x3F, v27;
	v33 =	vand.u32 $0x3F, v33;
	v30 =	vld.idx.msk [tilespmem:v30+s13+$0x0], $0xffff;
	v45 =	vor.u32 v13, v14  }
0x5a6: {  	v34 =	vand.u32 $0x3F, v34;
	v44 =	vand.u32 $0x3F, v44;
	v46 =	vor.u32 v11, v14;
	v38 =	vld.idx.msk [tilespmem:v38+s29+$0x0], $0xffff  }
0x5a7: {  	v36 =	vand.u32 $0x3F, v36;
	v23 =	vand.u32 $0x3F, v23;
	v47 =	vor.u32 v13, v44;
	v35 =	vld.idx.msk [tilespmem:v35+s13+$0x0], $0xffff  }
0x5a8: {  	v41 =	vand.u32 $0x3F, v41;
	v14 =	vadd.f32 v29, v28;
	v29 =	vor.u32 v11, v44;
	v28 =	vld.idx.msk [tilespmem:v43+s29+$0x0], $0xffff  }
0x5a9: {  	v40 =	vand.u32 $0x3F, v40;
	v37 =	vand.u32 $0x3F, v37;
	v43 =	vor.u32 v13, v41;
	v39 =	vld.idx.msk [tilespmem:v39+s13+$0x0], $0xffff  }
0x5aa: {  	v44 =	vmul.f32 v14, v14;
	v41 =	vor.u32 v11, v41;
	v31 =	vadd.f32 v31, v42;
	v42 =	vld.idx.msk [tilespmem:v45+s29+$0x0], $0xffff  }
0x5ab: {  	v30 =	vadd.f32 v30, v32;
	v45 =	vor.u32 v13, v40;
	v40 =	vor.u32 v11, v40;
	v32 =	vld.idx.msk [tilespmem:v46+s13+$0x0], $0xffff  }
0x5ac: {  	v25 =	vadd.f32 v14, v25;
	v24 =	vadd.f32 v44, v24;
	v44 =	vmul.f32 v31, v31;
	v46 =	vld.idx.msk [tilespmem:v47+s29+$0x0], $0xffff  }
0x5ad: {  	v35 =	vadd.f32 v35, v38;
	v38 =	vor.u32 v13, v37;
	v37 =	vor.u32 v11, v37;
	v29 =	vld.idx.msk [tilespmem:v29+s13+$0x0], $0xffff  }
0x5ae: {  	v25 =	vadd.f32 v31, v25;
	v24 =	vadd.f32 v44, v24;
	v44 =	vmul.f32 v30, v30;
	v43 =	vld.idx.msk [tilespmem:v43+s29+$0x0], $0xffff  }
0x5af: {  	v28 =	vadd.f32 v39, v28;
	v39 =	vld.idx.msk [tilespmem:v41+s13+$0x0], $0xffff;
	v41 =	vor.u32 v13, v36;
	v36 =	vor.u32 v11, v36  }
0x5b0: {  	v25 =	vadd.f32 v30, v25;
	v24 =	vadd.f32 v44, v24;
	v44 =	vmul.f32 v35, v35;
	v45 =	vld.idx.msk [tilespmem:v45+s29+$0x0], $0xffff  }
0x5b1: {  	v32 =	vadd.f32 v32, v42;
	v42 =	vor.u32 v13, v23;
	v23 =	vor.u32 v11, v23;
	v40 =	vld.idx.msk [tilespmem:v40+s13+$0x0], $0xffff  }
0x5b2: {  	v25 =	vadd.f32 v35, v25;
	v24 =	vadd.f32 v44, v24;
	v44 =	vmul.f32 v28, v28;
	v38 =	vld.idx.msk [tilespmem:v38+s29+$0x0], $0xffff  }
0x5b3: {  	v29 =	vadd.f32 v29, v46;
	v46 =	vor.u32 v13, v34;
	v34 =	vor.u32 v11, v34;
	v37 =	vld.idx.msk [tilespmem:v37+s13+$0x0], $0xffff  }
0x5b4: {  	v25 =	vadd.f32 v28, v25;
	v24 =	vadd.f32 v44, v24;
	v44 =	vmul.f32 v32, v32;
	v41 =	vld.idx.msk [tilespmem:v41+s29+$0x0], $0xffff  }
0x5b5: {  	v39 =	vadd.f32 v39, v43;
	v43 =	vor.u32 v13, v33;
	v33 =	vor.u32 v11, v33;
	v36 =	vld.idx.msk [tilespmem:v36+s13+$0x0], $0xffff  }
0x5b6: {  	v25 =	vadd.f32 v32, v25;
	v24 =	vadd.f32 v44, v24;
	v44 =	vmul.f32 v29, v29;
	v42 =	vld.idx.msk [tilespmem:v42+s29+$0x0], $0xffff  }
0x5b7: {  	v40 =	vadd.f32 v40, v45;
	v45 =	vor.u32 v13, v27;
	v27 =	vor.u32 v11, v27;
	v23 =	vld.idx.msk [tilespmem:v23+s13+$0x0], $0xffff  }
0x5b8: {  	v25 =	vadd.f32 v29, v25;
	v24 =	vadd.f32 v44, v24;
	v44 =	vmul.f32 v39, v39;
	v46 =	vld.idx.msk [tilespmem:v46+s29+$0x0], $0xffff  }
0x5b9: {  	v37 =	vadd.f32 v37, v38;
	v38 =	vor.u32 v13, v26;
	v26 =	vor.u32 v11, v26;
	v34 =	vld.idx.msk [tilespmem:v34+s13+$0x0], $0xffff  }
0x5ba: {  	s3 =	sadd.s32 $0xFFFFFF90, s6;
	v25 =	vadd.f32 v39, v25;
	v24 =	vadd.f32 v44, v24;
	v44 =	vmul.f32 v40, v40;
	v43 =	vld.idx.msk [tilespmem:v43+s29+$0x0], $0xffff  }
0x5bb: {  	[tilespmem:v21+s30+$0x0] =	vst.idx.msk $0xffff, v31;
	v21 =	vshrl.u32 v22, $0x7;
	v22 =	vor.u32 s3, v0;
	v31 =	vadd.f32 v36, v41;
	v33 =	vld.idx.msk [tilespmem:v33+s13+$0x0], $0xffff  }
0x5bc: {  	v25 =	vadd.f32 v40, v25;
	v24 =	vadd.f32 v44, v24;
	v36 =	vmul.f32 v37, v37;
	v41 =	vld.idx.msk [tilespmem:v45+s29+$0x0], $0xffff  }
0x5bd: {  	[tilespmem:v20+s30+$0x0] =	vst.idx.msk $0xffff, v30;
	v20 =	vshll.u32 v21, v1;
	v30 =	vadd.f32 v23, v42;
	v21 =	vld.idx.msk [tilespmem:v27+s13+$0x0], $0xffff;
	v23 =	vmov s6  }
0x5be: {  	s3 =	sadd.s32 $0xFFFFFFA0, s6;
	v25 =	vadd.f32 v37, v25;
	v24 =	vadd.f32 v36, v24;
	v27 =	vmul.f32 v31, v31;
	v36 =	vld.idx.msk [tilespmem:v38+s29+$0x0], $0xffff  }
0x5bf: {  	v34 =	vadd.f32 v34, v46;
	[tilespmem:v19+s30+$0x0] =	vst.idx.msk $0xffff, v35;
	v19 =	vbroadcast v20, $0x0;
	v20 =	vor.u32 s3, v0;
	v26 =	vld.idx.msk [tilespmem:v26+s13+$0x0], $0xffff  }
0x5c0: {  	v25 =	vadd.f32 v31, v25;
	s3 =	sadd.s32 $0xFFFFFFB0, s6;
	v24 =	vadd.f32 v27, v24;
	v27 =	vmul.f32 v30, v30  }
0x5c1: {  	v33 =	vadd.f32 v33, v43;
	[tilespmem:v18+s30+$0x0] =	vst.idx.msk $0xffff, v28;
	v18 =	vor.u32 v2, v19;
	v19 =	vor.u32 s3, v0  }
0x5c2: {  	s10 =	sadd.s32 $0xFFFFFFD0, s6;
	v25 =	vadd.f32 v30, v25;
	s3 =	sadd.s32 $0xFFFFFFC0, s6;
	v24 =	vadd.f32 v27, v24;
	v27 =	vmul.f32 v34, v34  }
0x5c3: {  	v28 =	vor.u32 s10, v0;
	[tilespmem:v17+s30+$0x0] =	vst.idx.msk $0xffff, v32;
	v17 =	vor.u32 s3, v0;
	v32 =	vadd.f32 v21, v41  }
0x5c4: {  	s3 =	sadd.s32 $0xFFFFFF10, s6;
	v21 =	vadd.f32 v34, v25;
	v24 =	vadd.f32 v27, v24;
	v25 =	vmul.f32 v33, v33  }
0x5c5: {  	v27 =	vmov s3;
	v35 =	vadd.f32 v26, v36;
	[tilespmem:v16+s30+$0x0] =	vst.idx.msk $0xffff, v29;
	v16 =	vshrl.u32 v23, $0x7  }
0x5c6: {  	s3 =	sadd.s32 $0xFFFFFFE0, s6;
	v21 =	vadd.f32 v33, v21;
	v23 =	vadd.f32 v25, v24;
	v24 =	vmul.f32 v32, v32  }
0x5c7: {  	v25 =	vshrl.u32 v27, $0x7;
	v26 =	vor.u32 s3, v0;
	v16 =	vshll.u32 v16, v1;
	[tilespmem:v18+s30+$0x0] =	vst.idx.msk $0xffff, v39  }
0x5c8: {  	s3 =	sadd.s32 $0xFFFFFFF0, s6;
	v18 =	vadd.f32 v32, v21;
	v21 =	vadd.f32 v24, v23;
	v23 =	vmul.f32 v35, v35  }
0x5c9: {  	v27 =	vor.u32 s3, v0;
	v24 =	vshll.u32 v25, v1;
	v16 =	vbroadcast v16, $0x0;
	[tilespmem:v22+s30+$0x0] =	vst.idx.msk $0xffff, v40  }
0x5ca: {  	s6 =	sadd.s32 $0x100, s6;
	v22 =	vbroadcast v24, $0x0;
	v25 =	vadd.f32 v35, v18;
	v24 =	vadd.f32 v23, v21;
	[tilespmem:v20+s30+$0x0] =	vst.idx.msk $0xffff, v37  }
0x5cb: {  	s3 =	sadd.s32 $0xFFFFFF20, s6;
	s10 =	sadd.s32 $0xFFFFFF30, s6;
	s18 =	sadd.s32 $0xFFFFFF60, s6;
	v36 =	vor.u32 v2, v16;
	[tilespmem:v19+s30+$0x0] =	vst.idx.msk $0xffff, v31  }
.Ltmp14:
0x5cc: {  	v21 =	vor.u32 s3, v0;
	s3 =	sadd.s32 $0xFFFFFF40, s6;
	v20 =	vor.u32 s10, v0;
	s10 =	sadd.s32 $0xFFFFFF50, s6;
	v23 =	vor.u32 v0, v22;
	[tilespmem:v17+s30+$0x0] =	vst.idx.msk $0xffff, v30;
	(pc) =	sbr.rel @p1 .LBB2_22-.Ltmp14, $4  }
0x5cd: {  	v19 =	vor.u32 s3, v0;
	v18 =	vor.u32 s10, v0;
	s3 =	sadd.s32 $0xFFFFFF70, s6;
	s10 =	sadd.s32 $0xFFFFFF80, s6;
	v17 =	vor.u32 s18, v0;
	[tilespmem:v28+s30+$0x0] =	vst.idx.msk $0xffff, v34  }
0x5ce: {  	s18 =	sadd.s32 $0x2, s16;
	v16 =	vor.u32 s3, v0;
	v22 =	vmov s10;
	s3 =	sadd.s32 $0xF, s16;
	v28 =	vor.u32 s16, v15;
	[tilespmem:v26+s30+$0x0] =	vst.idx.msk $0xffff, v33  }
0x5cf: {  	s19 =	sadd.s32 $0xE, s16;
	v29 =	vor.u32 s16, v12;
	s10 =	sadd.s32 $0x1, s16;
	v30 =	vadd.s32 s18, v0;
	v26 =	vadd.s32 s3, v0;
	[tilespmem:v27+s30+$0x0] =	vst.idx.msk $0xffff, v32  }
0x5d0: {  	v31 =	vadd.s32 s10, v0;
	s18 =	sadd.s32 $0xD, s15;
	s16 =	sadd.s32 $0x10, s16;
	v30 =	vand.u32 $0x3F, v30;
	v27 =	vadd.s32 s19, v0;
	[tilespmem:v36+s30+$0x0] =	vst.idx.msk $0xffff, v35  }
0x5d1: {  	v12 =	vand.u32 $0x3F, v31;
	v15 =	vor.u32 v13, v30;
	v31 =	vadd.s32 s18, v0  }
0x5d2: {  	s3 =	sadd.s32 $0xB, s15;
	s10 =	sadd.s32 $0xC, s15;
	v30 =	vor.u32 v11, v30;
	v45 =	vand.u32 $0x3F, v26;
	v46 =	vand.u32 $0x3F, v27  }
0x5d3: {  	s16 =	sadd.s32 $0x3, s15;
	s19 =	sadd.s32 $0xA, s15;
	v32 =	vor.u32 v13, v12;
	v33 =	vadd.s32 s3, v0;
	v34 =	vadd.s32 s10, v0  }
0x5d4: {  	s21 =	sadd.s32 $0x9, s15;
	s23 =	sadd.s32 $0x4, s15;
	v12 =	vor.u32 v11, v12;
	v35 =	vadd.s32 s16, v0;
	v36 =	vadd.s32 s19, v0  }
0x5d5: {  	s26 =	sadd.s32 $0x8, s15;
	v28 =	vld.idx.msk [tilespmem:v28+s29+$0x0], $0xffff;
	s18 =	sadd.s32 $0x6, s15;
	v37 =	vadd.s32 s21, v0;
	v39 =	vadd.s32 s23, v0;
	v35 =	vand.u32 $0x3F, v35  }
0x5d6: {  	v29 =	vld.idx.msk [tilespmem:v29+s13+$0x0], $0xffff;
	s10 =	sadd.s32 $0x7, s15;
	v40 =	vadd.s32 s26, v0;
	v44 =	vadd.s32 s18, v0;
	v38 =	vor.u32 v13, v35  }
0x5d7: {  	s16 =	sadd.s32 $0x5, s15;
	v39 =	vand.u32 $0x3F, v39;
	v41 =	vadd.s32 s10, v0;
	v35 =	vor.u32 v11, v35;
	v42 =	vld.idx.msk [tilespmem:v15+s29+$0x0], $0xffff  }
0x5d8: {  	v27 =	vand.u32 $0x3F, v44;
	v43 =	vor.u32 v13, v39;
	v15 =	vadd.s32 s16, v0;
	v32 =	vld.idx.msk [tilespmem:v32+s29+$0x0], $0xffff  }
0x5d9: {  	v34 =	vand.u32 $0x3F, v34;
	v39 =	vor.u32 v11, v39;
	v15 =	vand.u32 $0x3F, v15;
	v12 =	vld.idx.msk [tilespmem:v12+s13+$0x0], $0xffff  }
0x5da: {  	v36 =	vand.u32 $0x3F, v36;
	v33 =	vand.u32 $0x3F, v33;
	v30 =	vld.idx.msk [tilespmem:v30+s13+$0x0], $0xffff;
	v26 =	vor.u32 v13, v15  }
0x5db: {  	v40 =	vand.u32 $0x3F, v40;
	v37 =	vand.u32 $0x3F, v37;
	v47 =	vor.u32 v11, v15;
	v38 =	vld.idx.msk [tilespmem:v38+s29+$0x0], $0xffff  }
0x5dc: {  	v44 =	vor.u32 v13, v27;
	v15 =	vadd.f32 v29, v28;
	v29 =	vand.u32 $0x3F, v41;
	v35 =	vld.idx.msk [tilespmem:v35+s13+$0x0], $0xffff  }
0x5dd: {  	v57 =	vor.u32 v13, v37;
	v28 =	vor.u32 v11, v27;
	v52 =	vld.idx.msk [tilespmem:v43+s29+$0x0], $0xffff;
	v53 =	vor.u32 v13, v29  }
0x5de: {  	v39 =	vld.idx.msk [tilespmem:v39+s13+$0x0], $0xffff;
	v48 =	vmul.f32 v15, v15;
	v27 =	vadd.f32 v12, v32;
	v12 =	vadd.f32 v15, v25  }
0x5df: {  	v29 =	vor.u32 v11, v29;
	v25 =	vadd.f32 v30, v42;
	v30 =	vor.u32 v13, v40;
	v54 =	vld.idx.msk [tilespmem:v26+s29+$0x0], $0xffff  }
0x5e0: {  	v55 =	vld.idx.msk [tilespmem:v47+s13+$0x0], $0xffff;
	v26 =	vadd.f32 v48, v24;
	v56 =	vmul.f32 v27, v27;
	v12 =	vadd.f32 v27, v12  }
0x5e1: {  	v37 =	vor.u32 v11, v37;
	v44 =	vld.idx.msk [tilespmem:v44+s29+$0x0], $0xffff;
	v40 =	vor.u32 v11, v40;
	v24 =	vadd.f32 v35, v38  }
0x5e2: {  	v58 =	vld.idx.msk [tilespmem:v28+s13+$0x0], $0xffff;
	v59 =	vmul.f32 v25, v25;
	v28 =	vadd.f32 v56, v26;
	v12 =	vadd.f32 v25, v12  }
0x5e3: {  	v60 =	vor.u32 v13, v36;
	v36 =	vor.u32 v11, v36;
	v43 =	vld.idx.msk [tilespmem:v53+s29+$0x0], $0xffff;
	v26 =	vadd.f32 v39, v52  }
0x5e4: {  	v61 =	vld.idx.msk [tilespmem:v29+s13+$0x0], $0xffff;
	v62 =	vmul.f32 v24, v24;
	v29 =	vadd.f32 v59, v28;
	v12 =	vadd.f32 v24, v12  }
0x5e5: {  	v51 =	vor.u32 v13, v33;
	v33 =	vor.u32 v11, v33;
	v63 =	vld.idx.msk [tilespmem:v30+s29+$0x0], $0xffff;
	v28 =	vadd.f32 v55, v54  }
0x5e6: {  	v40 =	vld.idx.msk [tilespmem:v40+s13+$0x0], $0xffff;
	v52 =	vmul.f32 v26, v26;
	v30 =	vadd.f32 v62, v29;
	v12 =	vadd.f32 v26, v12  }
0x5e7: {  	v31 =	vand.u32 $0x3F, v31;
	v37 =	vld.idx.msk [tilespmem:v37+s13+$0x0], $0xffff;
	v53 =	vor.u32 v13, v34;
	v29 =	vadd.f32 v58, v44  }
0x5e8: {  	v35 =	vld.idx.msk [tilespmem:v57+s29+$0x0], $0xffff;
	v54 =	vmul.f32 v28, v28;
	v42 =	vadd.f32 v52, v30;
	v12 =	vadd.f32 v28, v12  }
0x5e9: {  	v36 =	vld.idx.msk [tilespmem:v36+s13+$0x0], $0xffff;
	v34 =	vor.u32 v11, v34;
	v57 =	vor.u32 v11, v31;
	v30 =	vadd.f32 v61, v43  }
0x5ea: {  	v39 =	vld.idx.msk [tilespmem:v60+s29+$0x0], $0xffff;
	v56 =	vmul.f32 v29, v29;
	v42 =	vadd.f32 v54, v42;
	v12 =	vadd.f32 v29, v12  }
0x5eb: {  	v33 =	vld.idx.msk [tilespmem:v33+s13+$0x0], $0xffff;
	v55 =	vor.u32 v13, v31;
	v59 =	vor.u32 v13, v46;
	v31 =	vadd.f32 v40, v63  }
0x5ec: {  	v58 =	vld.idx.msk [tilespmem:v51+s29+$0x0], $0xffff;
	v60 =	vmul.f32 v30, v30;
	v42 =	vadd.f32 v56, v42;
	v12 =	vadd.f32 v30, v12  }
0x5ed: {  	v46 =	vor.u32 v11, v46;
	v13 =	vor.u32 v13, v45;
	v38 =	vld.idx.msk [tilespmem:v53+s29+$0x0], $0xffff;
	v32 =	vadd.f32 v37, v35  }
0x5ee: {  	v34 =	vld.idx.msk [tilespmem:v34+s13+$0x0], $0xffff;
	v62 =	vmul.f32 v31, v31;
	v61 =	vadd.f32 v60, v42;
	v12 =	vadd.f32 v31, v12  }
0x5ef: {  	v11 =	vor.u32 v11, v45;
	v35 =	vadd.f32 v36, v39;
	v63 =	vld.idx.msk [tilespmem:v57+s13+$0x0], $0xffff  }
0x5f0: {  	v45 =	vmul.f32 v32, v32;
	v41 =	vld.idx.msk [tilespmem:v55+s29+$0x0], $0xffff;
	v37 =	vadd.f32 v62, v61;
	v12 =	vadd.f32 v32, v12  }
0x5f1: {  	v40 =	vld.idx.msk [tilespmem:v59+s29+$0x0], $0xffff;
	v36 =	vadd.f32 v33, v58  }
0x5f2: {  	v46 =	vld.idx.msk [tilespmem:v46+s13+$0x0], $0xffff;
	v47 =	vmul.f32 v35, v35;
	v42 =	vadd.f32 v45, v37;
	v12 =	vadd.f32 v35, v12  }
0x5f3: {  	v13 =	vld.idx.msk [tilespmem:v13+s29+$0x0], $0xffff;
	v37 =	vadd.f32 v34, v38  }
0x5f4: {  	v11 =	vld.idx.msk [tilespmem:v11+s13+$0x0], $0xffff;
	v49 =	vmul.f32 v36, v36;
	v48 =	vadd.f32 v47, v42;
	v12 =	vadd.f32 v36, v12  }
0x5f5: {  	v38 =	vadd.f32 v63, v41  }
0x5f6: {  	v51 =	vmul.f32 v37, v37;
	v50 =	vadd.f32 v49, v48;
	v12 =	vadd.f32 v37, v12  }
0x5f7: {  	v34 =	vadd.f32 v46, v40  }
0x5f8: {  	v52 =	vmul.f32 v38, v38;
	v39 =	vadd.f32 v51, v50;
	v12 =	vadd.f32 v38, v12  }
0x5f9: {  	v22 =	vshrl.u32 v22, $0x7;
	v33 =	vadd.f32 v11, v13  }
0x5fa: {  	v13 =	vmul.f32 v34, v34;
	v11 =	vadd.f32 v52, v39;
	v12 =	vadd.f32 v34, v12  }
0x5fb: {  	v22 =	vshll.u32 v22, v1  }
0x5fc: {  	v11 =	vadd.f32 v13, v11;
	v13 =	vmul.f32 v33, v33;
	v12 =	vadd.f32 v33, v12  }
0x5fd: {  	v22 =	vbroadcast v22, $0x0  }
0x5fe: {  	v11 =	vadd.f32 v13, v11;
	v12 =	vmul.f32 $1.562500000e-02, v12  }
0x5ff: {  	v22 =	vor.u32 v2, v22  }
0x600: {  	[tilespmem:v23+s30+$0x0] =	vst.idx.msk $0xffff, v14;
	v14 =	vmov s14;
	s21 =	sadd.s32 $0xFFFFFFA0, s6;
	s26 =	sadd.s32 $0xFFFFFF10, s6;
	s10 =	simm.s32 $0x5;
	v11 =	vmul.f32 $1.562500000e-02, v11;
	v13 =	vmul.f32 v12, v12  }
0x601: {  	s16 =	sadd.s32 $0xFFFFFFD0, s6;
	[tilespmem:v20+s30+$0x0] =	vst.idx.msk $0xffff, v25;
	v25 =	vmov s10;
	v57 =	vmov s26;
	v55 =	vor.u32 s21, v0  }
0x602: {  	v43 =	vshrl.u32 v57, $0x7;
	v59 =	vor.u32 s16, v0;
	s16 =	simm.s32 $0x8;
	v11 =	vsub.f32 v11, v13  }
0x603: {  	s15 =	sadd.s32 $0xFFFFFFC0, s6;
	[tilespmem:v19+s30+$0x0] =	vst.idx.msk $0xffff, v24;
	v54 =	vmov s6;
	v43 =	vshll.u32 v43, v1;
	v24 =	vmov s16  }
0x604: {  	[tilespmem:v22+s30+$0x0] =	vst.idx.msk $0xffff, v30;
	v22 =	vshll.u32 v25, $0x4;
	v58 =	vor.u32 s15, v0;
	v11 =	vadd.f32 $9.999999960e-13, v11  }
0x605: {  	s23 =	sadd.s32 $0xFFFFFFB0, s6;
	v43 =	vbroadcast v43, $0x0;
	v24 =	vshll.u32 v24, $0x4;
	v22 =	vadd.s32 v10, v22  }
0x606: {  	s15 =	simm.s32 $0x7;
	v56 =	vor.u32 s23, v0;
	v13 =	vshra.s32 v11, $0x1;
	v11 =	vmul.f32 $5.000000000e-01, v11  }
0x607: {  	v19 =	vmov s15;
	v24 =	vadd.s32 v10, v24;
	v13 =	vsub.s32 $0x5F3759DF, v13  }
0x608: {  	s23 =	simm.s32 $0x2;
	v22 =	vor.u32 v0, v22;
	v43 =	vor.u32 v0, v43;
	v53 =	vmul.f32 v13, v11  }
0x609: {  	s18 =	sadd.s32 $0xFFFFFFE0, s6;
	[tilespmem:v21+s30+$0x0] =	vst.idx.msk $0xffff, v27;
	v27 =	vmov s23;
	v19 =	vshll.u32 v19, $0x4;
	v22 =	vand.u32 $0x3FF, v22  }
0x60a: {  	s23 =	simm.s32 $0xD;
	v24 =	vor.u32 v0, v24;
	v60 =	vor.u32 s18, v0;
	v39 =	vmul.f32 v13, v53  }
0x60b: {  	[tilespmem:v17+s30+$0x0] =	vst.idx.msk $0xffff, v28;
	v17 =	vmov s23;
	v19 =	vadd.s32 v10, v19;
	v22 =	vor.u32 v14, v22  }
0x60c: {  	s21 =	simm.s32 $0x0;
	v24 =	vand.u32 $0x3FF, v24;
	v17 =	vshll.u32 v17, $0x4;
	v39 =	vsub.f32 $1.500000000e+00, v39  }
0x60d: {  	v19 =	vor.u32 v0, v19;
	v24 =	vor.u32 v14, v24;
	v62 =	vmov s21  }
0x60e: {  	s21 =	simm.s32 $0xB;
	v17 =	vadd.s32 v10, v17;
	v19 =	vand.u32 $0x3FF, v19;
	v13 =	vmul.f32 v13, v39  }
0x60f: {  	[tilespmem:v18+s30+$0x0] =	vst.idx.msk $0xffff, v26;
	v23 =	vshll.u32 v62, $0x4;
	v26 =	vmov s21;
	v19 =	vor.u32 v14, v19  }
0x610: {  	s26 =	simm.s32 $0x3;
	v17 =	vor.u32 v0, v17;
	v40 =	vshrl.u32 v54, $0x7;
	v39 =	vmul.f32 v13, v11  }
0x611: {  	v63 =	vmov s26;
	v23 =	vadd.s32 v10, v23;
	v26 =	vshll.u32 v26, $0x4  }
0x612: {  	v40 =	vshll.u32 v40, v1;
	v23 =	vor.u32 v0, v23;
	v39 =	vmul.f32 v39, v13  }
0x613: {  	v26 =	vadd.s32 v10, v26;
	v40 =	vbroadcast v40, $0x0;
	v23 =	vand.u32 $0x3FF, v23  }
0x614: {  	s14 =	simm.s32 $0x6;
	v26 =	vor.u32 v0, v26;
	v23 =	vor.u32 v14, v23;
	v39 =	vsub.f32 $1.500000000e+00, v39  }
0x615: {  	[tilespmem:v16+s30+$0x0] =	vst.idx.msk $0xffff, v29;
	v26 =	vand.u32 $0x3FF, v26;
	v40 =	vor.u32 v2, v40;
	v49 =	vmov s14  }
0x616: {  	s19 =	sadd.s32 $0xFFFFFF90, s6;
	s18 =	simm.s32 $0x9;
	[tilespmem:v55+s30+$0x0] =	vst.idx.msk $0xffff, v32;
	v26 =	vor.u32 v14, v26;
	v25 =	vshll.u32 v49, $0x4;
	v13 =	vmul.f32 v39, v13  }
0x617: {  	[tilespmem:v58+s30+$0x0] =	vst.idx.msk $0xffff, v36;
	v50 =	vmov s18;
	v25 =	vadd.s32 v10, v25;
	v39 =	vor.u32 s19, v0;
	s19 =	sadd.s32 $0xFFFFFFF0, s6;
	s6 =	simm.s32 $0x4  }
0x618: {  	[tilespmem:v56+s30+$0x0] =	vst.idx.msk $0xffff, v35;
	v61 =	vor.u32 s19, v0;
	v20 =	vmov s6;
	s19 =	simm.s32 $0xA;
	v11 =	vmul.f32 v13, v11  }
0x619: {  	[tilespmem:v43+s30+$0x0] =	vst.idx.msk $0xffff, v15;
	v29 =	vshll.u32 v50, $0x4;
	v18 =	vmov s19;
	v20 =	vshll.u32 v20, $0x4  }
0x61a: {  	[tilespmem:v59+s30+$0x0] =	vst.idx.msk $0xffff, v37;
	v18 =	vshll.u32 v18, $0x4;
	v20 =	vadd.s32 v10, v20;
	v11 =	vmul.f32 v11, v13  }
0x61b: {  	v29 =	vadd.s32 v10, v29;
	v18 =	vadd.s32 v10, v18;
	v20 =	vor.u32 v0, v20  }
0x61c: {  	[tilespmem:v60+s30+$0x0] =	vst.idx.msk $0xffff, v38;
	v15 =	vand.u32 $0x3FF, v20;
	v20 =	vor.u32 v0, v25;
	v11 =	vsub.f32 $1.500000000e+00, v11  }
0x61d: {  	v25 =	vor.u32 v0, v29;
	v18 =	vor.u32 v0, v18;
	v15 =	vor.u32 v14, v15  }
0x61e: {  	[tilespmem:v40+s30+$0x0] =	vst.idx.msk $0xffff, v33;
	v20 =	vand.u32 $0x3FF, v20;
	v13 =	vmul.f32 v11, v13;
	v11 =	vor.u32 s22, v0;
	s22 =	simm.s32 $0x1  }
0x61f: {  	[tilespmem:v39+s30+$0x0] =	vst.idx.msk $0xffff, v31;
	v25 =	vand.u32 $0x3FF, v25;
	v20 =	vor.u32 v14, v20;
	v21 =	vmov s22;
	s22 =	simm.s32 $0xC  }
0x620: {  	[tilespmem:v61+s30+$0x0] =	vst.idx.msk $0xffff, v34;
	v25 =	vor.u32 v14, v25;
	v51 =	vmov s22;
	v16 =	vshll.u32 v21, $0x4  }
0x621: {  	v23 =	vld.idx.msk [tilespmem:v23+s30+$0x0], $0xffff;
	v21 =	vshll.u32 v27, $0x4;
	v27 =	vshll.u32 v63, $0x4;
	v16 =	vadd.s32 v10, v16  }
0x622: {  	v22 =	vld.idx.msk [tilespmem:v22+s30+$0x0], $0xffff;
	v21 =	vadd.s32 v10, v21;
	v27 =	vadd.s32 v10, v27;
	v30 =	vshll.u32 v51, $0x4  }
0x623: {  	v29 =	vld.idx.msk [tilespmem:v15+s30+$0x0], $0xffff;
	v15 =	vand.u32 $0x3FF, v18;
	v30 =	vadd.s32 v10, v30;
	v16 =	vor.u32 v0, v16  }
0x624: {  	v19 =	vld.idx.msk [tilespmem:v19+s30+$0x0], $0xffff;
	v21 =	vor.u32 v0, v21;
	v15 =	vor.u32 v14, v15;
	v16 =	vand.u32 $0x3FF, v16  }
0x625: {  	v24 =	vld.idx.msk [tilespmem:v24+s30+$0x0], $0xffff;
	v27 =	vor.u32 v0, v27;
	v21 =	vand.u32 $0x3FF, v21;
	v16 =	vor.u32 v14, v16  }
0x626: {  	s6 =	simm.s32 $0xF;
	v26 =	vld.idx.msk [tilespmem:v26+s30+$0x0], $0xffff;
	v27 =	vand.u32 $0x3FF, v27;
	v18 =	vor.u32 v0, v30;
	v21 =	vor.u32 v14, v21  }
0x627: {  	v20 =	vld.idx.msk [tilespmem:v20+s30+$0x0], $0xffff;
	v30 =	vmov s6;
	v27 =	vor.u32 v14, v27;
	v18 =	vand.u32 $0x3FF, v18  }
0x628: {  	s26 =	simm.s32 $0xE;
	v17 =	vand.u32 $0x3FF, v17;
	v25 =	vld.idx.msk [tilespmem:v25+s30+$0x0], $0xffff;
	v30 =	vshll.u32 v30, $0x4;
	v18 =	vor.u32 v14, v18  }
0x629: {  	v28 =	vmov s26;
	v17 =	vor.u32 v14, v17;
	v30 =	vadd.s32 v10, v30;
	v32 =	vld.idx.msk [tilespmem:v15+s30+$0x0], $0xffff  }
0x62a: {  	s10 =	simm.s32 $0x10;
	v28 =	vshll.u32 v28, $0x4;
	v30 =	vor.u32 v0, v30;
	v16 =	vld.idx.msk [tilespmem:v16+s30+$0x0], $0xffff  }
0x62b: {  	v28 =	vadd.s32 v10, v28;
	v31 =	vmov s10;
	v15 =	vand.u32 $0x3FF, v30;
	v21 =	vld.idx.msk [tilespmem:v21+s30+$0x0], $0xffff  }
0x62c: {  	v28 =	vor.u32 v0, v28;
	v30 =	vor.u32 v14, v15;
	v15 =	vshll.u32 v31, $0x4;
	v27 =	vld.idx.msk [tilespmem:v27+s30+$0x0], $0xffff  }
0x62d: {  	v28 =	vand.u32 $0x3FF, v28;
	v18 =	vld.idx.msk [tilespmem:v18+s30+$0x0], $0xffff;
	[tilespmem:$0x1FF40] =	vst v15  }
0x62e: {  	v28 =	vor.u32 v14, v28;
	v17 =	vld.idx.msk [tilespmem:v17+s30+$0x0], $0xffff;
	_ =	sdelay $0x1  }
0x62f: {  	s14 =	simm.s32 $0x11  }
0x630: {  	s18 =	simm.s32 $0x400;
	v15 =	vmov s14  }
0x631: {  	s15 =	simm.s32 $0x12;
	v37 =	vadd.s32 s18, v8;
	v56 =	vadd.s32 s18, v9;
	[tilespmem:$0x1FF50] =	vst v15;
	v18 =	vsub.f32 v18, v12  }
0x632: {  	s16 =	simm.s32 $0x13;
	v44 =	vadd.s32 s18, v5;
	v28 =	vld.idx.msk [tilespmem:v28+s30+$0x0], $0xffff;
	v55 =	vsub.f32 v17, v12;
	v17 =	vmov s15  }
0x633: {  	v38 =	vbroadcast v56, $0x0;
	s19 =	sadd.s32 $0x400, s12;
	v30 =	vld.idx.msk [tilespmem:v30+s30+$0x0], $0xffff;
	[tilespmem:$0x1FF70] =	vst v17;
	v34 =	vmul.f32 v18, v13;
	v18 =	vmov s16  }
0x634: {  	v45 =	vadd.s32 s18, v3;
	v37 =	vbroadcast v37, $0x0;
	v44 =	vbroadcast v44, $0x0;
	s21 =	sadd.s32 $0xFFFFFC00, s19;
	s6 =	simm.s32 $0x1C880;
	[tilespmem:$0x1FF80] =	vst v18  }
0x635: {  	v45 =	vbroadcast v45, $0x0;
	v40 =	vadd.s32 s18, v6;
	v57 =	vmov s21;
	v35 =	vld [tilespmem:s6+$0x70]  }
0x636: {  	v40 =	vbroadcast v40, $0x0;
	v39 =	vadd.s32 s18, v7;
	v58 =	vadd.s32 $0x80, v57;
	s14 =	simm.s32 $0x1CC80;
	v36 =	vld [tilespmem:s6+$0xFFFFFF80]  }
0x637: {  	v47 =	vadd.s32 $0x100, v57;
	v60 =	vadd.s32 $0x180, v57;
	v42 =	vadd.s32 $0x380, v57;
	v41 =	vld [tilespmem:s14+$0x70]  }
0x638: {  	v61 =	vadd.s32 $0x200, v57;
	v42 =	vbroadcast v42, $0x0;
	v18 =	vor.u32 v11, v38;
	v43 =	vld [tilespmem:s6+$0xFFFFFF90]  }
0x639: {  	v39 =	vbroadcast v39, $0x0;
	v61 =	vbroadcast v61, $0x0;
	v63 =	vadd.s32 $0x280, v57;
	v46 =	vld [tilespmem:s6+$0xFFFFFFA0];
	[tilespmem:$0x1FF60] =	vst v18  }
0x63a: {  	v51 =	vadd.s32 $0x300, v57;
	v23 =	vsub.f32 v23, v12;
	v29 =	vsub.f32 v29, v12;
	v59 =	vld [tilespmem:s6+$0xFFFFFFB0]  }
0x63b: {  	v57 =	vbroadcast v58, $0x0;
	v20 =	vsub.f32 v20, v12;
	v21 =	vsub.f32 v21, v12;
	v62 =	vld [tilespmem:s6+$0xFFFFFFC0]  }
0x63c: {  	v23 =	vmul.f32 v23, v13;
	v29 =	vmul.f32 v29, v13;
	v27 =	vsub.f32 v27, v12;
	v52 =	vld [tilespmem:s6+$0xFFFFFFD0]  }
0x63d: {  	v20 =	vmul.f32 v20, v13;
	v21 =	vmul.f32 v21, v13;
	v58 =	vld [tilespmem:s6+$0xFFFFFFE0]  }
0x63e: {  	v53 =	vadd.s32 s18, v4;
	v27 =	vmul.f32 v27, v13;
	v33 =	vmul.f32 v55, v13;
	v56 =	vld [tilespmem:s6+$0xFFFFFFF0]  }
0x63f: {  	v30 =	vsub.f32 v30, v12;
	v23 =	vmul.f32 v23, v36;
	v36 =	vbroadcast v63, $0x0;
	v63 =	vld [tilespmem:s6+$0x20]  }
0x640: {  	v18 =	vor.u32 v11, v61;
	v27 =	vmul.f32 v27, v59;
	v59 =	vbroadcast v60, $0x0;
	v60 =	vld [tilespmem:s6+$0x0]  }
0x641: {  	v22 =	vsub.f32 v22, v12;
	v30 =	vmul.f32 v30, v13;
	v29 =	vmul.f32 v29, v62;
	v62 =	vld [tilespmem:s6+$0x10];
	[tilespmem:$0x1FF90] =	vst v18  }
0x642: {  	v42 =	vor.u32 v11, v42;
	v55 =	vbroadcast v47, $0x0;
	v20 =	vmul.f32 v20, v58;
	v58 =	vld [tilespmem:s6+$0x30]  }
0x643: {  	v37 =	vor.u32 v11, v37;
	v22 =	vmul.f32 v22, v13;
	v30 =	vmul.f32 v30, v35;
	v61 =	vld [tilespmem:s6+$0x60]  }
0x644: {  	v32 =	vsub.f32 v32, v12;
	v21 =	vmul.f32 v21, v46;
	v46 =	vor.u32 v11, v55;
	v55 =	vld [tilespmem:s14+$0xFFFFFF80]  }
0x645: {  	v38 =	vadd.f32 v30, v41;
	v41 =	vor.u32 v11, v57;
	v57 =	vbroadcast v51, $0x0;
	v51 =	vld [tilespmem:s14+$0xFFFFFFA0]  }
0x646: {  	v39 =	vor.u32 v11, v39;
	v24 =	vsub.f32 v24, v12;
	v26 =	vsub.f32 v26, v12;
	v49 =	vld [tilespmem:s14+$0xFFFFFFC0]  }
0x647: {  	v25 =	vsub.f32 v25, v12;
	v32 =	vmul.f32 v32, v13;
	v22 =	vmul.f32 v22, v52;
	v52 =	vld [tilespmem:s14+$0xFFFFFFE0]  }
0x648: {  	v15 =	vmul.f32 v24, v13;
	v17 =	vmul.f32 v26, v13;
	v48 =	vor.u32 v11, v59;
	v59 =	vld [tilespmem:s6+$0x40]  }
0x649: {  	v40 =	vor.u32 v11, v40;
	v32 =	vmul.f32 v32, v63;
	v63 =	vbroadcast v53, $0x0;
	v53 =	vld [tilespmem:s14+$0xFFFFFFB0]  }
0x64a: {  	v54 =	vsub.f32 v16, v12;
	v16 =	vmul.f32 v25, v13;
	v35 =	vmul.f32 v17, v58;
	v17 =	vld [tilespmem:$0x1FF60]  }
0x64b: {  	v44 =	vor.u32 v11, v44;
	v19 =	vsub.f32 v19, v12;
	v26 =	vmul.f32 v15, v60;
	v60 =	vld [tilespmem:s6+$0x50]  }
0x64c: {  	s22 =	simm.s32 $0x14;
	v31 =	vmul.f32 v54, v13;
	v28 =	vsub.f32 v28, v12;
	v30 =	vmul.f32 v16, v62;
	v62 =	vld [tilespmem:s14+$0xFFFFFF90]  }
0x64d: {  	v45 =	vor.u32 v11, v45;
	v50 =	vmov s22;
	v19 =	vmul.f32 v19, v13;
	v15 =	vld [tilespmem:$0x1FF40]  }
0x64e: {  	v54 =	vor.u32 s21, v11;
	v28 =	vmul.f32 v28, v13;
	v31 =	vmul.f32 v31, v43;
	v16 =	vld [tilespmem:$0x1FF50]  }
0x64f: {  	s22 =	simm.s32 $0x1C;
	v25 =	vmul.f32 v19, v56;
	v56 =	vor.u32 s19, v11;
	v23 =	vadd.f32 v23, v55;
	v55 =	vld [tilespmem:s14+$0xFFFFFFD0]  }
0x650: {  	s23 =	simm.s32 $0x15;
	v19 =	vmov s22;
	v36 =	vor.u32 v11, v36;
	v21 =	vadd.f32 v21, v51;
	v51 =	vld [tilespmem:s14+$0xFFFFFFF0]  }
0x651: {  	v43 =	vor.u32 v11, v57;
	v57 =	vmov s23;
	s23 =	simm.s32 $0x1D;
	v29 =	vadd.f32 v29, v49;
	v49 =	vld [tilespmem:s14+$0x10]  }
0x652: {  	v19 =	vshll.u32 v19, $0x4;
	v18 =	vmov s23;
	v27 =	vadd.f32 v27, v53;
	v53 =	vld [tilespmem:s14+$0x0];
	[tilespmem:v17+s31+$0x0] =	vst.idx.msk $0xffff, v38  }
0x653: {  	s26 =	simm.s32 $0x16;
	s18 =	simm.s32 $0x19;
	v18 =	vshll.u32 v18, $0x4;
	v47 =	vor.u32 v11, v63;
	v28 =	vmul.f32 v28, v61;
	v17 =	vld [tilespmem:$0x1FF70]  }
0x654: {  	s21 =	simm.s32 $0x1B;
	v58 =	vmov s26;
	v61 =	vmov s18;
	v20 =	vadd.f32 v20, v52;
	v52 =	vld [tilespmem:s14+$0x30]  }
0x655: {  	s15 =	simm.s32 $0x17;
	v63 =	vmov s21;
	s26 =	simm.s32 $0x1E;
	v34 =	vmul.f32 v34, v59;
	v22 =	vadd.f32 v22, v55;
	v55 =	vld [tilespmem:s14+$0x20]  }
0x656: {  	v59 =	vmov s15;
	v24 =	vmov s26;
	v25 =	vadd.f32 v25, v51;
	v51 =	vld [tilespmem:s14+$0x40]  }
0x657: {  	s16 =	simm.s32 $0x18;
	v24 =	vshll.u32 v24, $0x4;
	v31 =	vadd.f32 v31, v62;
	v26 =	vadd.f32 v26, v53;
	v53 =	vld [tilespmem:s14+$0x50]  }
0x658: {  	v33 =	vmul.f32 v33, v60;
	v60 =	vmov s16;
	v38 =	vshll.u32 v17, $0x4;
	v17 =	vld [tilespmem:$0x1FF80];
	[tilespmem:v54+s31+$0x0] =	vst.idx.msk $0xffff, v23  }
0x659: {  	s19 =	simm.s32 $0x1A;
	v15 =	vadd.s32 v10, v15;
	v16 =	vshll.u32 v16, $0x4;
	v30 =	vadd.f32 v30, v49;
	[tilespmem:v41+s31+$0x0] =	vst.idx.msk $0xffff, v31  }
0x65a: {  	v62 =	vmov s19;
	v15 =	vor.u32 v0, v15;
	v16 =	vadd.s32 v10, v16;
	[tilespmem:v46+s31+$0x0] =	vst.idx.msk $0xffff, v21  }
0x65b: {  	v35 =	vadd.f32 v35, v52;
	v15 =	vand.u32 $0x3FF, v15;
	v16 =	vor.u32 v0, v16;
	[tilespmem:v48+s31+$0x0] =	vst.idx.msk $0xffff, v27  }
0x65c: {  	v15 =	vor.u32 v14, v15;
	v16 =	vand.u32 $0x3FF, v16;
	v32 =	vadd.f32 v32, v55;
	v46 =	vld [tilespmem:$0x1FF90]  }
0x65d: {  	v16 =	vor.u32 v14, v16;
	v34 =	vadd.f32 v34, v51;
	v33 =	vadd.f32 v33, v53  }
0x65e: {  	v23 =	vshll.u32 v50, $0x4;
	v50 =	vshll.u32 v57, $0x4;
	v31 =	vshll.u32 v58, $0x4;
	[tilespmem:v36+s31+$0x0] =	vst.idx.msk $0xffff, v22  }
0x65f: {  	v57 =	vshll.u32 v59, $0x4;
	v21 =	vshll.u32 v60, $0x4;
	v27 =	vshll.u32 v61, $0x4;
	[tilespmem:v43+s31+$0x0] =	vst.idx.msk $0xffff, v20  }
0x660: {  	v59 =	vshll.u32 v62, $0x4;
	v61 =	vadd.s32 v10, v19;
	v62 =	vadd.s32 v10, v18;
	[tilespmem:v42+s31+$0x0] =	vst.idx.msk $0xffff, v25  }
0x661: {  	v58 =	vld [tilespmem:s14+$0x60];
	v22 =	vshll.u32 v63, $0x4;
	v20 =	vadd.s32 v10, v23;
	v25 =	vadd.s32 v10, v50;
	[tilespmem:v56+s31+$0x0] =	vst.idx.msk $0xffff, v26  }
0x662: {  	v26 =	vadd.s32 v10, v57;
	v21 =	vadd.s32 v10, v21;
	v27 =	vadd.s32 v10, v27  }
0x663: {  	v63 =	vadd.s32 v10, v24;
	v60 =	vadd.s32 v10, v22;
	v19 =	vor.u32 v0, v20  }
0x664: {  	v20 =	vor.u32 v0, v25;
	v17 =	vshll.u32 v17, $0x4;
	[tilespmem:v46+s31+$0x0] =	vst.idx.msk $0xffff, v29;
	v29 =	vadd.s32 v10, v38  }
0x665: {  	v15 =	vld.idx.msk [tilespmem:v15+s30+$0x0], $0xffff;
	v27 =	vor.u32 v0, v27;
	v17 =	vadd.s32 v10, v17;
	v18 =	vor.u32 v0, v29  }
0x666: {  	v16 =	vld.idx.msk [tilespmem:v16+s30+$0x0], $0xffff;
	v23 =	vadd.f32 v28, v58;
	v17 =	vor.u32 v0, v17;
	v18 =	vand.u32 $0x3FF, v18  }
0x667: {  	[tilespmem:v37+s31+$0x0] =	vst.idx.msk $0xffff, v30;
	v28 =	vadd.s32 v10, v31;
	v17 =	vand.u32 $0x3FF, v17;
	v18 =	vor.u32 v14, v18  }
0x668: {  	[tilespmem:v39+s31+$0x0] =	vst.idx.msk $0xffff, v32;
	v31 =	vadd.s32 v10, v59;
	v24 =	vor.u32 v14, v17;
	v17 =	vand.u32 $0x3FF, v19  }
0x669: {  	[tilespmem:v40+s31+$0x0] =	vst.idx.msk $0xffff, v35;
	v19 =	vor.u32 v0, v28;
	v25 =	vor.u32 v14, v17;
	v17 =	vand.u32 $0x3FF, v20  }
0x66a: {  	[tilespmem:v44+s31+$0x0] =	vst.idx.msk $0xffff, v34;
	v20 =	vor.u32 v0, v26;
	v26 =	vor.u32 v14, v17;
	v17 =	vand.u32 $0x3FF, v19  }
0x66b: {  	[tilespmem:v45+s31+$0x0] =	vst.idx.msk $0xffff, v23;
	v19 =	vor.u32 v0, v21;
	v20 =	vand.u32 $0x3FF, v20;
	v21 =	vor.u32 v14, v17  }
0x66c: {  	v28 =	vor.u32 v0, v61;
	v22 =	vor.u32 v14, v20;
	v19 =	vand.u32 $0x3FF, v19;
	v17 =	vld.idx.msk [tilespmem:v18+s30+$0x0], $0xffff  }
0x66d: {  	v20 =	vor.u32 v0, v31;
	v23 =	vor.u32 v14, v19;
	v18 =	vld.idx.msk [tilespmem:v24+s30+$0x0], $0xffff;
	v24 =	vand.u32 $0x3FF, v27  }
0x66e: {  	v19 =	vld.idx.msk [tilespmem:v25+s30+$0x0], $0xffff;
	v25 =	vand.u32 $0x3FF, v20;
	v27 =	vor.u32 v0, v60;
	v24 =	vor.u32 v14, v24  }
0x66f: {  	[tilespmem:v47+s31+$0x0] =	vst.idx.msk $0xffff, v33;
	v29 =	vand.u32 $0x3FF, v28;
	v20 =	vld.idx.msk [tilespmem:v26+s30+$0x0], $0xffff;
	v25 =	vor.u32 v14, v25;
	v26 =	vand.u32 $0x3FF, v27  }
0x670: {  	s18 =	simm.s32 $0x1F;
	s15 =	simm.s32 $0x1;
	s16 =	simm.s32 $0x20;
	v28 =	vor.u32 v0, v63;
	v21 =	vld.idx.msk [tilespmem:v21+s30+$0x0], $0xffff;
	v27 =	vor.u32 v0, v62;
	v26 =	vor.u32 v14, v26  }
.LBB2_24:
0x671: {  	p1 =	slt.u32 s16, $0x30;
	v22 =	vld.idx.msk [tilespmem:v22+s30+$0x0], $0xffff;
	v29 =	vor.u32 v14, v29;
	v27 =	vand.u32 $0x3FF, v27;
	v30 =	vmov s18  }
0x672: {  	v28 =	vand.u32 $0x3FF, v28;
	v23 =	vld.idx.msk [tilespmem:v23+s30+$0x0], $0xffff;
	v27 =	vor.u32 v14, v27;
	v30 =	vshll.u32 v30, $0x4  }
0x673: {  	v28 =	vor.u32 v14, v28;
	v24 =	vld.idx.msk [tilespmem:v24+s30+$0x0], $0xffff;
	v30 =	vadd.s32 v10, v30  }
0x674: {  	v31 =	vmov s16;
	v25 =	vld.idx.msk [tilespmem:v25+s30+$0x0], $0xffff;
	v30 =	vor.u32 v0, v30  }
0x675: {  	v32 =	vsub.f32 v15, v12;
	v33 =	vsub.f32 v16, v12;
	v26 =	vld.idx.msk [tilespmem:v26+s30+$0x0], $0xffff;
	v15 =	vand.u32 $0x3FF, v30  }
0x676: {  	v17 =	vsub.f32 v17, v12;
	v18 =	vsub.f32 v18, v12;
	v29 =	vld.idx.msk [tilespmem:v29+s30+$0x0], $0xffff;
	v30 =	vor.u32 v14, v15  }
0x677: {  	s3 =	sadd.s32 $0x1, s16;
	v19 =	vsub.f32 v19, v12;
	v20 =	vsub.f32 v20, v12;
	v15 =	vshll.u32 v31, $0x4;
	v27 =	vld.idx.msk [tilespmem:v27+s30+$0x0], $0xffff  }
0x678: {  	v16 =	vmov s3;
	v21 =	vsub.f32 v21, v12;
	v22 =	vsub.f32 v22, v12;
	v28 =	vld.idx.msk [tilespmem:v28+s30+$0x0], $0xffff  }
0x679: {  	v31 =	vmul.f32 v32, v13;
	v23 =	vsub.f32 v23, v12;
	v24 =	vsub.f32 v24, v12  }
0x67a: {  	v32 =	vmul.f32 v33, v13;
	v33 =	vmul.f32 v17, v13;
	v17 =	vsub.f32 v25, v12  }
0x67b: {  	v19 =	vmul.f32 v19, v13;
	v25 =	vmul.f32 v18, v13;
	v18 =	vsub.f32 v26, v12;
	v26 =	vld.idx.msk [tilespmem:v30+s30+$0x0], $0xffff  }
0x67c: {  	v20 =	vmul.f32 v20, v13;
	v21 =	vmul.f32 v21, v13;
	v29 =	vsub.f32 v29, v12  }
0x67d: {  	v22 =	vmul.f32 v22, v13;
	v23 =	vmul.f32 v23, v13;
	v27 =	vsub.f32 v27, v12  }
0x67e: {  	s3 =	sadd.s32 $0x2, s16;
	v24 =	vmul.f32 v24, v13;
	v30 =	vmul.f32 v17, v13;
	v28 =	vsub.f32 v28, v12  }
0x67f: {  	s15 =	sadd.s32 $0x2, s15;
	s6 =	sadd.s32 $0x100, s6;
	v17 =	vmov s3;
	s3 =	sadd.s32 $0x3, s16;
	v34 =	vmul.f32 v18, v13;
	v29 =	vmul.f32 v29, v13  }
0x680: {  	v18 =	vmov s3;
	s3 =	sshll.u32 s15, $0xA;
	v27 =	vmul.f32 v27, v13;
	v28 =	vmul.f32 v28, v13;
	v35 =	vld [tilespmem:s6+$0x70]  }
0x681: {  	s14 =	sadd.s32 $0x100, s14;
	s18 =	sadd.s32 s12, s3;
	v37 =	vadd.s32 s3, v8;
	v38 =	vadd.s32 s3, v9;
	v26 =	vsub.f32 v26, v12;
	v36 =	vld [tilespmem:s6+$0xFFFFFF80]  }
0x682: {  	v39 =	vadd.s32 s3, v7;
	v40 =	vadd.s32 s3, v6;
	s10 =	sadd.s32 $0xFFFFFC00, s18;
	v38 =	vbroadcast v38, $0x0;
	v41 =	vld [tilespmem:s14+$0x70]  }
0x683: {  	v44 =	vadd.s32 s3, v5;
	v42 =	vmov s10;
	v26 =	vmul.f32 v26, v13;
	v43 =	vld [tilespmem:s6+$0xFFFFFF90]  }
0x684: {  	v45 =	vadd.s32 $0x80, v42;
	v47 =	vadd.s32 $0x100, v42;
	v38 =	vor.u32 v11, v38;
	v46 =	vld [tilespmem:s6+$0xFFFFFFA0]  }
0x685: {  	v49 =	vadd.s32 $0x180, v42;
	v50 =	vadd.s32 $0x200, v42;
	v48 =	vld [tilespmem:s6+$0xFFFFFFB0];
	v26 =	vmul.f32 v26, v35  }
0x686: {  	v51 =	vadd.s32 $0x300, v42;
	v31 =	vmul.f32 v31, v36;
	v35 =	vld [tilespmem:s6+$0xFFFFFFC0];
	v36 =	vadd.s32 $0x280, v42  }
0x687: {  	v53 =	vadd.s32 s3, v4;
	v42 =	vadd.s32 $0x380, v42;
	v52 =	vld [tilespmem:s6+$0xFFFFFFD0];
	v26 =	vadd.f32 v26, v41  }
0x688: {  	v41 =	vbroadcast v45, $0x0;
	v45 =	vadd.s32 s3, v3;
	v32 =	vmul.f32 v32, v43;
	v43 =	vld [tilespmem:s6+$0xFFFFFFE0]  }
0x689: {  	v54 =	vor.u32 s10, v11;
	v33 =	vmul.f32 v33, v46;
	v46 =	vbroadcast v47, $0x0;
	v47 =	vld [tilespmem:s6+$0xFFFFFFF0];
	[tilespmem:v38+s31+$0x0] =	vst.idx.msk $0xffff, v26  }
0x68a: {  	v26 =	vor.u32 v11, v41;
	v38 =	vbroadcast v49, $0x0;
	v25 =	vmul.f32 v25, v48;
	v41 =	vld [tilespmem:s6+$0x0]  }
0x68b: {  	v46 =	vor.u32 v11, v46;
	v19 =	vmul.f32 v19, v35;
	v35 =	vbroadcast v50, $0x0;
	v48 =	vld [tilespmem:s6+$0x10]  }
0x68c: {  	v36 =	vbroadcast v36, $0x0;
	v38 =	vor.u32 v11, v38;
	v20 =	vmul.f32 v20, v52;
	v49 =	vld [tilespmem:s6+$0x20]  }
0x68d: {  	v35 =	vor.u32 v11, v35;
	v21 =	vmul.f32 v21, v43;
	v43 =	vbroadcast v51, $0x0;
	v50 =	vld [tilespmem:s6+$0x30]  }
0x68e: {  	v42 =	vbroadcast v42, $0x0;
	v36 =	vor.u32 v11, v36;
	v22 =	vmul.f32 v22, v47;
	v47 =	vld [tilespmem:s6+$0x40]  }
0x68f: {  	v37 =	vbroadcast v37, $0x0;
	v43 =	vor.u32 v11, v43;
	v23 =	vmul.f32 v23, v41;
	v41 =	vld [tilespmem:s6+$0x50]  }
0x690: {  	v39 =	vbroadcast v39, $0x0;
	v42 =	vor.u32 v11, v42;
	v24 =	vmul.f32 v24, v48;
	v48 =	vld [tilespmem:s6+$0x60]  }
0x691: {  	v40 =	vbroadcast v40, $0x0;
	v37 =	vor.u32 v11, v37;
	v51 =	vld [tilespmem:s14+$0xFFFFFF80];
	v30 =	vmul.f32 v30, v49  }
0x692: {  	v44 =	vbroadcast v44, $0x0;
	v39 =	vor.u32 v11, v39;
	v49 =	vld [tilespmem:s14+$0xFFFFFF90];
	v34 =	vmul.f32 v34, v50  }
0x693: {  	v40 =	vor.u32 v11, v40;
	v50 =	vld [tilespmem:s14+$0xFFFFFFA0];
	v29 =	vmul.f32 v29, v47;
	v47 =	vbroadcast v53, $0x0  }
0x694: {  	v44 =	vor.u32 v11, v44;
	v52 =	vld [tilespmem:s14+$0xFFFFFFB0];
	v27 =	vmul.f32 v27, v41;
	v41 =	vbroadcast v45, $0x0  }
0x695: {  	s3 =	sadd.s32 $0x4, s16;
	v53 =	vor.u32 s18, v11;
	v45 =	vld [tilespmem:s14+$0xFFFFFFC0];
	v47 =	vor.u32 v11, v47;
	v28 =	vmul.f32 v28, v48  }
0x696: {  	s10 =	sadd.s32 $0x6, s16;
	v48 =	vmov s3;
	s3 =	sadd.s32 $0x5, s16;
	v31 =	vadd.f32 v31, v51;
	v51 =	vld [tilespmem:s14+$0xFFFFFFD0];
	v41 =	vor.u32 v11, v41  }
0x697: {  	v56 =	vmov s10;
	s10 =	sadd.s32 $0x8, s16;
	v55 =	vmov s3;
	s3 =	sadd.s32 $0x7, s16;
	v32 =	vadd.f32 v32, v49;
	v49 =	vld [tilespmem:s14+$0xFFFFFFE0]  }
0x698: {  	v58 =	vmov s10;
	s10 =	sadd.s32 $0xA, s16;
	v57 =	vmov s3;
	s3 =	sadd.s32 $0x9, s16;
	[tilespmem:v54+s31+$0x0] =	vst.idx.msk $0xffff, v31;
	v31 =	vadd.f32 v33, v50;
	v33 =	vld [tilespmem:s14+$0xFFFFFFF0]  }
0x699: {  	v50 =	vmov s3;
	v54 =	vmov s10;
	s3 =	sadd.s32 $0xB, s16;
	s10 =	sadd.s32 $0xC, s16;
	[tilespmem:v26+s31+$0x0] =	vst.idx.msk $0xffff, v32;
	v25 =	vadd.f32 v25, v52;
	v26 =	vld [tilespmem:s14+$0x0]  }
0x69a: {  	v32 =	vmov s3;
	v52 =	vmov s10;
	s3 =	sadd.s32 $0xD, s16;
	s10 =	sadd.s32 $0xE, s16;
	[tilespmem:v46+s31+$0x0] =	vst.idx.msk $0xffff, v31;
	v19 =	vadd.f32 v19, v45;
	v31 =	vld [tilespmem:s14+$0x10]  }
0x69b: {  	v45 =	vmov s3;
	v46 =	vmov s10;
	[tilespmem:v38+s31+$0x0] =	vst.idx.msk $0xffff, v25;
	v20 =	vadd.f32 v20, v51;
	v25 =	vld [tilespmem:s14+$0x20]  }
0x69c: {  	v16 =	vshll.u32 v16, $0x4;
	v15 =	vadd.s32 v10, v15;
	[tilespmem:v35+s31+$0x0] =	vst.idx.msk $0xffff, v19;
	v19 =	vadd.f32 v21, v49;
	v21 =	vld [tilespmem:s14+$0x30]  }
0x69d: {  	v17 =	vshll.u32 v17, $0x4;
	v18 =	vshll.u32 v18, $0x4;
	[tilespmem:v36+s31+$0x0] =	vst.idx.msk $0xffff, v20;
	v20 =	vadd.f32 v22, v33;
	v22 =	vld [tilespmem:s14+$0x40]  }
0x69e: {  	v35 =	vshll.u32 v55, $0x4;
	v33 =	vshll.u32 v48, $0x4;
	[tilespmem:v43+s31+$0x0] =	vst.idx.msk $0xffff, v19;
	v19 =	vadd.f32 v23, v26;
	v23 =	vld [tilespmem:s14+$0x50]  }
0x69f: {  	v36 =	vshll.u32 v57, $0x4;
	v26 =	vshll.u32 v56, $0x4;
	[tilespmem:v42+s31+$0x0] =	vst.idx.msk $0xffff, v20;
	v20 =	vadd.f32 v24, v31;
	v24 =	vld [tilespmem:s14+$0x60]  }
0x6a0: {  	v15 =	vor.u32 v0, v15;
	v31 =	vshll.u32 v58, $0x4;
	[tilespmem:v53+s31+$0x0] =	vst.idx.msk $0xffff, v19;
	v19 =	vadd.f32 v30, v25  }
0x6a1: {  	v16 =	vadd.s32 v10, v16;
	v25 =	vshll.u32 v50, $0x4;
	[tilespmem:v37+s31+$0x0] =	vst.idx.msk $0xffff, v20;
	v20 =	vadd.f32 v34, v21  }
0x6a2: {  	v17 =	vadd.s32 v10, v17;
	v21 =	vshll.u32 v54, $0x4;
	[tilespmem:v39+s31+$0x0] =	vst.idx.msk $0xffff, v19;
	v19 =	vadd.f32 v29, v22  }
0x6a3: {  	v18 =	vadd.s32 v10, v18;
	v22 =	vshll.u32 v32, $0x4;
	[tilespmem:v40+s31+$0x0] =	vst.idx.msk $0xffff, v20;
	v20 =	vadd.f32 v27, v23  }
0x6a4: {  	v23 =	vadd.s32 v10, v33;
	v27 =	vshll.u32 v52, $0x4;
	[tilespmem:v44+s31+$0x0] =	vst.idx.msk $0xffff, v19;
	v19 =	vadd.f32 v28, v24  }
0x6a5: {  	v26 =	vadd.s32 v10, v26;
	v24 =	vadd.s32 v10, v35;
	v28 =	vshll.u32 v45, $0x4;
	[tilespmem:v47+s31+$0x0] =	vst.idx.msk $0xffff, v20  }
0x6a6: {  	v30 =	vshll.u32 v46, $0x4;
	v29 =	vadd.s32 v10, v31;
	v20 =	vadd.s32 v10, v36;
	[tilespmem:v41+s31+$0x0] =	vst.idx.msk $0xffff, v19  }
0x6a7: {  	v21 =	vadd.s32 v10, v21;
	v19 =	vadd.s32 v10, v25;
	v25 =	vadd.s32 v10, v22  }
0x6a8: {  	v30 =	vadd.s32 v10, v30;
	v27 =	vadd.s32 v10, v27;
	v28 =	vadd.s32 v10, v28  }
0x6a9: {  	v16 =	vor.u32 v0, v16;
	v15 =	vand.u32 $0x3FF, v15;
	v17 =	vor.u32 v0, v17  }
0x6aa: {  	v16 =	vand.u32 $0x3FF, v16;
	v15 =	vor.u32 v14, v15;
	v18 =	vor.u32 v0, v18  }
0x6ab: {  	v16 =	vor.u32 v14, v16;
	v17 =	vand.u32 $0x3FF, v17;
	v22 =	vor.u32 v0, v23  }
0x6ac: {  	v17 =	vor.u32 v14, v17;
	v18 =	vand.u32 $0x3FF, v18;
	v23 =	vor.u32 v0, v24  }
0x6ad: {  	v18 =	vor.u32 v14, v18;
	v24 =	vor.u32 v0, v26;
	v22 =	vand.u32 $0x3FF, v22  }
0x6ae: {  	v20 =	vor.u32 v0, v20;
	v26 =	vor.u32 v14, v22;
	v22 =	vand.u32 $0x3FF, v23  }
0x6af: {  	v23 =	vor.u32 v0, v29;
	v31 =	vor.u32 v14, v22;
	v22 =	vand.u32 $0x3FF, v24;
	v15 =	vld.idx.msk [tilespmem:v15+s30+$0x0], $0xffff  }
0x6b0: {  	v20 =	vand.u32 $0x3FF, v20;
	v19 =	vor.u32 v0, v19;
	v29 =	vor.u32 v14, v22;
	v16 =	vld.idx.msk [tilespmem:v16+s30+$0x0], $0xffff  }
.Ltmp15:
0x6b1: {  	v21 =	vor.u32 v0, v21;
	v22 =	vor.u32 v14, v20;
	v20 =	vand.u32 $0x3FF, v23;
	v17 =	vld.idx.msk [tilespmem:v17+s30+$0x0], $0xffff;
	(pc) =	sbr.rel @p1 .LBB2_24-.Ltmp15, $4  }
0x6b2: {  	v32 =	vor.u32 v0, v25;
	v23 =	vor.u32 v14, v20;
	v20 =	vand.u32 $0x3FF, v19;
	v18 =	vld.idx.msk [tilespmem:v18+s30+$0x0], $0xffff  }
0x6b3: {  	v21 =	vand.u32 $0x3FF, v21;
	v33 =	vor.u32 v0, v27;
	v24 =	vor.u32 v14, v20;
	v19 =	vld.idx.msk [tilespmem:v26+s30+$0x0], $0xffff  }
0x6b4: {  	v27 =	vor.u32 v0, v28;
	v25 =	vor.u32 v14, v21;
	v26 =	vand.u32 $0x3FF, v32;
	v20 =	vld.idx.msk [tilespmem:v31+s30+$0x0], $0xffff  }
0x6b5: {  	s18 =	sadd.s32 $0xF, s16;
	s16 =	sadd.s32 $0x10, s16;
	v28 =	vor.u32 v0, v30;
	v26 =	vor.u32 v14, v26;
	v21 =	vld.idx.msk [tilespmem:v29+s30+$0x0], $0xffff;
	v29 =	vand.u32 $0x3FF, v33  }
0x6b6: {  	_ =	sdelay $0x3  }
0x6b7: {  	v22 =	vld.idx.msk [tilespmem:v22+s30+$0x0], $0xffff  }
0x6b8: {  	v30 =	vmov s18;
	v23 =	vld.idx.msk [tilespmem:v23+s30+$0x0], $0xffff  }
0x6b9: {  	v29 =	vor.u32 v14, v29;
	v27 =	vand.u32 $0x3FF, v27;
	v24 =	vld.idx.msk [tilespmem:v24+s30+$0x0], $0xffff;
	v15 =	vsub.f32 v15, v12  }
0x6ba: {  	v28 =	vand.u32 $0x3FF, v28;
	v25 =	vld.idx.msk [tilespmem:v25+s30+$0x0], $0xffff;
	v16 =	vsub.f32 v16, v12;
	v17 =	vsub.f32 v17, v12  }
0x6bb: {  	v44 =	vld.idx.msk [tilespmem:v26+s30+$0x0], $0xffff;
	s16 =	sadd.s32 $0x100, s6;
	v30 =	vshll.u32 v30, $0x4;
	v27 =	vor.u32 v14, v27;
	v28 =	vor.u32 v14, v28  }
0x6bc: {  	s3 =	sadd.s32 $0x2, s15;
	v18 =	vsub.f32 v18, v12;
	v46 =	vld [tilespmem:s16+$0x70];
	v10 =	vadd.s32 v10, v30;
	v15 =	vmul.f32 v15, v13  }
0x6bd: {  	s21 =	sadd.s32 $0x100, s14;
	v47 =	vld [tilespmem:s16+$0xFFFFFF80];
	s22 =	sshll.u32 s3, $0xA;
	v19 =	vsub.f32 v19, v12;
	v16 =	vmul.f32 v16, v13;
	v17 =	vmul.f32 v17, v13  }
0x6be: {  	v31 =	vld [tilespmem:s21+$0x70];
	v8 =	vadd.s32 s22, v8;
	v9 =	vadd.s32 s22, v9;
	v7 =	vadd.s32 s22, v7  }
0x6bf: {  	v32 =	vld [tilespmem:s16+$0xFFFFFF90];
	v6 =	vadd.s32 s22, v6;
	v4 =	vadd.s32 s22, v4;
	v18 =	vmul.f32 v18, v13  }
0x6c0: {  	v33 =	vld [tilespmem:s16+$0xFFFFFFA0];
	v3 =	vadd.s32 s22, v3;
	v9 =	vbroadcast v9, $0x0;
	v8 =	vbroadcast v8, $0x0  }
0x6c1: {  	v34 =	vld [tilespmem:s16+$0xFFFFFFB0];
	v10 =	vor.u32 v0, v10;
	v7 =	vbroadcast v7, $0x0;
	v6 =	vbroadcast v6, $0x0  }
0x6c2: {  	v35 =	vld [tilespmem:s16+$0xFFFFFFC0];
	s12 =	sadd.s32 s12, s22;
	v20 =	vsub.f32 v20, v12;
	v4 =	vbroadcast v4, $0x0;
	v3 =	vbroadcast v3, $0x0  }
0x6c3: {  	v48 =	vld [tilespmem:s16+$0xFFFFFFD0];
	s23 =	sadd.s32 $0xFFFFFC00, s12;
	v10 =	vand.u32 $0x3FF, v10;
	v21 =	vsub.f32 v21, v12;
	v19 =	vmul.f32 v19, v13  }
0x6c4: {  	v36 =	vld [tilespmem:s16+$0xFFFFFFE0];
	v37 =	vmov s23;
	v55 =	vor.u32 s23, v11;
	v22 =	vsub.f32 v22, v12  }
0x6c5: {  	v49 =	vld [tilespmem:s16+$0xFFFFFFF0];
	v10 =	vor.u32 v14, v10;
	v23 =	vsub.f32 v23, v12;
	v24 =	vsub.f32 v24, v12  }
0x6c6: {  	v38 =	vld [tilespmem:s16+$0x0];
	v25 =	vsub.f32 v25, v12;
	v14 =	vsub.f32 v44, v12;
	v20 =	vmul.f32 v20, v13  }
0x6c7: {  	v50 =	vld [tilespmem:s16+$0x10];
	v39 =	vadd.s32 $0x80, v37;
	v40 =	vadd.s32 $0x100, v37;
	v9 =	vor.u32 v11, v9  }
0x6c8: {  	v42 =	vld [tilespmem:s16+$0x20];
	v41 =	vadd.s32 $0x180, v37;
	v43 =	vadd.s32 $0x200, v37;
	v21 =	vmul.f32 v21, v13  }
0x6c9: {  	v51 =	vld [tilespmem:s16+$0x30];
	v52 =	vadd.s32 $0x280, v37;
	v15 =	vmul.f32 v15, v47;
	v16 =	vmul.f32 v16, v32  }
0x6ca: {  	v53 =	vld [tilespmem:s16+$0x40];
	v54 =	vadd.s32 $0x300, v37;
	v17 =	vmul.f32 v17, v33;
	v39 =	vbroadcast v39, $0x0  }
0x6cb: {  	v56 =	vld [tilespmem:s21+$0xFFFFFF80];
	v37 =	vadd.s32 $0x380, v37;
	v18 =	vmul.f32 v18, v34;
	v19 =	vmul.f32 v19, v35  }
0x6cc: {  	v57 =	vld [tilespmem:s21+$0xFFFFFF90];
	v8 =	vor.u32 v11, v8;
	v40 =	vbroadcast v40, $0x0;
	v41 =	vbroadcast v41, $0x0  }
0x6cd: {  	v58 =	vld [tilespmem:s21+$0xFFFFFFA0];
	v7 =	vor.u32 v11, v7;
	v43 =	vbroadcast v43, $0x0;
	v33 =	vbroadcast v54, $0x0  }
0x6ce: {  	v59 =	vld [tilespmem:s21+$0xFFFFFFB0];
	v6 =	vor.u32 v11, v6;
	v37 =	vbroadcast v37, $0x0;
	v22 =	vmul.f32 v22, v13  }
0x6cf: {  	v60 =	vld [tilespmem:s21+$0xFFFFFFC0];
	v4 =	vor.u32 v11, v4;
	v23 =	vmul.f32 v23, v13;
	v24 =	vmul.f32 v24, v13  }
0x6d0: {  	v45 =	vld.idx.msk [tilespmem:v29+s30+$0x0], $0xffff;
	v3 =	vor.u32 v11, v3;
	v25 =	vmul.f32 v25, v13;
	v14 =	vmul.f32 v14, v13  }
0x6d1: {  	v27 =	vld.idx.msk [tilespmem:v27+s30+$0x0], $0xffff;
	v21 =	vmul.f32 v21, v36;
	v39 =	vor.u32 v11, v39;
	v40 =	vor.u32 v11, v40  }
0x6d2: {  	v28 =	vld.idx.msk [tilespmem:v28+s30+$0x0], $0xffff;
	v41 =	vor.u32 v11, v41;
	v43 =	vor.u32 v11, v43;
	v15 =	vadd.f32 v15, v56  }
0x6d3: {  	v62 =	vor.u32 v11, v33;
	v63 =	vadd.f32 v16, v57;
	v35 =	vor.u32 v11, v37;
	v10 =	vld.idx.msk [tilespmem:v10+s30+$0x0], $0xffff  }
0x6d4: {  	v34 =	vld [tilespmem:s16+$0x50];
	v17 =	vadd.f32 v17, v58;
	v44 =	vadd.f32 v19, v60;
	v23 =	vmul.f32 v23, v38  }
0x6d5: {  	v33 =	vld [tilespmem:s21+$0xFFFFFFE0];
	v24 =	vmul.f32 v24, v50;
	v25 =	vmul.f32 v25, v42;
	v26 =	vsub.f32 v45, v12  }
0x6d6: {  	v38 =	vadd.f32 v18, v59;
	[tilespmem:v55+s31+$0x0] =	vst.idx.msk $0xffff, v15;
	v45 =	vld [tilespmem:s21+$0x10];
	v27 =	vsub.f32 v27, v12  }
0x6d7: {  	v54 =	vld [tilespmem:s21+$0x50];
	v28 =	vsub.f32 v28, v12;
	v26 =	vmul.f32 v26, v13;
	[tilespmem:v39+s31+$0x0] =	vst.idx.msk $0xffff, v63  }
0x6d8: {  	v37 =	vld [tilespmem:s21+$0xFFFFFFF0];
	v27 =	vmul.f32 v27, v13;
	[tilespmem:v40+s31+$0x0] =	vst.idx.msk $0xffff, v17;
	v10 =	vsub.f32 v10, v12  }
0x6d9: {  	v28 =	vmul.f32 v28, v13;
	[tilespmem:v41+s31+$0x0] =	vst.idx.msk $0xffff, v38;
	v12 =	vmul.f32 v20, v48;
	v48 =	vld [tilespmem:s21+$0x20]  }
0x6da: {  	v39 =	vld [tilespmem:s21+$0x0];
	v16 =	vadd.f32 v21, v33;
	v55 =	vmul.f32 v27, v34;
	v10 =	vmul.f32 v10, v13  }
0x6db: {  	[tilespmem:v43+s31+$0x0] =	vst.idx.msk $0xffff, v44;
	v20 =	vld [tilespmem:s16+$0x60];
	v56 =	vadd.f32 v24, v45;
	v13 =	vmul.f32 v22, v49  }
0x6dc: {  	v5 =	vadd.s32 s22, v5;
	[tilespmem:v62+s31+$0x0] =	vst.idx.msk $0xffff, v16;
	v49 =	vld [tilespmem:s21+$0x30];
	v62 =	vadd.f32 v55, v54;
	v10 =	vmul.f32 v10, v46  }
0x6dd: {  	v57 =	vld [tilespmem:s21+$0x60];
	v14 =	vmul.f32 v14, v51;
	[tilespmem:v8+s31+$0x0] =	vst.idx.msk $0xffff, v56;
	v46 =	vor.u32 s12, v11;
	v51 =	vadd.f32 v13, v37  }
0x6de: {  	v61 =	vld [tilespmem:s21+$0xFFFFFFD0];
	[tilespmem:v4+s31+$0x0] =	vst.idx.msk $0xffff, v62;
	v58 =	vadd.f32 v25, v48;
	v10 =	vadd.f32 v10, v31;
	v31 =	vbroadcast v52, $0x0  }
0x6df: {  	v5 =	vbroadcast v5, $0x0;
	v50 =	vmul.f32 v26, v53;
	v53 =	vadd.f32 v23, v39;
	v52 =	vld [tilespmem:s21+$0x40];
	[tilespmem:v35+s31+$0x0] =	vst.idx.msk $0xffff, v51  }
0x6e0: {  	v60 =	vmul.f32 v28, v20;
	[tilespmem:v7+s31+$0x0] =	vst.idx.msk $0xffff, v58;
	v31 =	vor.u32 v11, v31  }
0x6e1: {  	p1 =	slt.u32 s1, $0xE;
	v5 =	vor.u32 v11, v5;
	v59 =	vadd.f32 v14, v49;
	[tilespmem:v9+s31+$0x0] =	vst.idx.msk $0xffff, v10  }
.Ltmp16:
0x6e2: {  	v63 =	vadd.f32 v60, v57;
	[tilespmem:v46+s31+$0x0] =	vst.idx.msk $0xffff, v53;
	(pc) =	sbr.rel @p1 .LBB2_17-.Ltmp16, $4  }
0x6e3: {  	v47 =	vadd.f32 v12, v61;
	[tilespmem:v6+s31+$0x0] =	vst.idx.msk $0xffff, v59  }
0x6e4: {  	[tilespmem:v3+s31+$0x0] =	vst.idx.msk $0xffff, v63;
	v61 =	vadd.f32 v50, v52  }
0x6e5: {  	s26 =	sadd.s32 $0x2, s1;
	[tilespmem:v31+s31+$0x0] =	vst.idx.msk $0xffff, v47  }
0x6e6: {  	p0 =	por !p0, !p0;
	s0 =	sadd.s32 $0x2, s0;
	s1 =	smov.u32 s26;
	[tilespmem:v5+s31+$0x0] =	vst.idx.msk $0xffff, v61  }
.Ltmp17:
0x6e7: {  	(pc) =	sbr.rel .LBB2_27-.Ltmp17, $4  }
0x6e8: {  	_ = 	snop  }
0x6e9: {  	s0 =	sshll.u32 s7, $0x10  }
0x6ea: {  	s1 =	simm.s32 $0x400;
	s0 =	sadd.s32 s0, s11  }
0x6eb: {  	[hbm4b:s0+s1] =	stream.strided.scatter [tilespmem:s31], [sflag:$0x4], $0x4000, s29, s1, $0x38;
	[tilespmem:$0x1D000] =	vst v63  }
.LBB2_29:
0x6ec: {  	_ =	sfence.sel $0x180000  }
0x6ed: {  	[bflag:$0x0] =	sbarrier.arrive $0xFFFF  }
0x6ee: {  	_ =	strace $0x90000047  }
0x6ef: {  	s0 =	stileid.u32;
	[bflag:$0x2] =	sbarrier.arrive $0xFFFF  }
0x6f0: {  	p0 =	sne.s32 s0, $0x0;
	s0 =	rddreg [dreg:$0x2]  }
0x6f1: {  	s0 =	sadd.s32 @!p0 $0x100000, s0  }
0x6f2: {  	[sflag:s0] =	ssyncadd.tile.s32 @!p0 $0x1;
	_ =	shalt  }
.Lfunc_end2:
_tile_overlayer_lowered:
.L_overlay_start_2:
0x6f3: {  	(tag) =	ssettag $0x2  }
0x6f4: {  	s0 =	rddreg [dreg:$0x0];
	s2 =	stileid.u32  }
0x6f5: {  	s1 =	rddreg [dreg:$0x1];
	p0 =	sne.s32 s2, $0x0  }
0x6f6: {  	s3 =	rddreg [dreg:$0x2];
	[bflag:$0x3] =	sbarrier.arrive $0xFFFF;
	s2 =	simm.s32 @!p0 $0x1C06  }
0x6f7: {  	[timem:s3], [sflag:s2] =	dma.local @!p0 [hbm:s0], s1  }
0x6f8: {  	s0 =	simm.s32 @!p0 $0x6  }
0x6f9: {  	_ =	swait.ge @!p0 [sflag:s0], s1  }
0x6fa: {  	s1 =	ssub.s32 @!p0 $0x0, s1;
	[sflag:s0] =	ssyncset.done @!p0 $0x0  }
0x6fb: {  	[sflag:s0] =	ssyncadd.s32 @!p0 s1  }
0x6fc: {  	[bflag:$0x3] =	sbarrier.arrive $0xFFFF  }
0x6fd: {  	_ =	shalt  }

</sc_bundles>
